<compile_context>
chip_gen: v7x
topology: tpu7x:2x2x1
jax: 0.10.2.dev20260603
libtpu: 0.0.44.dev20260713+nightly
codegen_flags: <defaults>
</compile_context>

<pallas_src>
import functools
import jax
import jax.numpy as jnp
from jax import lax
from jax.experimental import pallas as pl
from jax.experimental.pallas import tpu as pltpu
from jax.experimental.pallas import tpu_sc as plsc

_LANES = 16


def _make_sc_kernel(bs, h, w, nf):
    C = 2 * nf
    NC, NS = 2, 16
    NW = NC * NS
    assert h == NW, "one y row per vector subcore"

    mesh = plsc.VectorSubcoreMesh(core_axis_name="c", subcore_axis_name="s")

    @functools.partial(
        pl.kernel,
        out_type=jax.ShapeDtypeStruct((bs, h, w, C), jnp.float32),
        mesh=mesh,
        scratch_types=[
            pltpu.VMEM((w, nf), jnp.float32),
            pltpu.VMEM((1, nf), jnp.float32),
            pltpu.VMEM((w, C), jnp.float32),
            pltpu.SemaphoreType.DMA,
        ],
    )
    def sc_kernel(col_hbm, row_hbm, out_hbm, col_v, row_v, block_v, sem):
        y = lax.axis_index("s") * NC + lax.axis_index("c")
        pltpu.sync_copy(col_hbm.at[pl.ds(0, w)], col_v)
        pltpu.sync_copy(row_hbm.at[pl.ds(y, 1)], row_v)

        def build(x, carry):
            for j in range(nf // _LANES):
                block_v[x, pl.ds(j * _LANES, _LANES)] = col_v[
                    x, pl.ds(j * _LANES, _LANES)
                ]
                block_v[x, pl.ds(nf + j * _LANES, _LANES)] = row_v[
                    0, pl.ds(j * _LANES, _LANES)
                ]
            return carry

        half = w // 2
        lax.fori_loop(0, half, build, 0)
        copies = [
            pltpu.async_copy(
                block_v.at[pl.ds(0, half)],
                out_hbm.at[b, y, pl.ds(0, half)],
                sem,
            )
            for b in range(bs)
        ]
        lax.fori_loop(half, w, build, 0)
        copies += [
            pltpu.async_copy(
                block_v.at[pl.ds(half, w - half)],
                out_hbm.at[b, y, pl.ds(half, w - half)],
                sem,
            )
            for b in range(bs)
        ]
        for cp in copies:
            cp.wait()

    return sc_kernel


def kernel(mask, row_embed, col_embed):
    bs = mask.shape[0]
    h, w = mask.shape[-2:]
    nf = row_embed.shape[1]
    out = _make_sc_kernel(bs, h, w, nf)(col_embed, row_embed)
    return out.transpose(0, 3, 1, 2)

# --- scband reference (transcript-rebuilt; emitter-appended) ---
"""Pipeline reference for scband-learned-positional-encoding-15522011808485 (READ-ONLY COPY).

The authoritative reference and input builder live on the scoring server;
editing this copy changes nothing except your own understanding.
"""

import jax, jax.numpy as jnp
import numpy as np


def setup_inputs(seed: int = 0) -> dict:
    key = jax.random.key(seed)
    k1, k2 = jax.random.split(key)
    bs, h, w = 32, 32, 32
    num_feats = 128
    mask = jnp.zeros((bs, h, w), dtype=jnp.bool_)
    row_embed = jax.random.normal(k1, (50, num_feats), dtype=jnp.float32)
    col_embed = jax.random.normal(k2, (50, num_feats), dtype=jnp.float32)
    return {"mask": mask, "row_embed": row_embed, "col_embed": col_embed}


def reference(mask, row_embed, col_embed):
    bs = mask.shape[0]
    h, w = mask.shape[-2:]
    x = jnp.arange(w)
    y = jnp.arange(h)
    x_embed = jnp.take(col_embed, x, axis=0)  # [w, nf]
    y_embed = jnp.take(row_embed, y, axis=0)  # [h, nf]
    nf = x_embed.shape[-1]
    x_part = jnp.broadcast_to(x_embed[None, :, :], (h, w, nf))
    y_part = jnp.broadcast_to(y_embed[:, None, :], (h, w, nf))
    pos = jnp.concatenate((x_part, y_part), axis=-1)  # [h, w, 2*nf]
    pos = jnp.transpose(pos, (2, 0, 1))  # [2*nf, h, w]
    pos = jnp.tile(pos[None, :, :, :], (bs, 1, 1, 1))  # [bs, 2*nf, h, w]
    return pos

if __name__ == "__main__":
    import jax
    _d = setup_inputs()
    print(jax.jit(kernel)(*tuple(_d.values())))

</pallas_src>

<mosaic_0001>
#map = affine_map<(d0, d1) -> (0, 0)>
#map1 = affine_map<(d0, d1) -> (0, 0, 0, 0)>
module attributes {stable_mosaic.version = 14 : i64} {
  func.func @sc_kernel(%arg0: i32, %arg1: i32, %arg2: memref<50x128xf32, #tpu.memory_space<hbm>>, %arg3: memref<50x128xf32, #tpu.memory_space<hbm>>, %arg4: memref<32x32x32x256xf32, #tpu.memory_space<hbm>>, %arg5: memref<32x128xf32, #tpu.memory_space<vmem>>, %arg6: memref<1x128xf32, #tpu.memory_space<vmem>>, %arg7: memref<32x256xf32, #tpu.memory_space<vmem>>, %arg8: memref<!tpu.dma_semaphore, #tpu.memory_space<semaphore_mem>>) attributes {dimension_semantics = [#tpu.dimension_semantics<core_parallel>, #tpu.dimension_semantics<subcore_parallel>], iteration_bounds = array<i64: 2, 16>, scalar_prefetch = 0 : i64, scratch_operands = 4 : i64, tpu.core_type = #tpu.core_type<sc_vector_subcore>, window_params = [{transform_indices = #map}, {transform_indices = #map}, {transform_indices = #map1}]} {
    %mul3A = arith.constant 2 : i32
    %mul3A_0 = arith.muli %arg1, %mul3A : i32
    %add3A = arith.addi %mul3A_0, %arg0 : i32
    "tpu.region"() ({
      %run_scoped3A = tpu.sem_alloc : memref<!tpu.dma_semaphore, #tpu.memory_space<semaphore_mem>>
      %dma_start3A_1930 = arith.constant 0 : i32
      %dma_start3A_1931 = arith.constant 0 : i32
      %dma_start3A_1932 = tpu.memref_slice %arg2[%dma_start3A_1930, %dma_start3A_1931] : memref<50x128xf32, #tpu.memory_space<hbm>> -> memref<32x128xf32, #tpu.memory_space<hbm>>
      %dma_start3A_1933 = arith.constant 0 : i32
      %dma_start3A_1934 = arith.constant 0 : i32
      %dma_start3A_1935 = tpu.memref_slice %arg2[%dma_start3A_1933, %dma_start3A_1934] : memref<50x128xf32, #tpu.memory_space<hbm>> -> memref<32x128xf32, #tpu.memory_space<hbm>>
      tpu.enqueue_dma source(%dma_start3A_1935 : memref<32x128xf32, #tpu.memory_space<hbm>>) target(%arg5 : memref<32x128xf32, #tpu.memory_space<vmem>>) target_semaphore(%run_scoped3A : memref<!tpu.dma_semaphore, #tpu.memory_space<semaphore_mem>>)
      %dma_wait3A_1936 = arith.constant 0 : i32
      %dma_wait3A_1937 = arith.constant 0 : i32
      %dma_wait3A_1938 = tpu.memref_slice %arg2[%dma_wait3A_1936, %dma_wait3A_1937] : memref<50x128xf32, #tpu.memory_space<hbm>> -> memref<32x128xf32, #tpu.memory_space<hbm>>
      %dma_wait3A_1939 = arith.constant 0 : i32
      %dma_wait3A_1940 = arith.constant 0 : i32
      %dma_wait3A_1941 = tpu.memref_slice %arg2[%dma_wait3A_1939, %dma_wait3A_1940] : memref<50x128xf32, #tpu.memory_space<hbm>> -> memref<32x128xf32, #tpu.memory_space<hbm>>
      tpu.wait_dma2 semaphore(%run_scoped3A : memref<!tpu.dma_semaphore, #tpu.memory_space<semaphore_mem>>) src(%dma_wait3A_1941 : memref<32x128xf32, #tpu.memory_space<hbm>>) dst(%arg5 : memref<32x128xf32, #tpu.memory_space<vmem>>)
      tpu.yield
    }) : () -> ()
    "tpu.region"() ({
      %run_scoped3A = tpu.sem_alloc : memref<!tpu.dma_semaphore, #tpu.memory_space<semaphore_mem>>
      %dma_start3A_1930 = arith.constant 0 : i32
      %dma_start3A_1931 = tpu.memref_slice %arg3[%add3A, %dma_start3A_1930] : memref<50x128xf32, #tpu.memory_space<hbm>> -> memref<1x128xf32, #tpu.memory_space<hbm>>
      %dma_start3A_1932 = arith.constant 0 : i32
      %dma_start3A_1933 = tpu.memref_slice %arg3[%add3A, %dma_start3A_1932] : memref<50x128xf32, #tpu.memory_space<hbm>> -> memref<1x128xf32, #tpu.memory_space<hbm>>
      tpu.enqueue_dma source(%dma_start3A_1933 : memref<1x128xf32, #tpu.memory_space<hbm>>) target(%arg6 : memref<1x128xf32, #tpu.memory_space<vmem>>) target_semaphore(%run_scoped3A : memref<!tpu.dma_semaphore, #tpu.memory_space<semaphore_mem>>)
      %dma_wait3A_1934 = arith.constant 0 : i32
      %dma_wait3A_1935 = tpu.memref_slice %arg3[%add3A, %dma_wait3A_1934] : memref<50x128xf32, #tpu.memory_space<hbm>> -> memref<1x128xf32, #tpu.memory_space<hbm>>
      %dma_wait3A_1936 = arith.constant 0 : i32
      %dma_wait3A_1937 = tpu.memref_slice %arg3[%add3A, %dma_wait3A_1936] : memref<50x128xf32, #tpu.memory_space<hbm>> -> memref<1x128xf32, #tpu.memory_space<hbm>>
      tpu.wait_dma2 semaphore(%run_scoped3A : memref<!tpu.dma_semaphore, #tpu.memory_space<semaphore_mem>>) src(%dma_wait3A_1937 : memref<1x128xf32, #tpu.memory_space<hbm>>) dst(%arg6 : memref<1x128xf32, #tpu.memory_space<vmem>>)
      tpu.yield
    }) : () -> ()
    %scan3A = arith.constant 0 : i32
    %scan3A_1 = arith.constant 0 : i32
    %scan3A_2 = arith.constant 16 : i32
    %scan3A_3 = arith.addi %scan3A_1, %scan3A_2 : i32
    %scan3A_4 = arith.constant 1 : i32
    scf.for %scan3A_1930 = %scan3A_1 to %scan3A_3 step %scan3A_4  : i32 {
      %get3A = arith.index_cast %scan3A_1930 : i32 to index
      %get3A_1931 = arith.constant 0 : index
      %get3A_1932 = tpu.vector_load %arg5[%get3A, %get3A_1931] {strides = array<i32>} : memref<32x128xf32, #tpu.memory_space<vmem>>, vector<1x16xf32>,
      %get3A_1933 = vector.shape_cast %get3A_1932 : vector<1x16xf32> to vector<16xf32>
      %swap3A = arith.index_cast %scan3A_1930 : i32 to index
      %swap3A_1934 = arith.constant 0 : index
      %swap3A_1935 = tpu.vector_load %arg7[%swap3A, %swap3A_1934] {strides = array<i32>} : memref<32x256xf32, #tpu.memory_space<vmem>>, vector<1x16xf32>,
      %swap3A_1936 = vector.shape_cast %swap3A_1935 : vector<1x16xf32> to vector<16xf32>
      %swap3A_1937 = vector.shape_cast %get3A_1933 : vector<16xf32> to vector<1x16xf32>
      tpu.vector_store %arg7[%swap3A, %swap3A_1934], %swap3A_1937 {strides = array<i32>} : memref<32x256xf32, #tpu.memory_space<vmem>>, vector<1x16xf32>,
      %get3A_1938 = arith.constant 0 : i32
      %get3A_1939 = arith.index_cast %get3A_1938 : i32 to index
      %get3A_1940 = arith.constant 0 : index
      %get3A_1941 = tpu.vector_load %arg6[%get3A_1939, %get3A_1940] {strides = array<i32>} : memref<1x128xf32, #tpu.memory_space<vmem>>, vector<1x16xf32>,
      %get3A_1942 = vector.shape_cast %get3A_1941 : vector<1x16xf32> to vector<16xf32>
      %swap3A_1943 = arith.index_cast %scan3A_1930 : i32 to index
      %swap3A_1944 = arith.constant 128 : index
      %swap3A_1945 = tpu.vector_load %arg7[%swap3A_1943, %swap3A_1944] {strides = array<i32>} : memref<32x256xf32, #tpu.memory_space<vmem>>, vector<1x16xf32>,
      %swap3A_1946 = vector.shape_cast %swap3A_1945 : vector<1x16xf32> to vector<16xf32>
      %swap3A_1947 = vector.shape_cast %get3A_1942 : vector<16xf32> to vector<1x16xf32>
      tpu.vector_store %arg7[%swap3A_1943, %swap3A_1944], %swap3A_1947 {strides = array<i32>} : memref<32x256xf32, #tpu.memory_space<vmem>>, vector<1x16xf32>,
      %get3A_1948 = arith.index_cast %scan3A_1930 : i32 to index
      %get3A_1949 = arith.constant 16 : index
      %get3A_1950 = tpu.vector_load %arg5[%get3A_1948, %get3A_1949] {strides = array<i32>} : memref<32x128xf32, #tpu.memory_space<vmem>>, vector<1x16xf32>,
      %get3A_1951 = vector.shape_cast %get3A_1950 : vector<1x16xf32> to vector<16xf32>
      %swap3A_1952 = arith.index_cast %scan3A_1930 : i32 to index
      %swap3A_1953 = arith.constant 16 : index
      %swap3A_1954 = tpu.vector_load %arg7[%swap3A_1952, %swap3A_1953] {strides = array<i32>} : memref<32x256xf32, #tpu.memory_space<vmem>>, vector<1x16xf32>,
      %swap3A_1955 = vector.shape_cast %swap3A_1954 : vector<1x16xf32> to vector<16xf32>
      %swap3A_1956 = vector.shape_cast %get3A_1951 : vector<16xf32> to vector<1x16xf32>
      tpu.vector_store %arg7[%swap3A_1952, %swap3A_1953], %swap3A_1956 {strides = array<i32>} : memref<32x256xf32, #tpu.memory_space<vmem>>, vector<1x16xf32>,
      %get3A_1957 = arith.constant 0 : i32
      %get3A_1958 = arith.index_cast %get3A_1957 : i32 to index
      %get3A_1959 = arith.constant 16 : index
      %get3A_1960 = tpu.vector_load %arg6[%get3A_1958, %get3A_1959] {strides = array<i32>} : memref<1x128xf32, #tpu.memory_space<vmem>>, vector<1x16xf32>,
      %get3A_1961 = vector.shape_cast %get3A_1960 : vector<1x16xf32> to vector<16xf32>
      %swap3A_1962 = arith.index_cast %scan3A_1930 : i32 to index
      %swap3A_1963 = arith.constant 144 : index
      %swap3A_1964 = tpu.vector_load %arg7[%swap3A_1962, %swap3A_1963] {strides = array<i32>} : memref<32x256xf32, #tpu.memory_space<vmem>>, vector<1x16xf32>,
      %swap3A_1965 = vector.shape_cast %swap3A_1964 : vector<1x16xf32> to vector<16xf32>
      %swap3A_1966 = vector.shape_cast %get3A_1961 : vector<16xf32> to vector<1x16xf32>
      tpu.vector_store %arg7[%swap3A_1962, %swap3A_1963], %swap3A_1966 {strides = array<i32>} : memref<32x256xf32, #tpu.memory_space<vmem>>, vector<1x16xf32>,
      %get3A_1967 = arith.index_cast %scan3A_1930 : i32 to index
      %get3A_1968 = arith.constant 32 : index
      %get3A_1969 = tpu.vector_load %arg5[%get3A_1967, %get3A_1968] {strides = array<i32>} : memref<32x128xf32, #tpu.memory_space<vmem>>, vector<1x16xf32>,
      %get3A_1970 = vector.shape_cast %get3A_1969 : vector<1x16xf32> to vector<16xf32>
      %swap3A_1971 = arith.index_cast %scan3A_1930 : i32 to index
      %swap3A_1972 = arith.constant 32 : index
      %swap3A_1973 = tpu.vector_load %arg7[%swap3A_1971, %swap3A_1972] {strides = array<i32>} : memref<32x256xf32, #tpu.memory_space<vmem>>, vector<1x16xf32>,
      %swap3A_1974 = vector.shape_cast %swap3A_1973 : vector<1x16xf32> to vector<16xf32>
      %swap3A_1975 = vector.shape_cast %get3A_1970 : vector<16xf32> to vector<1x16xf32>
      tpu.vector_store %arg7[%swap3A_1971, %swap3A_1972], %swap3A_1975 {strides = array<i32>} : memref<32x256xf32, #tpu.memory_space<vmem>>, vector<1x16xf32>,
      %get3A_1976 = arith.constant 0 : i32
      %get3A_1977 = arith.index_cast %get3A_1976 : i32 to index
      %get3A_1978 = arith.constant 32 : index
      %get3A_1979 = tpu.vector_load %arg6[%get3A_1977, %get3A_1978] {strides = array<i32>} : memref<1x128xf32, #tpu.memory_space<vmem>>, vector<1x16xf32>,
      %get3A_1980 = vector.shape_cast %get3A_1979 : vector<1x16xf32> to vector<16xf32>
      %swap3A_1981 = arith.index_cast %scan3A_1930 : i32 to index
      %swap3A_1982 = arith.constant 160 : index
      %swap3A_1983 = tpu.vector_load %arg7[%swap3A_1981, %swap3A_1982] {strides = array<i32>} : memref<32x256xf32, #tpu.memory_space<vmem>>, vector<1x16xf32>,
      %swap3A_1984 = vector.shape_cast %swap3A_1983 : vector<1x16xf32> to vector<16xf32>
      %swap3A_1985 = vector.shape_cast %get3A_1980 : vector<16xf32> to vector<1x16xf32>
      tpu.vector_store %arg7[%swap3A_1981, %swap3A_1982], %swap3A_1985 {strides = array<i32>} : memref<32x256xf32, #tpu.memory_space<vmem>>, vector<1x16xf32>,
      %get3A_1986 = arith.index_cast %scan3A_1930 : i32 to index
      %get3A_1987 = arith.constant 48 : index
      %get3A_1988 = tpu.vector_load %arg5[%get3A_1986, %get3A_1987] {strides = array<i32>} : memref<32x128xf32, #tpu.memory_space<vmem>>, vector<1x16xf32>,
      %get3A_1989 = vector.shape_cast %get3A_1988 : vector<1x16xf32> to vector<16xf32>
      %swap3A_1990 = arith.index_cast %scan3A_1930 : i32 to index
      %swap3A_1991 = arith.constant 48 : index
      %swap3A_1992 = tpu.vector_load %arg7[%swap3A_1990, %swap3A_1991] {strides = array<i32>} : memref<32x256xf32, #tpu.memory_space<vmem>>, vector<1x16xf32>,
      %swap3A_1993 = vector.shape_cast %swap3A_1992 : vector<1x16xf32> to vector<16xf32>
      %swap3A_1994 = vector.shape_cast %get3A_1989 : vector<16xf32> to vector<1x16xf32>
      tpu.vector_store %arg7[%swap3A_1990, %swap3A_1991], %swap3A_1994 {strides = array<i32>} : memref<32x256xf32, #tpu.memory_space<vmem>>, vector<1x16xf32>,
      %get3A_1995 = arith.constant 0 : i32
      %get3A_1996 = arith.index_cast %get3A_1995 : i32 to index
      %get3A_1997 = arith.constant 48 : index
      %get3A_1998 = tpu.vector_load %arg6[%get3A_1996, %get3A_1997] {strides = array<i32>} : memref<1x128xf32, #tpu.memory_space<vmem>>, vector<1x16xf32>,
      %get3A_1999 = vector.shape_cast %get3A_1998 : vector<1x16xf32> to vector<16xf32>
      %swap3A_2000 = arith.index_cast %scan3A_1930 : i32 to index
      %swap3A_2001 = arith.constant 176 : index
      %swap3A_2002 = tpu.vector_load %arg7[%swap3A_2000, %swap3A_2001] {strides = array<i32>} : memref<32x256xf32, #tpu.memory_space<vmem>>, vector<1x16xf32>,
      %swap3A_2003 = vector.shape_cast %swap3A_2002 : vector<1x16xf32> to vector<16xf32>
      %swap3A_2004 = vector.shape_cast %get3A_1999 : vector<16xf32> to vector<1x16xf32>
      tpu.vector_store %arg7[%swap3A_2000, %swap3A_2001], %swap3A_2004 {strides = array<i32>} : memref<32x256xf32, #tpu.memory_space<vmem>>, vector<1x16xf32>,
      %get3A_2005 = arith.index_cast %scan3A_1930 : i32 to index
      %get3A_2006 = arith.constant 64 : index
      %get3A_2007 = tpu.vector_load %arg5[%get3A_2005, %get3A_2006] {strides = array<i32>} : memref<32x128xf32, #tpu.memory_space<vmem>>, vector<1x16xf32>,
      %get3A_2008 = vector.shape_cast %get3A_2007 : vector<1x16xf32> to vector<16xf32>
      %swap3A_2009 = arith.index_cast %scan3A_1930 : i32 to index
      %swap3A_2010 = arith.constant 64 : index
      %swap3A_2011 = tpu.vector_load %arg7[%swap3A_2009, %swap3A_2010] {strides = array<i32>} : memref<32x256xf32, #tpu.memory_space<vmem>>, vector<1x16xf32>,
      %swap3A_2012 = vector.shape_cast %swap3A_2011 : vector<1x16xf32> to vector<16xf32>
      %swap3A_2013 = vector.shape_cast %get3A_2008 : vector<16xf32> to vector<1x16xf32>
      tpu.vector_store %arg7[%swap3A_2009, %swap3A_2010], %swap3A_2013 {strides = array<i32>} : memref<32x256xf32, #tpu.memory_space<vmem>>, vector<1x16xf32>,
      %get3A_2014 = arith.constant 0 : i32
      %get3A_2015 = arith.index_cast %get3A_2014 : i32 to index
      %get3A_2016 = arith.constant 64 : index
      %get3A_2017 = tpu.vector_load %arg6[%get3A_2015, %get3A_2016] {strides = array<i32>} : memref<1x128xf32, #tpu.memory_space<vmem>>, vector<1x16xf32>,
      %get3A_2018 = vector.shape_cast %get3A_2017 : vector<1x16xf32> to vector<16xf32>
      %swap3A_2019 = arith.index_cast %scan3A_1930 : i32 to index
      %swap3A_2020 = arith.constant 192 : index
      %swap3A_2021 = tpu.vector_load %arg7[%swap3A_2019, %swap3A_2020] {strides = array<i32>} : memref<32x256xf32, #tpu.memory_space<vmem>>, vector<1x16xf32>,
      %swap3A_2022 = vector.shape_cast %swap3A_2021 : vector<1x16xf32> to vector<16xf32>
      %swap3A_2023 = vector.shape_cast %get3A_2018 : vector<16xf32> to vector<1x16xf32>
      tpu.vector_store %arg7[%swap3A_2019, %swap3A_2020], %swap3A_2023 {strides = array<i32>} : memref<32x256xf32, #tpu.memory_space<vmem>>, vector<1x16xf32>,
      %get3A_2024 = arith.index_cast %scan3A_1930 : i32 to index
      %get3A_2025 = arith.constant 80 : index
      %get3A_2026 = tpu.vector_load %arg5[%get3A_2024, %get3A_2025] {strides = array<i32>} : memref<32x128xf32, #tpu.memory_space<vmem>>, vector<1x16xf32>,
      %get3A_2027 = vector.shape_cast %get3A_2026 : vector<1x16xf32> to vector<16xf32>
      %swap3A_2028 = arith.index_cast %scan3A_1930 : i32 to index
      %swap3A_2029 = arith.constant 80 : index
      %swap3A_2030 = tpu.vector_load %arg7[%swap3A_2028, %swap3A_2029] {strides = array<i32>} : memref<32x256xf32, #tpu.memory_space<vmem>>, vector<1x16xf32>,
      %swap3A_2031 = vector.shape_cast %swap3A_2030 : vector<1x16xf32> to vector<16xf32>
      %swap3A_2032 = vector.shape_cast %get3A_2027 : vector<16xf32> to vector<1x16xf32>
      tpu.vector_store %arg7[%swap3A_2028, %swap3A_2029], %swap3A_2032 {strides = array<i32>} : memref<32x256xf32, #tpu.memory_space<vmem>>, vector<1x16xf32>,
      %get3A_2033 = arith.constant 0 : i32
      %get3A_2034 = arith.index_cast %get3A_2033 : i32 to index
      %get3A_2035 = arith.constant 80 : index
      %get3A_2036 = tpu.vector_load %arg6[%get3A_2034, %get3A_2035] {strides = array<i32>} : memref<1x128xf32, #tpu.memory_space<vmem>>, vector<1x16xf32>,
      %get3A_2037 = vector.shape_cast %get3A_2036 : vector<1x16xf32> to vector<16xf32>
      %swap3A_2038 = arith.index_cast %scan3A_1930 : i32 to index
      %swap3A_2039 = arith.constant 208 : index
      %swap3A_2040 = tpu.vector_load %arg7[%swap3A_2038, %swap3A_2039] {strides = array<i32>} : memref<32x256xf32, #tpu.memory_space<vmem>>, vector<1x16xf32>,
      %swap3A_2041 = vector.shape_cast %swap3A_2040 : vector<1x16xf32> to vector<16xf32>
      %swap3A_2042 = vector.shape_cast %get3A_2037 : vector<16xf32> to vector<1x16xf32>
      tpu.vector_store %arg7[%swap3A_2038, %swap3A_2039], %swap3A_2042 {strides = array<i32>} : memref<32x256xf32, #tpu.memory_space<vmem>>, vector<1x16xf32>,
      %get3A_2043 = arith.index_cast %scan3A_1930 : i32 to index
      %get3A_2044 = arith.constant 96 : index
      %get3A_2045 = tpu.vector_load %arg5[%get3A_2043, %get3A_2044] {strides = array<i32>} : memref<32x128xf32, #tpu.memory_space<vmem>>, vector<1x16xf32>,
      %get3A_2046 = vector.shape_cast %get3A_2045 : vector<1x16xf32> to vector<16xf32>
      %swap3A_2047 = arith.index_cast %scan3A_1930 : i32 to index
      %swap3A_2048 = arith.constant 96 : index
      %swap3A_2049 = tpu.vector_load %arg7[%swap3A_2047, %swap3A_2048] {strides = array<i32>} : memref<32x256xf32, #tpu.memory_space<vmem>>, vector<1x16xf32>,
      %swap3A_2050 = vector.shape_cast %swap3A_2049 : vector<1x16xf32> to vector<16xf32>
      %swap3A_2051 = vector.shape_cast %get3A_2046 : vector<16xf32> to vector<1x16xf32>
      tpu.vector_store %arg7[%swap3A_2047, %swap3A_2048], %swap3A_2051 {strides = array<i32>} : memref<32x256xf32, #tpu.memory_space<vmem>>, vector<1x16xf32>,
      %get3A_2052 = arith.constant 0 : i32
      %get3A_2053 = arith.index_cast %get3A_2052 : i32 to index
      %get3A_2054 = arith.constant 96 : index
      %get3A_2055 = tpu.vector_load %arg6[%get3A_2053, %get3A_2054] {strides = array<i32>} : memref<1x128xf32, #tpu.memory_space<vmem>>, vector<1x16xf32>,
      %get3A_2056 = vector.shape_cast %get3A_2055 : vector<1x16xf32> to vector<16xf32>
      %swap3A_2057 = arith.index_cast %scan3A_1930 : i32 to index
      %swap3A_2058 = arith.constant 224 : index
      %swap3A_2059 = tpu.vector_load %arg7[%swap3A_2057, %swap3A_2058] {strides = array<i32>} : memref<32x256xf32, #tpu.memory_space<vmem>>, vector<1x16xf32>,
      %swap3A_2060 = vector.shape_cast %swap3A_2059 : vector<1x16xf32> to vector<16xf32>
      %swap3A_2061 = vector.shape_cast %get3A_2056 : vector<16xf32> to vector<1x16xf32>
      tpu.vector_store %arg7[%swap3A_2057, %swap3A_2058], %swap3A_2061 {strides = array<i32>} : memref<32x256xf32, #tpu.memory_space<vmem>>, vector<1x16xf32>,
      %get3A_2062 = arith.index_cast %scan3A_1930 : i32 to index
      %get3A_2063 = arith.constant 112 : index
      %get3A_2064 = tpu.vector_load %arg5[%get3A_2062, %get3A_2063] {strides = array<i32>} : memref<32x128xf32, #tpu.memory_space<vmem>>, vector<1x16xf32>,
      %get3A_2065 = vector.shape_cast %get3A_2064 : vector<1x16xf32> to vector<16xf32>
      %swap3A_2066 = arith.index_cast %scan3A_1930 : i32 to index
      %swap3A_2067 = arith.constant 112 : index
      %swap3A_2068 = tpu.vector_load %arg7[%swap3A_2066, %swap3A_2067] {strides = array<i32>} : memref<32x256xf32, #tpu.memory_space<vmem>>, vector<1x16xf32>,
      %swap3A_2069 = vector.shape_cast %swap3A_2068 : vector<1x16xf32> to vector<16xf32>
      %swap3A_2070 = vector.shape_cast %get3A_2065 : vector<16xf32> to vector<1x16xf32>
      tpu.vector_store %arg7[%swap3A_2066, %swap3A_2067], %swap3A_2070 {strides = array<i32>} : memref<32x256xf32, #tpu.memory_space<vmem>>, vector<1x16xf32>,
      %get3A_2071 = arith.constant 0 : i32
      %get3A_2072 = arith.index_cast %get3A_2071 : i32 to index
      %get3A_2073 = arith.constant 112 : index
      %get3A_2074 = tpu.vector_load %arg6[%get3A_2072, %get3A_2073] {strides = array<i32>} : memref<1x128xf32, #tpu.memory_space<vmem>>, vector<1x16xf32>,
      %get3A_2075 = vector.shape_cast %get3A_2074 : vector<1x16xf32> to vector<16xf32>
      %swap3A_2076 = arith.index_cast %scan3A_1930 : i32 to index
      %swap3A_2077 = arith.constant 240 : index
      %swap3A_2078 = tpu.vector_load %arg7[%swap3A_2076, %swap3A_2077] {strides = array<i32>} : memref<32x256xf32, #tpu.memory_space<vmem>>, vector<1x16xf32>,
      %swap3A_2079 = vector.shape_cast %swap3A_2078 : vector<1x16xf32> to vector<16xf32>
      %swap3A_2080 = vector.shape_cast %get3A_2075 : vector<16xf32> to vector<1x16xf32>
      tpu.vector_store %arg7[%swap3A_2076, %swap3A_2077], %swap3A_2080 {strides = array<i32>} : memref<32x256xf32, #tpu.memory_space<vmem>>, vector<1x16xf32>,
    }
    %scan3A_5 = arith.constant 16 : i32
    %dma_start3A = arith.constant 0 : i32
    %dma_start3A_6 = arith.constant 0 : i32
    %dma_start3A_7 = arith.constant 0 : i32
    %dma_start3A_8 = tpu.memref_slice %arg7[%dma_start3A_6, %dma_start3A_7] : memref<32x256xf32, #tpu.memory_space<vmem>> -> memref<16x256xf32, #tpu.memory_space<vmem>>
    %dma_start3A_9 = arith.constant 0 : i32
    %dma_start3A_10 = arith.constant 0 : i32
    %dma_start3A_11 = tpu.memref_slice %arg4[%dma_start3A, %add3A, %dma_start3A_9, %dma_start3A_10] : memref<32x32x32x256xf32, #tpu.memory_space<hbm>> -> memref<1x1x16x256xf32, #tpu.memory_space<hbm>>
    %dma_start3A_12 = tpu.memref_squeeze %dma_start3A_11 : memref<1x1x16x256xf32, #tpu.memory_space<hbm>> -> memref<16x256xf32, #tpu.memory_space<hbm>>
    %dma_start3A_13 = arith.constant 0 : i32
    %dma_start3A_14 = arith.constant 0 : i32
    %dma_start3A_15 = tpu.memref_slice %arg4[%dma_start3A, %add3A, %dma_start3A_13, %dma_start3A_14] : memref<32x32x32x256xf32, #tpu.memory_space<hbm>> -> memref<1x1x16x256xf32, #tpu.memory_space<hbm>>
    %dma_start3A_16 = tpu.memref_squeeze %dma_start3A_15 : memref<1x1x16x256xf32, #tpu.memory_space<hbm>> -> memref<16x256xf32, #tpu.memory_space<hbm>>
    %dma_start3A_17 = arith.constant 0 : i32
    %dma_start3A_18 = arith.constant 0 : i32
    %dma_start3A_19 = tpu.memref_slice %arg7[%dma_start3A_17, %dma_start3A_18] : memref<32x256xf32, #tpu.memory_space<vmem>> -> memref<16x256xf32, #tpu.memory_space<vmem>>
    tpu.enqueue_dma source(%dma_start3A_19 : memref<16x256xf32, #tpu.memory_space<vmem>>) target(%dma_start3A_16 : memref<16x256xf32, #tpu.memory_space<hbm>>) target_semaphore(%arg8 : memref<!tpu.dma_semaphore, #tpu.memory_space<semaphore_mem>>)
    %dma_start3A_20 = arith.constant 1 : i32
    %dma_start3A_21 = arith.constant 0 : i32
    %dma_start3A_22 = arith.constant 0 : i32
    %dma_start3A_23 = tpu.memref_slice %arg7[%dma_start3A_21, %dma_start3A_22] : memref<32x256xf32, #tpu.memory_space<vmem>> -> memref<16x256xf32, #tpu.memory_space<vmem>>
    %dma_start3A_24 = arith.constant 0 : i32
    %dma_start3A_25 = arith.constant 0 : i32
    %dma_start3A_26 = tpu.memref_slice %arg4[%dma_start3A_20, %add3A, %dma_start3A_24, %dma_start3A_25] : memref<32x32x32x256xf32, #tpu.memory_space<hbm>> -> memref<1x1x16x256xf32, #tpu.memory_space<hbm>>
    %dma_start3A_27 = tpu.memref_squeeze %dma_start3A_26 : memref<1x1x16x256xf32, #tpu.memory_space<hbm>> -> memref<16x256xf32, #tpu.memory_space<hbm>>
    %dma_start3A_28 = arith.constant 0 : i32
    %dma_start3A_29 = arith.constant 0 : i32
    %dma_start3A_30 = tpu.memref_slice %arg4[%dma_start3A_20, %add3A, %dma_start3A_28, %dma_start3A_29] : memref<32x32x32x256xf32, #tpu.memory_space<hbm>> -> memref<1x1x16x256xf32, #tpu.memory_space<hbm>>
    %dma_start3A_31 = tpu.memref_squeeze %dma_start3A_30 : memref<1x1x16x256xf32, #tpu.memory_space<hbm>> -> memref<16x256xf32, #tpu.memory_space<hbm>>
    %dma_start3A_32 = arith.constant 0 : i32
    %dma_start3A_33 = arith.constant 0 : i32
    %dma_start3A_34 = tpu.memref_slice %arg7[%dma_start3A_32, %dma_start3A_33] : memref<32x256xf32, #tpu.memory_space<vmem>> -> memref<16x256xf32, #tpu.memory_space<vmem>>
    tpu.enqueue_dma source(%dma_start3A_34 : memref<16x256xf32, #tpu.memory_space<vmem>>) target(%dma_start3A_31 : memref<16x256xf32, #tpu.memory_space<hbm>>) target_semaphore(%arg8 : memref<!tpu.dma_semaphore, #tpu.memory_space<semaphore_mem>>)
    %dma_start3A_35 = arith.constant 2 : i32
    %dma_start3A_36 = arith.constant 0 : i32
    %dma_start3A_37 = arith.constant 0 : i32
    %dma_start3A_38 = tpu.memref_slice %arg7[%dma_start3A_36, %dma_start3A_37] : memref<32x256xf32, #tpu.memory_space<vmem>> -> memref<16x256xf32, #tpu.memory_space<vmem>>
    %dma_start3A_39 = arith.constant 0 : i32
    %dma_start3A_40 = arith.constant 0 : i32
    %dma_start3A_41 = tpu.memref_slice %arg4[%dma_start3A_35, %add3A, %dma_start3A_39, %dma_start3A_40] : memref<32x32x32x256xf32, #tpu.memory_space<hbm>> -> memref<1x1x16x256xf32, #tpu.memory_space<hbm>>
    %dma_start3A_42 = tpu.memref_squeeze %dma_start3A_41 : memref<1x1x16x256xf32, #tpu.memory_space<hbm>> -> memref<16x256xf32, #tpu.memory_space<hbm>>
    %dma_start3A_43 = arith.constant 0 : i32
    %dma_start3A_44 = arith.constant 0 : i32
    %dma_start3A_45 = tpu.memref_slice %arg4[%dma_start3A_35, %add3A, %dma_start3A_43, %dma_start3A_44] : memref<32x32x32x256xf32, #tpu.memory_space<hbm>> -> memref<1x1x16x256xf32, #tpu.memory_space<hbm>>
    %dma_start3A_46 = tpu.memref_squeeze %dma_start3A_45 : memref<1x1x16x256xf32, #tpu.memory_space<hbm>> -> memref<16x256xf32, #tpu.memory_space<hbm>>
    %dma_start3A_47 = arith.constant 0 : i32
    %dma_start3A_48 = arith.constant 0 : i32
    %dma_start3A_49 = tpu.memref_slice %arg7[%dma_start3A_47, %dma_start3A_48] : memref<32x256xf32, #tpu.memory_space<vmem>> -> memref<16x256xf32, #tpu.memory_space<vmem>>
    tpu.enqueue_dma source(%dma_start3A_49 : memref<16x256xf32, #tpu.memory_space<vmem>>) target(%dma_start3A_46 : memref<16x256xf32, #tpu.memory_space<hbm>>) target_semaphore(%arg8 : memref<!tpu.dma_semaphore, #tpu.memory_space<semaphore_mem>>)
    %dma_start3A_50 = arith.constant 3 : i32
    %dma_start3A_51 = arith.constant 0 : i32
    %dma_start3A_52 = arith.constant 0 : i32
    %dma_start3A_53 = tpu.memref_slice %arg7[%dma_start3A_51, %dma_start3A_52] : memref<32x256xf32, #tpu.memory_space<vmem>> -> memref<16x256xf32, #tpu.memory_space<vmem>>
    %dma_start3A_54 = arith.constant 0 : i32
    %dma_start3A_55 = arith.constant 0 : i32
    %dma_start3A_56 = tpu.memref_slice %arg4[%dma_start3A_50, %add3A, %dma_start3A_54, %dma_start3A_55] : memref<32x32x32x256xf32, #tpu.memory_space<hbm>> -> memref<1x1x16x256xf32, #tpu.memory_space<hbm>>
    %dma_start3A_57 = tpu.memref_squeeze %dma_start3A_56 : memref<1x1x16x256xf32, #tpu.memory_space<hbm>> -> memref<16x256xf32, #tpu.memory_space<hbm>>
    %dma_start3A_58 = arith.constant 0 : i32
    %dma_start3A_59 = arith.constant 0 : i32
    %dma_start3A_60 = tpu.memref_slice %arg4[%dma_start3A_50, %add3A, %dma_start3A_58, %dma_start3A_59] : memref<32x32x32x256xf32, #tpu.memory_space<hbm>> -> memref<1x1x16x256xf32, #tpu.memory_space<hbm>>
    %dma_start3A_61 = tpu.memref_squeeze %dma_start3A_60 : memref<1x1x16x256xf32, #tpu.memory_space<hbm>> -> memref<16x256xf32, #tpu.memory_space<hbm>>
    %dma_start3A_62 = arith.constant 0 : i32
    %dma_start3A_63 = arith.constant 0 : i32
    %dma_start3A_64 = tpu.memref_slice %arg7[%dma_start3A_62, %dma_start3A_63] : memref<32x256xf32, #tpu.memory_space<vmem>> -> memref<16x256xf32, #tpu.memory_space<vmem>>
    tpu.enqueue_dma source(%dma_start3A_64 : memref<16x256xf32, #tpu.memory_space<vmem>>) target(%dma_start3A_61 : memref<16x256xf32, #tpu.memory_space<hbm>>) target_semaphore(%arg8 : memref<!tpu.dma_semaphore, #tpu.memory_space<semaphore_mem>>)
    %dma_start3A_65 = arith.constant 4 : i32
    %dma_start3A_66 = arith.constant 0 : i32
    %dma_start3A_67 = arith.constant 0 : i32
    %dma_start3A_68 = tpu.memref_slice %arg7[%dma_start3A_66, %dma_start3A_67] : memref<32x256xf32, #tpu.memory_space<vmem>> -> memref<16x256xf32, #tpu.memory_space<vmem>>
    %dma_start3A_69 = arith.constant 0 : i32
    %dma_start3A_70 = arith.constant 0 : i32
    %dma_start3A_71 = tpu.memref_slice %arg4[%dma_start3A_65, %add3A, %dma_start3A_69, %dma_start3A_70] : memref<32x32x32x256xf32, #tpu.memory_space<hbm>> -> memref<1x1x16x256xf32, #tpu.memory_space<hbm>>
    %dma_start3A_72 = tpu.memref_squeeze %dma_start3A_71 : memref<1x1x16x256xf32, #tpu.memory_space<hbm>> -> memref<16x256xf32, #tpu.memory_space<hbm>>
    %dma_start3A_73 = arith.constant 0 : i32
    %dma_start3A_74 = arith.constant 0 : i32
    %dma_start3A_75 = tpu.memref_slice %arg4[%dma_start3A_65, %add3A, %dma_start3A_73, %dma_start3A_74] : memref<32x32x32x256xf32, #tpu.memory_space<hbm>> -> memref<1x1x16x256xf32, #tpu.memory_space<hbm>>
    %dma_start3A_76 = tpu.memref_squeeze %dma_start3A_75 : memref<1x1x16x256xf32, #tpu.memory_space<hbm>> -> memref<16x256xf32, #tpu.memory_space<hbm>>
    %dma_start3A_77 = arith.constant 0 : i32
    %dma_start3A_78 = arith.constant 0 : i32
    %dma_start3A_79 = tpu.memref_slice %arg7[%dma_start3A_77, %dma_start3A_78] : memref<32x256xf32, #tpu.memory_space<vmem>> -> memref<16x256xf32, #tpu.memory_space<vmem>>
    tpu.enqueue_dma source(%dma_start3A_79 : memref<16x256xf32, #tpu.memory_space<vmem>>) target(%dma_start3A_76 : memref<16x256xf32, #tpu.memory_space<hbm>>) target_semaphore(%arg8 : memref<!tpu.dma_semaphore, #tpu.memory_space<semaphore_mem>>)
    %dma_start3A_80 = arith.constant 5 : i32
    %dma_start3A_81 = arith.constant 0 : i32
    %dma_start3A_82 = arith.constant 0 : i32
    %dma_start3A_83 = tpu.memref_slice %arg7[%dma_start3A_81, %dma_start3A_82] : memref<32x256xf32, #tpu.memory_space<vmem>> -> memref<16x256xf32, #tpu.memory_space<vmem>>
    %dma_start3A_84 = arith.constant 0 : i32
    %dma_start3A_85 = arith.constant 0 : i32
    %dma_start3A_86 = tpu.memref_slice %arg4[%dma_start3A_80, %add3A, %dma_start3A_84, %dma_start3A_85] : memref<32x32x32x256xf32, #tpu.memory_space<hbm>> -> memref<1x1x16x256xf32, #tpu.memory_space<hbm>>
    %dma_start3A_87 = tpu.memref_squeeze %dma_start3A_86 : memref<1x1x16x256xf32, #tpu.memory_space<hbm>> -> memref<16x256xf32, #tpu.memory_space<hbm>>
    %dma_start3A_88 = arith.constant 0 : i32
    %dma_start3A_89 = arith.constant 0 : i32
    %dma_start3A_90 = tpu.memref_slice %arg4[%dma_start3A_80, %add3A, %dma_start3A_88, %dma_start3A_89] : memref<32x32x32x256xf32, #tpu.memory_space<hbm>> -> memref<1x1x16x256xf32, #tpu.memory_space<hbm>>
    %dma_start3A_91 = tpu.memref_squeeze %dma_start3A_90 : memref<1x1x16x256xf32, #tpu.memory_space<hbm>> -> memref<16x256xf32, #tpu.memory_space<hbm>>
    %dma_start3A_92 = arith.constant 0 : i32
    %dma_start3A_93 = arith.constant 0 : i32
    %dma_start3A_94 = tpu.memref_slice %arg7[%dma_start3A_92, %dma_start3A_93] : memref<32x256xf32, #tpu.memory_space<vmem>> -> memref<16x256xf32, #tpu.memory_space<vmem>>
    tpu.enqueue_dma source(%dma_start3A_94 : memref<16x256xf32, #tpu.memory_space<vmem>>) target(%dma_start3A_91 : memref<16x256xf32, #tpu.memory_space<hbm>>) target_semaphore(%arg8 : memref<!tpu.dma_semaphore, #tpu.memory_space<semaphore_mem>>)
    %dma_start3A_95 = arith.constant 6 : i32
    %dma_start3A_96 = arith.constant 0 : i32
    %dma_start3A_97 = arith.constant 0 : i32
    %dma_start3A_98 = tpu.memref_slice %arg7[%dma_start3A_96, %dma_start3A_97] : memref<32x256xf32, #tpu.memory_space<vmem>> -> memref<16x256xf32, #tpu.memory_space<vmem>>
    %dma_start3A_99 = arith.constant 0 : i32
    %dma_start3A_100 = arith.constant 0 : i32
    %dma_start3A_101 = tpu.memref_slice %arg4[%dma_start3A_95, %add3A, %dma_start3A_99, %dma_start3A_100] : memref<32x32x32x256xf32, #tpu.memory_space<hbm>> -> memref<1x1x16x256xf32, #tpu.memory_space<hbm>>
    %dma_start3A_102 = tpu.memref_squeeze %dma_start3A_101 : memref<1x1x16x256xf32, #tpu.memory_space<hbm>> -> memref<16x256xf32, #tpu.memory_space<hbm>>
    %dma_start3A_103 = arith.constant 0 : i32
    %dma_start3A_104 = arith.constant 0 : i32
    %dma_start3A_105 = tpu.memref_slice %arg4[%dma_start3A_95, %add3A, %dma_start3A_103, %dma_start3A_104] : memref<32x32x32x256xf32, #tpu.memory_space<hbm>> -> memref<1x1x16x256xf32, #tpu.memory_space<hbm>>
    %dma_start3A_106 = tpu.memref_squeeze %dma_start3A_105 : memref<1x1x16x256xf32, #tpu.memory_space<hbm>> -> memref<16x256xf32, #tpu.memory_space<hbm>>
    %dma_start3A_107 = arith.constant 0 : i32
    %dma_start3A_108 = arith.constant 0 : i32
    %dma_start3A_109 = tpu.memref_slice %arg7[%dma_start3A_107, %dma_start3A_108] : memref<32x256xf32, #tpu.memory_space<vmem>> -> memref<16x256xf32, #tpu.memory_space<vmem>>
    tpu.enqueue_dma source(%dma_start3A_109 : memref<16x256xf32, #tpu.memory_space<vmem>>) target(%dma_start3A_106 : memref<16x256xf32, #tpu.memory_space<hbm>>) target_semaphore(%arg8 : memref<!tpu.dma_semaphore, #tpu.memory_space<semaphore_mem>>)
    %dma_start3A_110 = arith.constant 7 : i32
    %dma_start3A_111 = arith.constant 0 : i32
    %dma_start3A_112 = arith.constant 0 : i32
    %dma_start3A_113 = tpu.memref_slice %arg7[%dma_start3A_111, %dma_start3A_112] : memref<32x256xf32, #tpu.memory_space<vmem>> -> memref<16x256xf32, #tpu.memory_space<vmem>>
    %dma_start3A_114 = arith.constant 0 : i32
    %dma_start3A_115 = arith.constant 0 : i32
    %dma_start3A_116 = tpu.memref_slice %arg4[%dma_start3A_110, %add3A, %dma_start3A_114, %dma_start3A_115] : memref<32x32x32x256xf32, #tpu.memory_space<hbm>> -> memref<1x1x16x256xf32, #tpu.memory_space<hbm>>
    %dma_start3A_117 = tpu.memref_squeeze %dma_start3A_116 : memref<1x1x16x256xf32, #tpu.memory_space<hbm>> -> memref<16x256xf32, #tpu.memory_space<hbm>>
    %dma_start3A_118 = arith.constant 0 : i32
    %dma_start3A_119 = arith.constant 0 : i32
    %dma_start3A_120 = tpu.memref_slice %arg4[%dma_start3A_110, %add3A, %dma_start3A_118, %dma_start3A_119] : memref<32x32x32x256xf32, #tpu.memory_space<hbm>> -> memref<1x1x16x256xf32, #tpu.memory_space<hbm>>
    %dma_start3A_121 = tpu.memref_squeeze %dma_start3A_120 : memref<1x1x16x256xf32, #tpu.memory_space<hbm>> -> memref<16x256xf32, #tpu.memory_space<hbm>>
    %dma_start3A_122 = arith.constant 0 : i32
    %dma_start3A_123 = arith.constant 0 : i32
    %dma_start3A_124 = tpu.memref_slice %arg7[%dma_start3A_122, %dma_start3A_123] : memref<32x256xf32, #tpu.memory_space<vmem>> -> memref<16x256xf32, #tpu.memory_space<vmem>>
    tpu.enqueue_dma source(%dma_start3A_124 : memref<16x256xf32, #tpu.memory_space<vmem>>) target(%dma_start3A_121 : memref<16x256xf32, #tpu.memory_space<hbm>>) target_semaphore(%arg8 : memref<!tpu.dma_semaphore, #tpu.memory_space<semaphore_mem>>)
    %dma_start3A_125 = arith.constant 8 : i32
    %dma_start3A_126 = arith.constant 0 : i32
    %dma_start3A_127 = arith.constant 0 : i32
    %dma_start3A_128 = tpu.memref_slice %arg7[%dma_start3A_126, %dma_start3A_127] : memref<32x256xf32, #tpu.memory_space<vmem>> -> memref<16x256xf32, #tpu.memory_space<vmem>>
    %dma_start3A_129 = arith.constant 0 : i32
    %dma_start3A_130 = arith.constant 0 : i32
    %dma_start3A_131 = tpu.memref_slice %arg4[%dma_start3A_125, %add3A, %dma_start3A_129, %dma_start3A_130] : memref<32x32x32x256xf32, #tpu.memory_space<hbm>> -> memref<1x1x16x256xf32, #tpu.memory_space<hbm>>
    %dma_start3A_132 = tpu.memref_squeeze %dma_start3A_131 : memref<1x1x16x256xf32, #tpu.memory_space<hbm>> -> memref<16x256xf32, #tpu.memory_space<hbm>>
    %dma_start3A_133 = arith.constant 0 : i32
    %dma_start3A_134 = arith.constant 0 : i32
    %dma_start3A_135 = tpu.memref_slice %arg4[%dma_start3A_125, %add3A, %dma_start3A_133, %dma_start3A_134] : memref<32x32x32x256xf32, #tpu.memory_space<hbm>> -> memref<1x1x16x256xf32, #tpu.memory_space<hbm>>
    %dma_start3A_136 = tpu.memref_squeeze %dma_start3A_135 : memref<1x1x16x256xf32, #tpu.memory_space<hbm>> -> memref<16x256xf32, #tpu.memory_space<hbm>>
    %dma_start3A_137 = arith.constant 0 : i32
    %dma_start3A_138 = arith.constant 0 : i32
    %dma_start3A_139 = tpu.memref_slice %arg7[%dma_start3A_137, %dma_start3A_138] : memref<32x256xf32, #tpu.memory_space<vmem>> -> memref<16x256xf32, #tpu.memory_space<vmem>>
    tpu.enqueue_dma source(%dma_start3A_139 : memref<16x256xf32, #tpu.memory_space<vmem>>) target(%dma_start3A_136 : memref<16x256xf32, #tpu.memory_space<hbm>>) target_semaphore(%arg8 : memref<!tpu.dma_semaphore, #tpu.memory_space<semaphore_mem>>)
    %dma_start3A_140 = arith.constant 9 : i32
    %dma_start3A_141 = arith.constant 0 : i32
    %dma_start3A_142 = arith.constant 0 : i32
    %dma_start3A_143 = tpu.memref_slice %arg7[%dma_start3A_141, %dma_start3A_142] : memref<32x256xf32, #tpu.memory_space<vmem>> -> memref<16x256xf32, #tpu.memory_space<vmem>>
    %dma_start3A_144 = arith.constant 0 : i32
    %dma_start3A_145 = arith.constant 0 : i32
    %dma_start3A_146 = tpu.memref_slice %arg4[%dma_start3A_140, %add3A, %dma_start3A_144, %dma_start3A_145] : memref<32x32x32x256xf32, #tpu.memory_space<hbm>> -> memref<1x1x16x256xf32, #tpu.memory_space<hbm>>
    %dma_start3A_147 = tpu.memref_squeeze %dma_start3A_146 : memref<1x1x16x256xf32, #tpu.memory_space<hbm>> -> memref<16x256xf32, #tpu.memory_space<hbm>>
    %dma_start3A_148 = arith.constant 0 : i32
    %dma_start3A_149 = arith.constant 0 : i32
    %dma_start3A_150 = tpu.memref_slice %arg4[%dma_start3A_140, %add3A, %dma_start3A_148, %dma_start3A_149] : memref<32x32x32x256xf32, #tpu.memory_space<hbm>> -> memref<1x1x16x256xf32, #tpu.memory_space<hbm>>
    %dma_start3A_151 = tpu.memref_squeeze %dma_start3A_150 : memref<1x1x16x256xf32, #tpu.memory_space<hbm>> -> memref<16x256xf32, #tpu.memory_space<hbm>>
    %dma_start3A_152 = arith.constant 0 : i32
    %dma_start3A_153 = arith.constant 0 : i32
    %dma_start3A_154 = tpu.memref_slice %arg7[%dma_start3A_152, %dma_start3A_153] : memref<32x256xf32, #tpu.memory_space<vmem>> -> memref<16x256xf32, #tpu.memory_space<vmem>>
    tpu.enqueue_dma source(%dma_start3A_154 : memref<16x256xf32, #tpu.memory_space<vmem>>) target(%dma_start3A_151 : memref<16x256xf32, #tpu.memory_space<hbm>>) target_semaphore(%arg8 : memref<!tpu.dma_semaphore, #tpu.memory_space<semaphore_mem>>)
    %dma_start3A_155 = arith.constant 10 : i32
    %dma_start3A_156 = arith.constant 0 : i32
    %dma_start3A_157 = arith.constant 0 : i32
    %dma_start3A_158 = tpu.memref_slice %arg7[%dma_start3A_156, %dma_start3A_157] : memref<32x256xf32, #tpu.memory_space<vmem>> -> memref<16x256xf32, #tpu.memory_space<vmem>>
    %dma_start3A_159 = arith.constant 0 : i32
    %dma_start3A_160 = arith.constant 0 : i32
    %dma_start3A_161 = tpu.memref_slice %arg4[%dma_start3A_155, %add3A, %dma_start3A_159, %dma_start3A_160] : memref<32x32x32x256xf32, #tpu.memory_space<hbm>> -> memref<1x1x16x256xf32, #tpu.memory_space<hbm>>
    %dma_start3A_162 = tpu.memref_squeeze %dma_start3A_161 : memref<1x1x16x256xf32, #tpu.memory_space<hbm>> -> memref<16x256xf32, #tpu.memory_space<hbm>>
    %dma_start3A_163 = arith.constant 0 : i32
    %dma_start3A_164 = arith.constant 0 : i32
    %dma_start3A_165 = tpu.memref_slice %arg4[%dma_start3A_155, %add3A, %dma_start3A_163, %dma_start3A_164] : memref<32x32x32x256xf32, #tpu.memory_space<hbm>> -> memref<1x1x16x256xf32, #tpu.memory_space<hbm>>
    %dma_start3A_166 = tpu.memref_squeeze %dma_start3A_165 : memref<1x1x16x256xf32, #tpu.memory_space<hbm>> -> memref<16x256xf32, #tpu.memory_space<hbm>>
    %dma_start3A_167 = arith.constant 0 : i32
    %dma_start3A_168 = arith.constant 0 : i32
    %dma_start3A_169 = tpu.memref_slice %arg7[%dma_start3A_167, %dma_start3A_168] : memref<32x256xf32, #tpu.memory_space<vmem>> -> memref<16x256xf32, #tpu.memory_space<vmem>>
    tpu.enqueue_dma source(%dma_start3A_169 : memref<16x256xf32, #tpu.memory_space<vmem>>) target(%dma_start3A_166 : memref<16x256xf32, #tpu.memory_space<hbm>>) target_semaphore(%arg8 : memref<!tpu.dma_semaphore, #tpu.memory_space<semaphore_mem>>)
    %dma_start3A_170 = arith.constant 11 : i32
    %dma_start3A_171 = arith.constant 0 : i32
    %dma_start3A_172 = arith.constant 0 : i32
    %dma_start3A_173 = tpu.memref_slice %arg7[%dma_start3A_171, %dma_start3A_172] : memref<32x256xf32, #tpu.memory_space<vmem>> -> memref<16x256xf32, #tpu.memory_space<vmem>>
    %dma_start3A_174 = arith.constant 0 : i32
    %dma_start3A_175 = arith.constant 0 : i32
    %dma_start3A_176 = tpu.memref_slice %arg4[%dma_start3A_170, %add3A, %dma_start3A_174, %dma_start3A_175] : memref<32x32x32x256xf32, #tpu.memory_space<hbm>> -> memref<1x1x16x256xf32, #tpu.memory_space<hbm>>
    %dma_start3A_177 = tpu.memref_squeeze %dma_start3A_176 : memref<1x1x16x256xf32, #tpu.memory_space<hbm>> -> memref<16x256xf32, #tpu.memory_space<hbm>>
    %dma_start3A_178 = arith.constant 0 : i32
    %dma_start3A_179 = arith.constant 0 : i32
    %dma_start3A_180 = tpu.memref_slice %arg4[%dma_start3A_170, %add3A, %dma_start3A_178, %dma_start3A_179] : memref<32x32x32x256xf32, #tpu.memory_space<hbm>> -> memref<1x1x16x256xf32, #tpu.memory_space<hbm>>
    %dma_start3A_181 = tpu.memref_squeeze %dma_start3A_180 : memref<1x1x16x256xf32, #tpu.memory_space<hbm>> -> memref<16x256xf32, #tpu.memory_space<hbm>>
    %dma_start3A_182 = arith.constant 0 : i32
    %dma_start3A_183 = arith.constant 0 : i32
    %dma_start3A_184 = tpu.memref_slice %arg7[%dma_start3A_182, %dma_start3A_183] : memref<32x256xf32, #tpu.memory_space<vmem>> -> memref<16x256xf32, #tpu.memory_space<vmem>>
    tpu.enqueue_dma source(%dma_start3A_184 : memref<16x256xf32, #tpu.memory_space<vmem>>) target(%dma_start3A_181 : memref<16x256xf32, #tpu.memory_space<hbm>>) target_semaphore(%arg8 : memref<!tpu.dma_semaphore, #tpu.memory_space<semaphore_mem>>)
    %dma_start3A_185 = arith.constant 12 : i32
    %dma_start3A_186 = arith.constant 0 : i32
    %dma_start3A_187 = arith.constant 0 : i32
    %dma_start3A_188 = tpu.memref_slice %arg7[%dma_start3A_186, %dma_start3A_187] : memref<32x256xf32, #tpu.memory_space<vmem>> -> memref<16x256xf32, #tpu.memory_space<vmem>>
    %dma_start3A_189 = arith.constant 0 : i32
    %dma_start3A_190 = arith.constant 0 : i32
    %dma_start3A_191 = tpu.memref_slice %arg4[%dma_start3A_185, %add3A, %dma_start3A_189, %dma_start3A_190] : memref<32x32x32x256xf32, #tpu.memory_space<hbm>> -> memref<1x1x16x256xf32, #tpu.memory_space<hbm>>
    %dma_start3A_192 = tpu.memref_squeeze %dma_start3A_191 : memref<1x1x16x256xf32, #tpu.memory_space<hbm>> -> memref<16x256xf32, #tpu.memory_space<hbm>>
    %dma_start3A_193 = arith.constant 0 : i32
    %dma_start3A_194 = arith.constant 0 : i32
    %dma_start3A_195 = tpu.memref_slice %arg4[%dma_start3A_185, %add3A, %dma_start3A_193, %dma_start3A_194] : memref<32x32x32x256xf32, #tpu.memory_space<hbm>> -> memref<1x1x16x256xf32, #tpu.memory_space<hbm>>
    %dma_start3A_196 = tpu.memref_squeeze %dma_start3A_195 : memref<1x1x16x256xf32, #tpu.memory_space<hbm>> -> memref<16x256xf32, #tpu.memory_space<hbm>>
    %dma_start3A_197 = arith.constant 0 : i32
    %dma_start3A_198 = arith.constant 0 : i32
    %dma_start3A_199 = tpu.memref_slice %arg7[%dma_start3A_197, %dma_start3A_198] : memref<32x256xf32, #tpu.memory_space<vmem>> -> memref<16x256xf32, #tpu.memory_space<vmem>>
    tpu.enqueue_dma source(%dma_start3A_199 : memref<16x256xf32, #tpu.memory_space<vmem>>) target(%dma_start3A_196 : memref<16x256xf32, #tpu.memory_space<hbm>>) target_semaphore(%arg8 : memref<!tpu.dma_semaphore, #tpu.memory_space<semaphore_mem>>)
    %dma_start3A_200 = arith.constant 13 : i32
    %dma_start3A_201 = arith.constant 0 : i32
    %dma_start3A_202 = arith.constant 0 : i32
    %dma_start3A_203 = tpu.memref_slice %arg7[%dma_start3A_201, %dma_start3A_202] : memref<32x256xf32, #tpu.memory_space<vmem>> -> memref<16x256xf32, #tpu.memory_space<vmem>>
    %dma_start3A_204 = arith.constant 0 : i32
    %dma_start3A_205 = arith.constant 0 : i32
    %dma_start3A_206 = tpu.memref_slice %arg4[%dma_start3A_200, %add3A, %dma_start3A_204, %dma_start3A_205] : memref<32x32x32x256xf32, #tpu.memory_space<hbm>> -> memref<1x1x16x256xf32, #tpu.memory_space<hbm>>
    %dma_start3A_207 = tpu.memref_squeeze %dma_start3A_206 : memref<1x1x16x256xf32, #tpu.memory_space<hbm>> -> memref<16x256xf32, #tpu.memory_space<hbm>>
    %dma_start3A_208 = arith.constant 0 : i32
    %dma_start3A_209 = arith.constant 0 : i32
    %dma_start3A_210 = tpu.memref_slice %arg4[%dma_start3A_200, %add3A, %dma_start3A_208, %dma_start3A_209] : memref<32x32x32x256xf32, #tpu.memory_space<hbm>> -> memref<1x1x16x256xf32, #tpu.memory_space<hbm>>
    %dma_start3A_211 = tpu.memref_squeeze %dma_start3A_210 : memref<1x1x16x256xf32, #tpu.memory_space<hbm>> -> memref<16x256xf32, #tpu.memory_space<hbm>>
    %dma_start3A_212 = arith.constant 0 : i32
    %dma_start3A_213 = arith.constant 0 : i32
    %dma_start3A_214 = tpu.memref_slice %arg7[%dma_start3A_212, %dma_start3A_213] : memref<32x256xf32, #tpu.memory_space<vmem>> -> memref<16x256xf32, #tpu.memory_space<vmem>>
    tpu.enqueue_dma source(%dma_start3A_214 : memref<16x256xf32, #tpu.memory_space<vmem>>) target(%dma_start3A_211 : memref<16x256xf32, #tpu.memory_space<hbm>>) target_semaphore(%arg8 : memref<!tpu.dma_semaphore, #tpu.memory_space<semaphore_mem>>)
    %dma_start3A_215 = arith.constant 14 : i32
    %dma_start3A_216 = arith.constant 0 : i32
    %dma_start3A_217 = arith.constant 0 : i32
    %dma_start3A_218 = tpu.memref_slice %arg7[%dma_start3A_216, %dma_start3A_217] : memref<32x256xf32, #tpu.memory_space<vmem>> -> memref<16x256xf32, #tpu.memory_space<vmem>>
    %dma_start3A_219 = arith.constant 0 : i32
    %dma_start3A_220 = arith.constant 0 : i32
    %dma_start3A_221 = tpu.memref_slice %arg4[%dma_start3A_215, %add3A, %dma_start3A_219, %dma_start3A_220] : memref<32x32x32x256xf32, #tpu.memory_space<hbm>> -> memref<1x1x16x256xf32, #tpu.memory_space<hbm>>
    %dma_start3A_222 = tpu.memref_squeeze %dma_start3A_221 : memref<1x1x16x256xf32, #tpu.memory_space<hbm>> -> memref<16x256xf32, #tpu.memory_space<hbm>>
    %dma_start3A_223 = arith.constant 0 : i32
    %dma_start3A_224 = arith.constant 0 : i32
    %dma_start3A_225 = tpu.memref_slice %arg4[%dma_start3A_215, %add3A, %dma_start3A_223, %dma_start3A_224] : memref<32x32x32x256xf32, #tpu.memory_space<hbm>> -> memref<1x1x16x256xf32, #tpu.memory_space<hbm>>
    %dma_start3A_226 = tpu.memref_squeeze %dma_start3A_225 : memref<1x1x16x256xf32, #tpu.memory_space<hbm>> -> memref<16x256xf32, #tpu.memory_space<hbm>>
    %dma_start3A_227 = arith.constant 0 : i32
    %dma_start3A_228 = arith.constant 0 : i32
    %dma_start3A_229 = tpu.memref_slice %arg7[%dma_start3A_227, %dma_start3A_228] : memref<32x256xf32, #tpu.memory_space<vmem>> -> memref<16x256xf32, #tpu.memory_space<vmem>>
    tpu.enqueue_dma source(%dma_start3A_229 : memref<16x256xf32, #tpu.memory_space<vmem>>) target(%dma_start3A_226 : memref<16x256xf32, #tpu.memory_space<hbm>>) target_semaphore(%arg8 : memref<!tpu.dma_semaphore, #tpu.memory_space<semaphore_mem>>)
    %dma_start3A_230 = arith.constant 15 : i32
    %dma_start3A_231 = arith.constant 0 : i32
    %dma_start3A_232 = arith.constant 0 : i32
    %dma_start3A_233 = tpu.memref_slice %arg7[%dma_start3A_231, %dma_start3A_232] : memref<32x256xf32, #tpu.memory_space<vmem>> -> memref<16x256xf32, #tpu.memory_space<vmem>>
    %dma_start3A_234 = arith.constant 0 : i32
    %dma_start3A_235 = arith.constant 0 : i32
    %dma_start3A_236 = tpu.memref_slice %arg4[%dma_start3A_230, %add3A, %dma_start3A_234, %dma_start3A_235] : memref<32x32x32x256xf32, #tpu.memory_space<hbm>> -> memref<1x1x16x256xf32, #tpu.memory_space<hbm>>
    %dma_start3A_237 = tpu.memref_squeeze %dma_start3A_236 : memref<1x1x16x256xf32, #tpu.memory_space<hbm>> -> memref<16x256xf32, #tpu.memory_space<hbm>>
    %dma_start3A_238 = arith.constant 0 : i32
    %dma_start3A_239 = arith.constant 0 : i32
    %dma_start3A_240 = tpu.memref_slice %arg4[%dma_start3A_230, %add3A, %dma_start3A_238, %dma_start3A_239] : memref<32x32x32x256xf32, #tpu.memory_space<hbm>> -> memref<1x1x16x256xf32, #tpu.memory_space<hbm>>
    %dma_start3A_241 = tpu.memref_squeeze %dma_start3A_240 : memref<1x1x16x256xf32, #tpu.memory_space<hbm>> -> memref<16x256xf32, #tpu.memory_space<hbm>>
    %dma_start3A_242 = arith.constant 0 : i32
    %dma_start3A_243 = arith.constant 0 : i32
    %dma_start3A_244 = tpu.memref_slice %arg7[%dma_start3A_242, %dma_start3A_243] : memref<32x256xf32, #tpu.memory_space<vmem>> -> memref<16x256xf32, #tpu.memory_space<vmem>>
    tpu.enqueue_dma source(%dma_start3A_244 : memref<16x256xf32, #tpu.memory_space<vmem>>) target(%dma_start3A_241 : memref<16x256xf32, #tpu.memory_space<hbm>>) target_semaphore(%arg8 : memref<!tpu.dma_semaphore, #tpu.memory_space<semaphore_mem>>)
    %dma_start3A_245 = arith.constant 16 : i32
    %dma_start3A_246 = arith.constant 0 : i32
    %dma_start3A_247 = arith.constant 0 : i32
    %dma_start3A_248 = tpu.memref_slice %arg7[%dma_start3A_246, %dma_start3A_247] : memref<32x256xf32, #tpu.memory_space<vmem>> -> memref<16x256xf32, #tpu.memory_space<vmem>>
    %dma_start3A_249 = arith.constant 0 : i32
    %dma_start3A_250 = arith.constant 0 : i32
    %dma_start3A_251 = tpu.memref_slice %arg4[%dma_start3A_245, %add3A, %dma_start3A_249, %dma_start3A_250] : memref<32x32x32x256xf32, #tpu.memory_space<hbm>> -> memref<1x1x16x256xf32, #tpu.memory_space<hbm>>
    %dma_start3A_252 = tpu.memref_squeeze %dma_start3A_251 : memref<1x1x16x256xf32, #tpu.memory_space<hbm>> -> memref<16x256xf32, #tpu.memory_space<hbm>>
    %dma_start3A_253 = arith.constant 0 : i32
    %dma_start3A_254 = arith.constant 0 : i32
    %dma_start3A_255 = tpu.memref_slice %arg4[%dma_start3A_245, %add3A, %dma_start3A_253, %dma_start3A_254] : memref<32x32x32x256xf32, #tpu.memory_space<hbm>> -> memref<1x1x16x256xf32, #tpu.memory_space<hbm>>
    %dma_start3A_256 = tpu.memref_squeeze %dma_start3A_255 : memref<1x1x16x256xf32, #tpu.memory_space<hbm>> -> memref<16x256xf32, #tpu.memory_space<hbm>>
    %dma_start3A_257 = arith.constant 0 : i32
    %dma_start3A_258 = arith.constant 0 : i32
    %dma_start3A_259 = tpu.memref_slice %arg7[%dma_start3A_257, %dma_start3A_258] : memref<32x256xf32, #tpu.memory_space<vmem>> -> memref<16x256xf32, #tpu.memory_space<vmem>>
    tpu.enqueue_dma source(%dma_start3A_259 : memref<16x256xf32, #tpu.memory_space<vmem>>) target(%dma_start3A_256 : memref<16x256xf32, #tpu.memory_space<hbm>>) target_semaphore(%arg8 : memref<!tpu.dma_semaphore, #tpu.memory_space<semaphore_mem>>)
    %dma_start3A_260 = arith.constant 17 : i32
    %dma_start3A_261 = arith.constant 0 : i32
    %dma_start3A_262 = arith.constant 0 : i32
    %dma_start3A_263 = tpu.memref_slice %arg7[%dma_start3A_261, %dma_start3A_262] : memref<32x256xf32, #tpu.memory_space<vmem>> -> memref<16x256xf32, #tpu.memory_space<vmem>>
    %dma_start3A_264 = arith.constant 0 : i32
    %dma_start3A_265 = arith.constant 0 : i32
    %dma_start3A_266 = tpu.memref_slice %arg4[%dma_start3A_260, %add3A, %dma_start3A_264, %dma_start3A_265] : memref<32x32x32x256xf32, #tpu.memory_space<hbm>> -> memref<1x1x16x256xf32, #tpu.memory_space<hbm>>
    %dma_start3A_267 = tpu.memref_squeeze %dma_start3A_266 : memref<1x1x16x256xf32, #tpu.memory_space<hbm>> -> memref<16x256xf32, #tpu.memory_space<hbm>>
    %dma_start3A_268 = arith.constant 0 : i32
    %dma_start3A_269 = arith.constant 0 : i32
    %dma_start3A_270 = tpu.memref_slice %arg4[%dma_start3A_260, %add3A, %dma_start3A_268, %dma_start3A_269] : memref<32x32x32x256xf32, #tpu.memory_space<hbm>> -> memref<1x1x16x256xf32, #tpu.memory_space<hbm>>
    %dma_start3A_271 = tpu.memref_squeeze %dma_start3A_270 : memref<1x1x16x256xf32, #tpu.memory_space<hbm>> -> memref<16x256xf32, #tpu.memory_space<hbm>>
    %dma_start3A_272 = arith.constant 0 : i32
    %dma_start3A_273 = arith.constant 0 : i32
    %dma_start3A_274 = tpu.memref_slice %arg7[%dma_start3A_272, %dma_start3A_273] : memref<32x256xf32, #tpu.memory_space<vmem>> -> memref<16x256xf32, #tpu.memory_space<vmem>>
    tpu.enqueue_dma source(%dma_start3A_274 : memref<16x256xf32, #tpu.memory_space<vmem>>) target(%dma_start3A_271 : memref<16x256xf32, #tpu.memory_space<hbm>>) target_semaphore(%arg8 : memref<!tpu.dma_semaphore, #tpu.memory_space<semaphore_mem>>)
    %dma_start3A_275 = arith.constant 18 : i32
    %dma_start3A_276 = arith.constant 0 : i32
    %dma_start3A_277 = arith.constant 0 : i32
    %dma_start3A_278 = tpu.memref_slice %arg7[%dma_start3A_276, %dma_start3A_277] : memref<32x256xf32, #tpu.memory_space<vmem>> -> memref<16x256xf32, #tpu.memory_space<vmem>>
    %dma_start3A_279 = arith.constant 0 : i32
    %dma_start3A_280 = arith.constant 0 : i32
    %dma_start3A_281 = tpu.memref_slice %arg4[%dma_start3A_275, %add3A, %dma_start3A_279, %dma_start3A_280] : memref<32x32x32x256xf32, #tpu.memory_space<hbm>> -> memref<1x1x16x256xf32, #tpu.memory_space<hbm>>
    %dma_start3A_282 = tpu.memref_squeeze %dma_start3A_281 : memref<1x1x16x256xf32, #tpu.memory_space<hbm>> -> memref<16x256xf32, #tpu.memory_space<hbm>>
    %dma_start3A_283 = arith.constant 0 : i32
    %dma_start3A_284 = arith.constant 0 : i32
    %dma_start3A_285 = tpu.memref_slice %arg4[%dma_start3A_275, %add3A, %dma_start3A_283, %dma_start3A_284] : memref<32x32x32x256xf32, #tpu.memory_space<hbm>> -> memref<1x1x16x256xf32, #tpu.memory_space<hbm>>
    %dma_start3A_286 = tpu.memref_squeeze %dma_start3A_285 : memref<1x1x16x256xf32, #tpu.memory_space<hbm>> -> memref<16x256xf32, #tpu.memory_space<hbm>>
    %dma_start3A_287 = arith.constant 0 : i32
    %dma_start3A_288 = arith.constant 0 : i32
    %dma_start3A_289 = tpu.memref_slice %arg7[%dma_start3A_287, %dma_start3A_288] : memref<32x256xf32, #tpu.memory_space<vmem>> -> memref<16x256xf32, #tpu.memory_space<vmem>>
    tpu.enqueue_dma source(%dma_start3A_289 : memref<16x256xf32, #tpu.memory_space<vmem>>) target(%dma_start3A_286 : memref<16x256xf32, #tpu.memory_space<hbm>>) target_semaphore(%arg8 : memref<!tpu.dma_semaphore, #tpu.memory_space<semaphore_mem>>)
    %dma_start3A_290 = arith.constant 19 : i32
    %dma_start3A_291 = arith.constant 0 : i32
    %dma_start3A_292 = arith.constant 0 : i32
    %dma_start3A_293 = tpu.memref_slice %arg7[%dma_start3A_291, %dma_start3A_292] : memref<32x256xf32, #tpu.memory_space<vmem>> -> memref<16x256xf32, #tpu.memory_space<vmem>>
    %dma_start3A_294 = arith.constant 0 : i32
    %dma_start3A_295 = arith.constant 0 : i32
    %dma_start3A_296 = tpu.memref_slice %arg4[%dma_start3A_290, %add3A, %dma_start3A_294, %dma_start3A_295] : memref<32x32x32x256xf32, #tpu.memory_space<hbm>> -> memref<1x1x16x256xf32, #tpu.memory_space<hbm>>
    %dma_start3A_297 = tpu.memref_squeeze %dma_start3A_296 : memref<1x1x16x256xf32, #tpu.memory_space<hbm>> -> memref<16x256xf32, #tpu.memory_space<hbm>>
    %dma_start3A_298 = arith.constant 0 : i32
    %dma_start3A_299 = arith.constant 0 : i32
    %dma_start3A_300 = tpu.memref_slice %arg4[%dma_start3A_290, %add3A, %dma_start3A_298, %dma_start3A_299] : memref<32x32x32x256xf32, #tpu.memory_space<hbm>> -> memref<1x1x16x256xf32, #tpu.memory_space<hbm>>
    %dma_start3A_301 = tpu.memref_squeeze %dma_start3A_300 : memref<1x1x16x256xf32, #tpu.memory_space<hbm>> -> memref<16x256xf32, #tpu.memory_space<hbm>>
    %dma_start3A_302 = arith.constant 0 : i32
    %dma_start3A_303 = arith.constant 0 : i32
    %dma_start3A_304 = tpu.memref_slice %arg7[%dma_start3A_302, %dma_start3A_303] : memref<32x256xf32, #tpu.memory_space<vmem>> -> memref<16x256xf32, #tpu.memory_space<vmem>>
    tpu.enqueue_dma source(%dma_start3A_304 : memref<16x256xf32, #tpu.memory_space<vmem>>) target(%dma_start3A_301 : memref<16x256xf32, #tpu.memory_space<hbm>>) target_semaphore(%arg8 : memref<!tpu.dma_semaphore, #tpu.memory_space<semaphore_mem>>)
    %dma_start3A_305 = arith.constant 20 : i32
    %dma_start3A_306 = arith.constant 0 : i32
    %dma_start3A_307 = arith.constant 0 : i32
    %dma_start3A_308 = tpu.memref_slice %arg7[%dma_start3A_306, %dma_start3A_307] : memref<32x256xf32, #tpu.memory_space<vmem>> -> memref<16x256xf32, #tpu.memory_space<vmem>>
    %dma_start3A_309 = arith.constant 0 : i32
    %dma_start3A_310 = arith.constant 0 : i32
    %dma_start3A_311 = tpu.memref_slice %arg4[%dma_start3A_305, %add3A, %dma_start3A_309, %dma_start3A_310] : memref<32x32x32x256xf32, #tpu.memory_space<hbm>> -> memref<1x1x16x256xf32, #tpu.memory_space<hbm>>
    %dma_start3A_312 = tpu.memref_squeeze %dma_start3A_311 : memref<1x1x16x256xf32, #tpu.memory_space<hbm>> -> memref<16x256xf32, #tpu.memory_space<hbm>>
    %dma_start3A_313 = arith.constant 0 : i32
    %dma_start3A_314 = arith.constant 0 : i32
    %dma_start3A_315 = tpu.memref_slice %arg4[%dma_start3A_305, %add3A, %dma_start3A_313, %dma_start3A_314] : memref<32x32x32x256xf32, #tpu.memory_space<hbm>> -> memref<1x1x16x256xf32, #tpu.memory_space<hbm>>
    %dma_start3A_316 = tpu.memref_squeeze %dma_start3A_315 : memref<1x1x16x256xf32, #tpu.memory_space<hbm>> -> memref<16x256xf32, #tpu.memory_space<hbm>>
    %dma_start3A_317 = arith.constant 0 : i32
    %dma_start3A_318 = arith.constant 0 : i32
    %dma_start3A_319 = tpu.memref_slice %arg7[%dma_start3A_317, %dma_start3A_318] : memref<32x256xf32, #tpu.memory_space<vmem>> -> memref<16x256xf32, #tpu.memory_space<vmem>>
    tpu.enqueue_dma source(%dma_start3A_319 : memref<16x256xf32, #tpu.memory_space<vmem>>) target(%dma_start3A_316 : memref<16x256xf32, #tpu.memory_space<hbm>>) target_semaphore(%arg8 : memref<!tpu.dma_semaphore, #tpu.memory_space<semaphore_mem>>)
    %dma_start3A_320 = arith.constant 21 : i32
    %dma_start3A_321 = arith.constant 0 : i32
    %dma_start3A_322 = arith.constant 0 : i32
    %dma_start3A_323 = tpu.memref_slice %arg7[%dma_start3A_321, %dma_start3A_322] : memref<32x256xf32, #tpu.memory_space<vmem>> -> memref<16x256xf32, #tpu.memory_space<vmem>>
    %dma_start3A_324 = arith.constant 0 : i32
    %dma_start3A_325 = arith.constant 0 : i32
    %dma_start3A_326 = tpu.memref_slice %arg4[%dma_start3A_320, %add3A, %dma_start3A_324, %dma_start3A_325] : memref<32x32x32x256xf32, #tpu.memory_space<hbm>> -> memref<1x1x16x256xf32, #tpu.memory_space<hbm>>
    %dma_start3A_327 = tpu.memref_squeeze %dma_start3A_326 : memref<1x1x16x256xf32, #tpu.memory_space<hbm>> -> memref<16x256xf32, #tpu.memory_space<hbm>>
    %dma_start3A_328 = arith.constant 0 : i32
    %dma_start3A_329 = arith.constant 0 : i32
    %dma_start3A_330 = tpu.memref_slice %arg4[%dma_start3A_320, %add3A, %dma_start3A_328, %dma_start3A_329] : memref<32x32x32x256xf32, #tpu.memory_space<hbm>> -> memref<1x1x16x256xf32, #tpu.memory_space<hbm>>
    %dma_start3A_331 = tpu.memref_squeeze %dma_start3A_330 : memref<1x1x16x256xf32, #tpu.memory_space<hbm>> -> memref<16x256xf32, #tpu.memory_space<hbm>>
    %dma_start3A_332 = arith.constant 0 : i32
    %dma_start3A_333 = arith.constant 0 : i32
    %dma_start3A_334 = tpu.memref_slice %arg7[%dma_start3A_332, %dma_start3A_333] : memref<32x256xf32, #tpu.memory_space<vmem>> -> memref<16x256xf32, #tpu.memory_space<vmem>>
    tpu.enqueue_dma source(%dma_start3A_334 : memref<16x256xf32, #tpu.memory_space<vmem>>) target(%dma_start3A_331 : memref<16x256xf32, #tpu.memory_space<hbm>>) target_semaphore(%arg8 : memref<!tpu.dma_semaphore, #tpu.memory_space<semaphore_mem>>)
    %dma_start3A_335 = arith.constant 22 : i32
    %dma_start3A_336 = arith.constant 0 : i32
    %dma_start3A_337 = arith.constant 0 : i32
    %dma_start3A_338 = tpu.memref_slice %arg7[%dma_start3A_336, %dma_start3A_337] : memref<32x256xf32, #tpu.memory_space<vmem>> -> memref<16x256xf32, #tpu.memory_space<vmem>>
    %dma_start3A_339 = arith.constant 0 : i32
    %dma_start3A_340 = arith.constant 0 : i32
    %dma_start3A_341 = tpu.memref_slice %arg4[%dma_start3A_335, %add3A, %dma_start3A_339, %dma_start3A_340] : memref<32x32x32x256xf32, #tpu.memory_space<hbm>> -> memref<1x1x16x256xf32, #tpu.memory_space<hbm>>
    %dma_start3A_342 = tpu.memref_squeeze %dma_start3A_341 : memref<1x1x16x256xf32, #tpu.memory_space<hbm>> -> memref<16x256xf32, #tpu.memory_space<hbm>>
    %dma_start3A_343 = arith.constant 0 : i32
    %dma_start3A_344 = arith.constant 0 : i32
    %dma_start3A_345 = tpu.memref_slice %arg4[%dma_start3A_335, %add3A, %dma_start3A_343, %dma_start3A_344] : memref<32x32x32x256xf32, #tpu.memory_space<hbm>> -> memref<1x1x16x256xf32, #tpu.memory_space<hbm>>
    %dma_start3A_346 = tpu.memref_squeeze %dma_start3A_345 : memref<1x1x16x256xf32, #tpu.memory_space<hbm>> -> memref<16x256xf32, #tpu.memory_space<hbm>>
    %dma_start3A_347 = arith.constant 0 : i32
    %dma_start3A_348 = arith.constant 0 : i32
    %dma_start3A_349 = tpu.memref_slice %arg7[%dma_start3A_347, %dma_start3A_348] : memref<32x256xf32, #tpu.memory_space<vmem>> -> memref<16x256xf32, #tpu.memory_space<vmem>>
    tpu.enqueue_dma source(%dma_start3A_349 : memref<16x256xf32, #tpu.memory_space<vmem>>) target(%dma_start3A_346 : memref<16x256xf32, #tpu.memory_space<hbm>>) target_semaphore(%arg8 : memref<!tpu.dma_semaphore, #tpu.memory_space<semaphore_mem>>)
    %dma_start3A_350 = arith.constant 23 : i32
    %dma_start3A_351 = arith.constant 0 : i32
    %dma_start3A_352 = arith.constant 0 : i32
    %dma_start3A_353 = tpu.memref_slice %arg7[%dma_start3A_351, %dma_start3A_352] : memref<32x256xf32, #tpu.memory_space<vmem>> -> memref<16x256xf32, #tpu.memory_space<vmem>>
    %dma_start3A_354 = arith.constant 0 : i32
    %dma_start3A_355 = arith.constant 0 : i32
    %dma_start3A_356 = tpu.memref_slice %arg4[%dma_start3A_350, %add3A, %dma_start3A_354, %dma_start3A_355] : memref<32x32x32x256xf32, #tpu.memory_space<hbm>> -> memref<1x1x16x256xf32, #tpu.memory_space<hbm>>
    %dma_start3A_357 = tpu.memref_squeeze %dma_start3A_356 : memref<1x1x16x256xf32, #tpu.memory_space<hbm>> -> memref<16x256xf32, #tpu.memory_space<hbm>>
    %dma_start3A_358 = arith.constant 0 : i32
    %dma_start3A_359 = arith.constant 0 : i32
    %dma_start3A_360 = tpu.memref_slice %arg4[%dma_start3A_350, %add3A, %dma_start3A_358, %dma_start3A_359] : memref<32x32x32x256xf32, #tpu.memory_space<hbm>> -> memref<1x1x16x256xf32, #tpu.memory_space<hbm>>
    %dma_start3A_361 = tpu.memref_squeeze %dma_start3A_360 : memref<1x1x16x256xf32, #tpu.memory_space<hbm>> -> memref<16x256xf32, #tpu.memory_space<hbm>>
    %dma_start3A_362 = arith.constant 0 : i32
    %dma_start3A_363 = arith.constant 0 : i32
    %dma_start3A_364 = tpu.memref_slice %arg7[%dma_start3A_362, %dma_start3A_363] : memref<32x256xf32, #tpu.memory_space<vmem>> -> memref<16x256xf32, #tpu.memory_space<vmem>>
    tpu.enqueue_dma source(%dma_start3A_364 : memref<16x256xf32, #tpu.memory_space<vmem>>) target(%dma_start3A_361 : memref<16x256xf32, #tpu.memory_space<hbm>>) target_semaphore(%arg8 : memref<!tpu.dma_semaphore, #tpu.memory_space<semaphore_mem>>)
    %dma_start3A_365 = arith.constant 24 : i32
    %dma_start3A_366 = arith.constant 0 : i32
    %dma_start3A_367 = arith.constant 0 : i32
    %dma_start3A_368 = tpu.memref_slice %arg7[%dma_start3A_366, %dma_start3A_367] : memref<32x256xf32, #tpu.memory_space<vmem>> -> memref<16x256xf32, #tpu.memory_space<vmem>>
    %dma_start3A_369 = arith.constant 0 : i32
    %dma_start3A_370 = arith.constant 0 : i32
    %dma_start3A_371 = tpu.memref_slice %arg4[%dma_start3A_365, %add3A, %dma_start3A_369, %dma_start3A_370] : memref<32x32x32x256xf32, #tpu.memory_space<hbm>> -> memref<1x1x16x256xf32, #tpu.memory_space<hbm>>
    %dma_start3A_372 = tpu.memref_squeeze %dma_start3A_371 : memref<1x1x16x256xf32, #tpu.memory_space<hbm>> -> memref<16x256xf32, #tpu.memory_space<hbm>>
    %dma_start3A_373 = arith.constant 0 : i32
    %dma_start3A_374 = arith.constant 0 : i32
    %dma_start3A_375 = tpu.memref_slice %arg4[%dma_start3A_365, %add3A, %dma_start3A_373, %dma_start3A_374] : memref<32x32x32x256xf32, #tpu.memory_space<hbm>> -> memref<1x1x16x256xf32, #tpu.memory_space<hbm>>
    %dma_start3A_376 = tpu.memref_squeeze %dma_start3A_375 : memref<1x1x16x256xf32, #tpu.memory_space<hbm>> -> memref<16x256xf32, #tpu.memory_space<hbm>>
    %dma_start3A_377 = arith.constant 0 : i32
    %dma_start3A_378 = arith.constant 0 : i32
    %dma_start3A_379 = tpu.memref_slice %arg7[%dma_start3A_377, %dma_start3A_378] : memref<32x256xf32, #tpu.memory_space<vmem>> -> memref<16x256xf32, #tpu.memory_space<vmem>>
    tpu.enqueue_dma source(%dma_start3A_379 : memref<16x256xf32, #tpu.memory_space<vmem>>) target(%dma_start3A_376 : memref<16x256xf32, #tpu.memory_space<hbm>>) target_semaphore(%arg8 : memref<!tpu.dma_semaphore, #tpu.memory_space<semaphore_mem>>)
    %dma_start3A_380 = arith.constant 25 : i32
    %dma_start3A_381 = arith.constant 0 : i32
    %dma_start3A_382 = arith.constant 0 : i32
    %dma_start3A_383 = tpu.memref_slice %arg7[%dma_start3A_381, %dma_start3A_382] : memref<32x256xf32, #tpu.memory_space<vmem>> -> memref<16x256xf32, #tpu.memory_space<vmem>>
    %dma_start3A_384 = arith.constant 0 : i32
    %dma_start3A_385 = arith.constant 0 : i32
    %dma_start3A_386 = tpu.memref_slice %arg4[%dma_start3A_380, %add3A, %dma_start3A_384, %dma_start3A_385] : memref<32x32x32x256xf32, #tpu.memory_space<hbm>> -> memref<1x1x16x256xf32, #tpu.memory_space<hbm>>
    %dma_start3A_387 = tpu.memref_squeeze %dma_start3A_386 : memref<1x1x16x256xf32, #tpu.memory_space<hbm>> -> memref<16x256xf32, #tpu.memory_space<hbm>>
    %dma_start3A_388 = arith.constant 0 : i32
    %dma_start3A_389 = arith.constant 0 : i32
    %dma_start3A_390 = tpu.memref_slice %arg4[%dma_start3A_380, %add3A, %dma_start3A_388, %dma_start3A_389] : memref<32x32x32x256xf32, #tpu.memory_space<hbm>> -> memref<1x1x16x256xf32, #tpu.memory_space<hbm>>
    %dma_start3A_391 = tpu.memref_squeeze %dma_start3A_390 : memref<1x1x16x256xf32, #tpu.memory_space<hbm>> -> memref<16x256xf32, #tpu.memory_space<hbm>>
    %dma_start3A_392 = arith.constant 0 : i32
    %dma_start3A_393 = arith.constant 0 : i32
    %dma_start3A_394 = tpu.memref_slice %arg7[%dma_start3A_392, %dma_start3A_393] : memref<32x256xf32, #tpu.memory_space<vmem>> -> memref<16x256xf32, #tpu.memory_space<vmem>>
    tpu.enqueue_dma source(%dma_start3A_394 : memref<16x256xf32, #tpu.memory_space<vmem>>) target(%dma_start3A_391 : memref<16x256xf32, #tpu.memory_space<hbm>>) target_semaphore(%arg8 : memref<!tpu.dma_semaphore, #tpu.memory_space<semaphore_mem>>)
    %dma_start3A_395 = arith.constant 26 : i32
    %dma_start3A_396 = arith.constant 0 : i32
    %dma_start3A_397 = arith.constant 0 : i32
    %dma_start3A_398 = tpu.memref_slice %arg7[%dma_start3A_396, %dma_start3A_397] : memref<32x256xf32, #tpu.memory_space<vmem>> -> memref<16x256xf32, #tpu.memory_space<vmem>>
    %dma_start3A_399 = arith.constant 0 : i32
    %dma_start3A_400 = arith.constant 0 : i32
    %dma_start3A_401 = tpu.memref_slice %arg4[%dma_start3A_395, %add3A, %dma_start3A_399, %dma_start3A_400] : memref<32x32x32x256xf32, #tpu.memory_space<hbm>> -> memref<1x1x16x256xf32, #tpu.memory_space<hbm>>
    %dma_start3A_402 = tpu.memref_squeeze %dma_start3A_401 : memref<1x1x16x256xf32, #tpu.memory_space<hbm>> -> memref<16x256xf32, #tpu.memory_space<hbm>>
    %dma_start3A_403 = arith.constant 0 : i32
    %dma_start3A_404 = arith.constant 0 : i32
    %dma_start3A_405 = tpu.memref_slice %arg4[%dma_start3A_395, %add3A, %dma_start3A_403, %dma_start3A_404] : memref<32x32x32x256xf32, #tpu.memory_space<hbm>> -> memref<1x1x16x256xf32, #tpu.memory_space<hbm>>
    %dma_start3A_406 = tpu.memref_squeeze %dma_start3A_405 : memref<1x1x16x256xf32, #tpu.memory_space<hbm>> -> memref<16x256xf32, #tpu.memory_space<hbm>>
    %dma_start3A_407 = arith.constant 0 : i32
    %dma_start3A_408 = arith.constant 0 : i32
    %dma_start3A_409 = tpu.memref_slice %arg7[%dma_start3A_407, %dma_start3A_408] : memref<32x256xf32, #tpu.memory_space<vmem>> -> memref<16x256xf32, #tpu.memory_space<vmem>>
    tpu.enqueue_dma source(%dma_start3A_409 : memref<16x256xf32, #tpu.memory_space<vmem>>) target(%dma_start3A_406 : memref<16x256xf32, #tpu.memory_space<hbm>>) target_semaphore(%arg8 : memref<!tpu.dma_semaphore, #tpu.memory_space<semaphore_mem>>)
    %dma_start3A_410 = arith.constant 27 : i32
    %dma_start3A_411 = arith.constant 0 : i32
    %dma_start3A_412 = arith.constant 0 : i32
    %dma_start3A_413 = tpu.memref_slice %arg7[%dma_start3A_411, %dma_start3A_412] : memref<32x256xf32, #tpu.memory_space<vmem>> -> memref<16x256xf32, #tpu.memory_space<vmem>>
    %dma_start3A_414 = arith.constant 0 : i32
    %dma_start3A_415 = arith.constant 0 : i32
    %dma_start3A_416 = tpu.memref_slice %arg4[%dma_start3A_410, %add3A, %dma_start3A_414, %dma_start3A_415] : memref<32x32x32x256xf32, #tpu.memory_space<hbm>> -> memref<1x1x16x256xf32, #tpu.memory_space<hbm>>
    %dma_start3A_417 = tpu.memref_squeeze %dma_start3A_416 : memref<1x1x16x256xf32, #tpu.memory_space<hbm>> -> memref<16x256xf32, #tpu.memory_space<hbm>>
    %dma_start3A_418 = arith.constant 0 : i32
    %dma_start3A_419 = arith.constant 0 : i32
    %dma_start3A_420 = tpu.memref_slice %arg4[%dma_start3A_410, %add3A, %dma_start3A_418, %dma_start3A_419] : memref<32x32x32x256xf32, #tpu.memory_space<hbm>> -> memref<1x1x16x256xf32, #tpu.memory_space<hbm>>
    %dma_start3A_421 = tpu.memref_squeeze %dma_start3A_420 : memref<1x1x16x256xf32, #tpu.memory_space<hbm>> -> memref<16x256xf32, #tpu.memory_space<hbm>>
    %dma_start3A_422 = arith.constant 0 : i32
    %dma_start3A_423 = arith.constant 0 : i32
    %dma_start3A_424 = tpu.memref_slice %arg7[%dma_start3A_422, %dma_start3A_423] : memref<32x256xf32, #tpu.memory_space<vmem>> -> memref<16x256xf32, #tpu.memory_space<vmem>>
    tpu.enqueue_dma source(%dma_start3A_424 : memref<16x256xf32, #tpu.memory_space<vmem>>) target(%dma_start3A_421 : memref<16x256xf32, #tpu.memory_space<hbm>>) target_semaphore(%arg8 : memref<!tpu.dma_semaphore, #tpu.memory_space<semaphore_mem>>)
    %dma_start3A_425 = arith.constant 28 : i32
    %dma_start3A_426 = arith.constant 0 : i32
    %dma_start3A_427 = arith.constant 0 : i32
    %dma_start3A_428 = tpu.memref_slice %arg7[%dma_start3A_426, %dma_start3A_427] : memref<32x256xf32, #tpu.memory_space<vmem>> -> memref<16x256xf32, #tpu.memory_space<vmem>>
    %dma_start3A_429 = arith.constant 0 : i32
    %dma_start3A_430 = arith.constant 0 : i32
    %dma_start3A_431 = tpu.memref_slice %arg4[%dma_start3A_425, %add3A, %dma_start3A_429, %dma_start3A_430] : memref<32x32x32x256xf32, #tpu.memory_space<hbm>> -> memref<1x1x16x256xf32, #tpu.memory_space<hbm>>
    %dma_start3A_432 = tpu.memref_squeeze %dma_start3A_431 : memref<1x1x16x256xf32, #tpu.memory_space<hbm>> -> memref<16x256xf32, #tpu.memory_space<hbm>>
    %dma_start3A_433 = arith.constant 0 : i32
    %dma_start3A_434 = arith.constant 0 : i32
    %dma_start3A_435 = tpu.memref_slice %arg4[%dma_start3A_425, %add3A, %dma_start3A_433, %dma_start3A_434] : memref<32x32x32x256xf32, #tpu.memory_space<hbm>> -> memref<1x1x16x256xf32, #tpu.memory_space<hbm>>
    %dma_start3A_436 = tpu.memref_squeeze %dma_start3A_435 : memref<1x1x16x256xf32, #tpu.memory_space<hbm>> -> memref<16x256xf32, #tpu.memory_space<hbm>>
    %dma_start3A_437 = arith.constant 0 : i32
    %dma_start3A_438 = arith.constant 0 : i32
    %dma_start3A_439 = tpu.memref_slice %arg7[%dma_start3A_437, %dma_start3A_438] : memref<32x256xf32, #tpu.memory_space<vmem>> -> memref<16x256xf32, #tpu.memory_space<vmem>>
    tpu.enqueue_dma source(%dma_start3A_439 : memref<16x256xf32, #tpu.memory_space<vmem>>) target(%dma_start3A_436 : memref<16x256xf32, #tpu.memory_space<hbm>>) target_semaphore(%arg8 : memref<!tpu.dma_semaphore, #tpu.memory_space<semaphore_mem>>)
    %dma_start3A_440 = arith.constant 29 : i32
    %dma_start3A_441 = arith.constant 0 : i32
    %dma_start3A_442 = arith.constant 0 : i32
    %dma_start3A_443 = tpu.memref_slice %arg7[%dma_start3A_441, %dma_start3A_442] : memref<32x256xf32, #tpu.memory_space<vmem>> -> memref<16x256xf32, #tpu.memory_space<vmem>>
    %dma_start3A_444 = arith.constant 0 : i32
    %dma_start3A_445 = arith.constant 0 : i32
    %dma_start3A_446 = tpu.memref_slice %arg4[%dma_start3A_440, %add3A, %dma_start3A_444, %dma_start3A_445] : memref<32x32x32x256xf32, #tpu.memory_space<hbm>> -> memref<1x1x16x256xf32, #tpu.memory_space<hbm>>
    %dma_start3A_447 = tpu.memref_squeeze %dma_start3A_446 : memref<1x1x16x256xf32, #tpu.memory_space<hbm>> -> memref<16x256xf32, #tpu.memory_space<hbm>>
    %dma_start3A_448 = arith.constant 0 : i32
    %dma_start3A_449 = arith.constant 0 : i32
    %dma_start3A_450 = tpu.memref_slice %arg4[%dma_start3A_440, %add3A, %dma_start3A_448, %dma_start3A_449] : memref<32x32x32x256xf32, #tpu.memory_space<hbm>> -> memref<1x1x16x256xf32, #tpu.memory_space<hbm>>
    %dma_start3A_451 = tpu.memref_squeeze %dma_start3A_450 : memref<1x1x16x256xf32, #tpu.memory_space<hbm>> -> memref<16x256xf32, #tpu.memory_space<hbm>>
    %dma_start3A_452 = arith.constant 0 : i32
    %dma_start3A_453 = arith.constant 0 : i32
    %dma_start3A_454 = tpu.memref_slice %arg7[%dma_start3A_452, %dma_start3A_453] : memref<32x256xf32, #tpu.memory_space<vmem>> -> memref<16x256xf32, #tpu.memory_space<vmem>>
    tpu.enqueue_dma source(%dma_start3A_454 : memref<16x256xf32, #tpu.memory_space<vmem>>) target(%dma_start3A_451 : memref<16x256xf32, #tpu.memory_space<hbm>>) target_semaphore(%arg8 : memref<!tpu.dma_semaphore, #tpu.memory_space<semaphore_mem>>)
    %dma_start3A_455 = arith.constant 30 : i32
    %dma_start3A_456 = arith.constant 0 : i32
    %dma_start3A_457 = arith.constant 0 : i32
    %dma_start3A_458 = tpu.memref_slice %arg7[%dma_start3A_456, %dma_start3A_457] : memref<32x256xf32, #tpu.memory_space<vmem>> -> memref<16x256xf32, #tpu.memory_space<vmem>>
    %dma_start3A_459 = arith.constant 0 : i32
    %dma_start3A_460 = arith.constant 0 : i32
    %dma_start3A_461 = tpu.memref_slice %arg4[%dma_start3A_455, %add3A, %dma_start3A_459, %dma_start3A_460] : memref<32x32x32x256xf32, #tpu.memory_space<hbm>> -> memref<1x1x16x256xf32, #tpu.memory_space<hbm>>
    %dma_start3A_462 = tpu.memref_squeeze %dma_start3A_461 : memref<1x1x16x256xf32, #tpu.memory_space<hbm>> -> memref<16x256xf32, #tpu.memory_space<hbm>>
    %dma_start3A_463 = arith.constant 0 : i32
    %dma_start3A_464 = arith.constant 0 : i32
    %dma_start3A_465 = tpu.memref_slice %arg4[%dma_start3A_455, %add3A, %dma_start3A_463, %dma_start3A_464] : memref<32x32x32x256xf32, #tpu.memory_space<hbm>> -> memref<1x1x16x256xf32, #tpu.memory_space<hbm>>
    %dma_start3A_466 = tpu.memref_squeeze %dma_start3A_465 : memref<1x1x16x256xf32, #tpu.memory_space<hbm>> -> memref<16x256xf32, #tpu.memory_space<hbm>>
    %dma_start3A_467 = arith.constant 0 : i32
    %dma_start3A_468 = arith.constant 0 : i32
    %dma_start3A_469 = tpu.memref_slice %arg7[%dma_start3A_467, %dma_start3A_468] : memref<32x256xf32, #tpu.memory_space<vmem>> -> memref<16x256xf32, #tpu.memory_space<vmem>>
    tpu.enqueue_dma source(%dma_start3A_469 : memref<16x256xf32, #tpu.memory_space<vmem>>) target(%dma_start3A_466 : memref<16x256xf32, #tpu.memory_space<hbm>>) target_semaphore(%arg8 : memref<!tpu.dma_semaphore, #tpu.memory_space<semaphore_mem>>)
    %dma_start3A_470 = arith.constant 31 : i32
    %dma_start3A_471 = arith.constant 0 : i32
    %dma_start3A_472 = arith.constant 0 : i32
    %dma_start3A_473 = tpu.memref_slice %arg7[%dma_start3A_471, %dma_start3A_472] : memref<32x256xf32, #tpu.memory_space<vmem>> -> memref<16x256xf32, #tpu.memory_space<vmem>>
    %dma_start3A_474 = arith.constant 0 : i32
    %dma_start3A_475 = arith.constant 0 : i32
    %dma_start3A_476 = tpu.memref_slice %arg4[%dma_start3A_470, %add3A, %dma_start3A_474, %dma_start3A_475] : memref<32x32x32x256xf32, #tpu.memory_space<hbm>> -> memref<1x1x16x256xf32, #tpu.memory_space<hbm>>
    %dma_start3A_477 = tpu.memref_squeeze %dma_start3A_476 : memref<1x1x16x256xf32, #tpu.memory_space<hbm>> -> memref<16x256xf32, #tpu.memory_space<hbm>>
    %dma_start3A_478 = arith.constant 0 : i32
    %dma_start3A_479 = arith.constant 0 : i32
    %dma_start3A_480 = tpu.memref_slice %arg4[%dma_start3A_470, %add3A, %dma_start3A_478, %dma_start3A_479] : memref<32x32x32x256xf32, #tpu.memory_space<hbm>> -> memref<1x1x16x256xf32, #tpu.memory_space<hbm>>
    %dma_start3A_481 = tpu.memref_squeeze %dma_start3A_480 : memref<1x1x16x256xf32, #tpu.memory_space<hbm>> -> memref<16x256xf32, #tpu.memory_space<hbm>>
    %dma_start3A_482 = arith.constant 0 : i32
    %dma_start3A_483 = arith.constant 0 : i32
    %dma_start3A_484 = tpu.memref_slice %arg7[%dma_start3A_482, %dma_start3A_483] : memref<32x256xf32, #tpu.memory_space<vmem>> -> memref<16x256xf32, #tpu.memory_space<vmem>>
    tpu.enqueue_dma source(%dma_start3A_484 : memref<16x256xf32, #tpu.memory_space<vmem>>) target(%dma_start3A_481 : memref<16x256xf32, #tpu.memory_space<hbm>>) target_semaphore(%arg8 : memref<!tpu.dma_semaphore, #tpu.memory_space<semaphore_mem>>)
    %scan3A_485 = arith.constant 0 : i32
    %scan3A_486 = arith.constant 16 : i32
    %scan3A_487 = arith.constant 16 : i32
    %scan3A_488 = arith.addi %scan3A_486, %scan3A_487 : i32
    %scan3A_489 = arith.constant 1 : i32
    scf.for %scan3A_1930 = %scan3A_486 to %scan3A_488 step %scan3A_489  : i32 {
      %get3A = arith.index_cast %scan3A_1930 : i32 to index
      %get3A_1931 = arith.constant 0 : index
      %get3A_1932 = tpu.vector_load %arg5[%get3A, %get3A_1931] {strides = array<i32>} : memref<32x128xf32, #tpu.memory_space<vmem>>, vector<1x16xf32>,
      %get3A_1933 = vector.shape_cast %get3A_1932 : vector<1x16xf32> to vector<16xf32>
      %swap3A = arith.index_cast %scan3A_1930 : i32 to index
      %swap3A_1934 = arith.constant 0 : index
      %swap3A_1935 = tpu.vector_load %arg7[%swap3A, %swap3A_1934] {strides = array<i32>} : memref<32x256xf32, #tpu.memory_space<vmem>>, vector<1x16xf32>,
      %swap3A_1936 = vector.shape_cast %swap3A_1935 : vector<1x16xf32> to vector<16xf32>
      %swap3A_1937 = vector.shape_cast %get3A_1933 : vector<16xf32> to vector<1x16xf32>
      tpu.vector_store %arg7[%swap3A, %swap3A_1934], %swap3A_1937 {strides = array<i32>} : memref<32x256xf32, #tpu.memory_space<vmem>>, vector<1x16xf32>,
      %get3A_1938 = arith.constant 0 : i32
      %get3A_1939 = arith.index_cast %get3A_1938 : i32 to index
      %get3A_1940 = arith.constant 0 : index
      %get3A_1941 = tpu.vector_load %arg6[%get3A_1939, %get3A_1940] {strides = array<i32>} : memref<1x128xf32, #tpu.memory_space<vmem>>, vector<1x16xf32>,
      %get3A_1942 = vector.shape_cast %get3A_1941 : vector<1x16xf32> to vector<16xf32>
      %swap3A_1943 = arith.index_cast %scan3A_1930 : i32 to index
      %swap3A_1944 = arith.constant 128 : index
      %swap3A_1945 = tpu.vector_load %arg7[%swap3A_1943, %swap3A_1944] {strides = array<i32>} : memref<32x256xf32, #tpu.memory_space<vmem>>, vector<1x16xf32>,
      %swap3A_1946 = vector.shape_cast %swap3A_1945 : vector<1x16xf32> to vector<16xf32>
      %swap3A_1947 = vector.shape_cast %get3A_1942 : vector<16xf32> to vector<1x16xf32>
      tpu.vector_store %arg7[%swap3A_1943, %swap3A_1944], %swap3A_1947 {strides = array<i32>} : memref<32x256xf32, #tpu.memory_space<vmem>>, vector<1x16xf32>,
      %get3A_1948 = arith.index_cast %scan3A_1930 : i32 to index
      %get3A_1949 = arith.constant 16 : index
      %get3A_1950 = tpu.vector_load %arg5[%get3A_1948, %get3A_1949] {strides = array<i32>} : memref<32x128xf32, #tpu.memory_space<vmem>>, vector<1x16xf32>,
      %get3A_1951 = vector.shape_cast %get3A_1950 : vector<1x16xf32> to vector<16xf32>
      %swap3A_1952 = arith.index_cast %scan3A_1930 : i32 to index
      %swap3A_1953 = arith.constant 16 : index
      %swap3A_1954 = tpu.vector_load %arg7[%swap3A_1952, %swap3A_1953] {strides = array<i32>} : memref<32x256xf32, #tpu.memory_space<vmem>>, vector<1x16xf32>,
      %swap3A_1955 = vector.shape_cast %swap3A_1954 : vector<1x16xf32> to vector<16xf32>
      %swap3A_1956 = vector.shape_cast %get3A_1951 : vector<16xf32> to vector<1x16xf32>
      tpu.vector_store %arg7[%swap3A_1952, %swap3A_1953], %swap3A_1956 {strides = array<i32>} : memref<32x256xf32, #tpu.memory_space<vmem>>, vector<1x16xf32>,
      %get3A_1957 = arith.constant 0 : i32
      %get3A_1958 = arith.index_cast %get3A_1957 : i32 to index
      %get3A_1959 = arith.constant 16 : index
      %get3A_1960 = tpu.vector_load %arg6[%get3A_1958, %get3A_1959] {strides = array<i32>} : memref<1x128xf32, #tpu.memory_space<vmem>>, vector<1x16xf32>,
      %get3A_1961 = vector.shape_cast %get3A_1960 : vector<1x16xf32> to vector<16xf32>
      %swap3A_1962 = arith.index_cast %scan3A_1930 : i32 to index
      %swap3A_1963 = arith.constant 144 : index
      %swap3A_1964 = tpu.vector_load %arg7[%swap3A_1962, %swap3A_1963] {strides = array<i32>} : memref<32x256xf32, #tpu.memory_space<vmem>>, vector<1x16xf32>,
      %swap3A_1965 = vector.shape_cast %swap3A_1964 : vector<1x16xf32> to vector<16xf32>
      %swap3A_1966 = vector.shape_cast %get3A_1961 : vector<16xf32> to vector<1x16xf32>
      tpu.vector_store %arg7[%swap3A_1962, %swap3A_1963], %swap3A_1966 {strides = array<i32>} : memref<32x256xf32, #tpu.memory_space<vmem>>, vector<1x16xf32>,
      %get3A_1967 = arith.index_cast %scan3A_1930 : i32 to index
      %get3A_1968 = arith.constant 32 : index
      %get3A_1969 = tpu.vector_load %arg5[%get3A_1967, %get3A_1968] {strides = array<i32>} : memref<32x128xf32, #tpu.memory_space<vmem>>, vector<1x16xf32>,
      %get3A_1970 = vector.shape_cast %get3A_1969 : vector<1x16xf32> to vector<16xf32>
      %swap3A_1971 = arith.index_cast %scan3A_1930 : i32 to index
      %swap3A_1972 = arith.constant 32 : index
      %swap3A_1973 = tpu.vector_load %arg7[%swap3A_1971, %swap3A_1972] {strides = array<i32>} : memref<32x256xf32, #tpu.memory_space<vmem>>, vector<1x16xf32>,
      %swap3A_1974 = vector.shape_cast %swap3A_1973 : vector<1x16xf32> to vector<16xf32>
      %swap3A_1975 = vector.shape_cast %get3A_1970 : vector<16xf32> to vector<1x16xf32>
      tpu.vector_store %arg7[%swap3A_1971, %swap3A_1972], %swap3A_1975 {strides = array<i32>} : memref<32x256xf32, #tpu.memory_space<vmem>>, vector<1x16xf32>,
      %get3A_1976 = arith.constant 0 : i32
      %get3A_1977 = arith.index_cast %get3A_1976 : i32 to index
      %get3A_1978 = arith.constant 32 : index
      %get3A_1979 = tpu.vector_load %arg6[%get3A_1977, %get3A_1978] {strides = array<i32>} : memref<1x128xf32, #tpu.memory_space<vmem>>, vector<1x16xf32>,
      %get3A_1980 = vector.shape_cast %get3A_1979 : vector<1x16xf32> to vector<16xf32>
      %swap3A_1981 = arith.index_cast %scan3A_1930 : i32 to index
      %swap3A_1982 = arith.constant 160 : index
      %swap3A_1983 = tpu.vector_load %arg7[%swap3A_1981, %swap3A_1982] {strides = array<i32>} : memref<32x256xf32, #tpu.memory_space<vmem>>, vector<1x16xf32>,
      %swap3A_1984 = vector.shape_cast %swap3A_1983 : vector<1x16xf32> to vector<16xf32>
      %swap3A_1985 = vector.shape_cast %get3A_1980 : vector<16xf32> to vector<1x16xf32>
      tpu.vector_store %arg7[%swap3A_1981, %swap3A_1982], %swap3A_1985 {strides = array<i32>} : memref<32x256xf32, #tpu.memory_space<vmem>>, vector<1x16xf32>,
      %get3A_1986 = arith.index_cast %scan3A_1930 : i32 to index
      %get3A_1987 = arith.constant 48 : index
      %get3A_1988 = tpu.vector_load %arg5[%get3A_1986, %get3A_1987] {strides = array<i32>} : memref<32x128xf32, #tpu.memory_space<vmem>>, vector<1x16xf32>,
      %get3A_1989 = vector.shape_cast %get3A_1988 : vector<1x16xf32> to vector<16xf32>
      %swap3A_1990 = arith.index_cast %scan3A_1930 : i32 to index
      %swap3A_1991 = arith.constant 48 : index
      %swap3A_1992 = tpu.vector_load %arg7[%swap3A_1990, %swap3A_1991] {strides = array<i32>} : memref<32x256xf32, #tpu.memory_space<vmem>>, vector<1x16xf32>,
      %swap3A_1993 = vector.shape_cast %swap3A_1992 : vector<1x16xf32> to vector<16xf32>
      %swap3A_1994 = vector.shape_cast %get3A_1989 : vector<16xf32> to vector<1x16xf32>
      tpu.vector_store %arg7[%swap3A_1990, %swap3A_1991], %swap3A_1994 {strides = array<i32>} : memref<32x256xf32, #tpu.memory_space<vmem>>, vector<1x16xf32>,
      %get3A_1995 = arith.constant 0 : i32
      %get3A_1996 = arith.index_cast %get3A_1995 : i32 to index
      %get3A_1997 = arith.constant 48 : index
      %get3A_1998 = tpu.vector_load %arg6[%get3A_1996, %get3A_1997] {strides = array<i32>} : memref<1x128xf32, #tpu.memory_space<vmem>>, vector<1x16xf32>,
      %get3A_1999 = vector.shape_cast %get3A_1998 : vector<1x16xf32> to vector<16xf32>
      %swap3A_2000 = arith.index_cast %scan3A_1930 : i32 to index
      %swap3A_2001 = arith.constant 176 : index
      %swap3A_2002 = tpu.vector_load %arg7[%swap3A_2000, %swap3A_2001] {strides = array<i32>} : memref<32x256xf32, #tpu.memory_space<vmem>>, vector<1x16xf32>,
      %swap3A_2003 = vector.shape_cast %swap3A_2002 : vector<1x16xf32> to vector<16xf32>
      %swap3A_2004 = vector.shape_cast %get3A_1999 : vector<16xf32> to vector<1x16xf32>
      tpu.vector_store %arg7[%swap3A_2000, %swap3A_2001], %swap3A_2004 {strides = array<i32>} : memref<32x256xf32, #tpu.memory_space<vmem>>, vector<1x16xf32>,
      %get3A_2005 = arith.index_cast %scan3A_1930 : i32 to index
      %get3A_2006 = arith.constant 64 : index
      %get3A_2007 = tpu.vector_load %arg5[%get3A_2005, %get3A_2006] {strides = array<i32>} : memref<32x128xf32, #tpu.memory_space<vmem>>, vector<1x16xf32>,
      %get3A_2008 = vector.shape_cast %get3A_2007 : vector<1x16xf32> to vector<16xf32>
      %swap3A_2009 = arith.index_cast %scan3A_1930 : i32 to index
      %swap3A_2010 = arith.constant 64 : index
      %swap3A_2011 = tpu.vector_load %arg7[%swap3A_2009, %swap3A_2010] {strides = array<i32>} : memref<32x256xf32, #tpu.memory_space<vmem>>, vector<1x16xf32>,
      %swap3A_2012 = vector.shape_cast %swap3A_2011 : vector<1x16xf32> to vector<16xf32>
      %swap3A_2013 = vector.shape_cast %get3A_2008 : vector<16xf32> to vector<1x16xf32>
      tpu.vector_store %arg7[%swap3A_2009, %swap3A_2010], %swap3A_2013 {strides = array<i32>} : memref<32x256xf32, #tpu.memory_space<vmem>>, vector<1x16xf32>,
      %get3A_2014 = arith.constant 0 : i32
      %get3A_2015 = arith.index_cast %get3A_2014 : i32 to index
      %get3A_2016 = arith.constant 64 : index
      %get3A_2017 = tpu.vector_load %arg6[%get3A_2015, %get3A_2016] {strides = array<i32>} : memref<1x128xf32, #tpu.memory_space<vmem>>, vector<1x16xf32>,
      %get3A_2018 = vector.shape_cast %get3A_2017 : vector<1x16xf32> to vector<16xf32>
      %swap3A_2019 = arith.index_cast %scan3A_1930 : i32 to index
      %swap3A_2020 = arith.constant 192 : index
      %swap3A_2021 = tpu.vector_load %arg7[%swap3A_2019, %swap3A_2020] {strides = array<i32>} : memref<32x256xf32, #tpu.memory_space<vmem>>, vector<1x16xf32>,
      %swap3A_2022 = vector.shape_cast %swap3A_2021 : vector<1x16xf32> to vector<16xf32>
      %swap3A_2023 = vector.shape_cast %get3A_2018 : vector<16xf32> to vector<1x16xf32>
      tpu.vector_store %arg7[%swap3A_2019, %swap3A_2020], %swap3A_2023 {strides = array<i32>} : memref<32x256xf32, #tpu.memory_space<vmem>>, vector<1x16xf32>,
      %get3A_2024 = arith.index_cast %scan3A_1930 : i32 to index
      %get3A_2025 = arith.constant 80 : index
      %get3A_2026 = tpu.vector_load %arg5[%get3A_2024, %get3A_2025] {strides = array<i32>} : memref<32x128xf32, #tpu.memory_space<vmem>>, vector<1x16xf32>,
      %get3A_2027 = vector.shape_cast %get3A_2026 : vector<1x16xf32> to vector<16xf32>
      %swap3A_2028 = arith.index_cast %scan3A_1930 : i32 to index
      %swap3A_2029 = arith.constant 80 : index
      %swap3A_2030 = tpu.vector_load %arg7[%swap3A_2028, %swap3A_2029] {strides = array<i32>} : memref<32x256xf32, #tpu.memory_space<vmem>>, vector<1x16xf32>,
      %swap3A_2031 = vector.shape_cast %swap3A_2030 : vector<1x16xf32> to vector<16xf32>
      %swap3A_2032 = vector.shape_cast %get3A_2027 : vector<16xf32> to vector<1x16xf32>
      tpu.vector_store %arg7[%swap3A_2028, %swap3A_2029], %swap3A_2032 {strides = array<i32>} : memref<32x256xf32, #tpu.memory_space<vmem>>, vector<1x16xf32>,
      %get3A_2033 = arith.constant 0 : i32
      %get3A_2034 = arith.index_cast %get3A_2033 : i32 to index
      %get3A_2035 = arith.constant 80 : index
      %get3A_2036 = tpu.vector_load %arg6[%get3A_2034, %get3A_2035] {strides = array<i32>} : memref<1x128xf32, #tpu.memory_space<vmem>>, vector<1x16xf32>,
      %get3A_2037 = vector.shape_cast %get3A_2036 : vector<1x16xf32> to vector<16xf32>
      %swap3A_2038 = arith.index_cast %scan3A_1930 : i32 to index
      %swap3A_2039 = arith.constant 208 : index
      %swap3A_2040 = tpu.vector_load %arg7[%swap3A_2038, %swap3A_2039] {strides = array<i32>} : memref<32x256xf32, #tpu.memory_space<vmem>>, vector<1x16xf32>,
      %swap3A_2041 = vector.shape_cast %swap3A_2040 : vector<1x16xf32> to vector<16xf32>
      %swap3A_2042 = vector.shape_cast %get3A_2037 : vector<16xf32> to vector<1x16xf32>
      tpu.vector_store %arg7[%swap3A_2038, %swap3A_2039], %swap3A_2042 {strides = array<i32>} : memref<32x256xf32, #tpu.memory_space<vmem>>, vector<1x16xf32>,
      %get3A_2043 = arith.index_cast %scan3A_1930 : i32 to index
      %get3A_2044 = arith.constant 96 : index
      %get3A_2045 = tpu.vector_load %arg5[%get3A_2043, %get3A_2044] {strides = array<i32>} : memref<32x128xf32, #tpu.memory_space<vmem>>, vector<1x16xf32>,
      %get3A_2046 = vector.shape_cast %get3A_2045 : vector<1x16xf32> to vector<16xf32>
      %swap3A_2047 = arith.index_cast %scan3A_1930 : i32 to index
      %swap3A_2048 = arith.constant 96 : index
      %swap3A_2049 = tpu.vector_load %arg7[%swap3A_2047, %swap3A_2048] {strides = array<i32>} : memref<32x256xf32, #tpu.memory_space<vmem>>, vector<1x16xf32>,
      %swap3A_2050 = vector.shape_cast %swap3A_2049 : vector<1x16xf32> to vector<16xf32>
      %swap3A_2051 = vector.shape_cast %get3A_2046 : vector<16xf32> to vector<1x16xf32>
      tpu.vector_store %arg7[%swap3A_2047, %swap3A_2048], %swap3A_2051 {strides = array<i32>} : memref<32x256xf32, #tpu.memory_space<vmem>>, vector<1x16xf32>,
      %get3A_2052 = arith.constant 0 : i32
      %get3A_2053 = arith.index_cast %get3A_2052 : i32 to index
      %get3A_2054 = arith.constant 96 : index
      %get3A_2055 = tpu.vector_load %arg6[%get3A_2053, %get3A_2054] {strides = array<i32>} : memref<1x128xf32, #tpu.memory_space<vmem>>, vector<1x16xf32>,
      %get3A_2056 = vector.shape_cast %get3A_2055 : vector<1x16xf32> to vector<16xf32>
      %swap3A_2057 = arith.index_cast %scan3A_1930 : i32 to index
      %swap3A_2058 = arith.constant 224 : index
      %swap3A_2059 = tpu.vector_load %arg7[%swap3A_2057, %swap3A_2058] {strides = array<i32>} : memref<32x256xf32, #tpu.memory_space<vmem>>, vector<1x16xf32>,
      %swap3A_2060 = vector.shape_cast %swap3A_2059 : vector<1x16xf32> to vector<16xf32>
      %swap3A_2061 = vector.shape_cast %get3A_2056 : vector<16xf32> to vector<1x16xf32>
      tpu.vector_store %arg7[%swap3A_2057, %swap3A_2058], %swap3A_2061 {strides = array<i32>} : memref<32x256xf32, #tpu.memory_space<vmem>>, vector<1x16xf32>,
      %get3A_2062 = arith.index_cast %scan3A_1930 : i32 to index
      %get3A_2063 = arith.constant 112 : index
      %get3A_2064 = tpu.vector_load %arg5[%get3A_2062, %get3A_2063] {strides = array<i32>} : memref<32x128xf32, #tpu.memory_space<vmem>>, vector<1x16xf32>,
      %get3A_2065 = vector.shape_cast %get3A_2064 : vector<1x16xf32> to vector<16xf32>
      %swap3A_2066 = arith.index_cast %scan3A_1930 : i32 to index
      %swap3A_2067 = arith.constant 112 : index
      %swap3A_2068 = tpu.vector_load %arg7[%swap3A_2066, %swap3A_2067] {strides = array<i32>} : memref<32x256xf32, #tpu.memory_space<vmem>>, vector<1x16xf32>,
      %swap3A_2069 = vector.shape_cast %swap3A_2068 : vector<1x16xf32> to vector<16xf32>
      %swap3A_2070 = vector.shape_cast %get3A_2065 : vector<16xf32> to vector<1x16xf32>
      tpu.vector_store %arg7[%swap3A_2066, %swap3A_2067], %swap3A_2070 {strides = array<i32>} : memref<32x256xf32, #tpu.memory_space<vmem>>, vector<1x16xf32>,
      %get3A_2071 = arith.constant 0 : i32
      %get3A_2072 = arith.index_cast %get3A_2071 : i32 to index
      %get3A_2073 = arith.constant 112 : index
      %get3A_2074 = tpu.vector_load %arg6[%get3A_2072, %get3A_2073] {strides = array<i32>} : memref<1x128xf32, #tpu.memory_space<vmem>>, vector<1x16xf32>,
      %get3A_2075 = vector.shape_cast %get3A_2074 : vector<1x16xf32> to vector<16xf32>
      %swap3A_2076 = arith.index_cast %scan3A_1930 : i32 to index
      %swap3A_2077 = arith.constant 240 : index
      %swap3A_2078 = tpu.vector_load %arg7[%swap3A_2076, %swap3A_2077] {strides = array<i32>} : memref<32x256xf32, #tpu.memory_space<vmem>>, vector<1x16xf32>,
      %swap3A_2079 = vector.shape_cast %swap3A_2078 : vector<1x16xf32> to vector<16xf32>
      %swap3A_2080 = vector.shape_cast %get3A_2075 : vector<16xf32> to vector<1x16xf32>
      tpu.vector_store %arg7[%swap3A_2076, %swap3A_2077], %swap3A_2080 {strides = array<i32>} : memref<32x256xf32, #tpu.memory_space<vmem>>, vector<1x16xf32>,
    }
    %scan3A_490 = arith.constant 16 : i32
    %dma_start3A_491 = arith.constant 0 : i32
    %dma_start3A_492 = arith.constant 16 : i32
    %dma_start3A_493 = arith.constant 0 : i32
    %dma_start3A_494 = tpu.memref_slice %arg7[%dma_start3A_492, %dma_start3A_493] : memref<32x256xf32, #tpu.memory_space<vmem>> -> memref<16x256xf32, #tpu.memory_space<vmem>>
    %dma_start3A_495 = arith.constant 16 : i32
    %dma_start3A_496 = arith.constant 0 : i32
    %dma_start3A_497 = tpu.memref_slice %arg4[%dma_start3A_491, %add3A, %dma_start3A_495, %dma_start3A_496] : memref<32x32x32x256xf32, #tpu.memory_space<hbm>> -> memref<1x1x16x256xf32, #tpu.memory_space<hbm>>
    %dma_start3A_498 = tpu.memref_squeeze %dma_start3A_497 : memref<1x1x16x256xf32, #tpu.memory_space<hbm>> -> memref<16x256xf32, #tpu.memory_space<hbm>>
    %dma_start3A_499 = arith.constant 16 : i32
    %dma_start3A_500 = arith.constant 0 : i32
    %dma_start3A_501 = tpu.memref_slice %arg4[%dma_start3A_491, %add3A, %dma_start3A_499, %dma_start3A_500] : memref<32x32x32x256xf32, #tpu.memory_space<hbm>> -> memref<1x1x16x256xf32, #tpu.memory_space<hbm>>
    %dma_start3A_502 = tpu.memref_squeeze %dma_start3A_501 : memref<1x1x16x256xf32, #tpu.memory_space<hbm>> -> memref<16x256xf32, #tpu.memory_space<hbm>>
    %dma_start3A_503 = arith.constant 16 : i32
    %dma_start3A_504 = arith.constant 0 : i32
    %dma_start3A_505 = tpu.memref_slice %arg7[%dma_start3A_503, %dma_start3A_504] : memref<32x256xf32, #tpu.memory_space<vmem>> -> memref<16x256xf32, #tpu.memory_space<vmem>>
    tpu.enqueue_dma source(%dma_start3A_505 : memref<16x256xf32, #tpu.memory_space<vmem>>) target(%dma_start3A_502 : memref<16x256xf32, #tpu.memory_space<hbm>>) target_semaphore(%arg8 : memref<!tpu.dma_semaphore, #tpu.memory_space<semaphore_mem>>)
    %dma_start3A_506 = arith.constant 1 : i32
    %dma_start3A_507 = arith.constant 16 : i32
    %dma_start3A_508 = arith.constant 0 : i32
    %dma_start3A_509 = tpu.memref_slice %arg7[%dma_start3A_507, %dma_start3A_508] : memref<32x256xf32, #tpu.memory_space<vmem>> -> memref<16x256xf32, #tpu.memory_space<vmem>>
    %dma_start3A_510 = arith.constant 16 : i32
    %dma_start3A_511 = arith.constant 0 : i32
    %dma_start3A_512 = tpu.memref_slice %arg4[%dma_start3A_506, %add3A, %dma_start3A_510, %dma_start3A_511] : memref<32x32x32x256xf32, #tpu.memory_space<hbm>> -> memref<1x1x16x256xf32, #tpu.memory_space<hbm>>
    %dma_start3A_513 = tpu.memref_squeeze %dma_start3A_512 : memref<1x1x16x256xf32, #tpu.memory_space<hbm>> -> memref<16x256xf32, #tpu.memory_space<hbm>>
    %dma_start3A_514 = arith.constant 16 : i32
    %dma_start3A_515 = arith.constant 0 : i32
    %dma_start3A_516 = tpu.memref_slice %arg4[%dma_start3A_506, %add3A, %dma_start3A_514, %dma_start3A_515] : memref<32x32x32x256xf32, #tpu.memory_space<hbm>> -> memref<1x1x16x256xf32, #tpu.memory_space<hbm>>
    %dma_start3A_517 = tpu.memref_squeeze %dma_start3A_516 : memref<1x1x16x256xf32, #tpu.memory_space<hbm>> -> memref<16x256xf32, #tpu.memory_space<hbm>>
    %dma_start3A_518 = arith.constant 16 : i32
    %dma_start3A_519 = arith.constant 0 : i32
    %dma_start3A_520 = tpu.memref_slice %arg7[%dma_start3A_518, %dma_start3A_519] : memref<32x256xf32, #tpu.memory_space<vmem>> -> memref<16x256xf32, #tpu.memory_space<vmem>>
    tpu.enqueue_dma source(%dma_start3A_520 : memref<16x256xf32, #tpu.memory_space<vmem>>) target(%dma_start3A_517 : memref<16x256xf32, #tpu.memory_space<hbm>>) target_semaphore(%arg8 : memref<!tpu.dma_semaphore, #tpu.memory_space<semaphore_mem>>)
    %dma_start3A_521 = arith.constant 2 : i32
    %dma_start3A_522 = arith.constant 16 : i32
    %dma_start3A_523 = arith.constant 0 : i32
    %dma_start3A_524 = tpu.memref_slice %arg7[%dma_start3A_522, %dma_start3A_523] : memref<32x256xf32, #tpu.memory_space<vmem>> -> memref<16x256xf32, #tpu.memory_space<vmem>>
    %dma_start3A_525 = arith.constant 16 : i32
    %dma_start3A_526 = arith.constant 0 : i32
    %dma_start3A_527 = tpu.memref_slice %arg4[%dma_start3A_521, %add3A, %dma_start3A_525, %dma_start3A_526] : memref<32x32x32x256xf32, #tpu.memory_space<hbm>> -> memref<1x1x16x256xf32, #tpu.memory_space<hbm>>
    %dma_start3A_528 = tpu.memref_squeeze %dma_start3A_527 : memref<1x1x16x256xf32, #tpu.memory_space<hbm>> -> memref<16x256xf32, #tpu.memory_space<hbm>>
    %dma_start3A_529 = arith.constant 16 : i32
    %dma_start3A_530 = arith.constant 0 : i32
    %dma_start3A_531 = tpu.memref_slice %arg4[%dma_start3A_521, %add3A, %dma_start3A_529, %dma_start3A_530] : memref<32x32x32x256xf32, #tpu.memory_space<hbm>> -> memref<1x1x16x256xf32, #tpu.memory_space<hbm>>
    %dma_start3A_532 = tpu.memref_squeeze %dma_start3A_531 : memref<1x1x16x256xf32, #tpu.memory_space<hbm>> -> memref<16x256xf32, #tpu.memory_space<hbm>>
    %dma_start3A_533 = arith.constant 16 : i32
    %dma_start3A_534 = arith.constant 0 : i32
    %dma_start3A_535 = tpu.memref_slice %arg7[%dma_start3A_533, %dma_start3A_534] : memref<32x256xf32, #tpu.memory_space<vmem>> -> memref<16x256xf32, #tpu.memory_space<vmem>>
    tpu.enqueue_dma source(%dma_start3A_535 : memref<16x256xf32, #tpu.memory_space<vmem>>) target(%dma_start3A_532 : memref<16x256xf32, #tpu.memory_space<hbm>>) target_semaphore(%arg8 : memref<!tpu.dma_semaphore, #tpu.memory_space<semaphore_mem>>)
    %dma_start3A_536 = arith.constant 3 : i32
    %dma_start3A_537 = arith.constant 16 : i32
    %dma_start3A_538 = arith.constant 0 : i32
    %dma_start3A_539 = tpu.memref_slice %arg7[%dma_start3A_537, %dma_start3A_538] : memref<32x256xf32, #tpu.memory_space<vmem>> -> memref<16x256xf32, #tpu.memory_space<vmem>>
    %dma_start3A_540 = arith.constant 16 : i32
    %dma_start3A_541 = arith.constant 0 : i32
    %dma_start3A_542 = tpu.memref_slice %arg4[%dma_start3A_536, %add3A, %dma_start3A_540, %dma_start3A_541] : memref<32x32x32x256xf32, #tpu.memory_space<hbm>> -> memref<1x1x16x256xf32, #tpu.memory_space<hbm>>
    %dma_start3A_543 = tpu.memref_squeeze %dma_start3A_542 : memref<1x1x16x256xf32, #tpu.memory_space<hbm>> -> memref<16x256xf32, #tpu.memory_space<hbm>>
    %dma_start3A_544 = arith.constant 16 : i32
    %dma_start3A_545 = arith.constant 0 : i32
    %dma_start3A_546 = tpu.memref_slice %arg4[%dma_start3A_536, %add3A, %dma_start3A_544, %dma_start3A_545] : memref<32x32x32x256xf32, #tpu.memory_space<hbm>> -> memref<1x1x16x256xf32, #tpu.memory_space<hbm>>
    %dma_start3A_547 = tpu.memref_squeeze %dma_start3A_546 : memref<1x1x16x256xf32, #tpu.memory_space<hbm>> -> memref<16x256xf32, #tpu.memory_space<hbm>>
    %dma_start3A_548 = arith.constant 16 : i32
    %dma_start3A_549 = arith.constant 0 : i32
    %dma_start3A_550 = tpu.memref_slice %arg7[%dma_start3A_548, %dma_start3A_549] : memref<32x256xf32, #tpu.memory_space<vmem>> -> memref<16x256xf32, #tpu.memory_space<vmem>>
    tpu.enqueue_dma source(%dma_start3A_550 : memref<16x256xf32, #tpu.memory_space<vmem>>) target(%dma_start3A_547 : memref<16x256xf32, #tpu.memory_space<hbm>>) target_semaphore(%arg8 : memref<!tpu.dma_semaphore, #tpu.memory_space<semaphore_mem>>)
    %dma_start3A_551 = arith.constant 4 : i32
    %dma_start3A_552 = arith.constant 16 : i32
    %dma_start3A_553 = arith.constant 0 : i32
    %dma_start3A_554 = tpu.memref_slice %arg7[%dma_start3A_552, %dma_start3A_553] : memref<32x256xf32, #tpu.memory_space<vmem>> -> memref<16x256xf32, #tpu.memory_space<vmem>>
    %dma_start3A_555 = arith.constant 16 : i32
    %dma_start3A_556 = arith.constant 0 : i32
    %dma_start3A_557 = tpu.memref_slice %arg4[%dma_start3A_551, %add3A, %dma_start3A_555, %dma_start3A_556] : memref<32x32x32x256xf32, #tpu.memory_space<hbm>> -> memref<1x1x16x256xf32, #tpu.memory_space<hbm>>
    %dma_start3A_558 = tpu.memref_squeeze %dma_start3A_557 : memref<1x1x16x256xf32, #tpu.memory_space<hbm>> -> memref<16x256xf32, #tpu.memory_space<hbm>>
    %dma_start3A_559 = arith.constant 16 : i32
    %dma_start3A_560 = arith.constant 0 : i32
    %dma_start3A_561 = tpu.memref_slice %arg4[%dma_start3A_551, %add3A, %dma_start3A_559, %dma_start3A_560] : memref<32x32x32x256xf32, #tpu.memory_space<hbm>> -> memref<1x1x16x256xf32, #tpu.memory_space<hbm>>
    %dma_start3A_562 = tpu.memref_squeeze %dma_start3A_561 : memref<1x1x16x256xf32, #tpu.memory_space<hbm>> -> memref<16x256xf32, #tpu.memory_space<hbm>>
    %dma_start3A_563 = arith.constant 16 : i32
    %dma_start3A_564 = arith.constant 0 : i32
    %dma_start3A_565 = tpu.memref_slice %arg7[%dma_start3A_563, %dma_start3A_564] : memref<32x256xf32, #tpu.memory_space<vmem>> -> memref<16x256xf32, #tpu.memory_space<vmem>>
    tpu.enqueue_dma source(%dma_start3A_565 : memref<16x256xf32, #tpu.memory_space<vmem>>) target(%dma_start3A_562 : memref<16x256xf32, #tpu.memory_space<hbm>>) target_semaphore(%arg8 : memref<!tpu.dma_semaphore, #tpu.memory_space<semaphore_mem>>)
    %dma_start3A_566 = arith.constant 5 : i32
    %dma_start3A_567 = arith.constant 16 : i32
    %dma_start3A_568 = arith.constant 0 : i32
    %dma_start3A_569 = tpu.memref_slice %arg7[%dma_start3A_567, %dma_start3A_568] : memref<32x256xf32, #tpu.memory_space<vmem>> -> memref<16x256xf32, #tpu.memory_space<vmem>>
    %dma_start3A_570 = arith.constant 16 : i32
    %dma_start3A_571 = arith.constant 0 : i32
    %dma_start3A_572 = tpu.memref_slice %arg4[%dma_start3A_566, %add3A, %dma_start3A_570, %dma_start3A_571] : memref<32x32x32x256xf32, #tpu.memory_space<hbm>> -> memref<1x1x16x256xf32, #tpu.memory_space<hbm>>
    %dma_start3A_573 = tpu.memref_squeeze %dma_start3A_572 : memref<1x1x16x256xf32, #tpu.memory_space<hbm>> -> memref<16x256xf32, #tpu.memory_space<hbm>>
    %dma_start3A_574 = arith.constant 16 : i32
    %dma_start3A_575 = arith.constant 0 : i32
    %dma_start3A_576 = tpu.memref_slice %arg4[%dma_start3A_566, %add3A, %dma_start3A_574, %dma_start3A_575] : memref<32x32x32x256xf32, #tpu.memory_space<hbm>> -> memref<1x1x16x256xf32, #tpu.memory_space<hbm>>
    %dma_start3A_577 = tpu.memref_squeeze %dma_start3A_576 : memref<1x1x16x256xf32, #tpu.memory_space<hbm>> -> memref<16x256xf32, #tpu.memory_space<hbm>>
    %dma_start3A_578 = arith.constant 16 : i32
    %dma_start3A_579 = arith.constant 0 : i32
    %dma_start3A_580 = tpu.memref_slice %arg7[%dma_start3A_578, %dma_start3A_579] : memref<32x256xf32, #tpu.memory_space<vmem>> -> memref<16x256xf32, #tpu.memory_space<vmem>>
    tpu.enqueue_dma source(%dma_start3A_580 : memref<16x256xf32, #tpu.memory_space<vmem>>) target(%dma_start3A_577 : memref<16x256xf32, #tpu.memory_space<hbm>>) target_semaphore(%arg8 : memref<!tpu.dma_semaphore, #tpu.memory_space<semaphore_mem>>)
    %dma_start3A_581 = arith.constant 6 : i32
    %dma_start3A_582 = arith.constant 16 : i32
    %dma_start3A_583 = arith.constant 0 : i32
    %dma_start3A_584 = tpu.memref_slice %arg7[%dma_start3A_582, %dma_start3A_583] : memref<32x256xf32, #tpu.memory_space<vmem>> -> memref<16x256xf32, #tpu.memory_space<vmem>>
    %dma_start3A_585 = arith.constant 16 : i32
    %dma_start3A_586 = arith.constant 0 : i32
    %dma_start3A_587 = tpu.memref_slice %arg4[%dma_start3A_581, %add3A, %dma_start3A_585, %dma_start3A_586] : memref<32x32x32x256xf32, #tpu.memory_space<hbm>> -> memref<1x1x16x256xf32, #tpu.memory_space<hbm>>
    %dma_start3A_588 = tpu.memref_squeeze %dma_start3A_587 : memref<1x1x16x256xf32, #tpu.memory_space<hbm>> -> memref<16x256xf32, #tpu.memory_space<hbm>>
    %dma_start3A_589 = arith.constant 16 : i32
    %dma_start3A_590 = arith.constant 0 : i32
    %dma_start3A_591 = tpu.memref_slice %arg4[%dma_start3A_581, %add3A, %dma_start3A_589, %dma_start3A_590] : memref<32x32x32x256xf32, #tpu.memory_space<hbm>> -> memref<1x1x16x256xf32, #tpu.memory_space<hbm>>
    %dma_start3A_592 = tpu.memref_squeeze %dma_start3A_591 : memref<1x1x16x256xf32, #tpu.memory_space<hbm>> -> memref<16x256xf32, #tpu.memory_space<hbm>>
    %dma_start3A_593 = arith.constant 16 : i32
    %dma_start3A_594 = arith.constant 0 : i32
    %dma_start3A_595 = tpu.memref_slice %arg7[%dma_start3A_593, %dma_start3A_594] : memref<32x256xf32, #tpu.memory_space<vmem>> -> memref<16x256xf32, #tpu.memory_space<vmem>>
    tpu.enqueue_dma source(%dma_start3A_595 : memref<16x256xf32, #tpu.memory_space<vmem>>) target(%dma_start3A_592 : memref<16x256xf32, #tpu.memory_space<hbm>>) target_semaphore(%arg8 : memref<!tpu.dma_semaphore, #tpu.memory_space<semaphore_mem>>)
    %dma_start3A_596 = arith.constant 7 : i32
    %dma_start3A_597 = arith.constant 16 : i32
    %dma_start3A_598 = arith.constant 0 : i32
    %dma_start3A_599 = tpu.memref_slice %arg7[%dma_start3A_597, %dma_start3A_598] : memref<32x256xf32, #tpu.memory_space<vmem>> -> memref<16x256xf32, #tpu.memory_space<vmem>>
    %dma_start3A_600 = arith.constant 16 : i32
    %dma_start3A_601 = arith.constant 0 : i32
    %dma_start3A_602 = tpu.memref_slice %arg4[%dma_start3A_596, %add3A, %dma_start3A_600, %dma_start3A_601] : memref<32x32x32x256xf32, #tpu.memory_space<hbm>> -> memref<1x1x16x256xf32, #tpu.memory_space<hbm>>
    %dma_start3A_603 = tpu.memref_squeeze %dma_start3A_602 : memref<1x1x16x256xf32, #tpu.memory_space<hbm>> -> memref<16x256xf32, #tpu.memory_space<hbm>>
    %dma_start3A_604 = arith.constant 16 : i32
    %dma_start3A_605 = arith.constant 0 : i32
    %dma_start3A_606 = tpu.memref_slice %arg4[%dma_start3A_596, %add3A, %dma_start3A_604, %dma_start3A_605] : memref<32x32x32x256xf32, #tpu.memory_space<hbm>> -> memref<1x1x16x256xf32, #tpu.memory_space<hbm>>
    %dma_start3A_607 = tpu.memref_squeeze %dma_start3A_606 : memref<1x1x16x256xf32, #tpu.memory_space<hbm>> -> memref<16x256xf32, #tpu.memory_space<hbm>>
    %dma_start3A_608 = arith.constant 16 : i32
    %dma_start3A_609 = arith.constant 0 : i32
    %dma_start3A_610 = tpu.memref_slice %arg7[%dma_start3A_608, %dma_start3A_609] : memref<32x256xf32, #tpu.memory_space<vmem>> -> memref<16x256xf32, #tpu.memory_space<vmem>>
    tpu.enqueue_dma source(%dma_start3A_610 : memref<16x256xf32, #tpu.memory_space<vmem>>) target(%dma_start3A_607 : memref<16x256xf32, #tpu.memory_space<hbm>>) target_semaphore(%arg8 : memref<!tpu.dma_semaphore, #tpu.memory_space<semaphore_mem>>)
    %dma_start3A_611 = arith.constant 8 : i32
    %dma_start3A_612 = arith.constant 16 : i32
    %dma_start3A_613 = arith.constant 0 : i32
    %dma_start3A_614 = tpu.memref_slice %arg7[%dma_start3A_612, %dma_start3A_613] : memref<32x256xf32, #tpu.memory_space<vmem>> -> memref<16x256xf32, #tpu.memory_space<vmem>>
    %dma_start3A_615 = arith.constant 16 : i32
    %dma_start3A_616 = arith.constant 0 : i32
    %dma_start3A_617 = tpu.memref_slice %arg4[%dma_start3A_611, %add3A, %dma_start3A_615, %dma_start3A_616] : memref<32x32x32x256xf32, #tpu.memory_space<hbm>> -> memref<1x1x16x256xf32, #tpu.memory_space<hbm>>
    %dma_start3A_618 = tpu.memref_squeeze %dma_start3A_617 : memref<1x1x16x256xf32, #tpu.memory_space<hbm>> -> memref<16x256xf32, #tpu.memory_space<hbm>>
    %dma_start3A_619 = arith.constant 16 : i32
    %dma_start3A_620 = arith.constant 0 : i32
    %dma_start3A_621 = tpu.memref_slice %arg4[%dma_start3A_611, %add3A, %dma_start3A_619, %dma_start3A_620] : memref<32x32x32x256xf32, #tpu.memory_space<hbm>> -> memref<1x1x16x256xf32, #tpu.memory_space<hbm>>
    %dma_start3A_622 = tpu.memref_squeeze %dma_start3A_621 : memref<1x1x16x256xf32, #tpu.memory_space<hbm>> -> memref<16x256xf32, #tpu.memory_space<hbm>>
    %dma_start3A_623 = arith.constant 16 : i32
    %dma_start3A_624 = arith.constant 0 : i32
    %dma_start3A_625 = tpu.memref_slice %arg7[%dma_start3A_623, %dma_start3A_624] : memref<32x256xf32, #tpu.memory_space<vmem>> -> memref<16x256xf32, #tpu.memory_space<vmem>>
    tpu.enqueue_dma source(%dma_start3A_625 : memref<16x256xf32, #tpu.memory_space<vmem>>) target(%dma_start3A_622 : memref<16x256xf32, #tpu.memory_space<hbm>>) target_semaphore(%arg8 : memref<!tpu.dma_semaphore, #tpu.memory_space<semaphore_mem>>)
    %dma_start3A_626 = arith.constant 9 : i32
    %dma_start3A_627 = arith.constant 16 : i32
    %dma_start3A_628 = arith.constant 0 : i32
    %dma_start3A_629 = tpu.memref_slice %arg7[%dma_start3A_627, %dma_start3A_628] : memref<32x256xf32, #tpu.memory_space<vmem>> -> memref<16x256xf32, #tpu.memory_space<vmem>>
    %dma_start3A_630 = arith.constant 16 : i32
    %dma_start3A_631 = arith.constant 0 : i32
    %dma_start3A_632 = tpu.memref_slice %arg4[%dma_start3A_626, %add3A, %dma_start3A_630, %dma_start3A_631] : memref<32x32x32x256xf32, #tpu.memory_space<hbm>> -> memref<1x1x16x256xf32, #tpu.memory_space<hbm>>
    %dma_start3A_633 = tpu.memref_squeeze %dma_start3A_632 : memref<1x1x16x256xf32, #tpu.memory_space<hbm>> -> memref<16x256xf32, #tpu.memory_space<hbm>>
    %dma_start3A_634 = arith.constant 16 : i32
    %dma_start3A_635 = arith.constant 0 : i32
    %dma_start3A_636 = tpu.memref_slice %arg4[%dma_start3A_626, %add3A, %dma_start3A_634, %dma_start3A_635] : memref<32x32x32x256xf32, #tpu.memory_space<hbm>> -> memref<1x1x16x256xf32, #tpu.memory_space<hbm>>
    %dma_start3A_637 = tpu.memref_squeeze %dma_start3A_636 : memref<1x1x16x256xf32, #tpu.memory_space<hbm>> -> memref<16x256xf32, #tpu.memory_space<hbm>>
    %dma_start3A_638 = arith.constant 16 : i32
    %dma_start3A_639 = arith.constant 0 : i32
    %dma_start3A_640 = tpu.memref_slice %arg7[%dma_start3A_638, %dma_start3A_639] : memref<32x256xf32, #tpu.memory_space<vmem>> -> memref<16x256xf32, #tpu.memory_space<vmem>>
    tpu.enqueue_dma source(%dma_start3A_640 : memref<16x256xf32, #tpu.memory_space<vmem>>) target(%dma_start3A_637 : memref<16x256xf32, #tpu.memory_space<hbm>>) target_semaphore(%arg8 : memref<!tpu.dma_semaphore, #tpu.memory_space<semaphore_mem>>)
    %dma_start3A_641 = arith.constant 10 : i32
    %dma_start3A_642 = arith.constant 16 : i32
    %dma_start3A_643 = arith.constant 0 : i32
    %dma_start3A_644 = tpu.memref_slice %arg7[%dma_start3A_642, %dma_start3A_643] : memref<32x256xf32, #tpu.memory_space<vmem>> -> memref<16x256xf32, #tpu.memory_space<vmem>>
    %dma_start3A_645 = arith.constant 16 : i32
    %dma_start3A_646 = arith.constant 0 : i32
    %dma_start3A_647 = tpu.memref_slice %arg4[%dma_start3A_641, %add3A, %dma_start3A_645, %dma_start3A_646] : memref<32x32x32x256xf32, #tpu.memory_space<hbm>> -> memref<1x1x16x256xf32, #tpu.memory_space<hbm>>
    %dma_start3A_648 = tpu.memref_squeeze %dma_start3A_647 : memref<1x1x16x256xf32, #tpu.memory_space<hbm>> -> memref<16x256xf32, #tpu.memory_space<hbm>>
    %dma_start3A_649 = arith.constant 16 : i32
    %dma_start3A_650 = arith.constant 0 : i32
    %dma_start3A_651 = tpu.memref_slice %arg4[%dma_start3A_641, %add3A, %dma_start3A_649, %dma_start3A_650] : memref<32x32x32x256xf32, #tpu.memory_space<hbm>> -> memref<1x1x16x256xf32, #tpu.memory_space<hbm>>
    %dma_start3A_652 = tpu.memref_squeeze %dma_start3A_651 : memref<1x1x16x256xf32, #tpu.memory_space<hbm>> -> memref<16x256xf32, #tpu.memory_space<hbm>>
    %dma_start3A_653 = arith.constant 16 : i32
    %dma_start3A_654 = arith.constant 0 : i32
    %dma_start3A_655 = tpu.memref_slice %arg7[%dma_start3A_653, %dma_start3A_654] : memref<32x256xf32, #tpu.memory_space<vmem>> -> memref<16x256xf32, #tpu.memory_space<vmem>>
    tpu.enqueue_dma source(%dma_start3A_655 : memref<16x256xf32, #tpu.memory_space<vmem>>) target(%dma_start3A_652 : memref<16x256xf32, #tpu.memory_space<hbm>>) target_semaphore(%arg8 : memref<!tpu.dma_semaphore, #tpu.memory_space<semaphore_mem>>)
    %dma_start3A_656 = arith.constant 11 : i32
    %dma_start3A_657 = arith.constant 16 : i32
    %dma_start3A_658 = arith.constant 0 : i32
    %dma_start3A_659 = tpu.memref_slice %arg7[%dma_start3A_657, %dma_start3A_658] : memref<32x256xf32, #tpu.memory_space<vmem>> -> memref<16x256xf32, #tpu.memory_space<vmem>>
    %dma_start3A_660 = arith.constant 16 : i32
    %dma_start3A_661 = arith.constant 0 : i32
    %dma_start3A_662 = tpu.memref_slice %arg4[%dma_start3A_656, %add3A, %dma_start3A_660, %dma_start3A_661] : memref<32x32x32x256xf32, #tpu.memory_space<hbm>> -> memref<1x1x16x256xf32, #tpu.memory_space<hbm>>
    %dma_start3A_663 = tpu.memref_squeeze %dma_start3A_662 : memref<1x1x16x256xf32, #tpu.memory_space<hbm>> -> memref<16x256xf32, #tpu.memory_space<hbm>>
    %dma_start3A_664 = arith.constant 16 : i32
    %dma_start3A_665 = arith.constant 0 : i32
    %dma_start3A_666 = tpu.memref_slice %arg4[%dma_start3A_656, %add3A, %dma_start3A_664, %dma_start3A_665] : memref<32x32x32x256xf32, #tpu.memory_space<hbm>> -> memref<1x1x16x256xf32, #tpu.memory_space<hbm>>
    %dma_start3A_667 = tpu.memref_squeeze %dma_start3A_666 : memref<1x1x16x256xf32, #tpu.memory_space<hbm>> -> memref<16x256xf32, #tpu.memory_space<hbm>>
    %dma_start3A_668 = arith.constant 16 : i32
    %dma_start3A_669 = arith.constant 0 : i32
    %dma_start3A_670 = tpu.memref_slice %arg7[%dma_start3A_668, %dma_start3A_669] : memref<32x256xf32, #tpu.memory_space<vmem>> -> memref<16x256xf32, #tpu.memory_space<vmem>>
    tpu.enqueue_dma source(%dma_start3A_670 : memref<16x256xf32, #tpu.memory_space<vmem>>) target(%dma_start3A_667 : memref<16x256xf32, #tpu.memory_space<hbm>>) target_semaphore(%arg8 : memref<!tpu.dma_semaphore, #tpu.memory_space<semaphore_mem>>)
    %dma_start3A_671 = arith.constant 12 : i32
    %dma_start3A_672 = arith.constant 16 : i32
    %dma_start3A_673 = arith.constant 0 : i32
    %dma_start3A_674 = tpu.memref_slice %arg7[%dma_start3A_672, %dma_start3A_673] : memref<32x256xf32, #tpu.memory_space<vmem>> -> memref<16x256xf32, #tpu.memory_space<vmem>>
    %dma_start3A_675 = arith.constant 16 : i32
    %dma_start3A_676 = arith.constant 0 : i32
    %dma_start3A_677 = tpu.memref_slice %arg4[%dma_start3A_671, %add3A, %dma_start3A_675, %dma_start3A_676] : memref<32x32x32x256xf32, #tpu.memory_space<hbm>> -> memref<1x1x16x256xf32, #tpu.memory_space<hbm>>
    %dma_start3A_678 = tpu.memref_squeeze %dma_start3A_677 : memref<1x1x16x256xf32, #tpu.memory_space<hbm>> -> memref<16x256xf32, #tpu.memory_space<hbm>>
    %dma_start3A_679 = arith.constant 16 : i32
    %dma_start3A_680 = arith.constant 0 : i32
    %dma_start3A_681 = tpu.memref_slice %arg4[%dma_start3A_671, %add3A, %dma_start3A_679, %dma_start3A_680] : memref<32x32x32x256xf32, #tpu.memory_space<hbm>> -> memref<1x1x16x256xf32, #tpu.memory_space<hbm>>
    %dma_start3A_682 = tpu.memref_squeeze %dma_start3A_681 : memref<1x1x16x256xf32, #tpu.memory_space<hbm>> -> memref<16x256xf32, #tpu.memory_space<hbm>>
    %dma_start3A_683 = arith.constant 16 : i32
    %dma_start3A_684 = arith.constant 0 : i32
    %dma_start3A_685 = tpu.memref_slice %arg7[%dma_start3A_683, %dma_start3A_684] : memref<32x256xf32, #tpu.memory_space<vmem>> -> memref<16x256xf32, #tpu.memory_space<vmem>>
    tpu.enqueue_dma source(%dma_start3A_685 : memref<16x256xf32, #tpu.memory_space<vmem>>) target(%dma_start3A_682 : memref<16x256xf32, #tpu.memory_space<hbm>>) target_semaphore(%arg8 : memref<!tpu.dma_semaphore, #tpu.memory_space<semaphore_mem>>)
    %dma_start3A_686 = arith.constant 13 : i32
    %dma_start3A_687 = arith.constant 16 : i32
    %dma_start3A_688 = arith.constant 0 : i32
    %dma_start3A_689 = tpu.memref_slice %arg7[%dma_start3A_687, %dma_start3A_688] : memref<32x256xf32, #tpu.memory_space<vmem>> -> memref<16x256xf32, #tpu.memory_space<vmem>>
    %dma_start3A_690 = arith.constant 16 : i32
    %dma_start3A_691 = arith.constant 0 : i32
    %dma_start3A_692 = tpu.memref_slice %arg4[%dma_start3A_686, %add3A, %dma_start3A_690, %dma_start3A_691] : memref<32x32x32x256xf32, #tpu.memory_space<hbm>> -> memref<1x1x16x256xf32, #tpu.memory_space<hbm>>
    %dma_start3A_693 = tpu.memref_squeeze %dma_start3A_692 : memref<1x1x16x256xf32, #tpu.memory_space<hbm>> -> memref<16x256xf32, #tpu.memory_space<hbm>>
    %dma_start3A_694 = arith.constant 16 : i32
    %dma_start3A_695 = arith.constant 0 : i32
    %dma_start3A_696 = tpu.memref_slice %arg4[%dma_start3A_686, %add3A, %dma_start3A_694, %dma_start3A_695] : memref<32x32x32x256xf32, #tpu.memory_space<hbm>> -> memref<1x1x16x256xf32, #tpu.memory_space<hbm>>
    %dma_start3A_697 = tpu.memref_squeeze %dma_start3A_696 : memref<1x1x16x256xf32, #tpu.memory_space<hbm>> -> memref<16x256xf32, #tpu.memory_space<hbm>>
    %dma_start3A_698 = arith.constant 16 : i32
    %dma_start3A_699 = arith.constant 0 : i32
    %dma_start3A_700 = tpu.memref_slice %arg7[%dma_start3A_698, %dma_start3A_699] : memref<32x256xf32, #tpu.memory_space<vmem>> -> memref<16x256xf32, #tpu.memory_space<vmem>>
    tpu.enqueue_dma source(%dma_start3A_700 : memref<16x256xf32, #tpu.memory_space<vmem>>) target(%dma_start3A_697 : memref<16x256xf32, #tpu.memory_space<hbm>>) target_semaphore(%arg8 : memref<!tpu.dma_semaphore, #tpu.memory_space<semaphore_mem>>)
    %dma_start3A_701 = arith.constant 14 : i32
    %dma_start3A_702 = arith.constant 16 : i32
    %dma_start3A_703 = arith.constant 0 : i32
    %dma_start3A_704 = tpu.memref_slice %arg7[%dma_start3A_702, %dma_start3A_703] : memref<32x256xf32, #tpu.memory_space<vmem>> -> memref<16x256xf32, #tpu.memory_space<vmem>>
    %dma_start3A_705 = arith.constant 16 : i32
    %dma_start3A_706 = arith.constant 0 : i32
    %dma_start3A_707 = tpu.memref_slice %arg4[%dma_start3A_701, %add3A, %dma_start3A_705, %dma_start3A_706] : memref<32x32x32x256xf32, #tpu.memory_space<hbm>> -> memref<1x1x16x256xf32, #tpu.memory_space<hbm>>
    %dma_start3A_708 = tpu.memref_squeeze %dma_start3A_707 : memref<1x1x16x256xf32, #tpu.memory_space<hbm>> -> memref<16x256xf32, #tpu.memory_space<hbm>>
    %dma_start3A_709 = arith.constant 16 : i32
    %dma_start3A_710 = arith.constant 0 : i32
    %dma_start3A_711 = tpu.memref_slice %arg4[%dma_start3A_701, %add3A, %dma_start3A_709, %dma_start3A_710] : memref<32x32x32x256xf32, #tpu.memory_space<hbm>> -> memref<1x1x16x256xf32, #tpu.memory_space<hbm>>
    %dma_start3A_712 = tpu.memref_squeeze %dma_start3A_711 : memref<1x1x16x256xf32, #tpu.memory_space<hbm>> -> memref<16x256xf32, #tpu.memory_space<hbm>>
    %dma_start3A_713 = arith.constant 16 : i32
    %dma_start3A_714 = arith.constant 0 : i32
    %dma_start3A_715 = tpu.memref_slice %arg7[%dma_start3A_713, %dma_start3A_714] : memref<32x256xf32, #tpu.memory_space<vmem>> -> memref<16x256xf32, #tpu.memory_space<vmem>>
    tpu.enqueue_dma source(%dma_start3A_715 : memref<16x256xf32, #tpu.memory_space<vmem>>) target(%dma_start3A_712 : memref<16x256xf32, #tpu.memory_space<hbm>>) target_semaphore(%arg8 : memref<!tpu.dma_semaphore, #tpu.memory_space<semaphore_mem>>)
    %dma_start3A_716 = arith.constant 15 : i32
    %dma_start3A_717 = arith.constant 16 : i32
    %dma_start3A_718 = arith.constant 0 : i32
    %dma_start3A_719 = tpu.memref_slice %arg7[%dma_start3A_717, %dma_start3A_718] : memref<32x256xf32, #tpu.memory_space<vmem>> -> memref<16x256xf32, #tpu.memory_space<vmem>>
    %dma_start3A_720 = arith.constant 16 : i32
    %dma_start3A_721 = arith.constant 0 : i32
    %dma_start3A_722 = tpu.memref_slice %arg4[%dma_start3A_716, %add3A, %dma_start3A_720, %dma_start3A_721] : memref<32x32x32x256xf32, #tpu.memory_space<hbm>> -> memref<1x1x16x256xf32, #tpu.memory_space<hbm>>
    %dma_start3A_723 = tpu.memref_squeeze %dma_start3A_722 : memref<1x1x16x256xf32, #tpu.memory_space<hbm>> -> memref<16x256xf32, #tpu.memory_space<hbm>>
    %dma_start3A_724 = arith.constant 16 : i32
    %dma_start3A_725 = arith.constant 0 : i32
    %dma_start3A_726 = tpu.memref_slice %arg4[%dma_start3A_716, %add3A, %dma_start3A_724, %dma_start3A_725] : memref<32x32x32x256xf32, #tpu.memory_space<hbm>> -> memref<1x1x16x256xf32, #tpu.memory_space<hbm>>
    %dma_start3A_727 = tpu.memref_squeeze %dma_start3A_726 : memref<1x1x16x256xf32, #tpu.memory_space<hbm>> -> memref<16x256xf32, #tpu.memory_space<hbm>>
    %dma_start3A_728 = arith.constant 16 : i32
    %dma_start3A_729 = arith.constant 0 : i32
    %dma_start3A_730 = tpu.memref_slice %arg7[%dma_start3A_728, %dma_start3A_729] : memref<32x256xf32, #tpu.memory_space<vmem>> -> memref<16x256xf32, #tpu.memory_space<vmem>>
    tpu.enqueue_dma source(%dma_start3A_730 : memref<16x256xf32, #tpu.memory_space<vmem>>) target(%dma_start3A_727 : memref<16x256xf32, #tpu.memory_space<hbm>>) target_semaphore(%arg8 : memref<!tpu.dma_semaphore, #tpu.memory_space<semaphore_mem>>)
    %dma_start3A_731 = arith.constant 16 : i32
    %dma_start3A_732 = arith.constant 16 : i32
    %dma_start3A_733 = arith.constant 0 : i32
    %dma_start3A_734 = tpu.memref_slice %arg7[%dma_start3A_732, %dma_start3A_733] : memref<32x256xf32, #tpu.memory_space<vmem>> -> memref<16x256xf32, #tpu.memory_space<vmem>>
    %dma_start3A_735 = arith.constant 16 : i32
    %dma_start3A_736 = arith.constant 0 : i32
    %dma_start3A_737 = tpu.memref_slice %arg4[%dma_start3A_731, %add3A, %dma_start3A_735, %dma_start3A_736] : memref<32x32x32x256xf32, #tpu.memory_space<hbm>> -> memref<1x1x16x256xf32, #tpu.memory_space<hbm>>
    %dma_start3A_738 = tpu.memref_squeeze %dma_start3A_737 : memref<1x1x16x256xf32, #tpu.memory_space<hbm>> -> memref<16x256xf32, #tpu.memory_space<hbm>>
    %dma_start3A_739 = arith.constant 16 : i32
    %dma_start3A_740 = arith.constant 0 : i32
    %dma_start3A_741 = tpu.memref_slice %arg4[%dma_start3A_731, %add3A, %dma_start3A_739, %dma_start3A_740] : memref<32x32x32x256xf32, #tpu.memory_space<hbm>> -> memref<1x1x16x256xf32, #tpu.memory_space<hbm>>
    %dma_start3A_742 = tpu.memref_squeeze %dma_start3A_741 : memref<1x1x16x256xf32, #tpu.memory_space<hbm>> -> memref<16x256xf32, #tpu.memory_space<hbm>>
    %dma_start3A_743 = arith.constant 16 : i32
    %dma_start3A_744 = arith.constant 0 : i32
    %dma_start3A_745 = tpu.memref_slice %arg7[%dma_start3A_743, %dma_start3A_744] : memref<32x256xf32, #tpu.memory_space<vmem>> -> memref<16x256xf32, #tpu.memory_space<vmem>>
    tpu.enqueue_dma source(%dma_start3A_745 : memref<16x256xf32, #tpu.memory_space<vmem>>) target(%dma_start3A_742 : memref<16x256xf32, #tpu.memory_space<hbm>>) target_semaphore(%arg8 : memref<!tpu.dma_semaphore, #tpu.memory_space<semaphore_mem>>)
    %dma_start3A_746 = arith.constant 17 : i32
    %dma_start3A_747 = arith.constant 16 : i32
    %dma_start3A_748 = arith.constant 0 : i32
    %dma_start3A_749 = tpu.memref_slice %arg7[%dma_start3A_747, %dma_start3A_748] : memref<32x256xf32, #tpu.memory_space<vmem>> -> memref<16x256xf32, #tpu.memory_space<vmem>>
    %dma_start3A_750 = arith.constant 16 : i32
    %dma_start3A_751 = arith.constant 0 : i32
    %dma_start3A_752 = tpu.memref_slice %arg4[%dma_start3A_746, %add3A, %dma_start3A_750, %dma_start3A_751] : memref<32x32x32x256xf32, #tpu.memory_space<hbm>> -> memref<1x1x16x256xf32, #tpu.memory_space<hbm>>
    %dma_start3A_753 = tpu.memref_squeeze %dma_start3A_752 : memref<1x1x16x256xf32, #tpu.memory_space<hbm>> -> memref<16x256xf32, #tpu.memory_space<hbm>>
    %dma_start3A_754 = arith.constant 16 : i32
    %dma_start3A_755 = arith.constant 0 : i32
    %dma_start3A_756 = tpu.memref_slice %arg4[%dma_start3A_746, %add3A, %dma_start3A_754, %dma_start3A_755] : memref<32x32x32x256xf32, #tpu.memory_space<hbm>> -> memref<1x1x16x256xf32, #tpu.memory_space<hbm>>
    %dma_start3A_757 = tpu.memref_squeeze %dma_start3A_756 : memref<1x1x16x256xf32, #tpu.memory_space<hbm>> -> memref<16x256xf32, #tpu.memory_space<hbm>>
    %dma_start3A_758 = arith.constant 16 : i32
    %dma_start3A_759 = arith.constant 0 : i32
    %dma_start3A_760 = tpu.memref_slice %arg7[%dma_start3A_758, %dma_start3A_759] : memref<32x256xf32, #tpu.memory_space<vmem>> -> memref<16x256xf32, #tpu.memory_space<vmem>>
    tpu.enqueue_dma source(%dma_start3A_760 : memref<16x256xf32, #tpu.memory_space<vmem>>) target(%dma_start3A_757 : memref<16x256xf32, #tpu.memory_space<hbm>>) target_semaphore(%arg8 : memref<!tpu.dma_semaphore, #tpu.memory_space<semaphore_mem>>)
    %dma_start3A_761 = arith.constant 18 : i32
    %dma_start3A_762 = arith.constant 16 : i32
    %dma_start3A_763 = arith.constant 0 : i32
    %dma_start3A_764 = tpu.memref_slice %arg7[%dma_start3A_762, %dma_start3A_763] : memref<32x256xf32, #tpu.memory_space<vmem>> -> memref<16x256xf32, #tpu.memory_space<vmem>>
    %dma_start3A_765 = arith.constant 16 : i32
    %dma_start3A_766 = arith.constant 0 : i32
    %dma_start3A_767 = tpu.memref_slice %arg4[%dma_start3A_761, %add3A, %dma_start3A_765, %dma_start3A_766] : memref<32x32x32x256xf32, #tpu.memory_space<hbm>> -> memref<1x1x16x256xf32, #tpu.memory_space<hbm>>
    %dma_start3A_768 = tpu.memref_squeeze %dma_start3A_767 : memref<1x1x16x256xf32, #tpu.memory_space<hbm>> -> memref<16x256xf32, #tpu.memory_space<hbm>>
    %dma_start3A_769 = arith.constant 16 : i32
    %dma_start3A_770 = arith.constant 0 : i32
    %dma_start3A_771 = tpu.memref_slice %arg4[%dma_start3A_761, %add3A, %dma_start3A_769, %dma_start3A_770] : memref<32x32x32x256xf32, #tpu.memory_space<hbm>> -> memref<1x1x16x256xf32, #tpu.memory_space<hbm>>
    %dma_start3A_772 = tpu.memref_squeeze %dma_start3A_771 : memref<1x1x16x256xf32, #tpu.memory_space<hbm>> -> memref<16x256xf32, #tpu.memory_space<hbm>>
    %dma_start3A_773 = arith.constant 16 : i32
    %dma_start3A_774 = arith.constant 0 : i32
    %dma_start3A_775 = tpu.memref_slice %arg7[%dma_start3A_773, %dma_start3A_774] : memref<32x256xf32, #tpu.memory_space<vmem>> -> memref<16x256xf32, #tpu.memory_space<vmem>>
    tpu.enqueue_dma source(%dma_start3A_775 : memref<16x256xf32, #tpu.memory_space<vmem>>) target(%dma_start3A_772 : memref<16x256xf32, #tpu.memory_space<hbm>>) target_semaphore(%arg8 : memref<!tpu.dma_semaphore, #tpu.memory_space<semaphore_mem>>)
    %dma_start3A_776 = arith.constant 19 : i32
    %dma_start3A_777 = arith.constant 16 : i32
    %dma_start3A_778 = arith.constant 0 : i32
    %dma_start3A_779 = tpu.memref_slice %arg7[%dma_start3A_777, %dma_start3A_778] : memref<32x256xf32, #tpu.memory_space<vmem>> -> memref<16x256xf32, #tpu.memory_space<vmem>>
    %dma_start3A_780 = arith.constant 16 : i32
    %dma_start3A_781 = arith.constant 0 : i32
    %dma_start3A_782 = tpu.memref_slice %arg4[%dma_start3A_776, %add3A, %dma_start3A_780, %dma_start3A_781] : memref<32x32x32x256xf32, #tpu.memory_space<hbm>> -> memref<1x1x16x256xf32, #tpu.memory_space<hbm>>
    %dma_start3A_783 = tpu.memref_squeeze %dma_start3A_782 : memref<1x1x16x256xf32, #tpu.memory_space<hbm>> -> memref<16x256xf32, #tpu.memory_space<hbm>>
    %dma_start3A_784 = arith.constant 16 : i32
    %dma_start3A_785 = arith.constant 0 : i32
    %dma_start3A_786 = tpu.memref_slice %arg4[%dma_start3A_776, %add3A, %dma_start3A_784, %dma_start3A_785] : memref<32x32x32x256xf32, #tpu.memory_space<hbm>> -> memref<1x1x16x256xf32, #tpu.memory_space<hbm>>
    %dma_start3A_787 = tpu.memref_squeeze %dma_start3A_786 : memref<1x1x16x256xf32, #tpu.memory_space<hbm>> -> memref<16x256xf32, #tpu.memory_space<hbm>>
    %dma_start3A_788 = arith.constant 16 : i32
    %dma_start3A_789 = arith.constant 0 : i32
    %dma_start3A_790 = tpu.memref_slice %arg7[%dma_start3A_788, %dma_start3A_789] : memref<32x256xf32, #tpu.memory_space<vmem>> -> memref<16x256xf32, #tpu.memory_space<vmem>>
    tpu.enqueue_dma source(%dma_start3A_790 : memref<16x256xf32, #tpu.memory_space<vmem>>) target(%dma_start3A_787 : memref<16x256xf32, #tpu.memory_space<hbm>>) target_semaphore(%arg8 : memref<!tpu.dma_semaphore, #tpu.memory_space<semaphore_mem>>)
    %dma_start3A_791 = arith.constant 20 : i32
    %dma_start3A_792 = arith.constant 16 : i32
    %dma_start3A_793 = arith.constant 0 : i32
    %dma_start3A_794 = tpu.memref_slice %arg7[%dma_start3A_792, %dma_start3A_793] : memref<32x256xf32, #tpu.memory_space<vmem>> -> memref<16x256xf32, #tpu.memory_space<vmem>>
    %dma_start3A_795 = arith.constant 16 : i32
    %dma_start3A_796 = arith.constant 0 : i32
    %dma_start3A_797 = tpu.memref_slice %arg4[%dma_start3A_791, %add3A, %dma_start3A_795, %dma_start3A_796] : memref<32x32x32x256xf32, #tpu.memory_space<hbm>> -> memref<1x1x16x256xf32, #tpu.memory_space<hbm>>
    %dma_start3A_798 = tpu.memref_squeeze %dma_start3A_797 : memref<1x1x16x256xf32, #tpu.memory_space<hbm>> -> memref<16x256xf32, #tpu.memory_space<hbm>>
    %dma_start3A_799 = arith.constant 16 : i32
    %dma_start3A_800 = arith.constant 0 : i32
    %dma_start3A_801 = tpu.memref_slice %arg4[%dma_start3A_791, %add3A, %dma_start3A_799, %dma_start3A_800] : memref<32x32x32x256xf32, #tpu.memory_space<hbm>> -> memref<1x1x16x256xf32, #tpu.memory_space<hbm>>
    %dma_start3A_802 = tpu.memref_squeeze %dma_start3A_801 : memref<1x1x16x256xf32, #tpu.memory_space<hbm>> -> memref<16x256xf32, #tpu.memory_space<hbm>>
    %dma_start3A_803 = arith.constant 16 : i32
    %dma_start3A_804 = arith.constant 0 : i32
    %dma_start3A_805 = tpu.memref_slice %arg7[%dma_start3A_803, %dma_start3A_804] : memref<32x256xf32, #tpu.memory_space<vmem>> -> memref<16x256xf32, #tpu.memory_space<vmem>>
    tpu.enqueue_dma source(%dma_start3A_805 : memref<16x256xf32, #tpu.memory_space<vmem>>) target(%dma_start3A_802 : memref<16x256xf32, #tpu.memory_space<hbm>>) target_semaphore(%arg8 : memref<!tpu.dma_semaphore, #tpu.memory_space<semaphore_mem>>)
    %dma_start3A_806 = arith.constant 21 : i32
    %dma_start3A_807 = arith.constant 16 : i32
    %dma_start3A_808 = arith.constant 0 : i32
    %dma_start3A_809 = tpu.memref_slice %arg7[%dma_start3A_807, %dma_start3A_808] : memref<32x256xf32, #tpu.memory_space<vmem>> -> memref<16x256xf32, #tpu.memory_space<vmem>>
    %dma_start3A_810 = arith.constant 16 : i32
    %dma_start3A_811 = arith.constant 0 : i32
    %dma_start3A_812 = tpu.memref_slice %arg4[%dma_start3A_806, %add3A, %dma_start3A_810, %dma_start3A_811] : memref<32x32x32x256xf32, #tpu.memory_space<hbm>> -> memref<1x1x16x256xf32, #tpu.memory_space<hbm>>
    %dma_start3A_813 = tpu.memref_squeeze %dma_start3A_812 : memref<1x1x16x256xf32, #tpu.memory_space<hbm>> -> memref<16x256xf32, #tpu.memory_space<hbm>>
    %dma_start3A_814 = arith.constant 16 : i32
    %dma_start3A_815 = arith.constant 0 : i32
    %dma_start3A_816 = tpu.memref_slice %arg4[%dma_start3A_806, %add3A, %dma_start3A_814, %dma_start3A_815] : memref<32x32x32x256xf32, #tpu.memory_space<hbm>> -> memref<1x1x16x256xf32, #tpu.memory_space<hbm>>
    %dma_start3A_817 = tpu.memref_squeeze %dma_start3A_816 : memref<1x1x16x256xf32, #tpu.memory_space<hbm>> -> memref<16x256xf32, #tpu.memory_space<hbm>>
    %dma_start3A_818 = arith.constant 16 : i32
    %dma_start3A_819 = arith.constant 0 : i32
    %dma_start3A_820 = tpu.memref_slice %arg7[%dma_start3A_818, %dma_start3A_819] : memref<32x256xf32, #tpu.memory_space<vmem>> -> memref<16x256xf32, #tpu.memory_space<vmem>>
    tpu.enqueue_dma source(%dma_start3A_820 : memref<16x256xf32, #tpu.memory_space<vmem>>) target(%dma_start3A_817 : memref<16x256xf32, #tpu.memory_space<hbm>>) target_semaphore(%arg8 : memref<!tpu.dma_semaphore, #tpu.memory_space<semaphore_mem>>)
    %dma_start3A_821 = arith.constant 22 : i32
    %dma_start3A_822 = arith.constant 16 : i32
    %dma_start3A_823 = arith.constant 0 : i32
    %dma_start3A_824 = tpu.memref_slice %arg7[%dma_start3A_822, %dma_start3A_823] : memref<32x256xf32, #tpu.memory_space<vmem>> -> memref<16x256xf32, #tpu.memory_space<vmem>>
    %dma_start3A_825 = arith.constant 16 : i32
    %dma_start3A_826 = arith.constant 0 : i32
    %dma_start3A_827 = tpu.memref_slice %arg4[%dma_start3A_821, %add3A, %dma_start3A_825, %dma_start3A_826] : memref<32x32x32x256xf32, #tpu.memory_space<hbm>> -> memref<1x1x16x256xf32, #tpu.memory_space<hbm>>
    %dma_start3A_828 = tpu.memref_squeeze %dma_start3A_827 : memref<1x1x16x256xf32, #tpu.memory_space<hbm>> -> memref<16x256xf32, #tpu.memory_space<hbm>>
    %dma_start3A_829 = arith.constant 16 : i32
    %dma_start3A_830 = arith.constant 0 : i32
    %dma_start3A_831 = tpu.memref_slice %arg4[%dma_start3A_821, %add3A, %dma_start3A_829, %dma_start3A_830] : memref<32x32x32x256xf32, #tpu.memory_space<hbm>> -> memref<1x1x16x256xf32, #tpu.memory_space<hbm>>
    %dma_start3A_832 = tpu.memref_squeeze %dma_start3A_831 : memref<1x1x16x256xf32, #tpu.memory_space<hbm>> -> memref<16x256xf32, #tpu.memory_space<hbm>>
    %dma_start3A_833 = arith.constant 16 : i32
    %dma_start3A_834 = arith.constant 0 : i32
    %dma_start3A_835 = tpu.memref_slice %arg7[%dma_start3A_833, %dma_start3A_834] : memref<32x256xf32, #tpu.memory_space<vmem>> -> memref<16x256xf32, #tpu.memory_space<vmem>>
    tpu.enqueue_dma source(%dma_start3A_835 : memref<16x256xf32, #tpu.memory_space<vmem>>) target(%dma_start3A_832 : memref<16x256xf32, #tpu.memory_space<hbm>>) target_semaphore(%arg8 : memref<!tpu.dma_semaphore, #tpu.memory_space<semaphore_mem>>)
    %dma_start3A_836 = arith.constant 23 : i32
    %dma_start3A_837 = arith.constant 16 : i32
    %dma_start3A_838 = arith.constant 0 : i32
    %dma_start3A_839 = tpu.memref_slice %arg7[%dma_start3A_837, %dma_start3A_838] : memref<32x256xf32, #tpu.memory_space<vmem>> -> memref<16x256xf32, #tpu.memory_space<vmem>>
    %dma_start3A_840 = arith.constant 16 : i32
    %dma_start3A_841 = arith.constant 0 : i32
    %dma_start3A_842 = tpu.memref_slice %arg4[%dma_start3A_836, %add3A, %dma_start3A_840, %dma_start3A_841] : memref<32x32x32x256xf32, #tpu.memory_space<hbm>> -> memref<1x1x16x256xf32, #tpu.memory_space<hbm>>
    %dma_start3A_843 = tpu.memref_squeeze %dma_start3A_842 : memref<1x1x16x256xf32, #tpu.memory_space<hbm>> -> memref<16x256xf32, #tpu.memory_space<hbm>>
    %dma_start3A_844 = arith.constant 16 : i32
    %dma_start3A_845 = arith.constant 0 : i32
    %dma_start3A_846 = tpu.memref_slice %arg4[%dma_start3A_836, %add3A, %dma_start3A_844, %dma_start3A_845] : memref<32x32x32x256xf32, #tpu.memory_space<hbm>> -> memref<1x1x16x256xf32, #tpu.memory_space<hbm>>
    %dma_start3A_847 = tpu.memref_squeeze %dma_start3A_846 : memref<1x1x16x256xf32, #tpu.memory_space<hbm>> -> memref<16x256xf32, #tpu.memory_space<hbm>>
    %dma_start3A_848 = arith.constant 16 : i32
    %dma_start3A_849 = arith.constant 0 : i32
    %dma_start3A_850 = tpu.memref_slice %arg7[%dma_start3A_848, %dma_start3A_849] : memref<32x256xf32, #tpu.memory_space<vmem>> -> memref<16x256xf32, #tpu.memory_space<vmem>>
    tpu.enqueue_dma source(%dma_start3A_850 : memref<16x256xf32, #tpu.memory_space<vmem>>) target(%dma_start3A_847 : memref<16x256xf32, #tpu.memory_space<hbm>>) target_semaphore(%arg8 : memref<!tpu.dma_semaphore, #tpu.memory_space<semaphore_mem>>)
    %dma_start3A_851 = arith.constant 24 : i32
    %dma_start3A_852 = arith.constant 16 : i32
    %dma_start3A_853 = arith.constant 0 : i32
    %dma_start3A_854 = tpu.memref_slice %arg7[%dma_start3A_852, %dma_start3A_853] : memref<32x256xf32, #tpu.memory_space<vmem>> -> memref<16x256xf32, #tpu.memory_space<vmem>>
    %dma_start3A_855 = arith.constant 16 : i32
    %dma_start3A_856 = arith.constant 0 : i32
    %dma_start3A_857 = tpu.memref_slice %arg4[%dma_start3A_851, %add3A, %dma_start3A_855, %dma_start3A_856] : memref<32x32x32x256xf32, #tpu.memory_space<hbm>> -> memref<1x1x16x256xf32, #tpu.memory_space<hbm>>
    %dma_start3A_858 = tpu.memref_squeeze %dma_start3A_857 : memref<1x1x16x256xf32, #tpu.memory_space<hbm>> -> memref<16x256xf32, #tpu.memory_space<hbm>>
    %dma_start3A_859 = arith.constant 16 : i32
    %dma_start3A_860 = arith.constant 0 : i32
    %dma_start3A_861 = tpu.memref_slice %arg4[%dma_start3A_851, %add3A, %dma_start3A_859, %dma_start3A_860] : memref<32x32x32x256xf32, #tpu.memory_space<hbm>> -> memref<1x1x16x256xf32, #tpu.memory_space<hbm>>
    %dma_start3A_862 = tpu.memref_squeeze %dma_start3A_861 : memref<1x1x16x256xf32, #tpu.memory_space<hbm>> -> memref<16x256xf32, #tpu.memory_space<hbm>>
    %dma_start3A_863 = arith.constant 16 : i32
    %dma_start3A_864 = arith.constant 0 : i32
    %dma_start3A_865 = tpu.memref_slice %arg7[%dma_start3A_863, %dma_start3A_864] : memref<32x256xf32, #tpu.memory_space<vmem>> -> memref<16x256xf32, #tpu.memory_space<vmem>>
    tpu.enqueue_dma source(%dma_start3A_865 : memref<16x256xf32, #tpu.memory_space<vmem>>) target(%dma_start3A_862 : memref<16x256xf32, #tpu.memory_space<hbm>>) target_semaphore(%arg8 : memref<!tpu.dma_semaphore, #tpu.memory_space<semaphore_mem>>)
    %dma_start3A_866 = arith.constant 25 : i32
    %dma_start3A_867 = arith.constant 16 : i32
    %dma_start3A_868 = arith.constant 0 : i32
    %dma_start3A_869 = tpu.memref_slice %arg7[%dma_start3A_867, %dma_start3A_868] : memref<32x256xf32, #tpu.memory_space<vmem>> -> memref<16x256xf32, #tpu.memory_space<vmem>>
    %dma_start3A_870 = arith.constant 16 : i32
    %dma_start3A_871 = arith.constant 0 : i32
    %dma_start3A_872 = tpu.memref_slice %arg4[%dma_start3A_866, %add3A, %dma_start3A_870, %dma_start3A_871] : memref<32x32x32x256xf32, #tpu.memory_space<hbm>> -> memref<1x1x16x256xf32, #tpu.memory_space<hbm>>
    %dma_start3A_873 = tpu.memref_squeeze %dma_start3A_872 : memref<1x1x16x256xf32, #tpu.memory_space<hbm>> -> memref<16x256xf32, #tpu.memory_space<hbm>>
    %dma_start3A_874 = arith.constant 16 : i32
    %dma_start3A_875 = arith.constant 0 : i32
    %dma_start3A_876 = tpu.memref_slice %arg4[%dma_start3A_866, %add3A, %dma_start3A_874, %dma_start3A_875] : memref<32x32x32x256xf32, #tpu.memory_space<hbm>> -> memref<1x1x16x256xf32, #tpu.memory_space<hbm>>
    %dma_start3A_877 = tpu.memref_squeeze %dma_start3A_876 : memref<1x1x16x256xf32, #tpu.memory_space<hbm>> -> memref<16x256xf32, #tpu.memory_space<hbm>>
    %dma_start3A_878 = arith.constant 16 : i32
    %dma_start3A_879 = arith.constant 0 : i32
    %dma_start3A_880 = tpu.memref_slice %arg7[%dma_start3A_878, %dma_start3A_879] : memref<32x256xf32, #tpu.memory_space<vmem>> -> memref<16x256xf32, #tpu.memory_space<vmem>>
    tpu.enqueue_dma source(%dma_start3A_880 : memref<16x256xf32, #tpu.memory_space<vmem>>) target(%dma_start3A_877 : memref<16x256xf32, #tpu.memory_space<hbm>>) target_semaphore(%arg8 : memref<!tpu.dma_semaphore, #tpu.memory_space<semaphore_mem>>)
    %dma_start3A_881 = arith.constant 26 : i32
    %dma_start3A_882 = arith.constant 16 : i32
    %dma_start3A_883 = arith.constant 0 : i32
    %dma_start3A_884 = tpu.memref_slice %arg7[%dma_start3A_882, %dma_start3A_883] : memref<32x256xf32, #tpu.memory_space<vmem>> -> memref<16x256xf32, #tpu.memory_space<vmem>>
    %dma_start3A_885 = arith.constant 16 : i32
    %dma_start3A_886 = arith.constant 0 : i32
    %dma_start3A_887 = tpu.memref_slice %arg4[%dma_start3A_881, %add3A, %dma_start3A_885, %dma_start3A_886] : memref<32x32x32x256xf32, #tpu.memory_space<hbm>> -> memref<1x1x16x256xf32, #tpu.memory_space<hbm>>
    %dma_start3A_888 = tpu.memref_squeeze %dma_start3A_887 : memref<1x1x16x256xf32, #tpu.memory_space<hbm>> -> memref<16x256xf32, #tpu.memory_space<hbm>>
    %dma_start3A_889 = arith.constant 16 : i32
    %dma_start3A_890 = arith.constant 0 : i32
    %dma_start3A_891 = tpu.memref_slice %arg4[%dma_start3A_881, %add3A, %dma_start3A_889, %dma_start3A_890] : memref<32x32x32x256xf32, #tpu.memory_space<hbm>> -> memref<1x1x16x256xf32, #tpu.memory_space<hbm>>
    %dma_start3A_892 = tpu.memref_squeeze %dma_start3A_891 : memref<1x1x16x256xf32, #tpu.memory_space<hbm>> -> memref<16x256xf32, #tpu.memory_space<hbm>>
    %dma_start3A_893 = arith.constant 16 : i32
    %dma_start3A_894 = arith.constant 0 : i32
    %dma_start3A_895 = tpu.memref_slice %arg7[%dma_start3A_893, %dma_start3A_894] : memref<32x256xf32, #tpu.memory_space<vmem>> -> memref<16x256xf32, #tpu.memory_space<vmem>>
    tpu.enqueue_dma source(%dma_start3A_895 : memref<16x256xf32, #tpu.memory_space<vmem>>) target(%dma_start3A_892 : memref<16x256xf32, #tpu.memory_space<hbm>>) target_semaphore(%arg8 : memref<!tpu.dma_semaphore, #tpu.memory_space<semaphore_mem>>)
    %dma_start3A_896 = arith.constant 27 : i32
    %dma_start3A_897 = arith.constant 16 : i32
    %dma_start3A_898 = arith.constant 0 : i32
    %dma_start3A_899 = tpu.memref_slice %arg7[%dma_start3A_897, %dma_start3A_898] : memref<32x256xf32, #tpu.memory_space<vmem>> -> memref<16x256xf32, #tpu.memory_space<vmem>>
    %dma_start3A_900 = arith.constant 16 : i32
    %dma_start3A_901 = arith.constant 0 : i32
    %dma_start3A_902 = tpu.memref_slice %arg4[%dma_start3A_896, %add3A, %dma_start3A_900, %dma_start3A_901] : memref<32x32x32x256xf32, #tpu.memory_space<hbm>> -> memref<1x1x16x256xf32, #tpu.memory_space<hbm>>
    %dma_start3A_903 = tpu.memref_squeeze %dma_start3A_902 : memref<1x1x16x256xf32, #tpu.memory_space<hbm>> -> memref<16x256xf32, #tpu.memory_space<hbm>>
    %dma_start3A_904 = arith.constant 16 : i32
    %dma_start3A_905 = arith.constant 0 : i32
    %dma_start3A_906 = tpu.memref_slice %arg4[%dma_start3A_896, %add3A, %dma_start3A_904, %dma_start3A_905] : memref<32x32x32x256xf32, #tpu.memory_space<hbm>> -> memref<1x1x16x256xf32, #tpu.memory_space<hbm>>
    %dma_start3A_907 = tpu.memref_squeeze %dma_start3A_906 : memref<1x1x16x256xf32, #tpu.memory_space<hbm>> -> memref<16x256xf32, #tpu.memory_space<hbm>>
    %dma_start3A_908 = arith.constant 16 : i32
    %dma_start3A_909 = arith.constant 0 : i32
    %dma_start3A_910 = tpu.memref_slice %arg7[%dma_start3A_908, %dma_start3A_909] : memref<32x256xf32, #tpu.memory_space<vmem>> -> memref<16x256xf32, #tpu.memory_space<vmem>>
    tpu.enqueue_dma source(%dma_start3A_910 : memref<16x256xf32, #tpu.memory_space<vmem>>) target(%dma_start3A_907 : memref<16x256xf32, #tpu.memory_space<hbm>>) target_semaphore(%arg8 : memref<!tpu.dma_semaphore, #tpu.memory_space<semaphore_mem>>)
    %dma_start3A_911 = arith.constant 28 : i32
    %dma_start3A_912 = arith.constant 16 : i32
    %dma_start3A_913 = arith.constant 0 : i32
    %dma_start3A_914 = tpu.memref_slice %arg7[%dma_start3A_912, %dma_start3A_913] : memref<32x256xf32, #tpu.memory_space<vmem>> -> memref<16x256xf32, #tpu.memory_space<vmem>>
    %dma_start3A_915 = arith.constant 16 : i32
    %dma_start3A_916 = arith.constant 0 : i32
    %dma_start3A_917 = tpu.memref_slice %arg4[%dma_start3A_911, %add3A, %dma_start3A_915, %dma_start3A_916] : memref<32x32x32x256xf32, #tpu.memory_space<hbm>> -> memref<1x1x16x256xf32, #tpu.memory_space<hbm>>
    %dma_start3A_918 = tpu.memref_squeeze %dma_start3A_917 : memref<1x1x16x256xf32, #tpu.memory_space<hbm>> -> memref<16x256xf32, #tpu.memory_space<hbm>>
    %dma_start3A_919 = arith.constant 16 : i32
    %dma_start3A_920 = arith.constant 0 : i32
    %dma_start3A_921 = tpu.memref_slice %arg4[%dma_start3A_911, %add3A, %dma_start3A_919, %dma_start3A_920] : memref<32x32x32x256xf32, #tpu.memory_space<hbm>> -> memref<1x1x16x256xf32, #tpu.memory_space<hbm>>
    %dma_start3A_922 = tpu.memref_squeeze %dma_start3A_921 : memref<1x1x16x256xf32, #tpu.memory_space<hbm>> -> memref<16x256xf32, #tpu.memory_space<hbm>>
    %dma_start3A_923 = arith.constant 16 : i32
    %dma_start3A_924 = arith.constant 0 : i32
    %dma_start3A_925 = tpu.memref_slice %arg7[%dma_start3A_923, %dma_start3A_924] : memref<32x256xf32, #tpu.memory_space<vmem>> -> memref<16x256xf32, #tpu.memory_space<vmem>>
    tpu.enqueue_dma source(%dma_start3A_925 : memref<16x256xf32, #tpu.memory_space<vmem>>) target(%dma_start3A_922 : memref<16x256xf32, #tpu.memory_space<hbm>>) target_semaphore(%arg8 : memref<!tpu.dma_semaphore, #tpu.memory_space<semaphore_mem>>)
    %dma_start3A_926 = arith.constant 29 : i32
    %dma_start3A_927 = arith.constant 16 : i32
    %dma_start3A_928 = arith.constant 0 : i32
    %dma_start3A_929 = tpu.memref_slice %arg7[%dma_start3A_927, %dma_start3A_928] : memref<32x256xf32, #tpu.memory_space<vmem>> -> memref<16x256xf32, #tpu.memory_space<vmem>>
    %dma_start3A_930 = arith.constant 16 : i32
    %dma_start3A_931 = arith.constant 0 : i32
    %dma_start3A_932 = tpu.memref_slice %arg4[%dma_start3A_926, %add3A, %dma_start3A_930, %dma_start3A_931] : memref<32x32x32x256xf32, #tpu.memory_space<hbm>> -> memref<1x1x16x256xf32, #tpu.memory_space<hbm>>
    %dma_start3A_933 = tpu.memref_squeeze %dma_start3A_932 : memref<1x1x16x256xf32, #tpu.memory_space<hbm>> -> memref<16x256xf32, #tpu.memory_space<hbm>>
    %dma_start3A_934 = arith.constant 16 : i32
    %dma_start3A_935 = arith.constant 0 : i32
    %dma_start3A_936 = tpu.memref_slice %arg4[%dma_start3A_926, %add3A, %dma_start3A_934, %dma_start3A_935] : memref<32x32x32x256xf32, #tpu.memory_space<hbm>> -> memref<1x1x16x256xf32, #tpu.memory_space<hbm>>
    %dma_start3A_937 = tpu.memref_squeeze %dma_start3A_936 : memref<1x1x16x256xf32, #tpu.memory_space<hbm>> -> memref<16x256xf32, #tpu.memory_space<hbm>>
    %dma_start3A_938 = arith.constant 16 : i32
    %dma_start3A_939 = arith.constant 0 : i32
    %dma_start3A_940 = tpu.memref_slice %arg7[%dma_start3A_938, %dma_start3A_939] : memref<32x256xf32, #tpu.memory_space<vmem>> -> memref<16x256xf32, #tpu.memory_space<vmem>>
    tpu.enqueue_dma source(%dma_start3A_940 : memref<16x256xf32, #tpu.memory_space<vmem>>) target(%dma_start3A_937 : memref<16x256xf32, #tpu.memory_space<hbm>>) target_semaphore(%arg8 : memref<!tpu.dma_semaphore, #tpu.memory_space<semaphore_mem>>)
    %dma_start3A_941 = arith.constant 30 : i32
    %dma_start3A_942 = arith.constant 16 : i32
    %dma_start3A_943 = arith.constant 0 : i32
    %dma_start3A_944 = tpu.memref_slice %arg7[%dma_start3A_942, %dma_start3A_943] : memref<32x256xf32, #tpu.memory_space<vmem>> -> memref<16x256xf32, #tpu.memory_space<vmem>>
    %dma_start3A_945 = arith.constant 16 : i32
    %dma_start3A_946 = arith.constant 0 : i32
    %dma_start3A_947 = tpu.memref_slice %arg4[%dma_start3A_941, %add3A, %dma_start3A_945, %dma_start3A_946] : memref<32x32x32x256xf32, #tpu.memory_space<hbm>> -> memref<1x1x16x256xf32, #tpu.memory_space<hbm>>
    %dma_start3A_948 = tpu.memref_squeeze %dma_start3A_947 : memref<1x1x16x256xf32, #tpu.memory_space<hbm>> -> memref<16x256xf32, #tpu.memory_space<hbm>>
    %dma_start3A_949 = arith.constant 16 : i32
    %dma_start3A_950 = arith.constant 0 : i32
    %dma_start3A_951 = tpu.memref_slice %arg4[%dma_start3A_941, %add3A, %dma_start3A_949, %dma_start3A_950] : memref<32x32x32x256xf32, #tpu.memory_space<hbm>> -> memref<1x1x16x256xf32, #tpu.memory_space<hbm>>
    %dma_start3A_952 = tpu.memref_squeeze %dma_start3A_951 : memref<1x1x16x256xf32, #tpu.memory_space<hbm>> -> memref<16x256xf32, #tpu.memory_space<hbm>>
    %dma_start3A_953 = arith.constant 16 : i32
    %dma_start3A_954 = arith.constant 0 : i32
    %dma_start3A_955 = tpu.memref_slice %arg7[%dma_start3A_953, %dma_start3A_954] : memref<32x256xf32, #tpu.memory_space<vmem>> -> memref<16x256xf32, #tpu.memory_space<vmem>>
    tpu.enqueue_dma source(%dma_start3A_955 : memref<16x256xf32, #tpu.memory_space<vmem>>) target(%dma_start3A_952 : memref<16x256xf32, #tpu.memory_space<hbm>>) target_semaphore(%arg8 : memref<!tpu.dma_semaphore, #tpu.memory_space<semaphore_mem>>)
    %dma_start3A_956 = arith.constant 31 : i32
    %dma_start3A_957 = arith.constant 16 : i32
    %dma_start3A_958 = arith.constant 0 : i32
    %dma_start3A_959 = tpu.memref_slice %arg7[%dma_start3A_957, %dma_start3A_958] : memref<32x256xf32, #tpu.memory_space<vmem>> -> memref<16x256xf32, #tpu.memory_space<vmem>>
    %dma_start3A_960 = arith.constant 16 : i32
    %dma_start3A_961 = arith.constant 0 : i32
    %dma_start3A_962 = tpu.memref_slice %arg4[%dma_start3A_956, %add3A, %dma_start3A_960, %dma_start3A_961] : memref<32x32x32x256xf32, #tpu.memory_space<hbm>> -> memref<1x1x16x256xf32, #tpu.memory_space<hbm>>
    %dma_start3A_963 = tpu.memref_squeeze %dma_start3A_962 : memref<1x1x16x256xf32, #tpu.memory_space<hbm>> -> memref<16x256xf32, #tpu.memory_space<hbm>>
    %dma_start3A_964 = arith.constant 16 : i32
    %dma_start3A_965 = arith.constant 0 : i32
    %dma_start3A_966 = tpu.memref_slice %arg4[%dma_start3A_956, %add3A, %dma_start3A_964, %dma_start3A_965] : memref<32x32x32x256xf32, #tpu.memory_space<hbm>> -> memref<1x1x16x256xf32, #tpu.memory_space<hbm>>
    %dma_start3A_967 = tpu.memref_squeeze %dma_start3A_966 : memref<1x1x16x256xf32, #tpu.memory_space<hbm>> -> memref<16x256xf32, #tpu.memory_space<hbm>>
    %dma_start3A_968 = arith.constant 16 : i32
    %dma_start3A_969 = arith.constant 0 : i32
    %dma_start3A_970 = tpu.memref_slice %arg7[%dma_start3A_968, %dma_start3A_969] : memref<32x256xf32, #tpu.memory_space<vmem>> -> memref<16x256xf32, #tpu.memory_space<vmem>>
    tpu.enqueue_dma source(%dma_start3A_970 : memref<16x256xf32, #tpu.memory_space<vmem>>) target(%dma_start3A_967 : memref<16x256xf32, #tpu.memory_space<hbm>>) target_semaphore(%arg8 : memref<!tpu.dma_semaphore, #tpu.memory_space<semaphore_mem>>)
    %dma_wait3A = arith.constant 0 : i32
    %dma_wait3A_971 = arith.constant 0 : i32
    %dma_wait3A_972 = arith.constant 0 : i32
    %dma_wait3A_973 = tpu.memref_slice %arg7[%dma_wait3A_971, %dma_wait3A_972] : memref<32x256xf32, #tpu.memory_space<vmem>> -> memref<16x256xf32, #tpu.memory_space<vmem>>
    %dma_wait3A_974 = arith.constant 0 : i32
    %dma_wait3A_975 = arith.constant 0 : i32
    %dma_wait3A_976 = tpu.memref_slice %arg4[%dma_wait3A, %add3A, %dma_wait3A_974, %dma_wait3A_975] : memref<32x32x32x256xf32, #tpu.memory_space<hbm>> -> memref<1x1x16x256xf32, #tpu.memory_space<hbm>>
    %dma_wait3A_977 = tpu.memref_squeeze %dma_wait3A_976 : memref<1x1x16x256xf32, #tpu.memory_space<hbm>> -> memref<16x256xf32, #tpu.memory_space<hbm>>
    %dma_wait3A_978 = arith.constant 0 : i32
    %dma_wait3A_979 = arith.constant 0 : i32
    %dma_wait3A_980 = tpu.memref_slice %arg4[%dma_wait3A, %add3A, %dma_wait3A_978, %dma_wait3A_979] : memref<32x32x32x256xf32, #tpu.memory_space<hbm>> -> memref<1x1x16x256xf32, #tpu.memory_space<hbm>>
    %dma_wait3A_981 = tpu.memref_squeeze %dma_wait3A_980 : memref<1x1x16x256xf32, #tpu.memory_space<hbm>> -> memref<16x256xf32, #tpu.memory_space<hbm>>
    %dma_wait3A_982 = arith.constant 0 : i32
    %dma_wait3A_983 = arith.constant 0 : i32
    %dma_wait3A_984 = tpu.memref_slice %arg7[%dma_wait3A_982, %dma_wait3A_983] : memref<32x256xf32, #tpu.memory_space<vmem>> -> memref<16x256xf32, #tpu.memory_space<vmem>>
    tpu.wait_dma2 semaphore(%arg8 : memref<!tpu.dma_semaphore, #tpu.memory_space<semaphore_mem>>) src(%dma_wait3A_984 : memref<16x256xf32, #tpu.memory_space<vmem>>) dst(%dma_wait3A_981 : memref<16x256xf32, #tpu.memory_space<hbm>>)
    %dma_wait3A_985 = arith.constant 1 : i32
    %dma_wait3A_986 = arith.constant 0 : i32
    %dma_wait3A_987 = arith.constant 0 : i32
    %dma_wait3A_988 = tpu.memref_slice %arg7[%dma_wait3A_986, %dma_wait3A_987] : memref<32x256xf32, #tpu.memory_space<vmem>> -> memref<16x256xf32, #tpu.memory_space<vmem>>
    %dma_wait3A_989 = arith.constant 0 : i32
    %dma_wait3A_990 = arith.constant 0 : i32
    %dma_wait3A_991 = tpu.memref_slice %arg4[%dma_wait3A_985, %add3A, %dma_wait3A_989, %dma_wait3A_990] : memref<32x32x32x256xf32, #tpu.memory_space<hbm>> -> memref<1x1x16x256xf32, #tpu.memory_space<hbm>>
    %dma_wait3A_992 = tpu.memref_squeeze %dma_wait3A_991 : memref<1x1x16x256xf32, #tpu.memory_space<hbm>> -> memref<16x256xf32, #tpu.memory_space<hbm>>
    %dma_wait3A_993 = arith.constant 0 : i32
    %dma_wait3A_994 = arith.constant 0 : i32
    %dma_wait3A_995 = tpu.memref_slice %arg4[%dma_wait3A_985, %add3A, %dma_wait3A_993, %dma_wait3A_994] : memref<32x32x32x256xf32, #tpu.memory_space<hbm>> -> memref<1x1x16x256xf32, #tpu.memory_space<hbm>>
    %dma_wait3A_996 = tpu.memref_squeeze %dma_wait3A_995 : memref<1x1x16x256xf32, #tpu.memory_space<hbm>> -> memref<16x256xf32, #tpu.memory_space<hbm>>
    %dma_wait3A_997 = arith.constant 0 : i32
    %dma_wait3A_998 = arith.constant 0 : i32
    %dma_wait3A_999 = tpu.memref_slice %arg7[%dma_wait3A_997, %dma_wait3A_998] : memref<32x256xf32, #tpu.memory_space<vmem>> -> memref<16x256xf32, #tpu.memory_space<vmem>>
    tpu.wait_dma2 semaphore(%arg8 : memref<!tpu.dma_semaphore, #tpu.memory_space<semaphore_mem>>) src(%dma_wait3A_999 : memref<16x256xf32, #tpu.memory_space<vmem>>) dst(%dma_wait3A_996 : memref<16x256xf32, #tpu.memory_space<hbm>>)
    %dma_wait3A_1000 = arith.constant 2 : i32
    %dma_wait3A_1001 = arith.constant 0 : i32
    %dma_wait3A_1002 = arith.constant 0 : i32
    %dma_wait3A_1003 = tpu.memref_slice %arg7[%dma_wait3A_1001, %dma_wait3A_1002] : memref<32x256xf32, #tpu.memory_space<vmem>> -> memref<16x256xf32, #tpu.memory_space<vmem>>
    %dma_wait3A_1004 = arith.constant 0 : i32
    %dma_wait3A_1005 = arith.constant 0 : i32
    %dma_wait3A_1006 = tpu.memref_slice %arg4[%dma_wait3A_1000, %add3A, %dma_wait3A_1004, %dma_wait3A_1005] : memref<32x32x32x256xf32, #tpu.memory_space<hbm>> -> memref<1x1x16x256xf32, #tpu.memory_space<hbm>>
    %dma_wait3A_1007 = tpu.memref_squeeze %dma_wait3A_1006 : memref<1x1x16x256xf32, #tpu.memory_space<hbm>> -> memref<16x256xf32, #tpu.memory_space<hbm>>
    %dma_wait3A_1008 = arith.constant 0 : i32
    %dma_wait3A_1009 = arith.constant 0 : i32
    %dma_wait3A_1010 = tpu.memref_slice %arg4[%dma_wait3A_1000, %add3A, %dma_wait3A_1008, %dma_wait3A_1009] : memref<32x32x32x256xf32, #tpu.memory_space<hbm>> -> memref<1x1x16x256xf32, #tpu.memory_space<hbm>>
    %dma_wait3A_1011 = tpu.memref_squeeze %dma_wait3A_1010 : memref<1x1x16x256xf32, #tpu.memory_space<hbm>> -> memref<16x256xf32, #tpu.memory_space<hbm>>
    %dma_wait3A_1012 = arith.constant 0 : i32
    %dma_wait3A_1013 = arith.constant 0 : i32
    %dma_wait3A_1014 = tpu.memref_slice %arg7[%dma_wait3A_1012, %dma_wait3A_1013] : memref<32x256xf32, #tpu.memory_space<vmem>> -> memref<16x256xf32, #tpu.memory_space<vmem>>
    tpu.wait_dma2 semaphore(%arg8 : memref<!tpu.dma_semaphore, #tpu.memory_space<semaphore_mem>>) src(%dma_wait3A_1014 : memref<16x256xf32, #tpu.memory_space<vmem>>) dst(%dma_wait3A_1011 : memref<16x256xf32, #tpu.memory_space<hbm>>)
    %dma_wait3A_1015 = arith.constant 3 : i32
    %dma_wait3A_1016 = arith.constant 0 : i32
    %dma_wait3A_1017 = arith.constant 0 : i32
    %dma_wait3A_1018 = tpu.memref_slice %arg7[%dma_wait3A_1016, %dma_wait3A_1017] : memref<32x256xf32, #tpu.memory_space<vmem>> -> memref<16x256xf32, #tpu.memory_space<vmem>>
    %dma_wait3A_1019 = arith.constant 0 : i32
    %dma_wait3A_1020 = arith.constant 0 : i32
    %dma_wait3A_1021 = tpu.memref_slice %arg4[%dma_wait3A_1015, %add3A, %dma_wait3A_1019, %dma_wait3A_1020] : memref<32x32x32x256xf32, #tpu.memory_space<hbm>> -> memref<1x1x16x256xf32, #tpu.memory_space<hbm>>
    %dma_wait3A_1022 = tpu.memref_squeeze %dma_wait3A_1021 : memref<1x1x16x256xf32, #tpu.memory_space<hbm>> -> memref<16x256xf32, #tpu.memory_space<hbm>>
    %dma_wait3A_1023 = arith.constant 0 : i32
    %dma_wait3A_1024 = arith.constant 0 : i32
    %dma_wait3A_1025 = tpu.memref_slice %arg4[%dma_wait3A_1015, %add3A, %dma_wait3A_1023, %dma_wait3A_1024] : memref<32x32x32x256xf32, #tpu.memory_space<hbm>> -> memref<1x1x16x256xf32, #tpu.memory_space<hbm>>
    %dma_wait3A_1026 = tpu.memref_squeeze %dma_wait3A_1025 : memref<1x1x16x256xf32, #tpu.memory_space<hbm>> -> memref<16x256xf32, #tpu.memory_space<hbm>>
    %dma_wait3A_1027 = arith.constant 0 : i32
    %dma_wait3A_1028 = arith.constant 0 : i32
    %dma_wait3A_1029 = tpu.memref_slice %arg7[%dma_wait3A_1027, %dma_wait3A_1028] : memref<32x256xf32, #tpu.memory_space<vmem>> -> memref<16x256xf32, #tpu.memory_space<vmem>>
    tpu.wait_dma2 semaphore(%arg8 : memref<!tpu.dma_semaphore, #tpu.memory_space<semaphore_mem>>) src(%dma_wait3A_1029 : memref<16x256xf32, #tpu.memory_space<vmem>>) dst(%dma_wait3A_1026 : memref<16x256xf32, #tpu.memory_space<hbm>>)
    %dma_wait3A_1030 = arith.constant 4 : i32
    %dma_wait3A_1031 = arith.constant 0 : i32
    %dma_wait3A_1032 = arith.constant 0 : i32
    %dma_wait3A_1033 = tpu.memref_slice %arg7[%dma_wait3A_1031, %dma_wait3A_1032] : memref<32x256xf32, #tpu.memory_space<vmem>> -> memref<16x256xf32, #tpu.memory_space<vmem>>
    %dma_wait3A_1034 = arith.constant 0 : i32
    %dma_wait3A_1035 = arith.constant 0 : i32
    %dma_wait3A_1036 = tpu.memref_slice %arg4[%dma_wait3A_1030, %add3A, %dma_wait3A_1034, %dma_wait3A_1035] : memref<32x32x32x256xf32, #tpu.memory_space<hbm>> -> memref<1x1x16x256xf32, #tpu.memory_space<hbm>>
    %dma_wait3A_1037 = tpu.memref_squeeze %dma_wait3A_1036 : memref<1x1x16x256xf32, #tpu.memory_space<hbm>> -> memref<16x256xf32, #tpu.memory_space<hbm>>
    %dma_wait3A_1038 = arith.constant 0 : i32
    %dma_wait3A_1039 = arith.constant 0 : i32
    %dma_wait3A_1040 = tpu.memref_slice %arg4[%dma_wait3A_1030, %add3A, %dma_wait3A_1038, %dma_wait3A_1039] : memref<32x32x32x256xf32, #tpu.memory_space<hbm>> -> memref<1x1x16x256xf32, #tpu.memory_space<hbm>>
    %dma_wait3A_1041 = tpu.memref_squeeze %dma_wait3A_1040 : memref<1x1x16x256xf32, #tpu.memory_space<hbm>> -> memref<16x256xf32, #tpu.memory_space<hbm>>
    %dma_wait3A_1042 = arith.constant 0 : i32
    %dma_wait3A_1043 = arith.constant 0 : i32
    %dma_wait3A_1044 = tpu.memref_slice %arg7[%dma_wait3A_1042, %dma_wait3A_1043] : memref<32x256xf32, #tpu.memory_space<vmem>> -> memref<16x256xf32, #tpu.memory_space<vmem>>
    tpu.wait_dma2 semaphore(%arg8 : memref<!tpu.dma_semaphore, #tpu.memory_space<semaphore_mem>>) src(%dma_wait3A_1044 : memref<16x256xf32, #tpu.memory_space<vmem>>) dst(%dma_wait3A_1041 : memref<16x256xf32, #tpu.memory_space<hbm>>)
    %dma_wait3A_1045 = arith.constant 5 : i32
    %dma_wait3A_1046 = arith.constant 0 : i32
    %dma_wait3A_1047 = arith.constant 0 : i32
    %dma_wait3A_1048 = tpu.memref_slice %arg7[%dma_wait3A_1046, %dma_wait3A_1047] : memref<32x256xf32, #tpu.memory_space<vmem>> -> memref<16x256xf32, #tpu.memory_space<vmem>>
    %dma_wait3A_1049 = arith.constant 0 : i32
    %dma_wait3A_1050 = arith.constant 0 : i32
    %dma_wait3A_1051 = tpu.memref_slice %arg4[%dma_wait3A_1045, %add3A, %dma_wait3A_1049, %dma_wait3A_1050] : memref<32x32x32x256xf32, #tpu.memory_space<hbm>> -> memref<1x1x16x256xf32, #tpu.memory_space<hbm>>
    %dma_wait3A_1052 = tpu.memref_squeeze %dma_wait3A_1051 : memref<1x1x16x256xf32, #tpu.memory_space<hbm>> -> memref<16x256xf32, #tpu.memory_space<hbm>>
    %dma_wait3A_1053 = arith.constant 0 : i32
    %dma_wait3A_1054 = arith.constant 0 : i32
    %dma_wait3A_1055 = tpu.memref_slice %arg4[%dma_wait3A_1045, %add3A, %dma_wait3A_1053, %dma_wait3A_1054] : memref<32x32x32x256xf32, #tpu.memory_space<hbm>> -> memref<1x1x16x256xf32, #tpu.memory_space<hbm>>
    %dma_wait3A_1056 = tpu.memref_squeeze %dma_wait3A_1055 : memref<1x1x16x256xf32, #tpu.memory_space<hbm>> -> memref<16x256xf32, #tpu.memory_space<hbm>>
    %dma_wait3A_1057 = arith.constant 0 : i32
    %dma_wait3A_1058 = arith.constant 0 : i32
    %dma_wait3A_1059 = tpu.memref_slice %arg7[%dma_wait3A_1057, %dma_wait3A_1058] : memref<32x256xf32, #tpu.memory_space<vmem>> -> memref<16x256xf32, #tpu.memory_space<vmem>>
    tpu.wait_dma2 semaphore(%arg8 : memref<!tpu.dma_semaphore, #tpu.memory_space<semaphore_mem>>) src(%dma_wait3A_1059 : memref<16x256xf32, #tpu.memory_space<vmem>>) dst(%dma_wait3A_1056 : memref<16x256xf32, #tpu.memory_space<hbm>>)
    %dma_wait3A_1060 = arith.constant 6 : i32
    %dma_wait3A_1061 = arith.constant 0 : i32
    %dma_wait3A_1062 = arith.constant 0 : i32
    %dma_wait3A_1063 = tpu.memref_slice %arg7[%dma_wait3A_1061, %dma_wait3A_1062] : memref<32x256xf32, #tpu.memory_space<vmem>> -> memref<16x256xf32, #tpu.memory_space<vmem>>
    %dma_wait3A_1064 = arith.constant 0 : i32
    %dma_wait3A_1065 = arith.constant 0 : i32
    %dma_wait3A_1066 = tpu.memref_slice %arg4[%dma_wait3A_1060, %add3A, %dma_wait3A_1064, %dma_wait3A_1065] : memref<32x32x32x256xf32, #tpu.memory_space<hbm>> -> memref<1x1x16x256xf32, #tpu.memory_space<hbm>>
    %dma_wait3A_1067 = tpu.memref_squeeze %dma_wait3A_1066 : memref<1x1x16x256xf32, #tpu.memory_space<hbm>> -> memref<16x256xf32, #tpu.memory_space<hbm>>
    %dma_wait3A_1068 = arith.constant 0 : i32
    %dma_wait3A_1069 = arith.constant 0 : i32
    %dma_wait3A_1070 = tpu.memref_slice %arg4[%dma_wait3A_1060, %add3A, %dma_wait3A_1068, %dma_wait3A_1069] : memref<32x32x32x256xf32, #tpu.memory_space<hbm>> -> memref<1x1x16x256xf32, #tpu.memory_space<hbm>>
    %dma_wait3A_1071 = tpu.memref_squeeze %dma_wait3A_1070 : memref<1x1x16x256xf32, #tpu.memory_space<hbm>> -> memref<16x256xf32, #tpu.memory_space<hbm>>
    %dma_wait3A_1072 = arith.constant 0 : i32
    %dma_wait3A_1073 = arith.constant 0 : i32
    %dma_wait3A_1074 = tpu.memref_slice %arg7[%dma_wait3A_1072, %dma_wait3A_1073] : memref<32x256xf32, #tpu.memory_space<vmem>> -> memref<16x256xf32, #tpu.memory_space<vmem>>
    tpu.wait_dma2 semaphore(%arg8 : memref<!tpu.dma_semaphore, #tpu.memory_space<semaphore_mem>>) src(%dma_wait3A_1074 : memref<16x256xf32, #tpu.memory_space<vmem>>) dst(%dma_wait3A_1071 : memref<16x256xf32, #tpu.memory_space<hbm>>)
    %dma_wait3A_1075 = arith.constant 7 : i32
    %dma_wait3A_1076 = arith.constant 0 : i32
    %dma_wait3A_1077 = arith.constant 0 : i32
    %dma_wait3A_1078 = tpu.memref_slice %arg7[%dma_wait3A_1076, %dma_wait3A_1077] : memref<32x256xf32, #tpu.memory_space<vmem>> -> memref<16x256xf32, #tpu.memory_space<vmem>>
    %dma_wait3A_1079 = arith.constant 0 : i32
    %dma_wait3A_1080 = arith.constant 0 : i32
    %dma_wait3A_1081 = tpu.memref_slice %arg4[%dma_wait3A_1075, %add3A, %dma_wait3A_1079, %dma_wait3A_1080] : memref<32x32x32x256xf32, #tpu.memory_space<hbm>> -> memref<1x1x16x256xf32, #tpu.memory_space<hbm>>
    %dma_wait3A_1082 = tpu.memref_squeeze %dma_wait3A_1081 : memref<1x1x16x256xf32, #tpu.memory_space<hbm>> -> memref<16x256xf32, #tpu.memory_space<hbm>>
    %dma_wait3A_1083 = arith.constant 0 : i32
    %dma_wait3A_1084 = arith.constant 0 : i32
    %dma_wait3A_1085 = tpu.memref_slice %arg4[%dma_wait3A_1075, %add3A, %dma_wait3A_1083, %dma_wait3A_1084] : memref<32x32x32x256xf32, #tpu.memory_space<hbm>> -> memref<1x1x16x256xf32, #tpu.memory_space<hbm>>
    %dma_wait3A_1086 = tpu.memref_squeeze %dma_wait3A_1085 : memref<1x1x16x256xf32, #tpu.memory_space<hbm>> -> memref<16x256xf32, #tpu.memory_space<hbm>>
    %dma_wait3A_1087 = arith.constant 0 : i32
    %dma_wait3A_1088 = arith.constant 0 : i32
    %dma_wait3A_1089 = tpu.memref_slice %arg7[%dma_wait3A_1087, %dma_wait3A_1088] : memref<32x256xf32, #tpu.memory_space<vmem>> -> memref<16x256xf32, #tpu.memory_space<vmem>>
    tpu.wait_dma2 semaphore(%arg8 : memref<!tpu.dma_semaphore, #tpu.memory_space<semaphore_mem>>) src(%dma_wait3A_1089 : memref<16x256xf32, #tpu.memory_space<vmem>>) dst(%dma_wait3A_1086 : memref<16x256xf32, #tpu.memory_space<hbm>>)
    %dma_wait3A_1090 = arith.constant 8 : i32
    %dma_wait3A_1091 = arith.constant 0 : i32
    %dma_wait3A_1092 = arith.constant 0 : i32
    %dma_wait3A_1093 = tpu.memref_slice %arg7[%dma_wait3A_1091, %dma_wait3A_1092] : memref<32x256xf32, #tpu.memory_space<vmem>> -> memref<16x256xf32, #tpu.memory_space<vmem>>
    %dma_wait3A_1094 = arith.constant 0 : i32
    %dma_wait3A_1095 = arith.constant 0 : i32
    %dma_wait3A_1096 = tpu.memref_slice %arg4[%dma_wait3A_1090, %add3A, %dma_wait3A_1094, %dma_wait3A_1095] : memref<32x32x32x256xf32, #tpu.memory_space<hbm>> -> memref<1x1x16x256xf32, #tpu.memory_space<hbm>>
    %dma_wait3A_1097 = tpu.memref_squeeze %dma_wait3A_1096 : memref<1x1x16x256xf32, #tpu.memory_space<hbm>> -> memref<16x256xf32, #tpu.memory_space<hbm>>
    %dma_wait3A_1098 = arith.constant 0 : i32
    %dma_wait3A_1099 = arith.constant 0 : i32
    %dma_wait3A_1100 = tpu.memref_slice %arg4[%dma_wait3A_1090, %add3A, %dma_wait3A_1098, %dma_wait3A_1099] : memref<32x32x32x256xf32, #tpu.memory_space<hbm>> -> memref<1x1x16x256xf32, #tpu.memory_space<hbm>>
    %dma_wait3A_1101 = tpu.memref_squeeze %dma_wait3A_1100 : memref<1x1x16x256xf32, #tpu.memory_space<hbm>> -> memref<16x256xf32, #tpu.memory_space<hbm>>
    %dma_wait3A_1102 = arith.constant 0 : i32
    %dma_wait3A_1103 = arith.constant 0 : i32
    %dma_wait3A_1104 = tpu.memref_slice %arg7[%dma_wait3A_1102, %dma_wait3A_1103] : memref<32x256xf32, #tpu.memory_space<vmem>> -> memref<16x256xf32, #tpu.memory_space<vmem>>
    tpu.wait_dma2 semaphore(%arg8 : memref<!tpu.dma_semaphore, #tpu.memory_space<semaphore_mem>>) src(%dma_wait3A_1104 : memref<16x256xf32, #tpu.memory_space<vmem>>) dst(%dma_wait3A_1101 : memref<16x256xf32, #tpu.memory_space<hbm>>)
    %dma_wait3A_1105 = arith.constant 9 : i32
    %dma_wait3A_1106 = arith.constant 0 : i32
    %dma_wait3A_1107 = arith.constant 0 : i32
    %dma_wait3A_1108 = tpu.memref_slice %arg7[%dma_wait3A_1106, %dma_wait3A_1107] : memref<32x256xf32, #tpu.memory_space<vmem>> -> memref<16x256xf32, #tpu.memory_space<vmem>>
    %dma_wait3A_1109 = arith.constant 0 : i32
    %dma_wait3A_1110 = arith.constant 0 : i32
    %dma_wait3A_1111 = tpu.memref_slice %arg4[%dma_wait3A_1105, %add3A, %dma_wait3A_1109, %dma_wait3A_1110] : memref<32x32x32x256xf32, #tpu.memory_space<hbm>> -> memref<1x1x16x256xf32, #tpu.memory_space<hbm>>
    %dma_wait3A_1112 = tpu.memref_squeeze %dma_wait3A_1111 : memref<1x1x16x256xf32, #tpu.memory_space<hbm>> -> memref<16x256xf32, #tpu.memory_space<hbm>>
    %dma_wait3A_1113 = arith.constant 0 : i32
    %dma_wait3A_1114 = arith.constant 0 : i32
    %dma_wait3A_1115 = tpu.memref_slice %arg4[%dma_wait3A_1105, %add3A, %dma_wait3A_1113, %dma_wait3A_1114] : memref<32x32x32x256xf32, #tpu.memory_space<hbm>> -> memref<1x1x16x256xf32, #tpu.memory_space<hbm>>
    %dma_wait3A_1116 = tpu.memref_squeeze %dma_wait3A_1115 : memref<1x1x16x256xf32, #tpu.memory_space<hbm>> -> memref<16x256xf32, #tpu.memory_space<hbm>>
    %dma_wait3A_1117 = arith.constant 0 : i32
    %dma_wait3A_1118 = arith.constant 0 : i32
    %dma_wait3A_1119 = tpu.memref_slice %arg7[%dma_wait3A_1117, %dma_wait3A_1118] : memref<32x256xf32, #tpu.memory_space<vmem>> -> memref<16x256xf32, #tpu.memory_space<vmem>>
    tpu.wait_dma2 semaphore(%arg8 : memref<!tpu.dma_semaphore, #tpu.memory_space<semaphore_mem>>) src(%dma_wait3A_1119 : memref<16x256xf32, #tpu.memory_space<vmem>>) dst(%dma_wait3A_1116 : memref<16x256xf32, #tpu.memory_space<hbm>>)
    %dma_wait3A_1120 = arith.constant 10 : i32
    %dma_wait3A_1121 = arith.constant 0 : i32
    %dma_wait3A_1122 = arith.constant 0 : i32
    %dma_wait3A_1123 = tpu.memref_slice %arg7[%dma_wait3A_1121, %dma_wait3A_1122] : memref<32x256xf32, #tpu.memory_space<vmem>> -> memref<16x256xf32, #tpu.memory_space<vmem>>
    %dma_wait3A_1124 = arith.constant 0 : i32
    %dma_wait3A_1125 = arith.constant 0 : i32
    %dma_wait3A_1126 = tpu.memref_slice %arg4[%dma_wait3A_1120, %add3A, %dma_wait3A_1124, %dma_wait3A_1125] : memref<32x32x32x256xf32, #tpu.memory_space<hbm>> -> memref<1x1x16x256xf32, #tpu.memory_space<hbm>>
    %dma_wait3A_1127 = tpu.memref_squeeze %dma_wait3A_1126 : memref<1x1x16x256xf32, #tpu.memory_space<hbm>> -> memref<16x256xf32, #tpu.memory_space<hbm>>
    %dma_wait3A_1128 = arith.constant 0 : i32
    %dma_wait3A_1129 = arith.constant 0 : i32
    %dma_wait3A_1130 = tpu.memref_slice %arg4[%dma_wait3A_1120, %add3A, %dma_wait3A_1128, %dma_wait3A_1129] : memref<32x32x32x256xf32, #tpu.memory_space<hbm>> -> memref<1x1x16x256xf32, #tpu.memory_space<hbm>>
    %dma_wait3A_1131 = tpu.memref_squeeze %dma_wait3A_1130 : memref<1x1x16x256xf32, #tpu.memory_space<hbm>> -> memref<16x256xf32, #tpu.memory_space<hbm>>
    %dma_wait3A_1132 = arith.constant 0 : i32
    %dma_wait3A_1133 = arith.constant 0 : i32
    %dma_wait3A_1134 = tpu.memref_slice %arg7[%dma_wait3A_1132, %dma_wait3A_1133] : memref<32x256xf32, #tpu.memory_space<vmem>> -> memref<16x256xf32, #tpu.memory_space<vmem>>
    tpu.wait_dma2 semaphore(%arg8 : memref<!tpu.dma_semaphore, #tpu.memory_space<semaphore_mem>>) src(%dma_wait3A_1134 : memref<16x256xf32, #tpu.memory_space<vmem>>) dst(%dma_wait3A_1131 : memref<16x256xf32, #tpu.memory_space<hbm>>)
    %dma_wait3A_1135 = arith.constant 11 : i32
    %dma_wait3A_1136 = arith.constant 0 : i32
    %dma_wait3A_1137 = arith.constant 0 : i32
    %dma_wait3A_1138 = tpu.memref_slice %arg7[%dma_wait3A_1136, %dma_wait3A_1137] : memref<32x256xf32, #tpu.memory_space<vmem>> -> memref<16x256xf32, #tpu.memory_space<vmem>>
    %dma_wait3A_1139 = arith.constant 0 : i32
    %dma_wait3A_1140 = arith.constant 0 : i32
    %dma_wait3A_1141 = tpu.memref_slice %arg4[%dma_wait3A_1135, %add3A, %dma_wait3A_1139, %dma_wait3A_1140] : memref<32x32x32x256xf32, #tpu.memory_space<hbm>> -> memref<1x1x16x256xf32, #tpu.memory_space<hbm>>
    %dma_wait3A_1142 = tpu.memref_squeeze %dma_wait3A_1141 : memref<1x1x16x256xf32, #tpu.memory_space<hbm>> -> memref<16x256xf32, #tpu.memory_space<hbm>>
    %dma_wait3A_1143 = arith.constant 0 : i32
    %dma_wait3A_1144 = arith.constant 0 : i32
    %dma_wait3A_1145 = tpu.memref_slice %arg4[%dma_wait3A_1135, %add3A, %dma_wait3A_1143, %dma_wait3A_1144] : memref<32x32x32x256xf32, #tpu.memory_space<hbm>> -> memref<1x1x16x256xf32, #tpu.memory_space<hbm>>
    %dma_wait3A_1146 = tpu.memref_squeeze %dma_wait3A_1145 : memref<1x1x16x256xf32, #tpu.memory_space<hbm>> -> memref<16x256xf32, #tpu.memory_space<hbm>>
    %dma_wait3A_1147 = arith.constant 0 : i32
    %dma_wait3A_1148 = arith.constant 0 : i32
    %dma_wait3A_1149 = tpu.memref_slice %arg7[%dma_wait3A_1147, %dma_wait3A_1148] : memref<32x256xf32, #tpu.memory_space<vmem>> -> memref<16x256xf32, #tpu.memory_space<vmem>>
    tpu.wait_dma2 semaphore(%arg8 : memref<!tpu.dma_semaphore, #tpu.memory_space<semaphore_mem>>) src(%dma_wait3A_1149 : memref<16x256xf32, #tpu.memory_space<vmem>>) dst(%dma_wait3A_1146 : memref<16x256xf32, #tpu.memory_space<hbm>>)
    %dma_wait3A_1150 = arith.constant 12 : i32
    %dma_wait3A_1151 = arith.constant 0 : i32
    %dma_wait3A_1152 = arith.constant 0 : i32
    %dma_wait3A_1153 = tpu.memref_slice %arg7[%dma_wait3A_1151, %dma_wait3A_1152] : memref<32x256xf32, #tpu.memory_space<vmem>> -> memref<16x256xf32, #tpu.memory_space<vmem>>
    %dma_wait3A_1154 = arith.constant 0 : i32
    %dma_wait3A_1155 = arith.constant 0 : i32
    %dma_wait3A_1156 = tpu.memref_slice %arg4[%dma_wait3A_1150, %add3A, %dma_wait3A_1154, %dma_wait3A_1155] : memref<32x32x32x256xf32, #tpu.memory_space<hbm>> -> memref<1x1x16x256xf32, #tpu.memory_space<hbm>>
    %dma_wait3A_1157 = tpu.memref_squeeze %dma_wait3A_1156 : memref<1x1x16x256xf32, #tpu.memory_space<hbm>> -> memref<16x256xf32, #tpu.memory_space<hbm>>
    %dma_wait3A_1158 = arith.constant 0 : i32
    %dma_wait3A_1159 = arith.constant 0 : i32
    %dma_wait3A_1160 = tpu.memref_slice %arg4[%dma_wait3A_1150, %add3A, %dma_wait3A_1158, %dma_wait3A_1159] : memref<32x32x32x256xf32, #tpu.memory_space<hbm>> -> memref<1x1x16x256xf32, #tpu.memory_space<hbm>>
    %dma_wait3A_1161 = tpu.memref_squeeze %dma_wait3A_1160 : memref<1x1x16x256xf32, #tpu.memory_space<hbm>> -> memref<16x256xf32, #tpu.memory_space<hbm>>
    %dma_wait3A_1162 = arith.constant 0 : i32
    %dma_wait3A_1163 = arith.constant 0 : i32
    %dma_wait3A_1164 = tpu.memref_slice %arg7[%dma_wait3A_1162, %dma_wait3A_1163] : memref<32x256xf32, #tpu.memory_space<vmem>> -> memref<16x256xf32, #tpu.memory_space<vmem>>
    tpu.wait_dma2 semaphore(%arg8 : memref<!tpu.dma_semaphore, #tpu.memory_space<semaphore_mem>>) src(%dma_wait3A_1164 : memref<16x256xf32, #tpu.memory_space<vmem>>) dst(%dma_wait3A_1161 : memref<16x256xf32, #tpu.memory_space<hbm>>)
    %dma_wait3A_1165 = arith.constant 13 : i32
    %dma_wait3A_1166 = arith.constant 0 : i32
    %dma_wait3A_1167 = arith.constant 0 : i32
    %dma_wait3A_1168 = tpu.memref_slice %arg7[%dma_wait3A_1166, %dma_wait3A_1167] : memref<32x256xf32, #tpu.memory_space<vmem>> -> memref<16x256xf32, #tpu.memory_space<vmem>>
    %dma_wait3A_1169 = arith.constant 0 : i32
    %dma_wait3A_1170 = arith.constant 0 : i32
    %dma_wait3A_1171 = tpu.memref_slice %arg4[%dma_wait3A_1165, %add3A, %dma_wait3A_1169, %dma_wait3A_1170] : memref<32x32x32x256xf32, #tpu.memory_space<hbm>> -> memref<1x1x16x256xf32, #tpu.memory_space<hbm>>
    %dma_wait3A_1172 = tpu.memref_squeeze %dma_wait3A_1171 : memref<1x1x16x256xf32, #tpu.memory_space<hbm>> -> memref<16x256xf32, #tpu.memory_space<hbm>>
    %dma_wait3A_1173 = arith.constant 0 : i32
    %dma_wait3A_1174 = arith.constant 0 : i32
    %dma_wait3A_1175 = tpu.memref_slice %arg4[%dma_wait3A_1165, %add3A, %dma_wait3A_1173, %dma_wait3A_1174] : memref<32x32x32x256xf32, #tpu.memory_space<hbm>> -> memref<1x1x16x256xf32, #tpu.memory_space<hbm>>
    %dma_wait3A_1176 = tpu.memref_squeeze %dma_wait3A_1175 : memref<1x1x16x256xf32, #tpu.memory_space<hbm>> -> memref<16x256xf32, #tpu.memory_space<hbm>>
    %dma_wait3A_1177 = arith.constant 0 : i32
    %dma_wait3A_1178 = arith.constant 0 : i32
    %dma_wait3A_1179 = tpu.memref_slice %arg7[%dma_wait3A_1177, %dma_wait3A_1178] : memref<32x256xf32, #tpu.memory_space<vmem>> -> memref<16x256xf32, #tpu.memory_space<vmem>>
    tpu.wait_dma2 semaphore(%arg8 : memref<!tpu.dma_semaphore, #tpu.memory_space<semaphore_mem>>) src(%dma_wait3A_1179 : memref<16x256xf32, #tpu.memory_space<vmem>>) dst(%dma_wait3A_1176 : memref<16x256xf32, #tpu.memory_space<hbm>>)
    %dma_wait3A_1180 = arith.constant 14 : i32
    %dma_wait3A_1181 = arith.constant 0 : i32
    %dma_wait3A_1182 = arith.constant 0 : i32
    %dma_wait3A_1183 = tpu.memref_slice %arg7[%dma_wait3A_1181, %dma_wait3A_1182] : memref<32x256xf32, #tpu.memory_space<vmem>> -> memref<16x256xf32, #tpu.memory_space<vmem>>
    %dma_wait3A_1184 = arith.constant 0 : i32
    %dma_wait3A_1185 = arith.constant 0 : i32
    %dma_wait3A_1186 = tpu.memref_slice %arg4[%dma_wait3A_1180, %add3A, %dma_wait3A_1184, %dma_wait3A_1185] : memref<32x32x32x256xf32, #tpu.memory_space<hbm>> -> memref<1x1x16x256xf32, #tpu.memory_space<hbm>>
    %dma_wait3A_1187 = tpu.memref_squeeze %dma_wait3A_1186 : memref<1x1x16x256xf32, #tpu.memory_space<hbm>> -> memref<16x256xf32, #tpu.memory_space<hbm>>
    %dma_wait3A_1188 = arith.constant 0 : i32
    %dma_wait3A_1189 = arith.constant 0 : i32
    %dma_wait3A_1190 = tpu.memref_slice %arg4[%dma_wait3A_1180, %add3A, %dma_wait3A_1188, %dma_wait3A_1189] : memref<32x32x32x256xf32, #tpu.memory_space<hbm>> -> memref<1x1x16x256xf32, #tpu.memory_space<hbm>>
    %dma_wait3A_1191 = tpu.memref_squeeze %dma_wait3A_1190 : memref<1x1x16x256xf32, #tpu.memory_space<hbm>> -> memref<16x256xf32, #tpu.memory_space<hbm>>
    %dma_wait3A_1192 = arith.constant 0 : i32
    %dma_wait3A_1193 = arith.constant 0 : i32
    %dma_wait3A_1194 = tpu.memref_slice %arg7[%dma_wait3A_1192, %dma_wait3A_1193] : memref<32x256xf32, #tpu.memory_space<vmem>> -> memref<16x256xf32, #tpu.memory_space<vmem>>
    tpu.wait_dma2 semaphore(%arg8 : memref<!tpu.dma_semaphore, #tpu.memory_space<semaphore_mem>>) src(%dma_wait3A_1194 : memref<16x256xf32, #tpu.memory_space<vmem>>) dst(%dma_wait3A_1191 : memref<16x256xf32, #tpu.memory_space<hbm>>)
    %dma_wait3A_1195 = arith.constant 15 : i32
    %dma_wait3A_1196 = arith.constant 0 : i32
    %dma_wait3A_1197 = arith.constant 0 : i32
    %dma_wait3A_1198 = tpu.memref_slice %arg7[%dma_wait3A_1196, %dma_wait3A_1197] : memref<32x256xf32, #tpu.memory_space<vmem>> -> memref<16x256xf32, #tpu.memory_space<vmem>>
    %dma_wait3A_1199 = arith.constant 0 : i32
    %dma_wait3A_1200 = arith.constant 0 : i32
    %dma_wait3A_1201 = tpu.memref_slice %arg4[%dma_wait3A_1195, %add3A, %dma_wait3A_1199, %dma_wait3A_1200] : memref<32x32x32x256xf32, #tpu.memory_space<hbm>> -> memref<1x1x16x256xf32, #tpu.memory_space<hbm>>
    %dma_wait3A_1202 = tpu.memref_squeeze %dma_wait3A_1201 : memref<1x1x16x256xf32, #tpu.memory_space<hbm>> -> memref<16x256xf32, #tpu.memory_space<hbm>>
    %dma_wait3A_1203 = arith.constant 0 : i32
    %dma_wait3A_1204 = arith.constant 0 : i32
    %dma_wait3A_1205 = tpu.memref_slice %arg4[%dma_wait3A_1195, %add3A, %dma_wait3A_1203, %dma_wait3A_1204] : memref<32x32x32x256xf32, #tpu.memory_space<hbm>> -> memref<1x1x16x256xf32, #tpu.memory_space<hbm>>
    %dma_wait3A_1206 = tpu.memref_squeeze %dma_wait3A_1205 : memref<1x1x16x256xf32, #tpu.memory_space<hbm>> -> memref<16x256xf32, #tpu.memory_space<hbm>>
    %dma_wait3A_1207 = arith.constant 0 : i32
    %dma_wait3A_1208 = arith.constant 0 : i32
    %dma_wait3A_1209 = tpu.memref_slice %arg7[%dma_wait3A_1207, %dma_wait3A_1208] : memref<32x256xf32, #tpu.memory_space<vmem>> -> memref<16x256xf32, #tpu.memory_space<vmem>>
    tpu.wait_dma2 semaphore(%arg8 : memref<!tpu.dma_semaphore, #tpu.memory_space<semaphore_mem>>) src(%dma_wait3A_1209 : memref<16x256xf32, #tpu.memory_space<vmem>>) dst(%dma_wait3A_1206 : memref<16x256xf32, #tpu.memory_space<hbm>>)
    %dma_wait3A_1210 = arith.constant 16 : i32
    %dma_wait3A_1211 = arith.constant 0 : i32
    %dma_wait3A_1212 = arith.constant 0 : i32
    %dma_wait3A_1213 = tpu.memref_slice %arg7[%dma_wait3A_1211, %dma_wait3A_1212] : memref<32x256xf32, #tpu.memory_space<vmem>> -> memref<16x256xf32, #tpu.memory_space<vmem>>
    %dma_wait3A_1214 = arith.constant 0 : i32
    %dma_wait3A_1215 = arith.constant 0 : i32
    %dma_wait3A_1216 = tpu.memref_slice %arg4[%dma_wait3A_1210, %add3A, %dma_wait3A_1214, %dma_wait3A_1215] : memref<32x32x32x256xf32, #tpu.memory_space<hbm>> -> memref<1x1x16x256xf32, #tpu.memory_space<hbm>>
    %dma_wait3A_1217 = tpu.memref_squeeze %dma_wait3A_1216 : memref<1x1x16x256xf32, #tpu.memory_space<hbm>> -> memref<16x256xf32, #tpu.memory_space<hbm>>
    %dma_wait3A_1218 = arith.constant 0 : i32
    %dma_wait3A_1219 = arith.constant 0 : i32
    %dma_wait3A_1220 = tpu.memref_slice %arg4[%dma_wait3A_1210, %add3A, %dma_wait3A_1218, %dma_wait3A_1219] : memref<32x32x32x256xf32, #tpu.memory_space<hbm>> -> memref<1x1x16x256xf32, #tpu.memory_space<hbm>>
    %dma_wait3A_1221 = tpu.memref_squeeze %dma_wait3A_1220 : memref<1x1x16x256xf32, #tpu.memory_space<hbm>> -> memref<16x256xf32, #tpu.memory_space<hbm>>
    %dma_wait3A_1222 = arith.constant 0 : i32
    %dma_wait3A_1223 = arith.constant 0 : i32
    %dma_wait3A_1224 = tpu.memref_slice %arg7[%dma_wait3A_1222, %dma_wait3A_1223] : memref<32x256xf32, #tpu.memory_space<vmem>> -> memref<16x256xf32, #tpu.memory_space<vmem>>
    tpu.wait_dma2 semaphore(%arg8 : memref<!tpu.dma_semaphore, #tpu.memory_space<semaphore_mem>>) src(%dma_wait3A_1224 : memref<16x256xf32, #tpu.memory_space<vmem>>) dst(%dma_wait3A_1221 : memref<16x256xf32, #tpu.memory_space<hbm>>)
    %dma_wait3A_1225 = arith.constant 17 : i32
    %dma_wait3A_1226 = arith.constant 0 : i32
    %dma_wait3A_1227 = arith.constant 0 : i32
    %dma_wait3A_1228 = tpu.memref_slice %arg7[%dma_wait3A_1226, %dma_wait3A_1227] : memref<32x256xf32, #tpu.memory_space<vmem>> -> memref<16x256xf32, #tpu.memory_space<vmem>>
    %dma_wait3A_1229 = arith.constant 0 : i32
    %dma_wait3A_1230 = arith.constant 0 : i32
    %dma_wait3A_1231 = tpu.memref_slice %arg4[%dma_wait3A_1225, %add3A, %dma_wait3A_1229, %dma_wait3A_1230] : memref<32x32x32x256xf32, #tpu.memory_space<hbm>> -> memref<1x1x16x256xf32, #tpu.memory_space<hbm>>
    %dma_wait3A_1232 = tpu.memref_squeeze %dma_wait3A_1231 : memref<1x1x16x256xf32, #tpu.memory_space<hbm>> -> memref<16x256xf32, #tpu.memory_space<hbm>>
    %dma_wait3A_1233 = arith.constant 0 : i32
    %dma_wait3A_1234 = arith.constant 0 : i32
    %dma_wait3A_1235 = tpu.memref_slice %arg4[%dma_wait3A_1225, %add3A, %dma_wait3A_1233, %dma_wait3A_1234] : memref<32x32x32x256xf32, #tpu.memory_space<hbm>> -> memref<1x1x16x256xf32, #tpu.memory_space<hbm>>
    %dma_wait3A_1236 = tpu.memref_squeeze %dma_wait3A_1235 : memref<1x1x16x256xf32, #tpu.memory_space<hbm>> -> memref<16x256xf32, #tpu.memory_space<hbm>>
    %dma_wait3A_1237 = arith.constant 0 : i32
    %dma_wait3A_1238 = arith.constant 0 : i32
    %dma_wait3A_1239 = tpu.memref_slice %arg7[%dma_wait3A_1237, %dma_wait3A_1238] : memref<32x256xf32, #tpu.memory_space<vmem>> -> memref<16x256xf32, #tpu.memory_space<vmem>>
    tpu.wait_dma2 semaphore(%arg8 : memref<!tpu.dma_semaphore, #tpu.memory_space<semaphore_mem>>) src(%dma_wait3A_1239 : memref<16x256xf32, #tpu.memory_space<vmem>>) dst(%dma_wait3A_1236 : memref<16x256xf32, #tpu.memory_space<hbm>>)
    %dma_wait3A_1240 = arith.constant 18 : i32
    %dma_wait3A_1241 = arith.constant 0 : i32
    %dma_wait3A_1242 = arith.constant 0 : i32
    %dma_wait3A_1243 = tpu.memref_slice %arg7[%dma_wait3A_1241, %dma_wait3A_1242] : memref<32x256xf32, #tpu.memory_space<vmem>> -> memref<16x256xf32, #tpu.memory_space<vmem>>
    %dma_wait3A_1244 = arith.constant 0 : i32
    %dma_wait3A_1245 = arith.constant 0 : i32
    %dma_wait3A_1246 = tpu.memref_slice %arg4[%dma_wait3A_1240, %add3A, %dma_wait3A_1244, %dma_wait3A_1245] : memref<32x32x32x256xf32, #tpu.memory_space<hbm>> -> memref<1x1x16x256xf32, #tpu.memory_space<hbm>>
    %dma_wait3A_1247 = tpu.memref_squeeze %dma_wait3A_1246 : memref<1x1x16x256xf32, #tpu.memory_space<hbm>> -> memref<16x256xf32, #tpu.memory_space<hbm>>
    %dma_wait3A_1248 = arith.constant 0 : i32
    %dma_wait3A_1249 = arith.constant 0 : i32
    %dma_wait3A_1250 = tpu.memref_slice %arg4[%dma_wait3A_1240, %add3A, %dma_wait3A_1248, %dma_wait3A_1249] : memref<32x32x32x256xf32, #tpu.memory_space<hbm>> -> memref<1x1x16x256xf32, #tpu.memory_space<hbm>>
    %dma_wait3A_1251 = tpu.memref_squeeze %dma_wait3A_1250 : memref<1x1x16x256xf32, #tpu.memory_space<hbm>> -> memref<16x256xf32, #tpu.memory_space<hbm>>
    %dma_wait3A_1252 = arith.constant 0 : i32
    %dma_wait3A_1253 = arith.constant 0 : i32
    %dma_wait3A_1254 = tpu.memref_slice %arg7[%dma_wait3A_1252, %dma_wait3A_1253] : memref<32x256xf32, #tpu.memory_space<vmem>> -> memref<16x256xf32, #tpu.memory_space<vmem>>
    tpu.wait_dma2 semaphore(%arg8 : memref<!tpu.dma_semaphore, #tpu.memory_space<semaphore_mem>>) src(%dma_wait3A_1254 : memref<16x256xf32, #tpu.memory_space<vmem>>) dst(%dma_wait3A_1251 : memref<16x256xf32, #tpu.memory_space<hbm>>)
    %dma_wait3A_1255 = arith.constant 19 : i32
    %dma_wait3A_1256 = arith.constant 0 : i32
    %dma_wait3A_1257 = arith.constant 0 : i32
    %dma_wait3A_1258 = tpu.memref_slice %arg7[%dma_wait3A_1256, %dma_wait3A_1257] : memref<32x256xf32, #tpu.memory_space<vmem>> -> memref<16x256xf32, #tpu.memory_space<vmem>>
    %dma_wait3A_1259 = arith.constant 0 : i32
    %dma_wait3A_1260 = arith.constant 0 : i32
    %dma_wait3A_1261 = tpu.memref_slice %arg4[%dma_wait3A_1255, %add3A, %dma_wait3A_1259, %dma_wait3A_1260] : memref<32x32x32x256xf32, #tpu.memory_space<hbm>> -> memref<1x1x16x256xf32, #tpu.memory_space<hbm>>
    %dma_wait3A_1262 = tpu.memref_squeeze %dma_wait3A_1261 : memref<1x1x16x256xf32, #tpu.memory_space<hbm>> -> memref<16x256xf32, #tpu.memory_space<hbm>>
    %dma_wait3A_1263 = arith.constant 0 : i32
    %dma_wait3A_1264 = arith.constant 0 : i32
    %dma_wait3A_1265 = tpu.memref_slice %arg4[%dma_wait3A_1255, %add3A, %dma_wait3A_1263, %dma_wait3A_1264] : memref<32x32x32x256xf32, #tpu.memory_space<hbm>> -> memref<1x1x16x256xf32, #tpu.memory_space<hbm>>
    %dma_wait3A_1266 = tpu.memref_squeeze %dma_wait3A_1265 : memref<1x1x16x256xf32, #tpu.memory_space<hbm>> -> memref<16x256xf32, #tpu.memory_space<hbm>>
    %dma_wait3A_1267 = arith.constant 0 : i32
    %dma_wait3A_1268 = arith.constant 0 : i32
    %dma_wait3A_1269 = tpu.memref_slice %arg7[%dma_wait3A_1267, %dma_wait3A_1268] : memref<32x256xf32, #tpu.memory_space<vmem>> -> memref<16x256xf32, #tpu.memory_space<vmem>>
    tpu.wait_dma2 semaphore(%arg8 : memref<!tpu.dma_semaphore, #tpu.memory_space<semaphore_mem>>) src(%dma_wait3A_1269 : memref<16x256xf32, #tpu.memory_space<vmem>>) dst(%dma_wait3A_1266 : memref<16x256xf32, #tpu.memory_space<hbm>>)
    %dma_wait3A_1270 = arith.constant 20 : i32
    %dma_wait3A_1271 = arith.constant 0 : i32
    %dma_wait3A_1272 = arith.constant 0 : i32
    %dma_wait3A_1273 = tpu.memref_slice %arg7[%dma_wait3A_1271, %dma_wait3A_1272] : memref<32x256xf32, #tpu.memory_space<vmem>> -> memref<16x256xf32, #tpu.memory_space<vmem>>
    %dma_wait3A_1274 = arith.constant 0 : i32
    %dma_wait3A_1275 = arith.constant 0 : i32
    %dma_wait3A_1276 = tpu.memref_slice %arg4[%dma_wait3A_1270, %add3A, %dma_wait3A_1274, %dma_wait3A_1275] : memref<32x32x32x256xf32, #tpu.memory_space<hbm>> -> memref<1x1x16x256xf32, #tpu.memory_space<hbm>>
    %dma_wait3A_1277 = tpu.memref_squeeze %dma_wait3A_1276 : memref<1x1x16x256xf32, #tpu.memory_space<hbm>> -> memref<16x256xf32, #tpu.memory_space<hbm>>
    %dma_wait3A_1278 = arith.constant 0 : i32
    %dma_wait3A_1279 = arith.constant 0 : i32
    %dma_wait3A_1280 = tpu.memref_slice %arg4[%dma_wait3A_1270, %add3A, %dma_wait3A_1278, %dma_wait3A_1279] : memref<32x32x32x256xf32, #tpu.memory_space<hbm>> -> memref<1x1x16x256xf32, #tpu.memory_space<hbm>>
    %dma_wait3A_1281 = tpu.memref_squeeze %dma_wait3A_1280 : memref<1x1x16x256xf32, #tpu.memory_space<hbm>> -> memref<16x256xf32, #tpu.memory_space<hbm>>
    %dma_wait3A_1282 = arith.constant 0 : i32
    %dma_wait3A_1283 = arith.constant 0 : i32
    %dma_wait3A_1284 = tpu.memref_slice %arg7[%dma_wait3A_1282, %dma_wait3A_1283] : memref<32x256xf32, #tpu.memory_space<vmem>> -> memref<16x256xf32, #tpu.memory_space<vmem>>
    tpu.wait_dma2 semaphore(%arg8 : memref<!tpu.dma_semaphore, #tpu.memory_space<semaphore_mem>>) src(%dma_wait3A_1284 : memref<16x256xf32, #tpu.memory_space<vmem>>) dst(%dma_wait3A_1281 : memref<16x256xf32, #tpu.memory_space<hbm>>)
    %dma_wait3A_1285 = arith.constant 21 : i32
    %dma_wait3A_1286 = arith.constant 0 : i32
    %dma_wait3A_1287 = arith.constant 0 : i32
    %dma_wait3A_1288 = tpu.memref_slice %arg7[%dma_wait3A_1286, %dma_wait3A_1287] : memref<32x256xf32, #tpu.memory_space<vmem>> -> memref<16x256xf32, #tpu.memory_space<vmem>>
    %dma_wait3A_1289 = arith.constant 0 : i32
    %dma_wait3A_1290 = arith.constant 0 : i32
    %dma_wait3A_1291 = tpu.memref_slice %arg4[%dma_wait3A_1285, %add3A, %dma_wait3A_1289, %dma_wait3A_1290] : memref<32x32x32x256xf32, #tpu.memory_space<hbm>> -> memref<1x1x16x256xf32, #tpu.memory_space<hbm>>
    %dma_wait3A_1292 = tpu.memref_squeeze %dma_wait3A_1291 : memref<1x1x16x256xf32, #tpu.memory_space<hbm>> -> memref<16x256xf32, #tpu.memory_space<hbm>>
    %dma_wait3A_1293 = arith.constant 0 : i32
    %dma_wait3A_1294 = arith.constant 0 : i32
    %dma_wait3A_1295 = tpu.memref_slice %arg4[%dma_wait3A_1285, %add3A, %dma_wait3A_1293, %dma_wait3A_1294] : memref<32x32x32x256xf32, #tpu.memory_space<hbm>> -> memref<1x1x16x256xf32, #tpu.memory_space<hbm>>
    %dma_wait3A_1296 = tpu.memref_squeeze %dma_wait3A_1295 : memref<1x1x16x256xf32, #tpu.memory_space<hbm>> -> memref<16x256xf32, #tpu.memory_space<hbm>>
    %dma_wait3A_1297 = arith.constant 0 : i32
    %dma_wait3A_1298 = arith.constant 0 : i32
    %dma_wait3A_1299 = tpu.memref_slice %arg7[%dma_wait3A_1297, %dma_wait3A_1298] : memref<32x256xf32, #tpu.memory_space<vmem>> -> memref<16x256xf32, #tpu.memory_space<vmem>>
    tpu.wait_dma2 semaphore(%arg8 : memref<!tpu.dma_semaphore, #tpu.memory_space<semaphore_mem>>) src(%dma_wait3A_1299 : memref<16x256xf32, #tpu.memory_space<vmem>>) dst(%dma_wait3A_1296 : memref<16x256xf32, #tpu.memory_space<hbm>>)
    %dma_wait3A_1300 = arith.constant 22 : i32
    %dma_wait3A_1301 = arith.constant 0 : i32
    %dma_wait3A_1302 = arith.constant 0 : i32
    %dma_wait3A_1303 = tpu.memref_slice %arg7[%dma_wait3A_1301, %dma_wait3A_1302] : memref<32x256xf32, #tpu.memory_space<vmem>> -> memref<16x256xf32, #tpu.memory_space<vmem>>
    %dma_wait3A_1304 = arith.constant 0 : i32
    %dma_wait3A_1305 = arith.constant 0 : i32
    %dma_wait3A_1306 = tpu.memref_slice %arg4[%dma_wait3A_1300, %add3A, %dma_wait3A_1304, %dma_wait3A_1305] : memref<32x32x32x256xf32, #tpu.memory_space<hbm>> -> memref<1x1x16x256xf32, #tpu.memory_space<hbm>>
    %dma_wait3A_1307 = tpu.memref_squeeze %dma_wait3A_1306 : memref<1x1x16x256xf32, #tpu.memory_space<hbm>> -> memref<16x256xf32, #tpu.memory_space<hbm>>
    %dma_wait3A_1308 = arith.constant 0 : i32
    %dma_wait3A_1309 = arith.constant 0 : i32
    %dma_wait3A_1310 = tpu.memref_slice %arg4[%dma_wait3A_1300, %add3A, %dma_wait3A_1308, %dma_wait3A_1309] : memref<32x32x32x256xf32, #tpu.memory_space<hbm>> -> memref<1x1x16x256xf32, #tpu.memory_space<hbm>>
    %dma_wait3A_1311 = tpu.memref_squeeze %dma_wait3A_1310 : memref<1x1x16x256xf32, #tpu.memory_space<hbm>> -> memref<16x256xf32, #tpu.memory_space<hbm>>
    %dma_wait3A_1312 = arith.constant 0 : i32
    %dma_wait3A_1313 = arith.constant 0 : i32
    %dma_wait3A_1314 = tpu.memref_slice %arg7[%dma_wait3A_1312, %dma_wait3A_1313] : memref<32x256xf32, #tpu.memory_space<vmem>> -> memref<16x256xf32, #tpu.memory_space<vmem>>
    tpu.wait_dma2 semaphore(%arg8 : memref<!tpu.dma_semaphore, #tpu.memory_space<semaphore_mem>>) src(%dma_wait3A_1314 : memref<16x256xf32, #tpu.memory_space<vmem>>) dst(%dma_wait3A_1311 : memref<16x256xf32, #tpu.memory_space<hbm>>)
    %dma_wait3A_1315 = arith.constant 23 : i32
    %dma_wait3A_1316 = arith.constant 0 : i32
    %dma_wait3A_1317 = arith.constant 0 : i32
    %dma_wait3A_1318 = tpu.memref_slice %arg7[%dma_wait3A_1316, %dma_wait3A_1317] : memref<32x256xf32, #tpu.memory_space<vmem>> -> memref<16x256xf32, #tpu.memory_space<vmem>>
    %dma_wait3A_1319 = arith.constant 0 : i32
    %dma_wait3A_1320 = arith.constant 0 : i32
    %dma_wait3A_1321 = tpu.memref_slice %arg4[%dma_wait3A_1315, %add3A, %dma_wait3A_1319, %dma_wait3A_1320] : memref<32x32x32x256xf32, #tpu.memory_space<hbm>> -> memref<1x1x16x256xf32, #tpu.memory_space<hbm>>
    %dma_wait3A_1322 = tpu.memref_squeeze %dma_wait3A_1321 : memref<1x1x16x256xf32, #tpu.memory_space<hbm>> -> memref<16x256xf32, #tpu.memory_space<hbm>>
    %dma_wait3A_1323 = arith.constant 0 : i32
    %dma_wait3A_1324 = arith.constant 0 : i32
    %dma_wait3A_1325 = tpu.memref_slice %arg4[%dma_wait3A_1315, %add3A, %dma_wait3A_1323, %dma_wait3A_1324] : memref<32x32x32x256xf32, #tpu.memory_space<hbm>> -> memref<1x1x16x256xf32, #tpu.memory_space<hbm>>
    %dma_wait3A_1326 = tpu.memref_squeeze %dma_wait3A_1325 : memref<1x1x16x256xf32, #tpu.memory_space<hbm>> -> memref<16x256xf32, #tpu.memory_space<hbm>>
    %dma_wait3A_1327 = arith.constant 0 : i32
    %dma_wait3A_1328 = arith.constant 0 : i32
    %dma_wait3A_1329 = tpu.memref_slice %arg7[%dma_wait3A_1327, %dma_wait3A_1328] : memref<32x256xf32, #tpu.memory_space<vmem>> -> memref<16x256xf32, #tpu.memory_space<vmem>>
    tpu.wait_dma2 semaphore(%arg8 : memref<!tpu.dma_semaphore, #tpu.memory_space<semaphore_mem>>) src(%dma_wait3A_1329 : memref<16x256xf32, #tpu.memory_space<vmem>>) dst(%dma_wait3A_1326 : memref<16x256xf32, #tpu.memory_space<hbm>>)
    %dma_wait3A_1330 = arith.constant 24 : i32
    %dma_wait3A_1331 = arith.constant 0 : i32
    %dma_wait3A_1332 = arith.constant 0 : i32
    %dma_wait3A_1333 = tpu.memref_slice %arg7[%dma_wait3A_1331, %dma_wait3A_1332] : memref<32x256xf32, #tpu.memory_space<vmem>> -> memref<16x256xf32, #tpu.memory_space<vmem>>
    %dma_wait3A_1334 = arith.constant 0 : i32
    %dma_wait3A_1335 = arith.constant 0 : i32
    %dma_wait3A_1336 = tpu.memref_slice %arg4[%dma_wait3A_1330, %add3A, %dma_wait3A_1334, %dma_wait3A_1335] : memref<32x32x32x256xf32, #tpu.memory_space<hbm>> -> memref<1x1x16x256xf32, #tpu.memory_space<hbm>>
    %dma_wait3A_1337 = tpu.memref_squeeze %dma_wait3A_1336 : memref<1x1x16x256xf32, #tpu.memory_space<hbm>> -> memref<16x256xf32, #tpu.memory_space<hbm>>
    %dma_wait3A_1338 = arith.constant 0 : i32
    %dma_wait3A_1339 = arith.constant 0 : i32
    %dma_wait3A_1340 = tpu.memref_slice %arg4[%dma_wait3A_1330, %add3A, %dma_wait3A_1338, %dma_wait3A_1339] : memref<32x32x32x256xf32, #tpu.memory_space<hbm>> -> memref<1x1x16x256xf32, #tpu.memory_space<hbm>>
    %dma_wait3A_1341 = tpu.memref_squeeze %dma_wait3A_1340 : memref<1x1x16x256xf32, #tpu.memory_space<hbm>> -> memref<16x256xf32, #tpu.memory_space<hbm>>
    %dma_wait3A_1342 = arith.constant 0 : i32
    %dma_wait3A_1343 = arith.constant 0 : i32
    %dma_wait3A_1344 = tpu.memref_slice %arg7[%dma_wait3A_1342, %dma_wait3A_1343] : memref<32x256xf32, #tpu.memory_space<vmem>> -> memref<16x256xf32, #tpu.memory_space<vmem>>
    tpu.wait_dma2 semaphore(%arg8 : memref<!tpu.dma_semaphore, #tpu.memory_space<semaphore_mem>>) src(%dma_wait3A_1344 : memref<16x256xf32, #tpu.memory_space<vmem>>) dst(%dma_wait3A_1341 : memref<16x256xf32, #tpu.memory_space<hbm>>)
    %dma_wait3A_1345 = arith.constant 25 : i32
    %dma_wait3A_1346 = arith.constant 0 : i32
    %dma_wait3A_1347 = arith.constant 0 : i32
    %dma_wait3A_1348 = tpu.memref_slice %arg7[%dma_wait3A_1346, %dma_wait3A_1347] : memref<32x256xf32, #tpu.memory_space<vmem>> -> memref<16x256xf32, #tpu.memory_space<vmem>>
    %dma_wait3A_1349 = arith.constant 0 : i32
    %dma_wait3A_1350 = arith.constant 0 : i32
    %dma_wait3A_1351 = tpu.memref_slice %arg4[%dma_wait3A_1345, %add3A, %dma_wait3A_1349, %dma_wait3A_1350] : memref<32x32x32x256xf32, #tpu.memory_space<hbm>> -> memref<1x1x16x256xf32, #tpu.memory_space<hbm>>
    %dma_wait3A_1352 = tpu.memref_squeeze %dma_wait3A_1351 : memref<1x1x16x256xf32, #tpu.memory_space<hbm>> -> memref<16x256xf32, #tpu.memory_space<hbm>>
    %dma_wait3A_1353 = arith.constant 0 : i32
    %dma_wait3A_1354 = arith.constant 0 : i32
    %dma_wait3A_1355 = tpu.memref_slice %arg4[%dma_wait3A_1345, %add3A, %dma_wait3A_1353, %dma_wait3A_1354] : memref<32x32x32x256xf32, #tpu.memory_space<hbm>> -> memref<1x1x16x256xf32, #tpu.memory_space<hbm>>
    %dma_wait3A_1356 = tpu.memref_squeeze %dma_wait3A_1355 : memref<1x1x16x256xf32, #tpu.memory_space<hbm>> -> memref<16x256xf32, #tpu.memory_space<hbm>>
    %dma_wait3A_1357 = arith.constant 0 : i32
    %dma_wait3A_1358 = arith.constant 0 : i32
    %dma_wait3A_1359 = tpu.memref_slice %arg7[%dma_wait3A_1357, %dma_wait3A_1358] : memref<32x256xf32, #tpu.memory_space<vmem>> -> memref<16x256xf32, #tpu.memory_space<vmem>>
    tpu.wait_dma2 semaphore(%arg8 : memref<!tpu.dma_semaphore, #tpu.memory_space<semaphore_mem>>) src(%dma_wait3A_1359 : memref<16x256xf32, #tpu.memory_space<vmem>>) dst(%dma_wait3A_1356 : memref<16x256xf32, #tpu.memory_space<hbm>>)
    %dma_wait3A_1360 = arith.constant 26 : i32
    %dma_wait3A_1361 = arith.constant 0 : i32
    %dma_wait3A_1362 = arith.constant 0 : i32
    %dma_wait3A_1363 = tpu.memref_slice %arg7[%dma_wait3A_1361, %dma_wait3A_1362] : memref<32x256xf32, #tpu.memory_space<vmem>> -> memref<16x256xf32, #tpu.memory_space<vmem>>
    %dma_wait3A_1364 = arith.constant 0 : i32
    %dma_wait3A_1365 = arith.constant 0 : i32
    %dma_wait3A_1366 = tpu.memref_slice %arg4[%dma_wait3A_1360, %add3A, %dma_wait3A_1364, %dma_wait3A_1365] : memref<32x32x32x256xf32, #tpu.memory_space<hbm>> -> memref<1x1x16x256xf32, #tpu.memory_space<hbm>>
    %dma_wait3A_1367 = tpu.memref_squeeze %dma_wait3A_1366 : memref<1x1x16x256xf32, #tpu.memory_space<hbm>> -> memref<16x256xf32, #tpu.memory_space<hbm>>
    %dma_wait3A_1368 = arith.constant 0 : i32
    %dma_wait3A_1369 = arith.constant 0 : i32
    %dma_wait3A_1370 = tpu.memref_slice %arg4[%dma_wait3A_1360, %add3A, %dma_wait3A_1368, %dma_wait3A_1369] : memref<32x32x32x256xf32, #tpu.memory_space<hbm>> -> memref<1x1x16x256xf32, #tpu.memory_space<hbm>>
    %dma_wait3A_1371 = tpu.memref_squeeze %dma_wait3A_1370 : memref<1x1x16x256xf32, #tpu.memory_space<hbm>> -> memref<16x256xf32, #tpu.memory_space<hbm>>
    %dma_wait3A_1372 = arith.constant 0 : i32
    %dma_wait3A_1373 = arith.constant 0 : i32
    %dma_wait3A_1374 = tpu.memref_slice %arg7[%dma_wait3A_1372, %dma_wait3A_1373] : memref<32x256xf32, #tpu.memory_space<vmem>> -> memref<16x256xf32, #tpu.memory_space<vmem>>
    tpu.wait_dma2 semaphore(%arg8 : memref<!tpu.dma_semaphore, #tpu.memory_space<semaphore_mem>>) src(%dma_wait3A_1374 : memref<16x256xf32, #tpu.memory_space<vmem>>) dst(%dma_wait3A_1371 : memref<16x256xf32, #tpu.memory_space<hbm>>)
    %dma_wait3A_1375 = arith.constant 27 : i32
    %dma_wait3A_1376 = arith.constant 0 : i32
    %dma_wait3A_1377 = arith.constant 0 : i32
    %dma_wait3A_1378 = tpu.memref_slice %arg7[%dma_wait3A_1376, %dma_wait3A_1377] : memref<32x256xf32, #tpu.memory_space<vmem>> -> memref<16x256xf32, #tpu.memory_space<vmem>>
    %dma_wait3A_1379 = arith.constant 0 : i32
    %dma_wait3A_1380 = arith.constant 0 : i32
    %dma_wait3A_1381 = tpu.memref_slice %arg4[%dma_wait3A_1375, %add3A, %dma_wait3A_1379, %dma_wait3A_1380] : memref<32x32x32x256xf32, #tpu.memory_space<hbm>> -> memref<1x1x16x256xf32, #tpu.memory_space<hbm>>
    %dma_wait3A_1382 = tpu.memref_squeeze %dma_wait3A_1381 : memref<1x1x16x256xf32, #tpu.memory_space<hbm>> -> memref<16x256xf32, #tpu.memory_space<hbm>>
    %dma_wait3A_1383 = arith.constant 0 : i32
    %dma_wait3A_1384 = arith.constant 0 : i32
    %dma_wait3A_1385 = tpu.memref_slice %arg4[%dma_wait3A_1375, %add3A, %dma_wait3A_1383, %dma_wait3A_1384] : memref<32x32x32x256xf32, #tpu.memory_space<hbm>> -> memref<1x1x16x256xf32, #tpu.memory_space<hbm>>
    %dma_wait3A_1386 = tpu.memref_squeeze %dma_wait3A_1385 : memref<1x1x16x256xf32, #tpu.memory_space<hbm>> -> memref<16x256xf32, #tpu.memory_space<hbm>>
    %dma_wait3A_1387 = arith.constant 0 : i32
    %dma_wait3A_1388 = arith.constant 0 : i32
    %dma_wait3A_1389 = tpu.memref_slice %arg7[%dma_wait3A_1387, %dma_wait3A_1388] : memref<32x256xf32, #tpu.memory_space<vmem>> -> memref<16x256xf32, #tpu.memory_space<vmem>>
    tpu.wait_dma2 semaphore(%arg8 : memref<!tpu.dma_semaphore, #tpu.memory_space<semaphore_mem>>) src(%dma_wait3A_1389 : memref<16x256xf32, #tpu.memory_space<vmem>>) dst(%dma_wait3A_1386 : memref<16x256xf32, #tpu.memory_space<hbm>>)
    %dma_wait3A_1390 = arith.constant 28 : i32
    %dma_wait3A_1391 = arith.constant 0 : i32
    %dma_wait3A_1392 = arith.constant 0 : i32
    %dma_wait3A_1393 = tpu.memref_slice %arg7[%dma_wait3A_1391, %dma_wait3A_1392] : memref<32x256xf32, #tpu.memory_space<vmem>> -> memref<16x256xf32, #tpu.memory_space<vmem>>
    %dma_wait3A_1394 = arith.constant 0 : i32
    %dma_wait3A_1395 = arith.constant 0 : i32
    %dma_wait3A_1396 = tpu.memref_slice %arg4[%dma_wait3A_1390, %add3A, %dma_wait3A_1394, %dma_wait3A_1395] : memref<32x32x32x256xf32, #tpu.memory_space<hbm>> -> memref<1x1x16x256xf32, #tpu.memory_space<hbm>>
    %dma_wait3A_1397 = tpu.memref_squeeze %dma_wait3A_1396 : memref<1x1x16x256xf32, #tpu.memory_space<hbm>> -> memref<16x256xf32, #tpu.memory_space<hbm>>
    %dma_wait3A_1398 = arith.constant 0 : i32
    %dma_wait3A_1399 = arith.constant 0 : i32
    %dma_wait3A_1400 = tpu.memref_slice %arg4[%dma_wait3A_1390, %add3A, %dma_wait3A_1398, %dma_wait3A_1399] : memref<32x32x32x256xf32, #tpu.memory_space<hbm>> -> memref<1x1x16x256xf32, #tpu.memory_space<hbm>>
    %dma_wait3A_1401 = tpu.memref_squeeze %dma_wait3A_1400 : memref<1x1x16x256xf32, #tpu.memory_space<hbm>> -> memref<16x256xf32, #tpu.memory_space<hbm>>
    %dma_wait3A_1402 = arith.constant 0 : i32
    %dma_wait3A_1403 = arith.constant 0 : i32
    %dma_wait3A_1404 = tpu.memref_slice %arg7[%dma_wait3A_1402, %dma_wait3A_1403] : memref<32x256xf32, #tpu.memory_space<vmem>> -> memref<16x256xf32, #tpu.memory_space<vmem>>
    tpu.wait_dma2 semaphore(%arg8 : memref<!tpu.dma_semaphore, #tpu.memory_space<semaphore_mem>>) src(%dma_wait3A_1404 : memref<16x256xf32, #tpu.memory_space<vmem>>) dst(%dma_wait3A_1401 : memref<16x256xf32, #tpu.memory_space<hbm>>)
    %dma_wait3A_1405 = arith.constant 29 : i32
    %dma_wait3A_1406 = arith.constant 0 : i32
    %dma_wait3A_1407 = arith.constant 0 : i32
    %dma_wait3A_1408 = tpu.memref_slice %arg7[%dma_wait3A_1406, %dma_wait3A_1407] : memref<32x256xf32, #tpu.memory_space<vmem>> -> memref<16x256xf32, #tpu.memory_space<vmem>>
    %dma_wait3A_1409 = arith.constant 0 : i32
    %dma_wait3A_1410 = arith.constant 0 : i32
    %dma_wait3A_1411 = tpu.memref_slice %arg4[%dma_wait3A_1405, %add3A, %dma_wait3A_1409, %dma_wait3A_1410] : memref<32x32x32x256xf32, #tpu.memory_space<hbm>> -> memref<1x1x16x256xf32, #tpu.memory_space<hbm>>
    %dma_wait3A_1412 = tpu.memref_squeeze %dma_wait3A_1411 : memref<1x1x16x256xf32, #tpu.memory_space<hbm>> -> memref<16x256xf32, #tpu.memory_space<hbm>>
    %dma_wait3A_1413 = arith.constant 0 : i32
    %dma_wait3A_1414 = arith.constant 0 : i32
    %dma_wait3A_1415 = tpu.memref_slice %arg4[%dma_wait3A_1405, %add3A, %dma_wait3A_1413, %dma_wait3A_1414] : memref<32x32x32x256xf32, #tpu.memory_space<hbm>> -> memref<1x1x16x256xf32, #tpu.memory_space<hbm>>
    %dma_wait3A_1416 = tpu.memref_squeeze %dma_wait3A_1415 : memref<1x1x16x256xf32, #tpu.memory_space<hbm>> -> memref<16x256xf32, #tpu.memory_space<hbm>>
    %dma_wait3A_1417 = arith.constant 0 : i32
    %dma_wait3A_1418 = arith.constant 0 : i32
    %dma_wait3A_1419 = tpu.memref_slice %arg7[%dma_wait3A_1417, %dma_wait3A_1418] : memref<32x256xf32, #tpu.memory_space<vmem>> -> memref<16x256xf32, #tpu.memory_space<vmem>>
    tpu.wait_dma2 semaphore(%arg8 : memref<!tpu.dma_semaphore, #tpu.memory_space<semaphore_mem>>) src(%dma_wait3A_1419 : memref<16x256xf32, #tpu.memory_space<vmem>>) dst(%dma_wait3A_1416 : memref<16x256xf32, #tpu.memory_space<hbm>>)
    %dma_wait3A_1420 = arith.constant 30 : i32
    %dma_wait3A_1421 = arith.constant 0 : i32
    %dma_wait3A_1422 = arith.constant 0 : i32
    %dma_wait3A_1423 = tpu.memref_slice %arg7[%dma_wait3A_1421, %dma_wait3A_1422] : memref<32x256xf32, #tpu.memory_space<vmem>> -> memref<16x256xf32, #tpu.memory_space<vmem>>
    %dma_wait3A_1424 = arith.constant 0 : i32
    %dma_wait3A_1425 = arith.constant 0 : i32
    %dma_wait3A_1426 = tpu.memref_slice %arg4[%dma_wait3A_1420, %add3A, %dma_wait3A_1424, %dma_wait3A_1425] : memref<32x32x32x256xf32, #tpu.memory_space<hbm>> -> memref<1x1x16x256xf32, #tpu.memory_space<hbm>>
    %dma_wait3A_1427 = tpu.memref_squeeze %dma_wait3A_1426 : memref<1x1x16x256xf32, #tpu.memory_space<hbm>> -> memref<16x256xf32, #tpu.memory_space<hbm>>
    %dma_wait3A_1428 = arith.constant 0 : i32
    %dma_wait3A_1429 = arith.constant 0 : i32
    %dma_wait3A_1430 = tpu.memref_slice %arg4[%dma_wait3A_1420, %add3A, %dma_wait3A_1428, %dma_wait3A_1429] : memref<32x32x32x256xf32, #tpu.memory_space<hbm>> -> memref<1x1x16x256xf32, #tpu.memory_space<hbm>>
    %dma_wait3A_1431 = tpu.memref_squeeze %dma_wait3A_1430 : memref<1x1x16x256xf32, #tpu.memory_space<hbm>> -> memref<16x256xf32, #tpu.memory_space<hbm>>
    %dma_wait3A_1432 = arith.constant 0 : i32
    %dma_wait3A_1433 = arith.constant 0 : i32
    %dma_wait3A_1434 = tpu.memref_slice %arg7[%dma_wait3A_1432, %dma_wait3A_1433] : memref<32x256xf32, #tpu.memory_space<vmem>> -> memref<16x256xf32, #tpu.memory_space<vmem>>
    tpu.wait_dma2 semaphore(%arg8 : memref<!tpu.dma_semaphore, #tpu.memory_space<semaphore_mem>>) src(%dma_wait3A_1434 : memref<16x256xf32, #tpu.memory_space<vmem>>) dst(%dma_wait3A_1431 : memref<16x256xf32, #tpu.memory_space<hbm>>)
    %dma_wait3A_1435 = arith.constant 31 : i32
    %dma_wait3A_1436 = arith.constant 0 : i32
    %dma_wait3A_1437 = arith.constant 0 : i32
    %dma_wait3A_1438 = tpu.memref_slice %arg7[%dma_wait3A_1436, %dma_wait3A_1437] : memref<32x256xf32, #tpu.memory_space<vmem>> -> memref<16x256xf32, #tpu.memory_space<vmem>>
    %dma_wait3A_1439 = arith.constant 0 : i32
    %dma_wait3A_1440 = arith.constant 0 : i32
    %dma_wait3A_1441 = tpu.memref_slice %arg4[%dma_wait3A_1435, %add3A, %dma_wait3A_1439, %dma_wait3A_1440] : memref<32x32x32x256xf32, #tpu.memory_space<hbm>> -> memref<1x1x16x256xf32, #tpu.memory_space<hbm>>
    %dma_wait3A_1442 = tpu.memref_squeeze %dma_wait3A_1441 : memref<1x1x16x256xf32, #tpu.memory_space<hbm>> -> memref<16x256xf32, #tpu.memory_space<hbm>>
    %dma_wait3A_1443 = arith.constant 0 : i32
    %dma_wait3A_1444 = arith.constant 0 : i32
    %dma_wait3A_1445 = tpu.memref_slice %arg4[%dma_wait3A_1435, %add3A, %dma_wait3A_1443, %dma_wait3A_1444] : memref<32x32x32x256xf32, #tpu.memory_space<hbm>> -> memref<1x1x16x256xf32, #tpu.memory_space<hbm>>
    %dma_wait3A_1446 = tpu.memref_squeeze %dma_wait3A_1445 : memref<1x1x16x256xf32, #tpu.memory_space<hbm>> -> memref<16x256xf32, #tpu.memory_space<hbm>>
    %dma_wait3A_1447 = arith.constant 0 : i32
    %dma_wait3A_1448 = arith.constant 0 : i32
    %dma_wait3A_1449 = tpu.memref_slice %arg7[%dma_wait3A_1447, %dma_wait3A_1448] : memref<32x256xf32, #tpu.memory_space<vmem>> -> memref<16x256xf32, #tpu.memory_space<vmem>>
    tpu.wait_dma2 semaphore(%arg8 : memref<!tpu.dma_semaphore, #tpu.memory_space<semaphore_mem>>) src(%dma_wait3A_1449 : memref<16x256xf32, #tpu.memory_space<vmem>>) dst(%dma_wait3A_1446 : memref<16x256xf32, #tpu.memory_space<hbm>>)
    %dma_wait3A_1450 = arith.constant 0 : i32
    %dma_wait3A_1451 = arith.constant 16 : i32
    %dma_wait3A_1452 = arith.constant 0 : i32
    %dma_wait3A_1453 = tpu.memref_slice %arg7[%dma_wait3A_1451, %dma_wait3A_1452] : memref<32x256xf32, #tpu.memory_space<vmem>> -> memref<16x256xf32, #tpu.memory_space<vmem>>
    %dma_wait3A_1454 = arith.constant 16 : i32
    %dma_wait3A_1455 = arith.constant 0 : i32
    %dma_wait3A_1456 = tpu.memref_slice %arg4[%dma_wait3A_1450, %add3A, %dma_wait3A_1454, %dma_wait3A_1455] : memref<32x32x32x256xf32, #tpu.memory_space<hbm>> -> memref<1x1x16x256xf32, #tpu.memory_space<hbm>>
    %dma_wait3A_1457 = tpu.memref_squeeze %dma_wait3A_1456 : memref<1x1x16x256xf32, #tpu.memory_space<hbm>> -> memref<16x256xf32, #tpu.memory_space<hbm>>
    %dma_wait3A_1458 = arith.constant 16 : i32
    %dma_wait3A_1459 = arith.constant 0 : i32
    %dma_wait3A_1460 = tpu.memref_slice %arg4[%dma_wait3A_1450, %add3A, %dma_wait3A_1458, %dma_wait3A_1459] : memref<32x32x32x256xf32, #tpu.memory_space<hbm>> -> memref<1x1x16x256xf32, #tpu.memory_space<hbm>>
    %dma_wait3A_1461 = tpu.memref_squeeze %dma_wait3A_1460 : memref<1x1x16x256xf32, #tpu.memory_space<hbm>> -> memref<16x256xf32, #tpu.memory_space<hbm>>
    %dma_wait3A_1462 = arith.constant 16 : i32
    %dma_wait3A_1463 = arith.constant 0 : i32
    %dma_wait3A_1464 = tpu.memref_slice %arg7[%dma_wait3A_1462, %dma_wait3A_1463] : memref<32x256xf32, #tpu.memory_space<vmem>> -> memref<16x256xf32, #tpu.memory_space<vmem>>
    tpu.wait_dma2 semaphore(%arg8 : memref<!tpu.dma_semaphore, #tpu.memory_space<semaphore_mem>>) src(%dma_wait3A_1464 : memref<16x256xf32, #tpu.memory_space<vmem>>) dst(%dma_wait3A_1461 : memref<16x256xf32, #tpu.memory_space<hbm>>)
    %dma_wait3A_1465 = arith.constant 1 : i32
    %dma_wait3A_1466 = arith.constant 16 : i32
    %dma_wait3A_1467 = arith.constant 0 : i32
    %dma_wait3A_1468 = tpu.memref_slice %arg7[%dma_wait3A_1466, %dma_wait3A_1467] : memref<32x256xf32, #tpu.memory_space<vmem>> -> memref<16x256xf32, #tpu.memory_space<vmem>>
    %dma_wait3A_1469 = arith.constant 16 : i32
    %dma_wait3A_1470 = arith.constant 0 : i32
    %dma_wait3A_1471 = tpu.memref_slice %arg4[%dma_wait3A_1465, %add3A, %dma_wait3A_1469, %dma_wait3A_1470] : memref<32x32x32x256xf32, #tpu.memory_space<hbm>> -> memref<1x1x16x256xf32, #tpu.memory_space<hbm>>
    %dma_wait3A_1472 = tpu.memref_squeeze %dma_wait3A_1471 : memref<1x1x16x256xf32, #tpu.memory_space<hbm>> -> memref<16x256xf32, #tpu.memory_space<hbm>>
    %dma_wait3A_1473 = arith.constant 16 : i32
    %dma_wait3A_1474 = arith.constant 0 : i32
    %dma_wait3A_1475 = tpu.memref_slice %arg4[%dma_wait3A_1465, %add3A, %dma_wait3A_1473, %dma_wait3A_1474] : memref<32x32x32x256xf32, #tpu.memory_space<hbm>> -> memref<1x1x16x256xf32, #tpu.memory_space<hbm>>
    %dma_wait3A_1476 = tpu.memref_squeeze %dma_wait3A_1475 : memref<1x1x16x256xf32, #tpu.memory_space<hbm>> -> memref<16x256xf32, #tpu.memory_space<hbm>>
    %dma_wait3A_1477 = arith.constant 16 : i32
    %dma_wait3A_1478 = arith.constant 0 : i32
    %dma_wait3A_1479 = tpu.memref_slice %arg7[%dma_wait3A_1477, %dma_wait3A_1478] : memref<32x256xf32, #tpu.memory_space<vmem>> -> memref<16x256xf32, #tpu.memory_space<vmem>>
    tpu.wait_dma2 semaphore(%arg8 : memref<!tpu.dma_semaphore, #tpu.memory_space<semaphore_mem>>) src(%dma_wait3A_1479 : memref<16x256xf32, #tpu.memory_space<vmem>>) dst(%dma_wait3A_1476 : memref<16x256xf32, #tpu.memory_space<hbm>>)
    %dma_wait3A_1480 = arith.constant 2 : i32
    %dma_wait3A_1481 = arith.constant 16 : i32
    %dma_wait3A_1482 = arith.constant 0 : i32
    %dma_wait3A_1483 = tpu.memref_slice %arg7[%dma_wait3A_1481, %dma_wait3A_1482] : memref<32x256xf32, #tpu.memory_space<vmem>> -> memref<16x256xf32, #tpu.memory_space<vmem>>
    %dma_wait3A_1484 = arith.constant 16 : i32
    %dma_wait3A_1485 = arith.constant 0 : i32
    %dma_wait3A_1486 = tpu.memref_slice %arg4[%dma_wait3A_1480, %add3A, %dma_wait3A_1484, %dma_wait3A_1485] : memref<32x32x32x256xf32, #tpu.memory_space<hbm>> -> memref<1x1x16x256xf32, #tpu.memory_space<hbm>>
    %dma_wait3A_1487 = tpu.memref_squeeze %dma_wait3A_1486 : memref<1x1x16x256xf32, #tpu.memory_space<hbm>> -> memref<16x256xf32, #tpu.memory_space<hbm>>
    %dma_wait3A_1488 = arith.constant 16 : i32
    %dma_wait3A_1489 = arith.constant 0 : i32
    %dma_wait3A_1490 = tpu.memref_slice %arg4[%dma_wait3A_1480, %add3A, %dma_wait3A_1488, %dma_wait3A_1489] : memref<32x32x32x256xf32, #tpu.memory_space<hbm>> -> memref<1x1x16x256xf32, #tpu.memory_space<hbm>>
    %dma_wait3A_1491 = tpu.memref_squeeze %dma_wait3A_1490 : memref<1x1x16x256xf32, #tpu.memory_space<hbm>> -> memref<16x256xf32, #tpu.memory_space<hbm>>
    %dma_wait3A_1492 = arith.constant 16 : i32
    %dma_wait3A_1493 = arith.constant 0 : i32
    %dma_wait3A_1494 = tpu.memref_slice %arg7[%dma_wait3A_1492, %dma_wait3A_1493] : memref<32x256xf32, #tpu.memory_space<vmem>> -> memref<16x256xf32, #tpu.memory_space<vmem>>
    tpu.wait_dma2 semaphore(%arg8 : memref<!tpu.dma_semaphore, #tpu.memory_space<semaphore_mem>>) src(%dma_wait3A_1494 : memref<16x256xf32, #tpu.memory_space<vmem>>) dst(%dma_wait3A_1491 : memref<16x256xf32, #tpu.memory_space<hbm>>)
    %dma_wait3A_1495 = arith.constant 3 : i32
    %dma_wait3A_1496 = arith.constant 16 : i32
    %dma_wait3A_1497 = arith.constant 0 : i32
    %dma_wait3A_1498 = tpu.memref_slice %arg7[%dma_wait3A_1496, %dma_wait3A_1497] : memref<32x256xf32, #tpu.memory_space<vmem>> -> memref<16x256xf32, #tpu.memory_space<vmem>>
    %dma_wait3A_1499 = arith.constant 16 : i32
    %dma_wait3A_1500 = arith.constant 0 : i32
    %dma_wait3A_1501 = tpu.memref_slice %arg4[%dma_wait3A_1495, %add3A, %dma_wait3A_1499, %dma_wait3A_1500] : memref<32x32x32x256xf32, #tpu.memory_space<hbm>> -> memref<1x1x16x256xf32, #tpu.memory_space<hbm>>
    %dma_wait3A_1502 = tpu.memref_squeeze %dma_wait3A_1501 : memref<1x1x16x256xf32, #tpu.memory_space<hbm>> -> memref<16x256xf32, #tpu.memory_space<hbm>>
    %dma_wait3A_1503 = arith.constant 16 : i32
    %dma_wait3A_1504 = arith.constant 0 : i32
    %dma_wait3A_1505 = tpu.memref_slice %arg4[%dma_wait3A_1495, %add3A, %dma_wait3A_1503, %dma_wait3A_1504] : memref<32x32x32x256xf32, #tpu.memory_space<hbm>> -> memref<1x1x16x256xf32, #tpu.memory_space<hbm>>
    %dma_wait3A_1506 = tpu.memref_squeeze %dma_wait3A_1505 : memref<1x1x16x256xf32, #tpu.memory_space<hbm>> -> memref<16x256xf32, #tpu.memory_space<hbm>>
    %dma_wait3A_1507 = arith.constant 16 : i32
    %dma_wait3A_1508 = arith.constant 0 : i32
    %dma_wait3A_1509 = tpu.memref_slice %arg7[%dma_wait3A_1507, %dma_wait3A_1508] : memref<32x256xf32, #tpu.memory_space<vmem>> -> memref<16x256xf32, #tpu.memory_space<vmem>>
    tpu.wait_dma2 semaphore(%arg8 : memref<!tpu.dma_semaphore, #tpu.memory_space<semaphore_mem>>) src(%dma_wait3A_1509 : memref<16x256xf32, #tpu.memory_space<vmem>>) dst(%dma_wait3A_1506 : memref<16x256xf32, #tpu.memory_space<hbm>>)
    %dma_wait3A_1510 = arith.constant 4 : i32
    %dma_wait3A_1511 = arith.constant 16 : i32
    %dma_wait3A_1512 = arith.constant 0 : i32
    %dma_wait3A_1513 = tpu.memref_slice %arg7[%dma_wait3A_1511, %dma_wait3A_1512] : memref<32x256xf32, #tpu.memory_space<vmem>> -> memref<16x256xf32, #tpu.memory_space<vmem>>
    %dma_wait3A_1514 = arith.constant 16 : i32
    %dma_wait3A_1515 = arith.constant 0 : i32
    %dma_wait3A_1516 = tpu.memref_slice %arg4[%dma_wait3A_1510, %add3A, %dma_wait3A_1514, %dma_wait3A_1515] : memref<32x32x32x256xf32, #tpu.memory_space<hbm>> -> memref<1x1x16x256xf32, #tpu.memory_space<hbm>>
    %dma_wait3A_1517 = tpu.memref_squeeze %dma_wait3A_1516 : memref<1x1x16x256xf32, #tpu.memory_space<hbm>> -> memref<16x256xf32, #tpu.memory_space<hbm>>
    %dma_wait3A_1518 = arith.constant 16 : i32
    %dma_wait3A_1519 = arith.constant 0 : i32
    %dma_wait3A_1520 = tpu.memref_slice %arg4[%dma_wait3A_1510, %add3A, %dma_wait3A_1518, %dma_wait3A_1519] : memref<32x32x32x256xf32, #tpu.memory_space<hbm>> -> memref<1x1x16x256xf32, #tpu.memory_space<hbm>>
    %dma_wait3A_1521 = tpu.memref_squeeze %dma_wait3A_1520 : memref<1x1x16x256xf32, #tpu.memory_space<hbm>> -> memref<16x256xf32, #tpu.memory_space<hbm>>
    %dma_wait3A_1522 = arith.constant 16 : i32
    %dma_wait3A_1523 = arith.constant 0 : i32
    %dma_wait3A_1524 = tpu.memref_slice %arg7[%dma_wait3A_1522, %dma_wait3A_1523] : memref<32x256xf32, #tpu.memory_space<vmem>> -> memref<16x256xf32, #tpu.memory_space<vmem>>
    tpu.wait_dma2 semaphore(%arg8 : memref<!tpu.dma_semaphore, #tpu.memory_space<semaphore_mem>>) src(%dma_wait3A_1524 : memref<16x256xf32, #tpu.memory_space<vmem>>) dst(%dma_wait3A_1521 : memref<16x256xf32, #tpu.memory_space<hbm>>)
    %dma_wait3A_1525 = arith.constant 5 : i32
    %dma_wait3A_1526 = arith.constant 16 : i32
    %dma_wait3A_1527 = arith.constant 0 : i32
    %dma_wait3A_1528 = tpu.memref_slice %arg7[%dma_wait3A_1526, %dma_wait3A_1527] : memref<32x256xf32, #tpu.memory_space<vmem>> -> memref<16x256xf32, #tpu.memory_space<vmem>>
    %dma_wait3A_1529 = arith.constant 16 : i32
    %dma_wait3A_1530 = arith.constant 0 : i32
    %dma_wait3A_1531 = tpu.memref_slice %arg4[%dma_wait3A_1525, %add3A, %dma_wait3A_1529, %dma_wait3A_1530] : memref<32x32x32x256xf32, #tpu.memory_space<hbm>> -> memref<1x1x16x256xf32, #tpu.memory_space<hbm>>
    %dma_wait3A_1532 = tpu.memref_squeeze %dma_wait3A_1531 : memref<1x1x16x256xf32, #tpu.memory_space<hbm>> -> memref<16x256xf32, #tpu.memory_space<hbm>>
    %dma_wait3A_1533 = arith.constant 16 : i32
    %dma_wait3A_1534 = arith.constant 0 : i32
    %dma_wait3A_1535 = tpu.memref_slice %arg4[%dma_wait3A_1525, %add3A, %dma_wait3A_1533, %dma_wait3A_1534] : memref<32x32x32x256xf32, #tpu.memory_space<hbm>> -> memref<1x1x16x256xf32, #tpu.memory_space<hbm>>
    %dma_wait3A_1536 = tpu.memref_squeeze %dma_wait3A_1535 : memref<1x1x16x256xf32, #tpu.memory_space<hbm>> -> memref<16x256xf32, #tpu.memory_space<hbm>>
    %dma_wait3A_1537 = arith.constant 16 : i32
    %dma_wait3A_1538 = arith.constant 0 : i32
    %dma_wait3A_1539 = tpu.memref_slice %arg7[%dma_wait3A_1537, %dma_wait3A_1538] : memref<32x256xf32, #tpu.memory_space<vmem>> -> memref<16x256xf32, #tpu.memory_space<vmem>>
    tpu.wait_dma2 semaphore(%arg8 : memref<!tpu.dma_semaphore, #tpu.memory_space<semaphore_mem>>) src(%dma_wait3A_1539 : memref<16x256xf32, #tpu.memory_space<vmem>>) dst(%dma_wait3A_1536 : memref<16x256xf32, #tpu.memory_space<hbm>>)
    %dma_wait3A_1540 = arith.constant 6 : i32
    %dma_wait3A_1541 = arith.constant 16 : i32
    %dma_wait3A_1542 = arith.constant 0 : i32
    %dma_wait3A_1543 = tpu.memref_slice %arg7[%dma_wait3A_1541, %dma_wait3A_1542] : memref<32x256xf32, #tpu.memory_space<vmem>> -> memref<16x256xf32, #tpu.memory_space<vmem>>
    %dma_wait3A_1544 = arith.constant 16 : i32
    %dma_wait3A_1545 = arith.constant 0 : i32
    %dma_wait3A_1546 = tpu.memref_slice %arg4[%dma_wait3A_1540, %add3A, %dma_wait3A_1544, %dma_wait3A_1545] : memref<32x32x32x256xf32, #tpu.memory_space<hbm>> -> memref<1x1x16x256xf32, #tpu.memory_space<hbm>>
    %dma_wait3A_1547 = tpu.memref_squeeze %dma_wait3A_1546 : memref<1x1x16x256xf32, #tpu.memory_space<hbm>> -> memref<16x256xf32, #tpu.memory_space<hbm>>
    %dma_wait3A_1548 = arith.constant 16 : i32
    %dma_wait3A_1549 = arith.constant 0 : i32
    %dma_wait3A_1550 = tpu.memref_slice %arg4[%dma_wait3A_1540, %add3A, %dma_wait3A_1548, %dma_wait3A_1549] : memref<32x32x32x256xf32, #tpu.memory_space<hbm>> -> memref<1x1x16x256xf32, #tpu.memory_space<hbm>>
    %dma_wait3A_1551 = tpu.memref_squeeze %dma_wait3A_1550 : memref<1x1x16x256xf32, #tpu.memory_space<hbm>> -> memref<16x256xf32, #tpu.memory_space<hbm>>
    %dma_wait3A_1552 = arith.constant 16 : i32
    %dma_wait3A_1553 = arith.constant 0 : i32
    %dma_wait3A_1554 = tpu.memref_slice %arg7[%dma_wait3A_1552, %dma_wait3A_1553] : memref<32x256xf32, #tpu.memory_space<vmem>> -> memref<16x256xf32, #tpu.memory_space<vmem>>
    tpu.wait_dma2 semaphore(%arg8 : memref<!tpu.dma_semaphore, #tpu.memory_space<semaphore_mem>>) src(%dma_wait3A_1554 : memref<16x256xf32, #tpu.memory_space<vmem>>) dst(%dma_wait3A_1551 : memref<16x256xf32, #tpu.memory_space<hbm>>)
    %dma_wait3A_1555 = arith.constant 7 : i32
    %dma_wait3A_1556 = arith.constant 16 : i32
    %dma_wait3A_1557 = arith.constant 0 : i32
    %dma_wait3A_1558 = tpu.memref_slice %arg7[%dma_wait3A_1556, %dma_wait3A_1557] : memref<32x256xf32, #tpu.memory_space<vmem>> -> memref<16x256xf32, #tpu.memory_space<vmem>>
    %dma_wait3A_1559 = arith.constant 16 : i32
    %dma_wait3A_1560 = arith.constant 0 : i32
    %dma_wait3A_1561 = tpu.memref_slice %arg4[%dma_wait3A_1555, %add3A, %dma_wait3A_1559, %dma_wait3A_1560] : memref<32x32x32x256xf32, #tpu.memory_space<hbm>> -> memref<1x1x16x256xf32, #tpu.memory_space<hbm>>
    %dma_wait3A_1562 = tpu.memref_squeeze %dma_wait3A_1561 : memref<1x1x16x256xf32, #tpu.memory_space<hbm>> -> memref<16x256xf32, #tpu.memory_space<hbm>>
    %dma_wait3A_1563 = arith.constant 16 : i32
    %dma_wait3A_1564 = arith.constant 0 : i32
    %dma_wait3A_1565 = tpu.memref_slice %arg4[%dma_wait3A_1555, %add3A, %dma_wait3A_1563, %dma_wait3A_1564] : memref<32x32x32x256xf32, #tpu.memory_space<hbm>> -> memref<1x1x16x256xf32, #tpu.memory_space<hbm>>
    %dma_wait3A_1566 = tpu.memref_squeeze %dma_wait3A_1565 : memref<1x1x16x256xf32, #tpu.memory_space<hbm>> -> memref<16x256xf32, #tpu.memory_space<hbm>>
    %dma_wait3A_1567 = arith.constant 16 : i32
    %dma_wait3A_1568 = arith.constant 0 : i32
    %dma_wait3A_1569 = tpu.memref_slice %arg7[%dma_wait3A_1567, %dma_wait3A_1568] : memref<32x256xf32, #tpu.memory_space<vmem>> -> memref<16x256xf32, #tpu.memory_space<vmem>>
    tpu.wait_dma2 semaphore(%arg8 : memref<!tpu.dma_semaphore, #tpu.memory_space<semaphore_mem>>) src(%dma_wait3A_1569 : memref<16x256xf32, #tpu.memory_space<vmem>>) dst(%dma_wait3A_1566 : memref<16x256xf32, #tpu.memory_space<hbm>>)
    %dma_wait3A_1570 = arith.constant 8 : i32
    %dma_wait3A_1571 = arith.constant 16 : i32
    %dma_wait3A_1572 = arith.constant 0 : i32
    %dma_wait3A_1573 = tpu.memref_slice %arg7[%dma_wait3A_1571, %dma_wait3A_1572] : memref<32x256xf32, #tpu.memory_space<vmem>> -> memref<16x256xf32, #tpu.memory_space<vmem>>
    %dma_wait3A_1574 = arith.constant 16 : i32
    %dma_wait3A_1575 = arith.constant 0 : i32
    %dma_wait3A_1576 = tpu.memref_slice %arg4[%dma_wait3A_1570, %add3A, %dma_wait3A_1574, %dma_wait3A_1575] : memref<32x32x32x256xf32, #tpu.memory_space<hbm>> -> memref<1x1x16x256xf32, #tpu.memory_space<hbm>>
    %dma_wait3A_1577 = tpu.memref_squeeze %dma_wait3A_1576 : memref<1x1x16x256xf32, #tpu.memory_space<hbm>> -> memref<16x256xf32, #tpu.memory_space<hbm>>
    %dma_wait3A_1578 = arith.constant 16 : i32
    %dma_wait3A_1579 = arith.constant 0 : i32
    %dma_wait3A_1580 = tpu.memref_slice %arg4[%dma_wait3A_1570, %add3A, %dma_wait3A_1578, %dma_wait3A_1579] : memref<32x32x32x256xf32, #tpu.memory_space<hbm>> -> memref<1x1x16x256xf32, #tpu.memory_space<hbm>>
    %dma_wait3A_1581 = tpu.memref_squeeze %dma_wait3A_1580 : memref<1x1x16x256xf32, #tpu.memory_space<hbm>> -> memref<16x256xf32, #tpu.memory_space<hbm>>
    %dma_wait3A_1582 = arith.constant 16 : i32
    %dma_wait3A_1583 = arith.constant 0 : i32
    %dma_wait3A_1584 = tpu.memref_slice %arg7[%dma_wait3A_1582, %dma_wait3A_1583] : memref<32x256xf32, #tpu.memory_space<vmem>> -> memref<16x256xf32, #tpu.memory_space<vmem>>
    tpu.wait_dma2 semaphore(%arg8 : memref<!tpu.dma_semaphore, #tpu.memory_space<semaphore_mem>>) src(%dma_wait3A_1584 : memref<16x256xf32, #tpu.memory_space<vmem>>) dst(%dma_wait3A_1581 : memref<16x256xf32, #tpu.memory_space<hbm>>)
    %dma_wait3A_1585 = arith.constant 9 : i32
    %dma_wait3A_1586 = arith.constant 16 : i32
    %dma_wait3A_1587 = arith.constant 0 : i32
    %dma_wait3A_1588 = tpu.memref_slice %arg7[%dma_wait3A_1586, %dma_wait3A_1587] : memref<32x256xf32, #tpu.memory_space<vmem>> -> memref<16x256xf32, #tpu.memory_space<vmem>>
    %dma_wait3A_1589 = arith.constant 16 : i32
    %dma_wait3A_1590 = arith.constant 0 : i32
    %dma_wait3A_1591 = tpu.memref_slice %arg4[%dma_wait3A_1585, %add3A, %dma_wait3A_1589, %dma_wait3A_1590] : memref<32x32x32x256xf32, #tpu.memory_space<hbm>> -> memref<1x1x16x256xf32, #tpu.memory_space<hbm>>
    %dma_wait3A_1592 = tpu.memref_squeeze %dma_wait3A_1591 : memref<1x1x16x256xf32, #tpu.memory_space<hbm>> -> memref<16x256xf32, #tpu.memory_space<hbm>>
    %dma_wait3A_1593 = arith.constant 16 : i32
    %dma_wait3A_1594 = arith.constant 0 : i32
    %dma_wait3A_1595 = tpu.memref_slice %arg4[%dma_wait3A_1585, %add3A, %dma_wait3A_1593, %dma_wait3A_1594] : memref<32x32x32x256xf32, #tpu.memory_space<hbm>> -> memref<1x1x16x256xf32, #tpu.memory_space<hbm>>
    %dma_wait3A_1596 = tpu.memref_squeeze %dma_wait3A_1595 : memref<1x1x16x256xf32, #tpu.memory_space<hbm>> -> memref<16x256xf32, #tpu.memory_space<hbm>>
    %dma_wait3A_1597 = arith.constant 16 : i32
    %dma_wait3A_1598 = arith.constant 0 : i32
    %dma_wait3A_1599 = tpu.memref_slice %arg7[%dma_wait3A_1597, %dma_wait3A_1598] : memref<32x256xf32, #tpu.memory_space<vmem>> -> memref<16x256xf32, #tpu.memory_space<vmem>>
    tpu.wait_dma2 semaphore(%arg8 : memref<!tpu.dma_semaphore, #tpu.memory_space<semaphore_mem>>) src(%dma_wait3A_1599 : memref<16x256xf32, #tpu.memory_space<vmem>>) dst(%dma_wait3A_1596 : memref<16x256xf32, #tpu.memory_space<hbm>>)
    %dma_wait3A_1600 = arith.constant 10 : i32
    %dma_wait3A_1601 = arith.constant 16 : i32
    %dma_wait3A_1602 = arith.constant 0 : i32
    %dma_wait3A_1603 = tpu.memref_slice %arg7[%dma_wait3A_1601, %dma_wait3A_1602] : memref<32x256xf32, #tpu.memory_space<vmem>> -> memref<16x256xf32, #tpu.memory_space<vmem>>
    %dma_wait3A_1604 = arith.constant 16 : i32
    %dma_wait3A_1605 = arith.constant 0 : i32
    %dma_wait3A_1606 = tpu.memref_slice %arg4[%dma_wait3A_1600, %add3A, %dma_wait3A_1604, %dma_wait3A_1605] : memref<32x32x32x256xf32, #tpu.memory_space<hbm>> -> memref<1x1x16x256xf32, #tpu.memory_space<hbm>>
    %dma_wait3A_1607 = tpu.memref_squeeze %dma_wait3A_1606 : memref<1x1x16x256xf32, #tpu.memory_space<hbm>> -> memref<16x256xf32, #tpu.memory_space<hbm>>
    %dma_wait3A_1608 = arith.constant 16 : i32
    %dma_wait3A_1609 = arith.constant 0 : i32
    %dma_wait3A_1610 = tpu.memref_slice %arg4[%dma_wait3A_1600, %add3A, %dma_wait3A_1608, %dma_wait3A_1609] : memref<32x32x32x256xf32, #tpu.memory_space<hbm>> -> memref<1x1x16x256xf32, #tpu.memory_space<hbm>>
    %dma_wait3A_1611 = tpu.memref_squeeze %dma_wait3A_1610 : memref<1x1x16x256xf32, #tpu.memory_space<hbm>> -> memref<16x256xf32, #tpu.memory_space<hbm>>
    %dma_wait3A_1612 = arith.constant 16 : i32
    %dma_wait3A_1613 = arith.constant 0 : i32
    %dma_wait3A_1614 = tpu.memref_slice %arg7[%dma_wait3A_1612, %dma_wait3A_1613] : memref<32x256xf32, #tpu.memory_space<vmem>> -> memref<16x256xf32, #tpu.memory_space<vmem>>
    tpu.wait_dma2 semaphore(%arg8 : memref<!tpu.dma_semaphore, #tpu.memory_space<semaphore_mem>>) src(%dma_wait3A_1614 : memref<16x256xf32, #tpu.memory_space<vmem>>) dst(%dma_wait3A_1611 : memref<16x256xf32, #tpu.memory_space<hbm>>)
    %dma_wait3A_1615 = arith.constant 11 : i32
    %dma_wait3A_1616 = arith.constant 16 : i32
    %dma_wait3A_1617 = arith.constant 0 : i32
    %dma_wait3A_1618 = tpu.memref_slice %arg7[%dma_wait3A_1616, %dma_wait3A_1617] : memref<32x256xf32, #tpu.memory_space<vmem>> -> memref<16x256xf32, #tpu.memory_space<vmem>>
    %dma_wait3A_1619 = arith.constant 16 : i32
    %dma_wait3A_1620 = arith.constant 0 : i32
    %dma_wait3A_1621 = tpu.memref_slice %arg4[%dma_wait3A_1615, %add3A, %dma_wait3A_1619, %dma_wait3A_1620] : memref<32x32x32x256xf32, #tpu.memory_space<hbm>> -> memref<1x1x16x256xf32, #tpu.memory_space<hbm>>
    %dma_wait3A_1622 = tpu.memref_squeeze %dma_wait3A_1621 : memref<1x1x16x256xf32, #tpu.memory_space<hbm>> -> memref<16x256xf32, #tpu.memory_space<hbm>>
    %dma_wait3A_1623 = arith.constant 16 : i32
    %dma_wait3A_1624 = arith.constant 0 : i32
    %dma_wait3A_1625 = tpu.memref_slice %arg4[%dma_wait3A_1615, %add3A, %dma_wait3A_1623, %dma_wait3A_1624] : memref<32x32x32x256xf32, #tpu.memory_space<hbm>> -> memref<1x1x16x256xf32, #tpu.memory_space<hbm>>
    %dma_wait3A_1626 = tpu.memref_squeeze %dma_wait3A_1625 : memref<1x1x16x256xf32, #tpu.memory_space<hbm>> -> memref<16x256xf32, #tpu.memory_space<hbm>>
    %dma_wait3A_1627 = arith.constant 16 : i32
    %dma_wait3A_1628 = arith.constant 0 : i32
    %dma_wait3A_1629 = tpu.memref_slice %arg7[%dma_wait3A_1627, %dma_wait3A_1628] : memref<32x256xf32, #tpu.memory_space<vmem>> -> memref<16x256xf32, #tpu.memory_space<vmem>>
    tpu.wait_dma2 semaphore(%arg8 : memref<!tpu.dma_semaphore, #tpu.memory_space<semaphore_mem>>) src(%dma_wait3A_1629 : memref<16x256xf32, #tpu.memory_space<vmem>>) dst(%dma_wait3A_1626 : memref<16x256xf32, #tpu.memory_space<hbm>>)
    %dma_wait3A_1630 = arith.constant 12 : i32
    %dma_wait3A_1631 = arith.constant 16 : i32
    %dma_wait3A_1632 = arith.constant 0 : i32
    %dma_wait3A_1633 = tpu.memref_slice %arg7[%dma_wait3A_1631, %dma_wait3A_1632] : memref<32x256xf32, #tpu.memory_space<vmem>> -> memref<16x256xf32, #tpu.memory_space<vmem>>
    %dma_wait3A_1634 = arith.constant 16 : i32
    %dma_wait3A_1635 = arith.constant 0 : i32
    %dma_wait3A_1636 = tpu.memref_slice %arg4[%dma_wait3A_1630, %add3A, %dma_wait3A_1634, %dma_wait3A_1635] : memref<32x32x32x256xf32, #tpu.memory_space<hbm>> -> memref<1x1x16x256xf32, #tpu.memory_space<hbm>>
    %dma_wait3A_1637 = tpu.memref_squeeze %dma_wait3A_1636 : memref<1x1x16x256xf32, #tpu.memory_space<hbm>> -> memref<16x256xf32, #tpu.memory_space<hbm>>
    %dma_wait3A_1638 = arith.constant 16 : i32
    %dma_wait3A_1639 = arith.constant 0 : i32
    %dma_wait3A_1640 = tpu.memref_slice %arg4[%dma_wait3A_1630, %add3A, %dma_wait3A_1638, %dma_wait3A_1639] : memref<32x32x32x256xf32, #tpu.memory_space<hbm>> -> memref<1x1x16x256xf32, #tpu.memory_space<hbm>>
    %dma_wait3A_1641 = tpu.memref_squeeze %dma_wait3A_1640 : memref<1x1x16x256xf32, #tpu.memory_space<hbm>> -> memref<16x256xf32, #tpu.memory_space<hbm>>
    %dma_wait3A_1642 = arith.constant 16 : i32
    %dma_wait3A_1643 = arith.constant 0 : i32
    %dma_wait3A_1644 = tpu.memref_slice %arg7[%dma_wait3A_1642, %dma_wait3A_1643] : memref<32x256xf32, #tpu.memory_space<vmem>> -> memref<16x256xf32, #tpu.memory_space<vmem>>
    tpu.wait_dma2 semaphore(%arg8 : memref<!tpu.dma_semaphore, #tpu.memory_space<semaphore_mem>>) src(%dma_wait3A_1644 : memref<16x256xf32, #tpu.memory_space<vmem>>) dst(%dma_wait3A_1641 : memref<16x256xf32, #tpu.memory_space<hbm>>)
    %dma_wait3A_1645 = arith.constant 13 : i32
    %dma_wait3A_1646 = arith.constant 16 : i32
    %dma_wait3A_1647 = arith.constant 0 : i32
    %dma_wait3A_1648 = tpu.memref_slice %arg7[%dma_wait3A_1646, %dma_wait3A_1647] : memref<32x256xf32, #tpu.memory_space<vmem>> -> memref<16x256xf32, #tpu.memory_space<vmem>>
    %dma_wait3A_1649 = arith.constant 16 : i32
    %dma_wait3A_1650 = arith.constant 0 : i32
    %dma_wait3A_1651 = tpu.memref_slice %arg4[%dma_wait3A_1645, %add3A, %dma_wait3A_1649, %dma_wait3A_1650] : memref<32x32x32x256xf32, #tpu.memory_space<hbm>> -> memref<1x1x16x256xf32, #tpu.memory_space<hbm>>
    %dma_wait3A_1652 = tpu.memref_squeeze %dma_wait3A_1651 : memref<1x1x16x256xf32, #tpu.memory_space<hbm>> -> memref<16x256xf32, #tpu.memory_space<hbm>>
    %dma_wait3A_1653 = arith.constant 16 : i32
    %dma_wait3A_1654 = arith.constant 0 : i32
    %dma_wait3A_1655 = tpu.memref_slice %arg4[%dma_wait3A_1645, %add3A, %dma_wait3A_1653, %dma_wait3A_1654] : memref<32x32x32x256xf32, #tpu.memory_space<hbm>> -> memref<1x1x16x256xf32, #tpu.memory_space<hbm>>
    %dma_wait3A_1656 = tpu.memref_squeeze %dma_wait3A_1655 : memref<1x1x16x256xf32, #tpu.memory_space<hbm>> -> memref<16x256xf32, #tpu.memory_space<hbm>>
    %dma_wait3A_1657 = arith.constant 16 : i32
    %dma_wait3A_1658 = arith.constant 0 : i32
    %dma_wait3A_1659 = tpu.memref_slice %arg7[%dma_wait3A_1657, %dma_wait3A_1658] : memref<32x256xf32, #tpu.memory_space<vmem>> -> memref<16x256xf32, #tpu.memory_space<vmem>>
    tpu.wait_dma2 semaphore(%arg8 : memref<!tpu.dma_semaphore, #tpu.memory_space<semaphore_mem>>) src(%dma_wait3A_1659 : memref<16x256xf32, #tpu.memory_space<vmem>>) dst(%dma_wait3A_1656 : memref<16x256xf32, #tpu.memory_space<hbm>>)
    %dma_wait3A_1660 = arith.constant 14 : i32
    %dma_wait3A_1661 = arith.constant 16 : i32
    %dma_wait3A_1662 = arith.constant 0 : i32
    %dma_wait3A_1663 = tpu.memref_slice %arg7[%dma_wait3A_1661, %dma_wait3A_1662] : memref<32x256xf32, #tpu.memory_space<vmem>> -> memref<16x256xf32, #tpu.memory_space<vmem>>
    %dma_wait3A_1664 = arith.constant 16 : i32
    %dma_wait3A_1665 = arith.constant 0 : i32
    %dma_wait3A_1666 = tpu.memref_slice %arg4[%dma_wait3A_1660, %add3A, %dma_wait3A_1664, %dma_wait3A_1665] : memref<32x32x32x256xf32, #tpu.memory_space<hbm>> -> memref<1x1x16x256xf32, #tpu.memory_space<hbm>>
    %dma_wait3A_1667 = tpu.memref_squeeze %dma_wait3A_1666 : memref<1x1x16x256xf32, #tpu.memory_space<hbm>> -> memref<16x256xf32, #tpu.memory_space<hbm>>
    %dma_wait3A_1668 = arith.constant 16 : i32
    %dma_wait3A_1669 = arith.constant 0 : i32
    %dma_wait3A_1670 = tpu.memref_slice %arg4[%dma_wait3A_1660, %add3A, %dma_wait3A_1668, %dma_wait3A_1669] : memref<32x32x32x256xf32, #tpu.memory_space<hbm>> -> memref<1x1x16x256xf32, #tpu.memory_space<hbm>>
    %dma_wait3A_1671 = tpu.memref_squeeze %dma_wait3A_1670 : memref<1x1x16x256xf32, #tpu.memory_space<hbm>> -> memref<16x256xf32, #tpu.memory_space<hbm>>
    %dma_wait3A_1672 = arith.constant 16 : i32
    %dma_wait3A_1673 = arith.constant 0 : i32
    %dma_wait3A_1674 = tpu.memref_slice %arg7[%dma_wait3A_1672, %dma_wait3A_1673] : memref<32x256xf32, #tpu.memory_space<vmem>> -> memref<16x256xf32, #tpu.memory_space<vmem>>
    tpu.wait_dma2 semaphore(%arg8 : memref<!tpu.dma_semaphore, #tpu.memory_space<semaphore_mem>>) src(%dma_wait3A_1674 : memref<16x256xf32, #tpu.memory_space<vmem>>) dst(%dma_wait3A_1671 : memref<16x256xf32, #tpu.memory_space<hbm>>)
    %dma_wait3A_1675 = arith.constant 15 : i32
    %dma_wait3A_1676 = arith.constant 16 : i32
    %dma_wait3A_1677 = arith.constant 0 : i32
    %dma_wait3A_1678 = tpu.memref_slice %arg7[%dma_wait3A_1676, %dma_wait3A_1677] : memref<32x256xf32, #tpu.memory_space<vmem>> -> memref<16x256xf32, #tpu.memory_space<vmem>>
    %dma_wait3A_1679 = arith.constant 16 : i32
    %dma_wait3A_1680 = arith.constant 0 : i32
    %dma_wait3A_1681 = tpu.memref_slice %arg4[%dma_wait3A_1675, %add3A, %dma_wait3A_1679, %dma_wait3A_1680] : memref<32x32x32x256xf32, #tpu.memory_space<hbm>> -> memref<1x1x16x256xf32, #tpu.memory_space<hbm>>
    %dma_wait3A_1682 = tpu.memref_squeeze %dma_wait3A_1681 : memref<1x1x16x256xf32, #tpu.memory_space<hbm>> -> memref<16x256xf32, #tpu.memory_space<hbm>>
    %dma_wait3A_1683 = arith.constant 16 : i32
    %dma_wait3A_1684 = arith.constant 0 : i32
    %dma_wait3A_1685 = tpu.memref_slice %arg4[%dma_wait3A_1675, %add3A, %dma_wait3A_1683, %dma_wait3A_1684] : memref<32x32x32x256xf32, #tpu.memory_space<hbm>> -> memref<1x1x16x256xf32, #tpu.memory_space<hbm>>
    %dma_wait3A_1686 = tpu.memref_squeeze %dma_wait3A_1685 : memref<1x1x16x256xf32, #tpu.memory_space<hbm>> -> memref<16x256xf32, #tpu.memory_space<hbm>>
    %dma_wait3A_1687 = arith.constant 16 : i32
    %dma_wait3A_1688 = arith.constant 0 : i32
    %dma_wait3A_1689 = tpu.memref_slice %arg7[%dma_wait3A_1687, %dma_wait3A_1688] : memref<32x256xf32, #tpu.memory_space<vmem>> -> memref<16x256xf32, #tpu.memory_space<vmem>>
    tpu.wait_dma2 semaphore(%arg8 : memref<!tpu.dma_semaphore, #tpu.memory_space<semaphore_mem>>) src(%dma_wait3A_1689 : memref<16x256xf32, #tpu.memory_space<vmem>>) dst(%dma_wait3A_1686 : memref<16x256xf32, #tpu.memory_space<hbm>>)
    %dma_wait3A_1690 = arith.constant 16 : i32
    %dma_wait3A_1691 = arith.constant 16 : i32
    %dma_wait3A_1692 = arith.constant 0 : i32
    %dma_wait3A_1693 = tpu.memref_slice %arg7[%dma_wait3A_1691, %dma_wait3A_1692] : memref<32x256xf32, #tpu.memory_space<vmem>> -> memref<16x256xf32, #tpu.memory_space<vmem>>
    %dma_wait3A_1694 = arith.constant 16 : i32
    %dma_wait3A_1695 = arith.constant 0 : i32
    %dma_wait3A_1696 = tpu.memref_slice %arg4[%dma_wait3A_1690, %add3A, %dma_wait3A_1694, %dma_wait3A_1695] : memref<32x32x32x256xf32, #tpu.memory_space<hbm>> -> memref<1x1x16x256xf32, #tpu.memory_space<hbm>>
    %dma_wait3A_1697 = tpu.memref_squeeze %dma_wait3A_1696 : memref<1x1x16x256xf32, #tpu.memory_space<hbm>> -> memref<16x256xf32, #tpu.memory_space<hbm>>
    %dma_wait3A_1698 = arith.constant 16 : i32
    %dma_wait3A_1699 = arith.constant 0 : i32
    %dma_wait3A_1700 = tpu.memref_slice %arg4[%dma_wait3A_1690, %add3A, %dma_wait3A_1698, %dma_wait3A_1699] : memref<32x32x32x256xf32, #tpu.memory_space<hbm>> -> memref<1x1x16x256xf32, #tpu.memory_space<hbm>>
    %dma_wait3A_1701 = tpu.memref_squeeze %dma_wait3A_1700 : memref<1x1x16x256xf32, #tpu.memory_space<hbm>> -> memref<16x256xf32, #tpu.memory_space<hbm>>
    %dma_wait3A_1702 = arith.constant 16 : i32
    %dma_wait3A_1703 = arith.constant 0 : i32
    %dma_wait3A_1704 = tpu.memref_slice %arg7[%dma_wait3A_1702, %dma_wait3A_1703] : memref<32x256xf32, #tpu.memory_space<vmem>> -> memref<16x256xf32, #tpu.memory_space<vmem>>
    tpu.wait_dma2 semaphore(%arg8 : memref<!tpu.dma_semaphore, #tpu.memory_space<semaphore_mem>>) src(%dma_wait3A_1704 : memref<16x256xf32, #tpu.memory_space<vmem>>) dst(%dma_wait3A_1701 : memref<16x256xf32, #tpu.memory_space<hbm>>)
    %dma_wait3A_1705 = arith.constant 17 : i32
    %dma_wait3A_1706 = arith.constant 16 : i32
    %dma_wait3A_1707 = arith.constant 0 : i32
    %dma_wait3A_1708 = tpu.memref_slice %arg7[%dma_wait3A_1706, %dma_wait3A_1707] : memref<32x256xf32, #tpu.memory_space<vmem>> -> memref<16x256xf32, #tpu.memory_space<vmem>>
    %dma_wait3A_1709 = arith.constant 16 : i32
    %dma_wait3A_1710 = arith.constant 0 : i32
    %dma_wait3A_1711 = tpu.memref_slice %arg4[%dma_wait3A_1705, %add3A, %dma_wait3A_1709, %dma_wait3A_1710] : memref<32x32x32x256xf32, #tpu.memory_space<hbm>> -> memref<1x1x16x256xf32, #tpu.memory_space<hbm>>
    %dma_wait3A_1712 = tpu.memref_squeeze %dma_wait3A_1711 : memref<1x1x16x256xf32, #tpu.memory_space<hbm>> -> memref<16x256xf32, #tpu.memory_space<hbm>>
    %dma_wait3A_1713 = arith.constant 16 : i32
    %dma_wait3A_1714 = arith.constant 0 : i32
    %dma_wait3A_1715 = tpu.memref_slice %arg4[%dma_wait3A_1705, %add3A, %dma_wait3A_1713, %dma_wait3A_1714] : memref<32x32x32x256xf32, #tpu.memory_space<hbm>> -> memref<1x1x16x256xf32, #tpu.memory_space<hbm>>
    %dma_wait3A_1716 = tpu.memref_squeeze %dma_wait3A_1715 : memref<1x1x16x256xf32, #tpu.memory_space<hbm>> -> memref<16x256xf32, #tpu.memory_space<hbm>>
    %dma_wait3A_1717 = arith.constant 16 : i32
    %dma_wait3A_1718 = arith.constant 0 : i32
    %dma_wait3A_1719 = tpu.memref_slice %arg7[%dma_wait3A_1717, %dma_wait3A_1718] : memref<32x256xf32, #tpu.memory_space<vmem>> -> memref<16x256xf32, #tpu.memory_space<vmem>>
    tpu.wait_dma2 semaphore(%arg8 : memref<!tpu.dma_semaphore, #tpu.memory_space<semaphore_mem>>) src(%dma_wait3A_1719 : memref<16x256xf32, #tpu.memory_space<vmem>>) dst(%dma_wait3A_1716 : memref<16x256xf32, #tpu.memory_space<hbm>>)
    %dma_wait3A_1720 = arith.constant 18 : i32
    %dma_wait3A_1721 = arith.constant 16 : i32
    %dma_wait3A_1722 = arith.constant 0 : i32
    %dma_wait3A_1723 = tpu.memref_slice %arg7[%dma_wait3A_1721, %dma_wait3A_1722] : memref<32x256xf32, #tpu.memory_space<vmem>> -> memref<16x256xf32, #tpu.memory_space<vmem>>
    %dma_wait3A_1724 = arith.constant 16 : i32
    %dma_wait3A_1725 = arith.constant 0 : i32
    %dma_wait3A_1726 = tpu.memref_slice %arg4[%dma_wait3A_1720, %add3A, %dma_wait3A_1724, %dma_wait3A_1725] : memref<32x32x32x256xf32, #tpu.memory_space<hbm>> -> memref<1x1x16x256xf32, #tpu.memory_space<hbm>>
    %dma_wait3A_1727 = tpu.memref_squeeze %dma_wait3A_1726 : memref<1x1x16x256xf32, #tpu.memory_space<hbm>> -> memref<16x256xf32, #tpu.memory_space<hbm>>
    %dma_wait3A_1728 = arith.constant 16 : i32
    %dma_wait3A_1729 = arith.constant 0 : i32
    %dma_wait3A_1730 = tpu.memref_slice %arg4[%dma_wait3A_1720, %add3A, %dma_wait3A_1728, %dma_wait3A_1729] : memref<32x32x32x256xf32, #tpu.memory_space<hbm>> -> memref<1x1x16x256xf32, #tpu.memory_space<hbm>>
    %dma_wait3A_1731 = tpu.memref_squeeze %dma_wait3A_1730 : memref<1x1x16x256xf32, #tpu.memory_space<hbm>> -> memref<16x256xf32, #tpu.memory_space<hbm>>
    %dma_wait3A_1732 = arith.constant 16 : i32
    %dma_wait3A_1733 = arith.constant 0 : i32
    %dma_wait3A_1734 = tpu.memref_slice %arg7[%dma_wait3A_1732, %dma_wait3A_1733] : memref<32x256xf32, #tpu.memory_space<vmem>> -> memref<16x256xf32, #tpu.memory_space<vmem>>
    tpu.wait_dma2 semaphore(%arg8 : memref<!tpu.dma_semaphore, #tpu.memory_space<semaphore_mem>>) src(%dma_wait3A_1734 : memref<16x256xf32, #tpu.memory_space<vmem>>) dst(%dma_wait3A_1731 : memref<16x256xf32, #tpu.memory_space<hbm>>)
    %dma_wait3A_1735 = arith.constant 19 : i32
    %dma_wait3A_1736 = arith.constant 16 : i32
    %dma_wait3A_1737 = arith.constant 0 : i32
    %dma_wait3A_1738 = tpu.memref_slice %arg7[%dma_wait3A_1736, %dma_wait3A_1737] : memref<32x256xf32, #tpu.memory_space<vmem>> -> memref<16x256xf32, #tpu.memory_space<vmem>>
    %dma_wait3A_1739 = arith.constant 16 : i32
    %dma_wait3A_1740 = arith.constant 0 : i32
    %dma_wait3A_1741 = tpu.memref_slice %arg4[%dma_wait3A_1735, %add3A, %dma_wait3A_1739, %dma_wait3A_1740] : memref<32x32x32x256xf32, #tpu.memory_space<hbm>> -> memref<1x1x16x256xf32, #tpu.memory_space<hbm>>
    %dma_wait3A_1742 = tpu.memref_squeeze %dma_wait3A_1741 : memref<1x1x16x256xf32, #tpu.memory_space<hbm>> -> memref<16x256xf32, #tpu.memory_space<hbm>>
    %dma_wait3A_1743 = arith.constant 16 : i32
    %dma_wait3A_1744 = arith.constant 0 : i32
    %dma_wait3A_1745 = tpu.memref_slice %arg4[%dma_wait3A_1735, %add3A, %dma_wait3A_1743, %dma_wait3A_1744] : memref<32x32x32x256xf32, #tpu.memory_space<hbm>> -> memref<1x1x16x256xf32, #tpu.memory_space<hbm>>
    %dma_wait3A_1746 = tpu.memref_squeeze %dma_wait3A_1745 : memref<1x1x16x256xf32, #tpu.memory_space<hbm>> -> memref<16x256xf32, #tpu.memory_space<hbm>>
    %dma_wait3A_1747 = arith.constant 16 : i32
    %dma_wait3A_1748 = arith.constant 0 : i32
    %dma_wait3A_1749 = tpu.memref_slice %arg7[%dma_wait3A_1747, %dma_wait3A_1748] : memref<32x256xf32, #tpu.memory_space<vmem>> -> memref<16x256xf32, #tpu.memory_space<vmem>>
    tpu.wait_dma2 semaphore(%arg8 : memref<!tpu.dma_semaphore, #tpu.memory_space<semaphore_mem>>) src(%dma_wait3A_1749 : memref<16x256xf32, #tpu.memory_space<vmem>>) dst(%dma_wait3A_1746 : memref<16x256xf32, #tpu.memory_space<hbm>>)
    %dma_wait3A_1750 = arith.constant 20 : i32
    %dma_wait3A_1751 = arith.constant 16 : i32
    %dma_wait3A_1752 = arith.constant 0 : i32
    %dma_wait3A_1753 = tpu.memref_slice %arg7[%dma_wait3A_1751, %dma_wait3A_1752] : memref<32x256xf32, #tpu.memory_space<vmem>> -> memref<16x256xf32, #tpu.memory_space<vmem>>
    %dma_wait3A_1754 = arith.constant 16 : i32
    %dma_wait3A_1755 = arith.constant 0 : i32
    %dma_wait3A_1756 = tpu.memref_slice %arg4[%dma_wait3A_1750, %add3A, %dma_wait3A_1754, %dma_wait3A_1755] : memref<32x32x32x256xf32, #tpu.memory_space<hbm>> -> memref<1x1x16x256xf32, #tpu.memory_space<hbm>>
    %dma_wait3A_1757 = tpu.memref_squeeze %dma_wait3A_1756 : memref<1x1x16x256xf32, #tpu.memory_space<hbm>> -> memref<16x256xf32, #tpu.memory_space<hbm>>
    %dma_wait3A_1758 = arith.constant 16 : i32
    %dma_wait3A_1759 = arith.constant 0 : i32
    %dma_wait3A_1760 = tpu.memref_slice %arg4[%dma_wait3A_1750, %add3A, %dma_wait3A_1758, %dma_wait3A_1759] : memref<32x32x32x256xf32, #tpu.memory_space<hbm>> -> memref<1x1x16x256xf32, #tpu.memory_space<hbm>>
    %dma_wait3A_1761 = tpu.memref_squeeze %dma_wait3A_1760 : memref<1x1x16x256xf32, #tpu.memory_space<hbm>> -> memref<16x256xf32, #tpu.memory_space<hbm>>
    %dma_wait3A_1762 = arith.constant 16 : i32
    %dma_wait3A_1763 = arith.constant 0 : i32
    %dma_wait3A_1764 = tpu.memref_slice %arg7[%dma_wait3A_1762, %dma_wait3A_1763] : memref<32x256xf32, #tpu.memory_space<vmem>> -> memref<16x256xf32, #tpu.memory_space<vmem>>
    tpu.wait_dma2 semaphore(%arg8 : memref<!tpu.dma_semaphore, #tpu.memory_space<semaphore_mem>>) src(%dma_wait3A_1764 : memref<16x256xf32, #tpu.memory_space<vmem>>) dst(%dma_wait3A_1761 : memref<16x256xf32, #tpu.memory_space<hbm>>)
    %dma_wait3A_1765 = arith.constant 21 : i32
    %dma_wait3A_1766 = arith.constant 16 : i32
    %dma_wait3A_1767 = arith.constant 0 : i32
    %dma_wait3A_1768 = tpu.memref_slice %arg7[%dma_wait3A_1766, %dma_wait3A_1767] : memref<32x256xf32, #tpu.memory_space<vmem>> -> memref<16x256xf32, #tpu.memory_space<vmem>>
    %dma_wait3A_1769 = arith.constant 16 : i32
    %dma_wait3A_1770 = arith.constant 0 : i32
    %dma_wait3A_1771 = tpu.memref_slice %arg4[%dma_wait3A_1765, %add3A, %dma_wait3A_1769, %dma_wait3A_1770] : memref<32x32x32x256xf32, #tpu.memory_space<hbm>> -> memref<1x1x16x256xf32, #tpu.memory_space<hbm>>
    %dma_wait3A_1772 = tpu.memref_squeeze %dma_wait3A_1771 : memref<1x1x16x256xf32, #tpu.memory_space<hbm>> -> memref<16x256xf32, #tpu.memory_space<hbm>>
    %dma_wait3A_1773 = arith.constant 16 : i32
    %dma_wait3A_1774 = arith.constant 0 : i32
    %dma_wait3A_1775 = tpu.memref_slice %arg4[%dma_wait3A_1765, %add3A, %dma_wait3A_1773, %dma_wait3A_1774] : memref<32x32x32x256xf32, #tpu.memory_space<hbm>> -> memref<1x1x16x256xf32, #tpu.memory_space<hbm>>
    %dma_wait3A_1776 = tpu.memref_squeeze %dma_wait3A_1775 : memref<1x1x16x256xf32, #tpu.memory_space<hbm>> -> memref<16x256xf32, #tpu.memory_space<hbm>>
    %dma_wait3A_1777 = arith.constant 16 : i32
    %dma_wait3A_1778 = arith.constant 0 : i32
    %dma_wait3A_1779 = tpu.memref_slice %arg7[%dma_wait3A_1777, %dma_wait3A_1778] : memref<32x256xf32, #tpu.memory_space<vmem>> -> memref<16x256xf32, #tpu.memory_space<vmem>>
    tpu.wait_dma2 semaphore(%arg8 : memref<!tpu.dma_semaphore, #tpu.memory_space<semaphore_mem>>) src(%dma_wait3A_1779 : memref<16x256xf32, #tpu.memory_space<vmem>>) dst(%dma_wait3A_1776 : memref<16x256xf32, #tpu.memory_space<hbm>>)
    %dma_wait3A_1780 = arith.constant 22 : i32
    %dma_wait3A_1781 = arith.constant 16 : i32
    %dma_wait3A_1782 = arith.constant 0 : i32
    %dma_wait3A_1783 = tpu.memref_slice %arg7[%dma_wait3A_1781, %dma_wait3A_1782] : memref<32x256xf32, #tpu.memory_space<vmem>> -> memref<16x256xf32, #tpu.memory_space<vmem>>
    %dma_wait3A_1784 = arith.constant 16 : i32
    %dma_wait3A_1785 = arith.constant 0 : i32
    %dma_wait3A_1786 = tpu.memref_slice %arg4[%dma_wait3A_1780, %add3A, %dma_wait3A_1784, %dma_wait3A_1785] : memref<32x32x32x256xf32, #tpu.memory_space<hbm>> -> memref<1x1x16x256xf32, #tpu.memory_space<hbm>>
    %dma_wait3A_1787 = tpu.memref_squeeze %dma_wait3A_1786 : memref<1x1x16x256xf32, #tpu.memory_space<hbm>> -> memref<16x256xf32, #tpu.memory_space<hbm>>
    %dma_wait3A_1788 = arith.constant 16 : i32
    %dma_wait3A_1789 = arith.constant 0 : i32
    %dma_wait3A_1790 = tpu.memref_slice %arg4[%dma_wait3A_1780, %add3A, %dma_wait3A_1788, %dma_wait3A_1789] : memref<32x32x32x256xf32, #tpu.memory_space<hbm>> -> memref<1x1x16x256xf32, #tpu.memory_space<hbm>>
    %dma_wait3A_1791 = tpu.memref_squeeze %dma_wait3A_1790 : memref<1x1x16x256xf32, #tpu.memory_space<hbm>> -> memref<16x256xf32, #tpu.memory_space<hbm>>
    %dma_wait3A_1792 = arith.constant 16 : i32
    %dma_wait3A_1793 = arith.constant 0 : i32
    %dma_wait3A_1794 = tpu.memref_slice %arg7[%dma_wait3A_1792, %dma_wait3A_1793] : memref<32x256xf32, #tpu.memory_space<vmem>> -> memref<16x256xf32, #tpu.memory_space<vmem>>
    tpu.wait_dma2 semaphore(%arg8 : memref<!tpu.dma_semaphore, #tpu.memory_space<semaphore_mem>>) src(%dma_wait3A_1794 : memref<16x256xf32, #tpu.memory_space<vmem>>) dst(%dma_wait3A_1791 : memref<16x256xf32, #tpu.memory_space<hbm>>)
    %dma_wait3A_1795 = arith.constant 23 : i32
    %dma_wait3A_1796 = arith.constant 16 : i32
    %dma_wait3A_1797 = arith.constant 0 : i32
    %dma_wait3A_1798 = tpu.memref_slice %arg7[%dma_wait3A_1796, %dma_wait3A_1797] : memref<32x256xf32, #tpu.memory_space<vmem>> -> memref<16x256xf32, #tpu.memory_space<vmem>>
    %dma_wait3A_1799 = arith.constant 16 : i32
    %dma_wait3A_1800 = arith.constant 0 : i32
    %dma_wait3A_1801 = tpu.memref_slice %arg4[%dma_wait3A_1795, %add3A, %dma_wait3A_1799, %dma_wait3A_1800] : memref<32x32x32x256xf32, #tpu.memory_space<hbm>> -> memref<1x1x16x256xf32, #tpu.memory_space<hbm>>
    %dma_wait3A_1802 = tpu.memref_squeeze %dma_wait3A_1801 : memref<1x1x16x256xf32, #tpu.memory_space<hbm>> -> memref<16x256xf32, #tpu.memory_space<hbm>>
    %dma_wait3A_1803 = arith.constant 16 : i32
    %dma_wait3A_1804 = arith.constant 0 : i32
    %dma_wait3A_1805 = tpu.memref_slice %arg4[%dma_wait3A_1795, %add3A, %dma_wait3A_1803, %dma_wait3A_1804] : memref<32x32x32x256xf32, #tpu.memory_space<hbm>> -> memref<1x1x16x256xf32, #tpu.memory_space<hbm>>
    %dma_wait3A_1806 = tpu.memref_squeeze %dma_wait3A_1805 : memref<1x1x16x256xf32, #tpu.memory_space<hbm>> -> memref<16x256xf32, #tpu.memory_space<hbm>>
    %dma_wait3A_1807 = arith.constant 16 : i32
    %dma_wait3A_1808 = arith.constant 0 : i32
    %dma_wait3A_1809 = tpu.memref_slice %arg7[%dma_wait3A_1807, %dma_wait3A_1808] : memref<32x256xf32, #tpu.memory_space<vmem>> -> memref<16x256xf32, #tpu.memory_space<vmem>>
    tpu.wait_dma2 semaphore(%arg8 : memref<!tpu.dma_semaphore, #tpu.memory_space<semaphore_mem>>) src(%dma_wait3A_1809 : memref<16x256xf32, #tpu.memory_space<vmem>>) dst(%dma_wait3A_1806 : memref<16x256xf32, #tpu.memory_space<hbm>>)
    %dma_wait3A_1810 = arith.constant 24 : i32
    %dma_wait3A_1811 = arith.constant 16 : i32
    %dma_wait3A_1812 = arith.constant 0 : i32
    %dma_wait3A_1813 = tpu.memref_slice %arg7[%dma_wait3A_1811, %dma_wait3A_1812] : memref<32x256xf32, #tpu.memory_space<vmem>> -> memref<16x256xf32, #tpu.memory_space<vmem>>
    %dma_wait3A_1814 = arith.constant 16 : i32
    %dma_wait3A_1815 = arith.constant 0 : i32
    %dma_wait3A_1816 = tpu.memref_slice %arg4[%dma_wait3A_1810, %add3A, %dma_wait3A_1814, %dma_wait3A_1815] : memref<32x32x32x256xf32, #tpu.memory_space<hbm>> -> memref<1x1x16x256xf32, #tpu.memory_space<hbm>>
    %dma_wait3A_1817 = tpu.memref_squeeze %dma_wait3A_1816 : memref<1x1x16x256xf32, #tpu.memory_space<hbm>> -> memref<16x256xf32, #tpu.memory_space<hbm>>
    %dma_wait3A_1818 = arith.constant 16 : i32
    %dma_wait3A_1819 = arith.constant 0 : i32
    %dma_wait3A_1820 = tpu.memref_slice %arg4[%dma_wait3A_1810, %add3A, %dma_wait3A_1818, %dma_wait3A_1819] : memref<32x32x32x256xf32, #tpu.memory_space<hbm>> -> memref<1x1x16x256xf32, #tpu.memory_space<hbm>>
    %dma_wait3A_1821 = tpu.memref_squeeze %dma_wait3A_1820 : memref<1x1x16x256xf32, #tpu.memory_space<hbm>> -> memref<16x256xf32, #tpu.memory_space<hbm>>
    %dma_wait3A_1822 = arith.constant 16 : i32
    %dma_wait3A_1823 = arith.constant 0 : i32
    %dma_wait3A_1824 = tpu.memref_slice %arg7[%dma_wait3A_1822, %dma_wait3A_1823] : memref<32x256xf32, #tpu.memory_space<vmem>> -> memref<16x256xf32, #tpu.memory_space<vmem>>
    tpu.wait_dma2 semaphore(%arg8 : memref<!tpu.dma_semaphore, #tpu.memory_space<semaphore_mem>>) src(%dma_wait3A_1824 : memref<16x256xf32, #tpu.memory_space<vmem>>) dst(%dma_wait3A_1821 : memref<16x256xf32, #tpu.memory_space<hbm>>)
    %dma_wait3A_1825 = arith.constant 25 : i32
    %dma_wait3A_1826 = arith.constant 16 : i32
    %dma_wait3A_1827 = arith.constant 0 : i32
    %dma_wait3A_1828 = tpu.memref_slice %arg7[%dma_wait3A_1826, %dma_wait3A_1827] : memref<32x256xf32, #tpu.memory_space<vmem>> -> memref<16x256xf32, #tpu.memory_space<vmem>>
    %dma_wait3A_1829 = arith.constant 16 : i32
    %dma_wait3A_1830 = arith.constant 0 : i32
    %dma_wait3A_1831 = tpu.memref_slice %arg4[%dma_wait3A_1825, %add3A, %dma_wait3A_1829, %dma_wait3A_1830] : memref<32x32x32x256xf32, #tpu.memory_space<hbm>> -> memref<1x1x16x256xf32, #tpu.memory_space<hbm>>
    %dma_wait3A_1832 = tpu.memref_squeeze %dma_wait3A_1831 : memref<1x1x16x256xf32, #tpu.memory_space<hbm>> -> memref<16x256xf32, #tpu.memory_space<hbm>>
    %dma_wait3A_1833 = arith.constant 16 : i32
    %dma_wait3A_1834 = arith.constant 0 : i32
    %dma_wait3A_1835 = tpu.memref_slice %arg4[%dma_wait3A_1825, %add3A, %dma_wait3A_1833, %dma_wait3A_1834] : memref<32x32x32x256xf32, #tpu.memory_space<hbm>> -> memref<1x1x16x256xf32, #tpu.memory_space<hbm>>
    %dma_wait3A_1836 = tpu.memref_squeeze %dma_wait3A_1835 : memref<1x1x16x256xf32, #tpu.memory_space<hbm>> -> memref<16x256xf32, #tpu.memory_space<hbm>>
    %dma_wait3A_1837 = arith.constant 16 : i32
    %dma_wait3A_1838 = arith.constant 0 : i32
    %dma_wait3A_1839 = tpu.memref_slice %arg7[%dma_wait3A_1837, %dma_wait3A_1838] : memref<32x256xf32, #tpu.memory_space<vmem>> -> memref<16x256xf32, #tpu.memory_space<vmem>>
    tpu.wait_dma2 semaphore(%arg8 : memref<!tpu.dma_semaphore, #tpu.memory_space<semaphore_mem>>) src(%dma_wait3A_1839 : memref<16x256xf32, #tpu.memory_space<vmem>>) dst(%dma_wait3A_1836 : memref<16x256xf32, #tpu.memory_space<hbm>>)
    %dma_wait3A_1840 = arith.constant 26 : i32
    %dma_wait3A_1841 = arith.constant 16 : i32
    %dma_wait3A_1842 = arith.constant 0 : i32
    %dma_wait3A_1843 = tpu.memref_slice %arg7[%dma_wait3A_1841, %dma_wait3A_1842] : memref<32x256xf32, #tpu.memory_space<vmem>> -> memref<16x256xf32, #tpu.memory_space<vmem>>
    %dma_wait3A_1844 = arith.constant 16 : i32
    %dma_wait3A_1845 = arith.constant 0 : i32
    %dma_wait3A_1846 = tpu.memref_slice %arg4[%dma_wait3A_1840, %add3A, %dma_wait3A_1844, %dma_wait3A_1845] : memref<32x32x32x256xf32, #tpu.memory_space<hbm>> -> memref<1x1x16x256xf32, #tpu.memory_space<hbm>>
    %dma_wait3A_1847 = tpu.memref_squeeze %dma_wait3A_1846 : memref<1x1x16x256xf32, #tpu.memory_space<hbm>> -> memref<16x256xf32, #tpu.memory_space<hbm>>
    %dma_wait3A_1848 = arith.constant 16 : i32
    %dma_wait3A_1849 = arith.constant 0 : i32
    %dma_wait3A_1850 = tpu.memref_slice %arg4[%dma_wait3A_1840, %add3A, %dma_wait3A_1848, %dma_wait3A_1849] : memref<32x32x32x256xf32, #tpu.memory_space<hbm>> -> memref<1x1x16x256xf32, #tpu.memory_space<hbm>>
    %dma_wait3A_1851 = tpu.memref_squeeze %dma_wait3A_1850 : memref<1x1x16x256xf32, #tpu.memory_space<hbm>> -> memref<16x256xf32, #tpu.memory_space<hbm>>
    %dma_wait3A_1852 = arith.constant 16 : i32
    %dma_wait3A_1853 = arith.constant 0 : i32
    %dma_wait3A_1854 = tpu.memref_slice %arg7[%dma_wait3A_1852, %dma_wait3A_1853] : memref<32x256xf32, #tpu.memory_space<vmem>> -> memref<16x256xf32, #tpu.memory_space<vmem>>
    tpu.wait_dma2 semaphore(%arg8 : memref<!tpu.dma_semaphore, #tpu.memory_space<semaphore_mem>>) src(%dma_wait3A_1854 : memref<16x256xf32, #tpu.memory_space<vmem>>) dst(%dma_wait3A_1851 : memref<16x256xf32, #tpu.memory_space<hbm>>)
    %dma_wait3A_1855 = arith.constant 27 : i32
    %dma_wait3A_1856 = arith.constant 16 : i32
    %dma_wait3A_1857 = arith.constant 0 : i32
    %dma_wait3A_1858 = tpu.memref_slice %arg7[%dma_wait3A_1856, %dma_wait3A_1857] : memref<32x256xf32, #tpu.memory_space<vmem>> -> memref<16x256xf32, #tpu.memory_space<vmem>>
    %dma_wait3A_1859 = arith.constant 16 : i32
    %dma_wait3A_1860 = arith.constant 0 : i32
    %dma_wait3A_1861 = tpu.memref_slice %arg4[%dma_wait3A_1855, %add3A, %dma_wait3A_1859, %dma_wait3A_1860] : memref<32x32x32x256xf32, #tpu.memory_space<hbm>> -> memref<1x1x16x256xf32, #tpu.memory_space<hbm>>
    %dma_wait3A_1862 = tpu.memref_squeeze %dma_wait3A_1861 : memref<1x1x16x256xf32, #tpu.memory_space<hbm>> -> memref<16x256xf32, #tpu.memory_space<hbm>>
    %dma_wait3A_1863 = arith.constant 16 : i32
    %dma_wait3A_1864 = arith.constant 0 : i32
    %dma_wait3A_1865 = tpu.memref_slice %arg4[%dma_wait3A_1855, %add3A, %dma_wait3A_1863, %dma_wait3A_1864] : memref<32x32x32x256xf32, #tpu.memory_space<hbm>> -> memref<1x1x16x256xf32, #tpu.memory_space<hbm>>
    %dma_wait3A_1866 = tpu.memref_squeeze %dma_wait3A_1865 : memref<1x1x16x256xf32, #tpu.memory_space<hbm>> -> memref<16x256xf32, #tpu.memory_space<hbm>>
    %dma_wait3A_1867 = arith.constant 16 : i32
    %dma_wait3A_1868 = arith.constant 0 : i32
    %dma_wait3A_1869 = tpu.memref_slice %arg7[%dma_wait3A_1867, %dma_wait3A_1868] : memref<32x256xf32, #tpu.memory_space<vmem>> -> memref<16x256xf32, #tpu.memory_space<vmem>>
    tpu.wait_dma2 semaphore(%arg8 : memref<!tpu.dma_semaphore, #tpu.memory_space<semaphore_mem>>) src(%dma_wait3A_1869 : memref<16x256xf32, #tpu.memory_space<vmem>>) dst(%dma_wait3A_1866 : memref<16x256xf32, #tpu.memory_space<hbm>>)
    %dma_wait3A_1870 = arith.constant 28 : i32
    %dma_wait3A_1871 = arith.constant 16 : i32
    %dma_wait3A_1872 = arith.constant 0 : i32
    %dma_wait3A_1873 = tpu.memref_slice %arg7[%dma_wait3A_1871, %dma_wait3A_1872] : memref<32x256xf32, #tpu.memory_space<vmem>> -> memref<16x256xf32, #tpu.memory_space<vmem>>
    %dma_wait3A_1874 = arith.constant 16 : i32
    %dma_wait3A_1875 = arith.constant 0 : i32
    %dma_wait3A_1876 = tpu.memref_slice %arg4[%dma_wait3A_1870, %add3A, %dma_wait3A_1874, %dma_wait3A_1875] : memref<32x32x32x256xf32, #tpu.memory_space<hbm>> -> memref<1x1x16x256xf32, #tpu.memory_space<hbm>>
    %dma_wait3A_1877 = tpu.memref_squeeze %dma_wait3A_1876 : memref<1x1x16x256xf32, #tpu.memory_space<hbm>> -> memref<16x256xf32, #tpu.memory_space<hbm>>
    %dma_wait3A_1878 = arith.constant 16 : i32
    %dma_wait3A_1879 = arith.constant 0 : i32
    %dma_wait3A_1880 = tpu.memref_slice %arg4[%dma_wait3A_1870, %add3A, %dma_wait3A_1878, %dma_wait3A_1879] : memref<32x32x32x256xf32, #tpu.memory_space<hbm>> -> memref<1x1x16x256xf32, #tpu.memory_space<hbm>>
    %dma_wait3A_1881 = tpu.memref_squeeze %dma_wait3A_1880 : memref<1x1x16x256xf32, #tpu.memory_space<hbm>> -> memref<16x256xf32, #tpu.memory_space<hbm>>
    %dma_wait3A_1882 = arith.constant 16 : i32
    %dma_wait3A_1883 = arith.constant 0 : i32
    %dma_wait3A_1884 = tpu.memref_slice %arg7[%dma_wait3A_1882, %dma_wait3A_1883] : memref<32x256xf32, #tpu.memory_space<vmem>> -> memref<16x256xf32, #tpu.memory_space<vmem>>
    tpu.wait_dma2 semaphore(%arg8 : memref<!tpu.dma_semaphore, #tpu.memory_space<semaphore_mem>>) src(%dma_wait3A_1884 : memref<16x256xf32, #tpu.memory_space<vmem>>) dst(%dma_wait3A_1881 : memref<16x256xf32, #tpu.memory_space<hbm>>)
    %dma_wait3A_1885 = arith.constant 29 : i32
    %dma_wait3A_1886 = arith.constant 16 : i32
    %dma_wait3A_1887 = arith.constant 0 : i32
    %dma_wait3A_1888 = tpu.memref_slice %arg7[%dma_wait3A_1886, %dma_wait3A_1887] : memref<32x256xf32, #tpu.memory_space<vmem>> -> memref<16x256xf32, #tpu.memory_space<vmem>>
    %dma_wait3A_1889 = arith.constant 16 : i32
    %dma_wait3A_1890 = arith.constant 0 : i32
    %dma_wait3A_1891 = tpu.memref_slice %arg4[%dma_wait3A_1885, %add3A, %dma_wait3A_1889, %dma_wait3A_1890] : memref<32x32x32x256xf32, #tpu.memory_space<hbm>> -> memref<1x1x16x256xf32, #tpu.memory_space<hbm>>
    %dma_wait3A_1892 = tpu.memref_squeeze %dma_wait3A_1891 : memref<1x1x16x256xf32, #tpu.memory_space<hbm>> -> memref<16x256xf32, #tpu.memory_space<hbm>>
    %dma_wait3A_1893 = arith.constant 16 : i32
    %dma_wait3A_1894 = arith.constant 0 : i32
    %dma_wait3A_1895 = tpu.memref_slice %arg4[%dma_wait3A_1885, %add3A, %dma_wait3A_1893, %dma_wait3A_1894] : memref<32x32x32x256xf32, #tpu.memory_space<hbm>> -> memref<1x1x16x256xf32, #tpu.memory_space<hbm>>
    %dma_wait3A_1896 = tpu.memref_squeeze %dma_wait3A_1895 : memref<1x1x16x256xf32, #tpu.memory_space<hbm>> -> memref<16x256xf32, #tpu.memory_space<hbm>>
    %dma_wait3A_1897 = arith.constant 16 : i32
    %dma_wait3A_1898 = arith.constant 0 : i32
    %dma_wait3A_1899 = tpu.memref_slice %arg7[%dma_wait3A_1897, %dma_wait3A_1898] : memref<32x256xf32, #tpu.memory_space<vmem>> -> memref<16x256xf32, #tpu.memory_space<vmem>>
    tpu.wait_dma2 semaphore(%arg8 : memref<!tpu.dma_semaphore, #tpu.memory_space<semaphore_mem>>) src(%dma_wait3A_1899 : memref<16x256xf32, #tpu.memory_space<vmem>>) dst(%dma_wait3A_1896 : memref<16x256xf32, #tpu.memory_space<hbm>>)
    %dma_wait3A_1900 = arith.constant 30 : i32
    %dma_wait3A_1901 = arith.constant 16 : i32
    %dma_wait3A_1902 = arith.constant 0 : i32
    %dma_wait3A_1903 = tpu.memref_slice %arg7[%dma_wait3A_1901, %dma_wait3A_1902] : memref<32x256xf32, #tpu.memory_space<vmem>> -> memref<16x256xf32, #tpu.memory_space<vmem>>
    %dma_wait3A_1904 = arith.constant 16 : i32
    %dma_wait3A_1905 = arith.constant 0 : i32
    %dma_wait3A_1906 = tpu.memref_slice %arg4[%dma_wait3A_1900, %add3A, %dma_wait3A_1904, %dma_wait3A_1905] : memref<32x32x32x256xf32, #tpu.memory_space<hbm>> -> memref<1x1x16x256xf32, #tpu.memory_space<hbm>>
    %dma_wait3A_1907 = tpu.memref_squeeze %dma_wait3A_1906 : memref<1x1x16x256xf32, #tpu.memory_space<hbm>> -> memref<16x256xf32, #tpu.memory_space<hbm>>
    %dma_wait3A_1908 = arith.constant 16 : i32
    %dma_wait3A_1909 = arith.constant 0 : i32
    %dma_wait3A_1910 = tpu.memref_slice %arg4[%dma_wait3A_1900, %add3A, %dma_wait3A_1908, %dma_wait3A_1909] : memref<32x32x32x256xf32, #tpu.memory_space<hbm>> -> memref<1x1x16x256xf32, #tpu.memory_space<hbm>>
    %dma_wait3A_1911 = tpu.memref_squeeze %dma_wait3A_1910 : memref<1x1x16x256xf32, #tpu.memory_space<hbm>> -> memref<16x256xf32, #tpu.memory_space<hbm>>
    %dma_wait3A_1912 = arith.constant 16 : i32
    %dma_wait3A_1913 = arith.constant 0 : i32
    %dma_wait3A_1914 = tpu.memref_slice %arg7[%dma_wait3A_1912, %dma_wait3A_1913] : memref<32x256xf32, #tpu.memory_space<vmem>> -> memref<16x256xf32, #tpu.memory_space<vmem>>
    tpu.wait_dma2 semaphore(%arg8 : memref<!tpu.dma_semaphore, #tpu.memory_space<semaphore_mem>>) src(%dma_wait3A_1914 : memref<16x256xf32, #tpu.memory_space<vmem>>) dst(%dma_wait3A_1911 : memref<16x256xf32, #tpu.memory_space<hbm>>)
    %dma_wait3A_1915 = arith.constant 31 : i32
    %dma_wait3A_1916 = arith.constant 16 : i32
    %dma_wait3A_1917 = arith.constant 0 : i32
    %dma_wait3A_1918 = tpu.memref_slice %arg7[%dma_wait3A_1916, %dma_wait3A_1917] : memref<32x256xf32, #tpu.memory_space<vmem>> -> memref<16x256xf32, #tpu.memory_space<vmem>>
    %dma_wait3A_1919 = arith.constant 16 : i32
    %dma_wait3A_1920 = arith.constant 0 : i32
    %dma_wait3A_1921 = tpu.memref_slice %arg4[%dma_wait3A_1915, %add3A, %dma_wait3A_1919, %dma_wait3A_1920] : memref<32x32x32x256xf32, #tpu.memory_space<hbm>> -> memref<1x1x16x256xf32, #tpu.memory_space<hbm>>
    %dma_wait3A_1922 = tpu.memref_squeeze %dma_wait3A_1921 : memref<1x1x16x256xf32, #tpu.memory_space<hbm>> -> memref<16x256xf32, #tpu.memory_space<hbm>>
    %dma_wait3A_1923 = arith.constant 16 : i32
    %dma_wait3A_1924 = arith.constant 0 : i32
    %dma_wait3A_1925 = tpu.memref_slice %arg4[%dma_wait3A_1915, %add3A, %dma_wait3A_1923, %dma_wait3A_1924] : memref<32x32x32x256xf32, #tpu.memory_space<hbm>> -> memref<1x1x16x256xf32, #tpu.memory_space<hbm>>
    %dma_wait3A_1926 = tpu.memref_squeeze %dma_wait3A_1925 : memref<1x1x16x256xf32, #tpu.memory_space<hbm>> -> memref<16x256xf32, #tpu.memory_space<hbm>>
    %dma_wait3A_1927 = arith.constant 16 : i32
    %dma_wait3A_1928 = arith.constant 0 : i32
    %dma_wait3A_1929 = tpu.memref_slice %arg7[%dma_wait3A_1927, %dma_wait3A_1928] : memref<32x256xf32, #tpu.memory_space<vmem>> -> memref<16x256xf32, #tpu.memory_space<vmem>>
    tpu.wait_dma2 semaphore(%arg8 : memref<!tpu.dma_semaphore, #tpu.memory_space<semaphore_mem>>) src(%dma_wait3A_1929 : memref<16x256xf32, #tpu.memory_space<vmem>>) dst(%dma_wait3A_1926 : memref<16x256xf32, #tpu.memory_space<hbm>>)
    return
  }
}

</mosaic_0001>

<sc_bundles>
// kernel: kernel.3.cloned.1.call-start
scs
__scs_entry_jumppad:
0x0: {  	(pc) =	sbr.rel $0x88, $3  }
0x1: {  	(tag) =	ssettag $0x0;
	lr =	simm.s32 $0x1  }
0x2: {  	[smem:$0x3F9F] =	sst lr;
	_ =	strace $0xD0000000  }
0x3: {  	_ = 	snop  }
0x4: {  	_ = 	snop  }
0x5: {  	_ = 	snop  }
0x6: {  	_ = 	snop  }
0x7: {  	_ = 	snop  }
__scs_overlays_trampoline_lowered:
0x8: {  	[smem:$0x3FAE] =	sst s0  }
0x9: {  	[smem:$0x3FAF] =	sst s1  }
0xa: {  	[smem:$0x3FB0] =	sst s2  }
0xb: {  	[smem:$0x3FB1] =	sst s3  }
0xc: {  	[smem:$0x3FB2] =	sst s4  }
0xd: {  	[smem:$0x3FB3] =	sst s5  }
0xe: {  	[smem:$0x3FB4] =	sst s6  }
0xf: {  	[smem:$0x3FB5] =	sst s7  }
0x10: {  	[smem:$0x3FB6] =	sst s8  }
0x11: {  	[smem:$0x3FB7] =	sst s9;
	s0 =	simm.s32 @!p0 $0x0  }
0x12: {  	s1 =	sld [smem:$0x3F9D];
	s0 =	simm.s32 @p0 $0x1  }
0x13: {  	[smem:$0x3FB8] =	sst s0;
	s0 =	simm.s32 @!p1 $0x0  }
0x14: {  	s2 =	sld [smem:$0x3F9C];
	s0 =	simm.s32 @p1 $0x1  }
0x15: {  	[smem:$0x3FB9] =	sst s0;
	s0 =	simm.s32 @!p2 $0x0  }
0x16: {  	s3 =	sld [smem:$0x3FDB];
	s0 =	simm.s32 @p2 $0x1  }
0x17: {  	s4 =	simm.s32 $0x1BF5;
	[smem:$0x3FBB] =	sst s0  }
0x18: {  	s0 =	sld [smem:$0x3F9E];
	_ =	swait.ge [sflag:s4], $0x0  }
0x19: {  	s7 =	sld [smem:$0x3F9F]  }
0x1a: {  	s8 =	sadd.s32 $0xFFFFE003, lr  }
0x1b: {  	s9 =	sadd.s32 $0xFFFFFEF7, lr;
	s5 =	simm.s32 $0xFFFFFFFF;
	p2 =	slt.u32 s8, $0xFFFFF086  }
0x1c: {  	p1 =	slt.u32 s9, $0xF7A;
	s5 =	simm.s32 @!p2 $0x0  }
0x1d: {  	s5 =	simm.s32 @p1 $0x1;
	p0 =	seq.s32 s7, s2  }
0x1e: {  	s7 =	smul.u32 @!p0 $0xF7A, s2;
	p2 =	seq.s32 @!p0 s5, $0x0  }
0x1f: {  	s9 =	smul.u32 $0xF7A, s1;
	s8 =	simm.s32 @!p0 $0x1BF5;
	p2 =	por !p2, p0  }
0x20: {  	[sflag:s8] =	ssyncset.s32 @!p0 $0xFFFFF086;
	s6 =	sadd.s32 @!p0 s3, s7;
	s7 =	simm.s32 @!p0 $0x108  }
0x21: {  	s3 =	sadd.s32 s3, s9;
	s6 =	sadd.s32 @!p0 $0x88, s6;
	s7 =	simm.s32 @p2 $0x1082  }
0x22: {  	[simem:s7], [sflag:s8] =	dma.local @!p0 [hbm:s6], $0xF7A  }
0x23: {  	s9 =	sor.u32 $0xD0000000, s2;
	s6 =	simm.s32 $0x108;
	_ =	swait.ge @!p0 [sflag:s8], $0x0  }
0x24: {  	s3 =	sadd.s32 $0x88, s3;
	s6 =	simm.s32 @!p1 $0x1082;
	[sflag:s4] =	ssyncset.s32 $0xFFFFF086  }
0x25: {  	[simem:s6], [sflag:s4] =	dma.local [hbm:s3], $0xF7A  }
0x26: {  	[smem:$0x3F9F] =	sst s1;
	(tag) =	ssettag s2;
	_ =	strace s9  }
0x27: {  	s1 =	sld [smem:$0x3FAF]  }
0x28: {  	s2 =	sld [smem:$0x3FB0]  }
0x29: {  	s4 =	sld [smem:$0x3FB2]  }
0x2a: {  	p0 =	seq.s32 s5, $0x0;
	s5 =	sld [smem:$0x3FB3]  }
0x2b: {  	s6 =	sld [smem:$0x3FB4]  }
0x2c: {  	s7 =	sld [smem:$0x3FB5]  }
0x2d: {  	s3 =	simm.s32 $0x108;
	s8 =	sld [smem:$0x3FB6]  }
0x2e: {  	s3 =	simm.s32 @!p0 $0x1082;
	s9 =	sld [smem:$0x3FB7]  }
0x2f: {  	lr =	sadd.s32 s0, s3;
	s0 =	sld [smem:$0x3FAE]  }
0x30: {  	s3 =	sld [smem:$0x3FB1]  }
0x31: {  	[smem:$0x3FBA] =	sst s10  }
0x32: {  	s10 =	sld [smem:$0x3FB8];
	_ =	sdelay $0x3  }
0x33: {  	p0 =	seq.s32 s10, $0x1;
	s10 =	sld [smem:$0x3FBA];
	_ =	sdelay $0x3  }
0x34: {  	[smem:$0x3FBA] =	sst s10  }
0x35: {  	s10 =	sld [smem:$0x3FB9];
	_ =	sdelay $0x3  }
0x36: {  	p1 =	seq.s32 s10, $0x1;
	s10 =	sld [smem:$0x3FBA];
	_ =	sdelay $0x3  }
0x37: {  	[smem:$0x3FBA] =	sst s10  }
0x38: {  	s10 =	sld [smem:$0x3FBB]  }
0x39: {  	_ = 	snop;
	(pc) =	sbr.ind lr, $3  }
0x3a: {  	_ = 	snop  }
0x3b: {  	_ = 	snop  }
0x3c: {  	p2 =	seq.s32 s10, $0x1;
	s10 =	sld [smem:$0x3FBA]  }
0x3d: {  	_ =	shalt  }
0x3e: {  	_ =	shalt  }
0x3f: {  	_ =	shalt  }
0x40: {  	_ =	shalt  }
0x41: {  	_ =	shalt  }
0x42: {  	_ =	shalt  }
0x43: {  	_ =	shalt  }
0x44: {  	_ =	shalt  }
0x45: {  	_ =	shalt  }
0x46: {  	_ =	shalt  }
0x47: {  	_ =	shalt  }
0x48: {  	_ =	shalt  }
0x49: {  	_ =	shalt  }
0x4a: {  	_ =	shalt  }
0x4b: {  	_ =	shalt  }
0x4c: {  	_ =	shalt  }
0x4d: {  	_ =	shalt  }
0x4e: {  	_ =	shalt  }
0x4f: {  	_ =	shalt  }
0x50: {  	_ =	shalt  }
0x51: {  	_ =	shalt  }
0x52: {  	_ =	shalt  }
0x53: {  	_ =	shalt  }
0x54: {  	_ =	shalt  }
0x55: {  	_ =	shalt  }
0x56: {  	_ =	shalt  }
0x57: {  	_ =	shalt  }
0x58: {  	_ =	shalt  }
0x59: {  	_ =	shalt  }
0x5a: {  	_ =	shalt  }
0x5b: {  	_ =	shalt  }
0x5c: {  	_ =	shalt  }
0x5d: {  	_ =	shalt  }
0x5e: {  	_ =	shalt  }
0x5f: {  	_ =	shalt  }
0x60: {  	_ =	shalt  }
0x61: {  	_ =	shalt  }
0x62: {  	_ =	shalt  }
0x63: {  	_ =	shalt  }
0x64: {  	_ =	shalt  }
0x65: {  	_ =	shalt  }
0x66: {  	_ =	shalt  }
0x67: {  	_ =	shalt  }
0x68: {  	_ =	shalt  }
0x69: {  	_ =	shalt  }
0x6a: {  	_ =	shalt  }
0x6b: {  	_ =	shalt  }
0x6c: {  	_ =	shalt  }
0x6d: {  	_ =	shalt  }
0x6e: {  	_ =	shalt  }
0x6f: {  	_ =	shalt  }
0x70: {  	_ =	shalt  }
0x71: {  	_ =	shalt  }
0x72: {  	_ =	shalt  }
0x73: {  	_ =	shalt  }
0x74: {  	_ =	shalt  }
0x75: {  	_ =	shalt  }
0x76: {  	_ =	shalt  }
0x77: {  	_ =	shalt  }
0x78: {  	_ =	shalt  }
0x79: {  	_ =	shalt  }
0x7a: {  	_ =	shalt  }
0x7b: {  	_ =	shalt  }
0x7c: {  	_ =	shalt  }
0x7d: {  	_ =	shalt  }
0x7e: {  	_ =	shalt  }
0x7f: {  	_ =	shalt  }
0x80: {  	_ =	shalt  }
0x81: {  	_ =	shalt  }
0x82: {  	_ =	shalt  }
0x83: {  	_ =	shalt  }
0x84: {  	_ =	shalt  }
0x85: {  	_ =	shalt  }
0x86: {  	_ =	shalt  }
0x87: {  	_ =	shalt  }
.Lfunc_end0:
.L_simem_size_0:
called_computation_lowered:
.L_overlay_start_0:
0x88: {  	s2 =	sld [smem:$0x3FD9]  }
0x89: {  	s3 =	sld [smem:$0x3FFE];
	_ =	sdelay $0x1  }
0x8a: {  	s1 =	srdreg.scid  }
0x8b: {  	s0 =	sand.u32 $0x1, s1  }
0x8c: {  	s18 =	sshll.u32 s0, $0xA;
	s2 =	sadd.s32 s3, s2  }
0x8d: {  	s2 =	sadd.s32 s2, s18  }
0x8e: {  	[smem:$0x3FC6] =	sst s2  }
0x8f: {  	_ = 	snop  }
0x90: {  	s2 =	sld [smem:$0x3FC9]  }
0x91: {  	s19 =	sld [smem:$0x3FC8]  }
0x92: {  	s4 =	sld [smem:$0x3FD0];
	(tm) =	ssettm $0x1  }
0x93: {  	s5 =	sld [smem:$0x3FFB];
	_ =	sdelay $0x3  }
0x94: {  	_ =	strace s5  }
0x95: {  	s5 =	sld [smem:$0x3FFC];
	_ =	sdelay $0x3  }
0x96: {  	_ =	strace s5  }
0x97: {  	s5 =	sld [smem:$0x3FFD];
	_ =	sdelay $0x3  }
0x98: {  	_ =	strace s5  }
0x99: {  	_ =	strace $0x8FFFFFFF  }
0x9a: {  	s20 =	sld [smem:$0x3FDB];
	_ =	sdelay $0x1  }
0x9b: {  	s6 =	simm.s32 $_scs_section_size  }
0x9c: {  	s7 =	simm.s32 $_size__tile_overlayer_lowered;
	s8 =	simm.s32 $_tile_overlayer_lowered  }
0x9d: {  	s23 =	simm.s32 $0x1BFF;
	s22 =	sshll.u32 s8, $0x1;
	s5 =	sadd.s32 s6, s20  }
0x9e: {  	s9 =	simm.s32 $0x0;
	s21 =	sshll.u32 s7, $0x1;
	s7 =	sadd.s32 s22, s5  }
0x9f: {  	[timem:s9], [sflag:s23] =	dma.local [hbm:s7], s21  }
0xa0: {  	_ =	swait.ge [sflag:s23], s21  }
0xa1: {  	s6 =	ssub.s32 $0x0, s21;
	[sflag:s23] =	ssyncset.done $0x0  }
0xa2: {  	[sflag:s23] =	ssyncadd.s32 s6;
	_ =	sdelay $0x1  }
0xa3: {  	s24 =	simm.s32 $0x1B8B  }
0xa4: {  	_ =	swait.ge [sflag:s24], $0x1  }
0xa5: {  	[sflag:s24] =	ssyncset.done $0x0  }
0xa6: {  	s25 =	simm.s32 $0x1B8E;
	[sflag:s24] =	ssyncadd.s32 $0xFFFFFFFF  }
0xa7: {  	s26 =	simm.s32 $execute0_lowered;
	[smem:$0x3FD2] =	sst s25  }
0xa8: {  	s6 =	sshll.u32 s26, $0x1;
	_ =	strace $0x80000046;
	[dreg:$0x1] =	wrdreg $0xFFFFFFFF  }
0xa9: {  	s28 =	simm.s32 $_size_execute0_lowered;
	s5 =	sadd.s32 s5, s6;
	[dreg:$0x0] =	wrdreg $0x0  }
0xaa: {  	s6 =	sshll.u32 s28, $0x1;
	[dreg:$0x2] =	wrdreg s5  }
0xab: {  	[dreg:$0x3] =	wrdreg s6  }
0xac: {  	[dreg:$0x4] =	wrdreg $0xC0  }
0xad: {  	_ =	task [dreg:s9], $0x5FFFF  }
0xae: {  	[dreg:$0x1] =	wrdreg $0xFFFFFFFF  }
0xaf: {  	[dreg:$0x0] =	wrdreg $0x60  }
0xb0: {  	[dreg:$0x2] =	wrdreg s19  }
0xb1: {  	[dreg:$0x3] =	wrdreg s2  }
0xb2: {  	[dreg:$0x4] =	wrdreg s4  }
0xb3: {  	[dreg:$0x5] =	wrdreg $0x9  }
0xb4: {  	_ =	task.clear_ibuf [dreg:s9], $0x6FFFF;
	_ =	strace $0x90000046  }
0xb5: {  	s29 =	simm.s32 $0x9;
	_ =	strace $0x80000048  }
0xb6: {  	_ =	swait.ge [sflag:s29], $0x1  }
0xb7: {  	[sflag:s29] =	ssyncadd.s32 $0xFFFFFFFF  }
0xb8: {  	_ =	strace $0x90000048  }
0xb9: {  	_ =	sfence  }
0xba: {  	s30 =	sld [smem:$0x0];
	_ =	sdelay $0x2  }
0xbb: {  	s31 =	sshll.u32 s1, $0xD;
	s1 =	sshrl.u32 s1, $0x2  }
0xbc: {  	s3 =	sand.u32 $0x4000, s31;
	s1 =	sadd.s32 s1, s30  }
0xbd: {  	s0 =	sor.u32 s3, s0;
	s1 =	sshll.u32 s1, $0x11  }
0xbe: {  	s0 =	sor.u32 s1, s0  }
0xbf: {  	s0 =	sadd.s32 $0x8F2B, s0  }
0xc0: {  	[sflag:s0] =	ssyncadd.remote.s32 $0x1  }
0xc1: {  	_ =	sfence.sel $0xFFFF  }
0xc2: {  	[dreg:$0x0] =	wrdreg $0xFFFFFFFF;
	(pc) =	sbr.abs _section_cstart, $3  }
0xc3: {  	[dreg:$0x1] =	wrdreg $0xFFFFFFFF  }
0xc4: {  	_ =	task.clear_ibuf [dreg:s9], $0x2FFFF;
	_ =	strace $0x9FFFFFFF  }
0xc5: {  	(tm) =	ssettm $0x7FFFFFFF  }
tec
execute0_lowered:
.L_overlay_start_1:
0x0: {  	(tag) =	ssettag $0x1  }
0x1: {  	s0 =	rddreg [dreg:$0x1]  }
0x2: {  	s1 =	rddreg [dreg:$0x2]  }
0x3: {  	s2 =	srdreg.scid;
	s4 =	stileid.u32  }
0x4: {  	s3 =	simm.s32 $0x0;
	s2 =	sand.u32 $0x1, s2;
	s4 =	sshll.u32 s4, $0x1  }
0x5: {  	[smem:$0x7FF] =	sst s3;
	s4 =	sor.u32 s2, s4  }
0x6: {  	_ =	strace $0x80000047;
	s5 =	sshll.u32 s4, $0xA;
	s7 =	sshll.u32 s4, $0x4  }
0x7: {  	s2 =	ssub.s32 $0x2, s2;
	s4 =	sadd.s32 s1, s5;
	s0 =	sadd.s32 s0, s7  }
0x8: {  	s6 =	sshrl.u32 s2, $0x1;
	[dreg:$0x4] =	wrdreg s0;
	s5 =	sadd.s32 $0x8000, s4  }
0x9: {  	s2 =	ssub.s32 s2, s6;
	s6 =	sadd.s32 $0x10000, s4;
	[dreg:$0x5] =	wrdreg s5  }
0xa: {  	s7 =	sadd.s32 $0x18000, s4;
	[dreg:$0x6] =	wrdreg s6  }
0xb: {  	s8 =	sadd.s32 $0x20000, s4;
	[dreg:$0x7] =	wrdreg s7  }
0xc: {  	s9 =	sadd.s32 $0x28000, s4;
	[dreg:$0x8] =	wrdreg s8  }
0xd: {  	s10 =	sadd.s32 $0x30000, s4;
	[dreg:$0x9] =	wrdreg s9  }
0xe: {  	s11 =	sadd.s32 $0x38000, s4;
	[dreg:$0xa] =	wrdreg s10  }
0xf: {  	s12 =	sadd.s32 $0x40000, s4;
	[dreg:$0xb] =	wrdreg s11  }
0x10: {  	s13 =	sadd.s32 $0x48000, s4;
	[dreg:$0xc] =	wrdreg s12  }
0x11: {  	s14 =	sadd.s32 $0x50000, s4;
	[dreg:$0xd] =	wrdreg s13  }
0x12: {  	s15 =	sadd.s32 $0x58000, s4;
	[dreg:$0xe] =	wrdreg s14  }
0x13: {  	s16 =	sadd.s32 $0x60000, s4;
	[dreg:$0xf] =	wrdreg s15  }
0x14: {  	s17 =	sadd.s32 $0x68000, s4;
	[dreg:$0x10] =	wrdreg s16  }
0x15: {  	s18 =	sadd.s32 $0x70000, s4;
	[dreg:$0x11] =	wrdreg s17  }
0x16: {  	s19 =	sadd.s32 $0x78000, s4;
	[dreg:$0x12] =	wrdreg s18  }
0x17: {  	s20 =	sadd.s32 $0x80000, s4;
	[dreg:$0x13] =	wrdreg s19  }
0x18: {  	s21 =	sadd.s32 $0x88000, s4;
	[dreg:$0x14] =	wrdreg s20  }
0x19: {  	s22 =	sadd.s32 $0x90000, s4;
	[dreg:$0x15] =	wrdreg s21  }
0x1a: {  	s23 =	sadd.s32 $0x98000, s4;
	[dreg:$0x16] =	wrdreg s22  }
0x1b: {  	s24 =	smax.u32 s2, $0x1;
	[dreg:$0x17] =	wrdreg s23  }
0x1c: {  	s25 =	sadd.s32 $0xA0000, s4;
	[dreg:$0x18] =	wrdreg s24  }
0x1d: {  	s26 =	sadd.s32 $0xA8000, s4;
	[dreg:$0x19] =	wrdreg s25  }
0x1e: {  	s1 =	sadd.s32 $0xB0000, s4;
	[dreg:$0x1a] =	wrdreg s26  }
0x1f: {  	s2 =	sadd.s32 $0xB8000, s4;
	[dreg:$0x1b] =	wrdreg s1  }
0x20: {  	[dreg:$0x1c] =	wrdreg s2;
	s5 =	sadd.s32 $0xC0000, s4  }
0x21: {  	s6 =	sadd.s32 $0xC8000, s4;
	[dreg:$0x1d] =	wrdreg s5  }
0x22: {  	s7 =	sadd.s32 $0xD0000, s4;
	[dreg:$0x1e] =	wrdreg s6  }
0x23: {  	s8 =	sadd.s32 $0xD8000, s4;
	[dreg:$0x1f] =	wrdreg s7  }
0x24: {  	s9 =	sadd.s32 $0xE0000, s4;
	[smem:$0x7EB] =	sst s8  }
0x25: {  	s10 =	sadd.s32 $0xE8000, s4;
	[smem:$0x7EC] =	sst s9  }
0x26: {  	s11 =	sadd.s32 $0xF0000, s4;
	[smem:$0x7ED] =	sst s10  }
0x27: {  	s12 =	sadd.s32 $0xF8000, s4;
	[smem:$0x7EE] =	sst s11  }
0x28: {  	s13 =	sadd.s32 $0x200, s4;
	[smem:$0x7EF] =	sst s12  }
0x29: {  	s14 =	sadd.s32 $0x8200, s4;
	[smem:$0x7F0] =	sst s13  }
0x2a: {  	s15 =	sadd.s32 $0x10200, s4;
	[smem:$0x7F1] =	sst s14  }
0x2b: {  	s16 =	sadd.s32 $0x18200, s4;
	[smem:$0x7F2] =	sst s15  }
0x2c: {  	s17 =	sadd.s32 $0x20200, s4;
	[smem:$0x7F3] =	sst s16  }
0x2d: {  	s18 =	sadd.s32 $0x28200, s4;
	[smem:$0x7F4] =	sst s17  }
0x2e: {  	s19 =	sadd.s32 $0x30200, s4;
	[smem:$0x7F5] =	sst s18  }
0x2f: {  	s20 =	sadd.s32 $0x38200, s4;
	[smem:$0x7F6] =	sst s19  }
0x30: {  	s28 =	sadd.s32 $0x90200, s4;
	s21 =	sadd.s32 $0x40200, s4;
	[smem:$0x7F7] =	sst s20  }
0x31: {  	s29 =	sadd.s32 $0x98200, s4;
	s22 =	sadd.s32 $0x48200, s4;
	[smem:$0x7F8] =	sst s21  }
0x32: {  	s30 =	sadd.s32 $0xA0200, s4;
	s23 =	sadd.s32 $0x50200, s4;
	[smem:$0x7F9] =	sst s22  }
0x33: {  	s31 =	sadd.s32 $0xA8200, s4;
	s24 =	sadd.s32 $0x58200, s4;
	[smem:$0x7FA] =	sst s23  }
0x34: {  	s0 =	sadd.s32 $0xB0200, s4;
	s25 =	sadd.s32 $0x60200, s4;
	[smem:$0x7FB] =	sst s24  }
0x35: {  	s26 =	sadd.s32 $0x68200, s4;
	s2 =	sadd.s32 $0xB8200, s4;
	[smem:$0x7FC] =	sst s25  }
0x36: {  	s1 =	sadd.s32 $0xC0200, s4;
	[smem:$0x7FD] =	sst s26;
	s23 =	sadd.s32 $0x70200, s4  }
0x37: {  	s24 =	sadd.s32 $0x78200, s4;
	s25 =	sadd.s32 $0x80200, s4;
	s26 =	sadd.s32 $0x88200, s4  }
0x38: {  	s5 =	sadd.s32 $0xC8200, s4;
	s6 =	sadd.s32 $0xD0200, s4;
	s7 =	sadd.s32 $0xD8200, s4  }
0x39: {  	s8 =	sadd.s32 $0xE0200, s4;
	s9 =	sadd.s32 $0xE8200, s4;
	s10 =	sadd.s32 $0xF0200, s4  }
0x3a: {  	s11 =	sadd.s32 $0xF8200, s4;
	s12 =	simm.s32 $0x2;
	s13 =	simm.s32 $0x1080  }
0x3b: {  	s14 =	simm.s32 $0x2080;
	s15 =	simm.s32 $0x1;
	s16 =	simm.s32 $0x0  }
.LBB2_1:
0x3c: {  	s17 =	rddreg [dreg:$0x0]  }
0x3d: {  	[tilespmem:s3], [sflag:$0x2] =	stream.linear.gather [hbm4b:s17+s3], $0x1000, $0x38;
	[tilespmem:$0x3080] =	vst v63  }
0x3e: {  	_ =	swait.ge [sflag:s12], $0x1000  }
0x3f: {  	[sflag:s12] =	ssyncset.done $0x0  }
0x40: {  	s18 =	simm.s32 $0x1000;
	s20 =	rddreg [dreg:$0x4];
	[sflag:s12] =	ssyncadd.s32 $0xFFFFF000  }
0x41: {  	[tilespmem:s18], [sflag:$0x2] =	stream.linear.gather [hbm4b:s20+s3], $0x80, $0x38;
	[tilespmem:$0x3080] =	vst v63  }
0x42: {  	_ =	swait.ge [sflag:s12], $0x80  }
0x43: {  	[sflag:s12] =	ssyncset.done $0x0  }
0x44: {  	s21 =	simm.s32 $0x40;
	[sflag:s12] =	ssyncadd.s32 $0xFFFFFF80  }
0x45: {  	v0 =	vld [tilespmem:s21+$0xFFFFFFC0];
	_ =	sdelay $0x2  }
0x46: {  	s22 =	sand.u32 $0x800, s3;
	s19 =	sand.u32 $0x380, s3  }
0x47: {  	s18 =	sor.u32 s19, s22  }
0x48: {  	[tilespmem:s18+$0x1080] =	vst v0  }
0x49: {  	v0 =	vld [tilespmem:$0x1000];
	_ =	sdelay $0x4  }
0x4a: {  	[tilespmem:s18+$0x1480] =	vst v0  }
0x4b: {  	v0 =	vld [tilespmem:s21+$0xFFFFFFD0];
	_ =	sdelay $0x4  }
0x4c: {  	[tilespmem:s18+$0x1090] =	vst v0  }
0x4d: {  	v0 =	vld [tilespmem:$0x1010];
	_ =	sdelay $0x4  }
0x4e: {  	[tilespmem:s18+$0x1490] =	vst v0  }
0x4f: {  	v0 =	vld [tilespmem:s21+$0xFFFFFFE0];
	_ =	sdelay $0x4  }
0x50: {  	[tilespmem:s18+$0x10A0] =	vst v0  }
0x51: {  	v0 =	vld [tilespmem:$0x1020];
	_ =	sdelay $0x4  }
0x52: {  	[tilespmem:s18+$0x14A0] =	vst v0  }
0x53: {  	v0 =	vld [tilespmem:s21+$0xFFFFFFF0];
	_ =	sdelay $0x4  }
0x54: {  	[tilespmem:s18+$0x10B0] =	vst v0  }
0x55: {  	v0 =	vld [tilespmem:$0x1030];
	_ =	sdelay $0x4  }
0x56: {  	[tilespmem:s18+$0x14B0] =	vst v0  }
0x57: {  	v0 =	vld [tilespmem:s21+$0x0];
	_ =	sdelay $0x4  }
0x58: {  	[tilespmem:s18+$0x10C0] =	vst v0  }
0x59: {  	v0 =	vld [tilespmem:$0x1040];
	_ =	sdelay $0x4  }
0x5a: {  	[tilespmem:s18+$0x14C0] =	vst v0  }
0x5b: {  	v0 =	vld [tilespmem:s21+$0x10];
	_ =	sdelay $0x4  }
0x5c: {  	[tilespmem:s18+$0x10D0] =	vst v0  }
0x5d: {  	v0 =	vld [tilespmem:$0x1050];
	_ =	sdelay $0x4  }
0x5e: {  	[tilespmem:s18+$0x14D0] =	vst v0  }
0x5f: {  	v0 =	vld [tilespmem:s21+$0x20];
	_ =	sdelay $0x4  }
0x60: {  	[tilespmem:s18+$0x10E0] =	vst v0  }
0x61: {  	v0 =	vld [tilespmem:$0x1060];
	_ =	sdelay $0x4  }
0x62: {  	[tilespmem:s18+$0x14E0] =	vst v0  }
0x63: {  	v0 =	vld [tilespmem:s21+$0x30];
	_ =	sdelay $0x4  }
0x64: {  	[tilespmem:s18+$0x10F0] =	vst v0  }
0x65: {  	v0 =	vld [tilespmem:$0x1070];
	_ =	sdelay $0x4  }
0x66: {  	s17 =	simm.s32 $0xC0;
	[tilespmem:s18+$0x14F0] =	vst v0  }
0x67: {  	s20 =	simm.s32 $0x100;
	s19 =	simm.s32 $0x0;
	s18 =	simm.s32 $0x80;
	v0 =	vld [tilespmem:s17+$0xFFFFFFC0]  }
.LBB2_2:
0x68: {  	p0 =	sne.s32 s20, $0x780  }
0x69: {  	s19 =	sadd.s32 $0x100, s19  }
0x6a: {  	s22 =	sand.u32 $0x380, s18;
	s18 =	smov.u32 s20;
	s21 =	sand.u32 $0x800, s19  }
0x6b: {  	s21 =	sor.u32 s22, s21  }
0x6c: {  	[tilespmem:s21+$0x1080] =	vst v0  }
0x6d: {  	v0 =	vld [tilespmem:$0x1000];
	_ =	sdelay $0x4  }
0x6e: {  	[tilespmem:s21+$0x1480] =	vst v0  }
0x6f: {  	v0 =	vld [tilespmem:s17+$0xFFFFFFD0];
	_ =	sdelay $0x4  }
0x70: {  	[tilespmem:s21+$0x1090] =	vst v0  }
0x71: {  	v0 =	vld [tilespmem:$0x1010];
	_ =	sdelay $0x4  }
0x72: {  	[tilespmem:s21+$0x1490] =	vst v0  }
0x73: {  	v0 =	vld [tilespmem:s17+$0xFFFFFFE0];
	_ =	sdelay $0x4  }
0x74: {  	[tilespmem:s21+$0x10A0] =	vst v0  }
0x75: {  	v0 =	vld [tilespmem:$0x1020];
	_ =	sdelay $0x4  }
0x76: {  	[tilespmem:s21+$0x14A0] =	vst v0  }
0x77: {  	v0 =	vld [tilespmem:s17+$0xFFFFFFF0];
	_ =	sdelay $0x4  }
0x78: {  	[tilespmem:s21+$0x10B0] =	vst v0  }
0x79: {  	v0 =	vld [tilespmem:$0x1030];
	_ =	sdelay $0x4  }
0x7a: {  	[tilespmem:s21+$0x14B0] =	vst v0  }
0x7b: {  	v0 =	vld [tilespmem:s17+$0x0];
	_ =	sdelay $0x4  }
0x7c: {  	[tilespmem:s21+$0x10C0] =	vst v0  }
0x7d: {  	v0 =	vld [tilespmem:$0x1040];
	_ =	sdelay $0x4  }
0x7e: {  	[tilespmem:s21+$0x14C0] =	vst v0  }
0x7f: {  	v0 =	vld [tilespmem:s17+$0x10];
	_ =	sdelay $0x4  }
0x80: {  	[tilespmem:s21+$0x10D0] =	vst v0  }
0x81: {  	v0 =	vld [tilespmem:$0x1050];
	_ =	sdelay $0x4  }
0x82: {  	[tilespmem:s21+$0x14D0] =	vst v0  }
0x83: {  	v0 =	vld [tilespmem:s17+$0x20];
	_ =	sdelay $0x4  }
0x84: {  	[tilespmem:s21+$0x10E0] =	vst v0  }
0x85: {  	v0 =	vld [tilespmem:$0x1060];
	_ =	sdelay $0x4  }
0x86: {  	[tilespmem:s21+$0x14E0] =	vst v0  }
0x87: {  	v0 =	vld [tilespmem:s17+$0x30];
	_ =	sdelay $0x4  }
0x88: {  	[tilespmem:s21+$0x10F0] =	vst v0  }
0x89: {  	v0 =	vld [tilespmem:$0x1070];
	_ =	sdelay $0x1  }
.Ltmp0:
0x8a: {  	(pc) =	sbr.rel @p0 .LBB2_2-.Ltmp0, $3  }
0x8b: {  	_ =	sdelay $0x1  }
0x8c: {  	s17 =	sadd.s32 $0x80, s17;
	[tilespmem:s21+$0x14F0] =	vst v0  }
0x8d: {  	s20 =	sadd.s32 $0x80, s20;
	v0 =	vld [tilespmem:s17+$0xFFFFFFC0]  }
0x8e: {  	_ = 	snop  }
0x8f: {  	s19 =	sadd.s32 $0x100, s19  }
0x90: {  	s18 =	sand.u32 $0x380, s18;
	s19 =	sand.u32 $0x800, s19  }
0x91: {  	s18 =	sor.u32 s18, s19  }
0x92: {  	[tilespmem:s18+$0x1080] =	vst v0  }
0x93: {  	v0 =	vld [tilespmem:$0x1000];
	_ =	sdelay $0x4  }
0x94: {  	[tilespmem:s18+$0x1480] =	vst v0  }
0x95: {  	v0 =	vld [tilespmem:s17+$0xFFFFFFD0];
	_ =	sdelay $0x4  }
0x96: {  	[tilespmem:s18+$0x1090] =	vst v0  }
0x97: {  	v0 =	vld [tilespmem:$0x1010];
	_ =	sdelay $0x4  }
0x98: {  	[tilespmem:s18+$0x1490] =	vst v0  }
0x99: {  	v0 =	vld [tilespmem:s17+$0xFFFFFFE0];
	_ =	sdelay $0x4  }
0x9a: {  	[tilespmem:s18+$0x10A0] =	vst v0  }
0x9b: {  	v0 =	vld [tilespmem:$0x1020];
	_ =	sdelay $0x4  }
0x9c: {  	[tilespmem:s18+$0x14A0] =	vst v0  }
0x9d: {  	v0 =	vld [tilespmem:s17+$0xFFFFFFF0];
	_ =	sdelay $0x4  }
0x9e: {  	[tilespmem:s18+$0x10B0] =	vst v0  }
0x9f: {  	v0 =	vld [tilespmem:$0x1030];
	_ =	sdelay $0x4  }
0xa0: {  	[tilespmem:s18+$0x14B0] =	vst v0  }
0xa1: {  	v0 =	vld [tilespmem:s17+$0x0];
	_ =	sdelay $0x4  }
0xa2: {  	[tilespmem:s18+$0x10C0] =	vst v0  }
0xa3: {  	v0 =	vld [tilespmem:$0x1040];
	_ =	sdelay $0x4  }
0xa4: {  	[tilespmem:s18+$0x14C0] =	vst v0  }
0xa5: {  	v0 =	vld [tilespmem:s17+$0x10];
	_ =	sdelay $0x4  }
0xa6: {  	[tilespmem:s18+$0x10D0] =	vst v0  }
0xa7: {  	v0 =	vld [tilespmem:$0x1050];
	_ =	sdelay $0x4  }
0xa8: {  	[tilespmem:s18+$0x14D0] =	vst v0  }
0xa9: {  	v0 =	vld [tilespmem:s17+$0x20];
	_ =	sdelay $0x4  }
0xaa: {  	[tilespmem:s18+$0x10E0] =	vst v0  }
0xab: {  	v0 =	vld [tilespmem:$0x1060];
	_ =	sdelay $0x4  }
0xac: {  	[tilespmem:s18+$0x14E0] =	vst v0  }
0xad: {  	v0 =	vld [tilespmem:s17+$0x30];
	_ =	sdelay $0x4  }
0xae: {  	[tilespmem:s18+$0x10F0] =	vst v0  }
0xaf: {  	v0 =	vld [tilespmem:$0x1070];
	_ =	sdelay $0x4  }
0xb0: {  	s20 =	rddreg [dreg:$0x5];
	[tilespmem:s18+$0x14F0] =	vst v0  }
0xb1: {  	[hbm4b:s4+s3] =	stream.linear.scatter [tilespmem:s13], [sflag:$0x1], $0x1000, $0x38;
	[tilespmem:$0x3080] =	vst v63  }
0xb2: {  	s21 =	rddreg [dreg:$0x6]  }
0xb3: {  	[hbm4b:s20+s3] =	stream.linear.scatter [tilespmem:s13], [sflag:$0x1], $0x1000, $0x38;
	[tilespmem:$0x3080] =	vst v63  }
0xb4: {  	s22 =	rddreg [dreg:$0x7]  }
0xb5: {  	[hbm4b:s21+s3] =	stream.linear.scatter [tilespmem:s13], [sflag:$0x1], $0x1000, $0x38;
	[tilespmem:$0x3080] =	vst v63  }
0xb6: {  	s19 =	rddreg [dreg:$0x9]  }
0xb7: {  	[hbm4b:s22+s3] =	stream.linear.scatter [tilespmem:s13], [sflag:$0x1], $0x1000, $0x38;
	[tilespmem:$0x3080] =	vst v63  }
0xb8: {  	s18 =	rddreg [dreg:$0x8]  }
0xb9: {  	[hbm4b:s18+s3] =	stream.linear.scatter [tilespmem:s13], [sflag:$0x1], $0x1000, $0x38;
	[tilespmem:$0x3080] =	vst v63  }
0xba: {  	s20 =	rddreg [dreg:$0xa]  }
0xbb: {  	[hbm4b:s19+s3] =	stream.linear.scatter [tilespmem:s13], [sflag:$0x1], $0x1000, $0x38;
	[tilespmem:$0x3080] =	vst v63  }
0xbc: {  	s21 =	rddreg [dreg:$0xb]  }
0xbd: {  	[hbm4b:s20+s3] =	stream.linear.scatter [tilespmem:s13], [sflag:$0x1], $0x1000, $0x38;
	[tilespmem:$0x3080] =	vst v63  }
0xbe: {  	s22 =	rddreg [dreg:$0xc]  }
0xbf: {  	[hbm4b:s21+s3] =	stream.linear.scatter [tilespmem:s13], [sflag:$0x1], $0x1000, $0x38;
	[tilespmem:$0x3080] =	vst v63  }
0xc0: {  	s18 =	rddreg [dreg:$0xd]  }
0xc1: {  	[hbm4b:s22+s3] =	stream.linear.scatter [tilespmem:s13], [sflag:$0x1], $0x1000, $0x38;
	[tilespmem:$0x3080] =	vst v63  }
0xc2: {  	s19 =	rddreg [dreg:$0xe]  }
0xc3: {  	[hbm4b:s18+s3] =	stream.linear.scatter [tilespmem:s13], [sflag:$0x1], $0x1000, $0x38;
	[tilespmem:$0x3080] =	vst v63  }
0xc4: {  	s20 =	rddreg [dreg:$0xf]  }
0xc5: {  	[hbm4b:s19+s3] =	stream.linear.scatter [tilespmem:s13], [sflag:$0x1], $0x1000, $0x38;
	[tilespmem:$0x3080] =	vst v63  }
0xc6: {  	s21 =	rddreg [dreg:$0x10]  }
0xc7: {  	[hbm4b:s20+s3] =	stream.linear.scatter [tilespmem:s13], [sflag:$0x1], $0x1000, $0x38;
	[tilespmem:$0x3080] =	vst v63  }
0xc8: {  	s22 =	rddreg [dreg:$0x11]  }
0xc9: {  	[hbm4b:s21+s3] =	stream.linear.scatter [tilespmem:s13], [sflag:$0x1], $0x1000, $0x38;
	[tilespmem:$0x3080] =	vst v63  }
0xca: {  	s18 =	rddreg [dreg:$0x12]  }
0xcb: {  	[hbm4b:s22+s3] =	stream.linear.scatter [tilespmem:s13], [sflag:$0x1], $0x1000, $0x38;
	[tilespmem:$0x3080] =	vst v63  }
0xcc: {  	s19 =	rddreg [dreg:$0x13]  }
0xcd: {  	[hbm4b:s18+s3] =	stream.linear.scatter [tilespmem:s13], [sflag:$0x1], $0x1000, $0x38;
	[tilespmem:$0x3080] =	vst v63  }
0xce: {  	s20 =	rddreg [dreg:$0x14]  }
0xcf: {  	[hbm4b:s19+s3] =	stream.linear.scatter [tilespmem:s13], [sflag:$0x1], $0x1000, $0x38;
	[tilespmem:$0x3080] =	vst v63  }
0xd0: {  	s21 =	rddreg [dreg:$0x15]  }
0xd1: {  	[hbm4b:s20+s3] =	stream.linear.scatter [tilespmem:s13], [sflag:$0x1], $0x1000, $0x38;
	[tilespmem:$0x3080] =	vst v63  }
0xd2: {  	s22 =	rddreg [dreg:$0x16]  }
0xd3: {  	[hbm4b:s21+s3] =	stream.linear.scatter [tilespmem:s13], [sflag:$0x1], $0x1000, $0x38;
	[tilespmem:$0x3080] =	vst v63  }
0xd4: {  	s18 =	rddreg [dreg:$0x17]  }
0xd5: {  	[hbm4b:s22+s3] =	stream.linear.scatter [tilespmem:s13], [sflag:$0x1], $0x1000, $0x38;
	[tilespmem:$0x3080] =	vst v63  }
0xd6: {  	s19 =	rddreg [dreg:$0x19]  }
0xd7: {  	[hbm4b:s18+s3] =	stream.linear.scatter [tilespmem:s13], [sflag:$0x1], $0x1000, $0x38;
	[tilespmem:$0x3080] =	vst v63  }
0xd8: {  	s20 =	rddreg [dreg:$0x1a]  }
0xd9: {  	[hbm4b:s19+s3] =	stream.linear.scatter [tilespmem:s13], [sflag:$0x1], $0x1000, $0x38;
	[tilespmem:$0x3080] =	vst v63  }
0xda: {  	s21 =	rddreg [dreg:$0x1b]  }
0xdb: {  	[hbm4b:s20+s3] =	stream.linear.scatter [tilespmem:s13], [sflag:$0x1], $0x1000, $0x38;
	[tilespmem:$0x3080] =	vst v63  }
0xdc: {  	s22 =	rddreg [dreg:$0x1c]  }
0xdd: {  	[hbm4b:s21+s3] =	stream.linear.scatter [tilespmem:s13], [sflag:$0x1], $0x1000, $0x38;
	[tilespmem:$0x3080] =	vst v63  }
0xde: {  	s18 =	rddreg [dreg:$0x1d]  }
0xdf: {  	[hbm4b:s22+s3] =	stream.linear.scatter [tilespmem:s13], [sflag:$0x1], $0x1000, $0x38;
	[tilespmem:$0x3080] =	vst v63  }
0xe0: {  	s19 =	rddreg [dreg:$0x1e]  }
0xe1: {  	[hbm4b:s18+s3] =	stream.linear.scatter [tilespmem:s13], [sflag:$0x1], $0x1000, $0x38;
	[tilespmem:$0x3080] =	vst v63  }
0xe2: {  	s20 =	rddreg [dreg:$0x1f]  }
0xe3: {  	[hbm4b:s19+s3] =	stream.linear.scatter [tilespmem:s13], [sflag:$0x1], $0x1000, $0x38;
	[tilespmem:$0x3080] =	vst v63  }
0xe4: {  	s21 =	sld [smem:$0x7EB]  }
0xe5: {  	[hbm4b:s20+s3] =	stream.linear.scatter [tilespmem:s13], [sflag:$0x1], $0x1000, $0x38;
	[tilespmem:$0x3080] =	vst v63  }
0xe6: {  	s22 =	sld [smem:$0x7EC]  }
0xe7: {  	[hbm4b:s21+s3] =	stream.linear.scatter [tilespmem:s13], [sflag:$0x1], $0x1000, $0x38;
	[tilespmem:$0x3080] =	vst v63  }
0xe8: {  	s18 =	sld [smem:$0x7ED]  }
0xe9: {  	[hbm4b:s22+s3] =	stream.linear.scatter [tilespmem:s13], [sflag:$0x1], $0x1000, $0x38;
	[tilespmem:$0x3080] =	vst v63  }
0xea: {  	s19 =	sld [smem:$0x7EE]  }
0xeb: {  	[hbm4b:s18+s3] =	stream.linear.scatter [tilespmem:s13], [sflag:$0x1], $0x1000, $0x38;
	[tilespmem:$0x3080] =	vst v63  }
0xec: {  	s20 =	sld [smem:$0x7EF]  }
0xed: {  	[hbm4b:s19+s3] =	stream.linear.scatter [tilespmem:s13], [sflag:$0x1], $0x1000, $0x38;
	[tilespmem:$0x3080] =	vst v63  }
0xee: {  	s21 =	simm.s32 $0x870  }
0xef: {  	[hbm4b:s20+s3] =	stream.linear.scatter [tilespmem:s13], [sflag:$0x1], $0x1000, $0x38;
	[tilespmem:$0x3080] =	vst v63  }
0xf0: {  	v0 =	vld [tilespmem:s21+$0xFFFFFF90];
	_ =	sdelay $0x1  }
0xf1: {  	s17 =	simm.s32 $0x800;
	s22 =	simm.s32 $0x1000  }
0xf2: {  	s19 =	sand.u32 $0x1800, s22;
	s20 =	sand.u32 $0x380, s17  }
0xf3: {  	s19 =	sor.u32 s20, s19  }
0xf4: {  	[tilespmem:s19+$0x1080] =	vst v0  }
0xf5: {  	v0 =	vld [tilespmem:$0x1000];
	_ =	sdelay $0x4  }
0xf6: {  	[tilespmem:s19+$0x1480] =	vst v0  }
0xf7: {  	v0 =	vld [tilespmem:s21+$0xFFFFFFA0];
	_ =	sdelay $0x4  }
0xf8: {  	[tilespmem:s19+$0x1090] =	vst v0  }
0xf9: {  	v0 =	vld [tilespmem:$0x1010];
	_ =	sdelay $0x4  }
0xfa: {  	[tilespmem:s19+$0x1490] =	vst v0  }
0xfb: {  	v0 =	vld [tilespmem:s21+$0xFFFFFFB0];
	_ =	sdelay $0x4  }
0xfc: {  	[tilespmem:s19+$0x10A0] =	vst v0  }
0xfd: {  	v0 =	vld [tilespmem:$0x1020];
	_ =	sdelay $0x4  }
0xfe: {  	[tilespmem:s19+$0x14A0] =	vst v0  }
0xff: {  	v0 =	vld [tilespmem:s21+$0xFFFFFFC0];
	_ =	sdelay $0x4  }
0x100: {  	[tilespmem:s19+$0x10B0] =	vst v0  }
0x101: {  	v0 =	vld [tilespmem:$0x1030];
	_ =	sdelay $0x4  }
0x102: {  	[tilespmem:s19+$0x14B0] =	vst v0  }
0x103: {  	v0 =	vld [tilespmem:s21+$0xFFFFFFD0];
	_ =	sdelay $0x4  }
0x104: {  	[tilespmem:s19+$0x10C0] =	vst v0  }
0x105: {  	v0 =	vld [tilespmem:$0x1040];
	_ =	sdelay $0x4  }
0x106: {  	[tilespmem:s19+$0x14C0] =	vst v0  }
0x107: {  	v0 =	vld [tilespmem:s21+$0xFFFFFFE0];
	_ =	sdelay $0x4  }
0x108: {  	[tilespmem:s19+$0x10D0] =	vst v0  }
0x109: {  	v0 =	vld [tilespmem:$0x1050];
	_ =	sdelay $0x4  }
0x10a: {  	[tilespmem:s19+$0x14D0] =	vst v0  }
0x10b: {  	v0 =	vld [tilespmem:s21+$0xFFFFFFF0];
	_ =	sdelay $0x4  }
0x10c: {  	[tilespmem:s19+$0x10E0] =	vst v0  }
0x10d: {  	v0 =	vld [tilespmem:$0x1060];
	_ =	sdelay $0x4  }
0x10e: {  	[tilespmem:s19+$0x14E0] =	vst v0  }
0x10f: {  	v0 =	vld [tilespmem:s21+$0x0];
	_ =	sdelay $0x4  }
0x110: {  	[tilespmem:s19+$0x10F0] =	vst v0  }
0x111: {  	v0 =	vld [tilespmem:$0x1070];
	_ =	sdelay $0x4  }
0x112: {  	s18 =	simm.s32 $0x8F0;
	[tilespmem:s19+$0x14F0] =	vst v0  }
0x113: {  	s20 =	simm.s32 $0x1200;
	s19 =	simm.s32 $0x1100;
	v0 =	vld [tilespmem:s18+$0xFFFFFF90]  }
.LBB2_4:
0x114: {  	p0 =	sne.s32 s20, $0x1F00  }
0x115: {  	s17 =	sadd.s32 $0x80, s17  }
0x116: {  	s21 =	sand.u32 $0x1800, s19;
	s19 =	smov.u32 s20;
	s22 =	sand.u32 $0x380, s17  }
0x117: {  	s21 =	sor.u32 s22, s21  }
0x118: {  	[tilespmem:s21+$0x1080] =	vst v0  }
0x119: {  	v0 =	vld [tilespmem:$0x1000];
	_ =	sdelay $0x4  }
0x11a: {  	[tilespmem:s21+$0x1480] =	vst v0  }
0x11b: {  	v0 =	vld [tilespmem:s18+$0xFFFFFFA0];
	_ =	sdelay $0x4  }
0x11c: {  	[tilespmem:s21+$0x1090] =	vst v0  }
0x11d: {  	v0 =	vld [tilespmem:$0x1010];
	_ =	sdelay $0x4  }
0x11e: {  	[tilespmem:s21+$0x1490] =	vst v0  }
0x11f: {  	v0 =	vld [tilespmem:s18+$0xFFFFFFB0];
	_ =	sdelay $0x4  }
0x120: {  	[tilespmem:s21+$0x10A0] =	vst v0  }
0x121: {  	v0 =	vld [tilespmem:$0x1020];
	_ =	sdelay $0x4  }
0x122: {  	[tilespmem:s21+$0x14A0] =	vst v0  }
0x123: {  	v0 =	vld [tilespmem:s18+$0xFFFFFFC0];
	_ =	sdelay $0x4  }
0x124: {  	[tilespmem:s21+$0x10B0] =	vst v0  }
0x125: {  	v0 =	vld [tilespmem:$0x1030];
	_ =	sdelay $0x4  }
0x126: {  	[tilespmem:s21+$0x14B0] =	vst v0  }
0x127: {  	v0 =	vld [tilespmem:s18+$0xFFFFFFD0];
	_ =	sdelay $0x4  }
0x128: {  	[tilespmem:s21+$0x10C0] =	vst v0  }
0x129: {  	v0 =	vld [tilespmem:$0x1040];
	_ =	sdelay $0x4  }
0x12a: {  	[tilespmem:s21+$0x14C0] =	vst v0  }
0x12b: {  	v0 =	vld [tilespmem:s18+$0xFFFFFFE0];
	_ =	sdelay $0x4  }
0x12c: {  	[tilespmem:s21+$0x10D0] =	vst v0  }
0x12d: {  	v0 =	vld [tilespmem:$0x1050];
	_ =	sdelay $0x4  }
0x12e: {  	[tilespmem:s21+$0x14D0] =	vst v0  }
0x12f: {  	v0 =	vld [tilespmem:s18+$0xFFFFFFF0];
	_ =	sdelay $0x4  }
0x130: {  	[tilespmem:s21+$0x10E0] =	vst v0  }
0x131: {  	v0 =	vld [tilespmem:$0x1060];
	_ =	sdelay $0x4  }
0x132: {  	[tilespmem:s21+$0x14E0] =	vst v0  }
0x133: {  	v0 =	vld [tilespmem:s18+$0x0];
	_ =	sdelay $0x4  }
0x134: {  	[tilespmem:s21+$0x10F0] =	vst v0  }
0x135: {  	v0 =	vld [tilespmem:$0x1070];
	_ =	sdelay $0x1  }
.Ltmp1:
0x136: {  	(pc) =	sbr.rel @p0 .LBB2_4-.Ltmp1, $3  }
0x137: {  	_ =	sdelay $0x1  }
0x138: {  	s18 =	sadd.s32 $0x80, s18;
	[tilespmem:s21+$0x14F0] =	vst v0  }
0x139: {  	s20 =	sadd.s32 $0x100, s20;
	v0 =	vld [tilespmem:s18+$0xFFFFFF90]  }
0x13a: {  	_ = 	snop  }
0x13b: {  	s17 =	sadd.s32 $0x80, s17  }
0x13c: {  	s19 =	sand.u32 $0x1800, s19;
	s17 =	sand.u32 $0x380, s17  }
0x13d: {  	s17 =	sor.u32 s17, s19  }
0x13e: {  	[tilespmem:s17+$0x1080] =	vst v0  }
0x13f: {  	v0 =	vld [tilespmem:$0x1000];
	_ =	sdelay $0x4  }
0x140: {  	[tilespmem:s17+$0x1480] =	vst v0  }
0x141: {  	v0 =	vld [tilespmem:s18+$0xFFFFFFA0];
	_ =	sdelay $0x4  }
0x142: {  	[tilespmem:s17+$0x1090] =	vst v0  }
0x143: {  	v0 =	vld [tilespmem:$0x1010];
	_ =	sdelay $0x4  }
0x144: {  	[tilespmem:s17+$0x1490] =	vst v0  }
0x145: {  	v0 =	vld [tilespmem:s18+$0xFFFFFFB0];
	_ =	sdelay $0x4  }
0x146: {  	[tilespmem:s17+$0x10A0] =	vst v0  }
0x147: {  	v0 =	vld [tilespmem:$0x1020];
	_ =	sdelay $0x4  }
0x148: {  	[tilespmem:s17+$0x14A0] =	vst v0  }
0x149: {  	v0 =	vld [tilespmem:s18+$0xFFFFFFC0];
	_ =	sdelay $0x4  }
0x14a: {  	[tilespmem:s17+$0x10B0] =	vst v0  }
0x14b: {  	v0 =	vld [tilespmem:$0x1030];
	_ =	sdelay $0x4  }
0x14c: {  	[tilespmem:s17+$0x14B0] =	vst v0  }
0x14d: {  	v0 =	vld [tilespmem:s18+$0xFFFFFFD0];
	_ =	sdelay $0x4  }
0x14e: {  	[tilespmem:s17+$0x10C0] =	vst v0  }
0x14f: {  	v0 =	vld [tilespmem:$0x1040];
	_ =	sdelay $0x4  }
0x150: {  	[tilespmem:s17+$0x14C0] =	vst v0  }
0x151: {  	v0 =	vld [tilespmem:s18+$0xFFFFFFE0];
	_ =	sdelay $0x4  }
0x152: {  	[tilespmem:s17+$0x10D0] =	vst v0  }
0x153: {  	v0 =	vld [tilespmem:$0x1050];
	_ =	sdelay $0x4  }
0x154: {  	[tilespmem:s17+$0x14D0] =	vst v0  }
0x155: {  	v0 =	vld [tilespmem:s18+$0xFFFFFFF0];
	_ =	sdelay $0x4  }
0x156: {  	[tilespmem:s17+$0x10E0] =	vst v0  }
0x157: {  	v0 =	vld [tilespmem:$0x1060];
	_ =	sdelay $0x4  }
0x158: {  	[tilespmem:s17+$0x14E0] =	vst v0  }
0x159: {  	v0 =	vld [tilespmem:s18+$0x0];
	_ =	sdelay $0x4  }
0x15a: {  	[tilespmem:s17+$0x10F0] =	vst v0  }
0x15b: {  	v0 =	vld [tilespmem:$0x1070];
	_ =	sdelay $0x2  }
0x15c: {  	s18 =	sld [smem:$0x7F0];
	_ =	sdelay $0x1  }
0x15d: {  	s19 =	sld [smem:$0x7F1];
	[tilespmem:s17+$0x14F0] =	vst v0  }
0x15e: {  	[hbm4b:s18+s3] =	stream.linear.scatter [tilespmem:s14], [sflag:$0x1], $0x1000, $0x38;
	[tilespmem:$0x3080] =	vst v63  }
0x15f: {  	s20 =	sld [smem:$0x7F2]  }
0x160: {  	[hbm4b:s19+s3] =	stream.linear.scatter [tilespmem:s14], [sflag:$0x1], $0x1000, $0x38;
	[tilespmem:$0x3080] =	vst v63  }
0x161: {  	s21 =	sld [smem:$0x7F3]  }
0x162: {  	[hbm4b:s20+s3] =	stream.linear.scatter [tilespmem:s14], [sflag:$0x1], $0x1000, $0x38;
	[tilespmem:$0x3080] =	vst v63  }
0x163: {  	s22 =	sld [smem:$0x7F4]  }
0x164: {  	[hbm4b:s21+s3] =	stream.linear.scatter [tilespmem:s14], [sflag:$0x1], $0x1000, $0x38;
	[tilespmem:$0x3080] =	vst v63  }
0x165: {  	s18 =	sld [smem:$0x7F5]  }
0x166: {  	[hbm4b:s22+s3] =	stream.linear.scatter [tilespmem:s14], [sflag:$0x1], $0x1000, $0x38;
	[tilespmem:$0x3080] =	vst v63  }
0x167: {  	s19 =	sld [smem:$0x7F6]  }
0x168: {  	[hbm4b:s18+s3] =	stream.linear.scatter [tilespmem:s14], [sflag:$0x1], $0x1000, $0x38;
	[tilespmem:$0x3080] =	vst v63  }
0x169: {  	s20 =	sld [smem:$0x7F7]  }
0x16a: {  	[hbm4b:s19+s3] =	stream.linear.scatter [tilespmem:s14], [sflag:$0x1], $0x1000, $0x38;
	[tilespmem:$0x3080] =	vst v63  }
0x16b: {  	s21 =	sld [smem:$0x7F8]  }
0x16c: {  	[hbm4b:s20+s3] =	stream.linear.scatter [tilespmem:s14], [sflag:$0x1], $0x1000, $0x38;
	[tilespmem:$0x3080] =	vst v63  }
0x16d: {  	s22 =	sld [smem:$0x7F9]  }
0x16e: {  	[hbm4b:s21+s3] =	stream.linear.scatter [tilespmem:s14], [sflag:$0x1], $0x1000, $0x38;
	[tilespmem:$0x3080] =	vst v63  }
0x16f: {  	s18 =	sld [smem:$0x7FA]  }
0x170: {  	[hbm4b:s22+s3] =	stream.linear.scatter [tilespmem:s14], [sflag:$0x1], $0x1000, $0x38;
	[tilespmem:$0x3080] =	vst v63  }
0x171: {  	s19 =	sld [smem:$0x7FB]  }
0x172: {  	[hbm4b:s18+s3] =	stream.linear.scatter [tilespmem:s14], [sflag:$0x1], $0x1000, $0x38;
	[tilespmem:$0x3080] =	vst v63  }
0x173: {  	s20 =	sld [smem:$0x7FC]  }
0x174: {  	[hbm4b:s19+s3] =	stream.linear.scatter [tilespmem:s14], [sflag:$0x1], $0x1000, $0x38;
	[tilespmem:$0x3080] =	vst v63  }
0x175: {  	s21 =	sld [smem:$0x7FD]  }
0x176: {  	[hbm4b:s20+s3] =	stream.linear.scatter [tilespmem:s14], [sflag:$0x1], $0x1000, $0x38;
	[tilespmem:$0x3080] =	vst v63  }
0x177: {  	_ = 	snop  }
0x178: {  	[hbm4b:s21+s3] =	stream.linear.scatter [tilespmem:s14], [sflag:$0x1], $0x1000, $0x38;
	[tilespmem:$0x3080] =	vst v63  }
0x179: {  	_ = 	snop  }
0x17a: {  	[hbm4b:s23+s3] =	stream.linear.scatter [tilespmem:s14], [sflag:$0x1], $0x1000, $0x38;
	[tilespmem:$0x3080] =	vst v63  }
0x17b: {  	_ = 	snop  }
0x17c: {  	[hbm4b:s24+s3] =	stream.linear.scatter [tilespmem:s14], [sflag:$0x1], $0x1000, $0x38;
	[tilespmem:$0x3080] =	vst v63  }
0x17d: {  	_ = 	snop  }
0x17e: {  	[hbm4b:s25+s3] =	stream.linear.scatter [tilespmem:s14], [sflag:$0x1], $0x1000, $0x38;
	[tilespmem:$0x3080] =	vst v63  }
0x17f: {  	_ = 	snop  }
0x180: {  	[hbm4b:s26+s3] =	stream.linear.scatter [tilespmem:s14], [sflag:$0x1], $0x1000, $0x38;
	[tilespmem:$0x3080] =	vst v63  }
0x181: {  	_ = 	snop  }
0x182: {  	[hbm4b:s28+s3] =	stream.linear.scatter [tilespmem:s14], [sflag:$0x1], $0x1000, $0x38;
	[tilespmem:$0x3080] =	vst v63  }
0x183: {  	_ = 	snop  }
0x184: {  	[hbm4b:s29+s3] =	stream.linear.scatter [tilespmem:s14], [sflag:$0x1], $0x1000, $0x38;
	[tilespmem:$0x3080] =	vst v63  }
0x185: {  	_ = 	snop  }
0x186: {  	[hbm4b:s30+s3] =	stream.linear.scatter [tilespmem:s14], [sflag:$0x1], $0x1000, $0x38;
	[tilespmem:$0x3080] =	vst v63  }
0x187: {  	_ = 	snop  }
0x188: {  	[hbm4b:s31+s3] =	stream.linear.scatter [tilespmem:s14], [sflag:$0x1], $0x1000, $0x38;
	[tilespmem:$0x3080] =	vst v63  }
0x189: {  	_ = 	snop  }
0x18a: {  	[hbm4b:s0+s3] =	stream.linear.scatter [tilespmem:s14], [sflag:$0x1], $0x1000, $0x38;
	[tilespmem:$0x3080] =	vst v63  }
0x18b: {  	_ = 	snop  }
0x18c: {  	[hbm4b:s2+s3] =	stream.linear.scatter [tilespmem:s14], [sflag:$0x1], $0x1000, $0x38;
	[tilespmem:$0x3080] =	vst v63  }
0x18d: {  	_ = 	snop  }
0x18e: {  	[hbm4b:s1+s3] =	stream.linear.scatter [tilespmem:s14], [sflag:$0x1], $0x1000, $0x38;
	[tilespmem:$0x3080] =	vst v63  }
0x18f: {  	_ = 	snop  }
0x190: {  	[hbm4b:s5+s3] =	stream.linear.scatter [tilespmem:s14], [sflag:$0x1], $0x1000, $0x38;
	[tilespmem:$0x3080] =	vst v63  }
0x191: {  	_ = 	snop  }
0x192: {  	[hbm4b:s6+s3] =	stream.linear.scatter [tilespmem:s14], [sflag:$0x1], $0x1000, $0x38;
	[tilespmem:$0x3080] =	vst v63  }
0x193: {  	_ = 	snop  }
0x194: {  	[hbm4b:s7+s3] =	stream.linear.scatter [tilespmem:s14], [sflag:$0x1], $0x1000, $0x38;
	[tilespmem:$0x3080] =	vst v63  }
0x195: {  	_ = 	snop  }
0x196: {  	[hbm4b:s8+s3] =	stream.linear.scatter [tilespmem:s14], [sflag:$0x1], $0x1000, $0x38;
	[tilespmem:$0x3080] =	vst v63  }
0x197: {  	_ = 	snop  }
0x198: {  	[hbm4b:s9+s3] =	stream.linear.scatter [tilespmem:s14], [sflag:$0x1], $0x1000, $0x38;
	[tilespmem:$0x3080] =	vst v63  }
0x199: {  	_ = 	snop  }
0x19a: {  	[hbm4b:s10+s3] =	stream.linear.scatter [tilespmem:s14], [sflag:$0x1], $0x1000, $0x38;
	[tilespmem:$0x3080] =	vst v63  }
0x19b: {  	_ = 	snop  }
0x19c: {  	[hbm4b:s11+s3] =	stream.linear.scatter [tilespmem:s14], [sflag:$0x1], $0x1000, $0x38;
	[tilespmem:$0x3080] =	vst v63  }
0x19d: {  	_ =	swait.ge [sflag:s15], $0x1000  }
0x19e: {  	[sflag:s15] =	ssyncset.done $0x0  }
0x19f: {  	[sflag:s15] =	ssyncadd.s32 $0xFFFFF000  }
0x1a0: {  	_ =	swait.ge [sflag:s15], $0x1000  }
0x1a1: {  	[sflag:s15] =	ssyncset.done $0x0  }
0x1a2: {  	[sflag:s15] =	ssyncadd.s32 $0xFFFFF000  }
0x1a3: {  	_ =	swait.ge [sflag:s15], $0x1000  }
0x1a4: {  	[sflag:s15] =	ssyncset.done $0x0  }
0x1a5: {  	[sflag:s15] =	ssyncadd.s32 $0xFFFFF000  }
0x1a6: {  	_ =	swait.ge [sflag:s15], $0x1000  }
0x1a7: {  	[sflag:s15] =	ssyncset.done $0x0  }
0x1a8: {  	[sflag:s15] =	ssyncadd.s32 $0xFFFFF000  }
0x1a9: {  	_ =	swait.ge [sflag:s15], $0x1000  }
0x1aa: {  	[sflag:s15] =	ssyncset.done $0x0  }
0x1ab: {  	[sflag:s15] =	ssyncadd.s32 $0xFFFFF000  }
0x1ac: {  	_ =	swait.ge [sflag:s15], $0x1000  }
0x1ad: {  	[sflag:s15] =	ssyncset.done $0x0  }
0x1ae: {  	[sflag:s15] =	ssyncadd.s32 $0xFFFFF000  }
0x1af: {  	_ =	swait.ge [sflag:s15], $0x1000  }
0x1b0: {  	[sflag:s15] =	ssyncset.done $0x0  }
0x1b1: {  	[sflag:s15] =	ssyncadd.s32 $0xFFFFF000  }
0x1b2: {  	_ =	swait.ge [sflag:s15], $0x1000  }
0x1b3: {  	[sflag:s15] =	ssyncset.done $0x0  }
0x1b4: {  	[sflag:s15] =	ssyncadd.s32 $0xFFFFF000  }
0x1b5: {  	_ =	swait.ge [sflag:s15], $0x1000  }
0x1b6: {  	[sflag:s15] =	ssyncset.done $0x0  }
0x1b7: {  	[sflag:s15] =	ssyncadd.s32 $0xFFFFF000  }
0x1b8: {  	_ =	swait.ge [sflag:s15], $0x1000  }
0x1b9: {  	[sflag:s15] =	ssyncset.done $0x0  }
0x1ba: {  	[sflag:s15] =	ssyncadd.s32 $0xFFFFF000  }
0x1bb: {  	_ =	swait.ge [sflag:s15], $0x1000  }
0x1bc: {  	[sflag:s15] =	ssyncset.done $0x0  }
0x1bd: {  	[sflag:s15] =	ssyncadd.s32 $0xFFFFF000  }
0x1be: {  	_ =	swait.ge [sflag:s15], $0x1000  }
0x1bf: {  	[sflag:s15] =	ssyncset.done $0x0  }
0x1c0: {  	[sflag:s15] =	ssyncadd.s32 $0xFFFFF000  }
0x1c1: {  	_ =	swait.ge [sflag:s15], $0x1000  }
0x1c2: {  	[sflag:s15] =	ssyncset.done $0x0  }
0x1c3: {  	[sflag:s15] =	ssyncadd.s32 $0xFFFFF000  }
0x1c4: {  	_ =	swait.ge [sflag:s15], $0x1000  }
0x1c5: {  	[sflag:s15] =	ssyncset.done $0x0  }
0x1c6: {  	[sflag:s15] =	ssyncadd.s32 $0xFFFFF000  }
0x1c7: {  	_ =	swait.ge [sflag:s15], $0x1000  }
0x1c8: {  	[sflag:s15] =	ssyncset.done $0x0  }
0x1c9: {  	[sflag:s15] =	ssyncadd.s32 $0xFFFFF000  }
0x1ca: {  	_ =	swait.ge [sflag:s15], $0x1000  }
0x1cb: {  	[sflag:s15] =	ssyncset.done $0x0  }
0x1cc: {  	[sflag:s15] =	ssyncadd.s32 $0xFFFFF000  }
0x1cd: {  	_ =	swait.ge [sflag:s15], $0x1000  }
0x1ce: {  	[sflag:s15] =	ssyncset.done $0x0  }
0x1cf: {  	[sflag:s15] =	ssyncadd.s32 $0xFFFFF000  }
0x1d0: {  	_ =	swait.ge [sflag:s15], $0x1000  }
0x1d1: {  	[sflag:s15] =	ssyncset.done $0x0  }
0x1d2: {  	[sflag:s15] =	ssyncadd.s32 $0xFFFFF000  }
0x1d3: {  	_ =	swait.ge [sflag:s15], $0x1000  }
0x1d4: {  	[sflag:s15] =	ssyncset.done $0x0  }
0x1d5: {  	[sflag:s15] =	ssyncadd.s32 $0xFFFFF000  }
0x1d6: {  	_ =	swait.ge [sflag:s15], $0x1000  }
0x1d7: {  	[sflag:s15] =	ssyncset.done $0x0  }
0x1d8: {  	[sflag:s15] =	ssyncadd.s32 $0xFFFFF000  }
0x1d9: {  	_ =	swait.ge [sflag:s15], $0x1000  }
0x1da: {  	[sflag:s15] =	ssyncset.done $0x0  }
0x1db: {  	[sflag:s15] =	ssyncadd.s32 $0xFFFFF000  }
0x1dc: {  	_ =	swait.ge [sflag:s15], $0x1000  }
0x1dd: {  	[sflag:s15] =	ssyncset.done $0x0  }
0x1de: {  	[sflag:s15] =	ssyncadd.s32 $0xFFFFF000  }
0x1df: {  	_ =	swait.ge [sflag:s15], $0x1000  }
0x1e0: {  	[sflag:s15] =	ssyncset.done $0x0  }
0x1e1: {  	[sflag:s15] =	ssyncadd.s32 $0xFFFFF000  }
0x1e2: {  	_ =	swait.ge [sflag:s15], $0x1000  }
0x1e3: {  	[sflag:s15] =	ssyncset.done $0x0  }
0x1e4: {  	[sflag:s15] =	ssyncadd.s32 $0xFFFFF000  }
0x1e5: {  	_ =	swait.ge [sflag:s15], $0x1000  }
0x1e6: {  	[sflag:s15] =	ssyncset.done $0x0  }
0x1e7: {  	[sflag:s15] =	ssyncadd.s32 $0xFFFFF000  }
0x1e8: {  	_ =	swait.ge [sflag:s15], $0x1000  }
0x1e9: {  	[sflag:s15] =	ssyncset.done $0x0  }
0x1ea: {  	[sflag:s15] =	ssyncadd.s32 $0xFFFFF000  }
0x1eb: {  	_ =	swait.ge [sflag:s15], $0x1000  }
0x1ec: {  	[sflag:s15] =	ssyncset.done $0x0  }
0x1ed: {  	[sflag:s15] =	ssyncadd.s32 $0xFFFFF000  }
0x1ee: {  	_ =	swait.ge [sflag:s15], $0x1000  }
0x1ef: {  	[sflag:s15] =	ssyncset.done $0x0  }
0x1f0: {  	[sflag:s15] =	ssyncadd.s32 $0xFFFFF000  }
0x1f1: {  	_ =	swait.ge [sflag:s15], $0x1000  }
0x1f2: {  	[sflag:s15] =	ssyncset.done $0x0  }
0x1f3: {  	[sflag:s15] =	ssyncadd.s32 $0xFFFFF000  }
0x1f4: {  	_ =	swait.ge [sflag:s15], $0x1000  }
0x1f5: {  	[sflag:s15] =	ssyncset.done $0x0  }
0x1f6: {  	[sflag:s15] =	ssyncadd.s32 $0xFFFFF000  }
0x1f7: {  	_ =	swait.ge [sflag:s15], $0x1000  }
0x1f8: {  	[sflag:s15] =	ssyncset.done $0x0  }
0x1f9: {  	[sflag:s15] =	ssyncadd.s32 $0xFFFFF000  }
0x1fa: {  	_ =	swait.ge [sflag:s15], $0x1000  }
0x1fb: {  	[sflag:s15] =	ssyncset.done $0x0  }
0x1fc: {  	[sflag:s15] =	ssyncadd.s32 $0xFFFFF000  }
0x1fd: {  	_ =	swait.ge [sflag:s15], $0x1000  }
0x1fe: {  	[sflag:s15] =	ssyncset.done $0x0  }
0x1ff: {  	[sflag:s15] =	ssyncadd.s32 $0xFFFFF000  }
0x200: {  	_ =	swait.ge [sflag:s15], $0x1000  }
0x201: {  	[sflag:s15] =	ssyncset.done $0x0  }
0x202: {  	[sflag:s15] =	ssyncadd.s32 $0xFFFFF000  }
0x203: {  	_ =	swait.ge [sflag:s15], $0x1000  }
0x204: {  	[sflag:s15] =	ssyncset.done $0x0  }
0x205: {  	[sflag:s15] =	ssyncadd.s32 $0xFFFFF000  }
0x206: {  	_ =	swait.ge [sflag:s15], $0x1000  }
0x207: {  	[sflag:s15] =	ssyncset.done $0x0  }
0x208: {  	[sflag:s15] =	ssyncadd.s32 $0xFFFFF000  }
0x209: {  	_ =	swait.ge [sflag:s15], $0x1000  }
0x20a: {  	[sflag:s15] =	ssyncset.done $0x0  }
0x20b: {  	[sflag:s15] =	ssyncadd.s32 $0xFFFFF000  }
0x20c: {  	_ =	swait.ge [sflag:s15], $0x1000  }
0x20d: {  	[sflag:s15] =	ssyncset.done $0x0  }
0x20e: {  	[sflag:s15] =	ssyncadd.s32 $0xFFFFF000  }
0x20f: {  	_ =	swait.ge [sflag:s15], $0x1000  }
0x210: {  	[sflag:s15] =	ssyncset.done $0x0  }
0x211: {  	[sflag:s15] =	ssyncadd.s32 $0xFFFFF000  }
0x212: {  	_ =	swait.ge [sflag:s15], $0x1000  }
0x213: {  	[sflag:s15] =	ssyncset.done $0x0  }
0x214: {  	[sflag:s15] =	ssyncadd.s32 $0xFFFFF000  }
0x215: {  	_ =	swait.ge [sflag:s15], $0x1000  }
0x216: {  	[sflag:s15] =	ssyncset.done $0x0  }
0x217: {  	[sflag:s15] =	ssyncadd.s32 $0xFFFFF000  }
0x218: {  	_ =	swait.ge [sflag:s15], $0x1000  }
0x219: {  	[sflag:s15] =	ssyncset.done $0x0  }
0x21a: {  	[sflag:s15] =	ssyncadd.s32 $0xFFFFF000  }
0x21b: {  	_ =	swait.ge [sflag:s15], $0x1000  }
0x21c: {  	[sflag:s15] =	ssyncset.done $0x0  }
0x21d: {  	[sflag:s15] =	ssyncadd.s32 $0xFFFFF000  }
0x21e: {  	_ =	swait.ge [sflag:s15], $0x1000  }
0x21f: {  	[sflag:s15] =	ssyncset.done $0x0  }
0x220: {  	[sflag:s15] =	ssyncadd.s32 $0xFFFFF000  }
0x221: {  	_ =	swait.ge [sflag:s15], $0x1000  }
0x222: {  	[sflag:s15] =	ssyncset.done $0x0  }
0x223: {  	[sflag:s15] =	ssyncadd.s32 $0xFFFFF000  }
0x224: {  	_ =	swait.ge [sflag:s15], $0x1000  }
0x225: {  	[sflag:s15] =	ssyncset.done $0x0  }
0x226: {  	[sflag:s15] =	ssyncadd.s32 $0xFFFFF000  }
0x227: {  	_ =	swait.ge [sflag:s15], $0x1000  }
0x228: {  	[sflag:s15] =	ssyncset.done $0x0  }
0x229: {  	[sflag:s15] =	ssyncadd.s32 $0xFFFFF000  }
0x22a: {  	_ =	swait.ge [sflag:s15], $0x1000  }
0x22b: {  	[sflag:s15] =	ssyncset.done $0x0  }
0x22c: {  	[sflag:s15] =	ssyncadd.s32 $0xFFFFF000  }
0x22d: {  	_ =	swait.ge [sflag:s15], $0x1000  }
0x22e: {  	[sflag:s15] =	ssyncset.done $0x0  }
0x22f: {  	[sflag:s15] =	ssyncadd.s32 $0xFFFFF000  }
0x230: {  	_ =	swait.ge [sflag:s15], $0x1000  }
0x231: {  	[sflag:s15] =	ssyncset.done $0x0  }
0x232: {  	[sflag:s15] =	ssyncadd.s32 $0xFFFFF000  }
0x233: {  	_ =	swait.ge [sflag:s15], $0x1000  }
0x234: {  	[sflag:s15] =	ssyncset.done $0x0  }
0x235: {  	[sflag:s15] =	ssyncadd.s32 $0xFFFFF000  }
0x236: {  	_ =	swait.ge [sflag:s15], $0x1000  }
0x237: {  	[sflag:s15] =	ssyncset.done $0x0  }
0x238: {  	[sflag:s15] =	ssyncadd.s32 $0xFFFFF000  }
0x239: {  	_ =	swait.ge [sflag:s15], $0x1000  }
0x23a: {  	[sflag:s15] =	ssyncset.done $0x0  }
0x23b: {  	[sflag:s15] =	ssyncadd.s32 $0xFFFFF000  }
0x23c: {  	_ =	swait.ge [sflag:s15], $0x1000  }
0x23d: {  	[sflag:s15] =	ssyncset.done $0x0  }
0x23e: {  	[sflag:s15] =	ssyncadd.s32 $0xFFFFF000  }
0x23f: {  	_ =	swait.ge [sflag:s15], $0x1000  }
0x240: {  	[sflag:s15] =	ssyncset.done $0x0  }
0x241: {  	[sflag:s15] =	ssyncadd.s32 $0xFFFFF000  }
0x242: {  	_ =	swait.ge [sflag:s15], $0x1000  }
0x243: {  	[sflag:s15] =	ssyncset.done $0x0  }
0x244: {  	[sflag:s15] =	ssyncadd.s32 $0xFFFFF000  }
0x245: {  	_ =	swait.ge [sflag:s15], $0x1000  }
0x246: {  	[sflag:s15] =	ssyncset.done $0x0  }
0x247: {  	[sflag:s15] =	ssyncadd.s32 $0xFFFFF000  }
0x248: {  	_ =	swait.ge [sflag:s15], $0x1000  }
0x249: {  	[sflag:s15] =	ssyncset.done $0x0  }
0x24a: {  	[sflag:s15] =	ssyncadd.s32 $0xFFFFF000  }
0x24b: {  	_ =	swait.ge [sflag:s15], $0x1000  }
0x24c: {  	[sflag:s15] =	ssyncset.done $0x0  }
0x24d: {  	[sflag:s15] =	ssyncadd.s32 $0xFFFFF000  }
0x24e: {  	_ =	swait.ge [sflag:s15], $0x1000  }
0x24f: {  	[sflag:s15] =	ssyncset.done $0x0  }
0x250: {  	[sflag:s15] =	ssyncadd.s32 $0xFFFFF000  }
0x251: {  	_ =	swait.ge [sflag:s15], $0x1000  }
0x252: {  	[sflag:s15] =	ssyncset.done $0x0  }
0x253: {  	[sflag:s15] =	ssyncadd.s32 $0xFFFFF000  }
0x254: {  	_ =	swait.ge [sflag:s15], $0x1000  }
0x255: {  	[sflag:s15] =	ssyncset.done $0x0  }
0x256: {  	[sflag:s15] =	ssyncadd.s32 $0xFFFFF000  }
0x257: {  	_ =	swait.ge [sflag:s15], $0x1000  }
0x258: {  	[sflag:s15] =	ssyncset.done $0x0  }
0x259: {  	[sflag:s15] =	ssyncadd.s32 $0xFFFFF000  }
0x25a: {  	_ =	swait.ge [sflag:s15], $0x1000  }
0x25b: {  	s16 =	sadd.s32 $0x1, s16;
	s22 =	rddreg [dreg:$0x18]  }
0x25c: {  	p0 =	sne.s32 s16, s22  }
.Ltmp2:
0x25d: {  	_ = 	snop;
	(pc) =	sbr.rel @p0 .LBB2_1-.Ltmp2, $3  }
0x25e: {  	_ =	sdelay $0x1  }
0x25f: {  	[sflag:s15] =	ssyncset.done $0x0  }
0x260: {  	[sflag:s15] =	ssyncadd.s32 $0xFFFFF000  }
0x261: {  	_ =	sfence.sel $0x180000  }
0x262: {  	[bflag:$0x0] =	sbarrier.arrive $0xFFFF  }
0x263: {  	_ =	strace $0x90000047  }
0x264: {  	s0 =	stileid.u32;
	[bflag:$0x2] =	sbarrier.arrive $0xFFFF  }
0x265: {  	p0 =	sne.s32 s0, $0x0;
	s0 =	rddreg [dreg:$0x3]  }
0x266: {  	s0 =	sadd.s32 @!p0 $0x100000, s0  }
0x267: {  	[sflag:s0] =	ssyncadd.tile.s32 @!p0 $0x1;
	_ =	shalt  }
.Lfunc_end2:
_tile_overlayer_lowered:
.L_overlay_start_2:
0x268: {  	(tag) =	ssettag $0x2  }
0x269: {  	s0 =	rddreg [dreg:$0x0];
	s2 =	stileid.u32  }
0x26a: {  	s1 =	rddreg [dreg:$0x1];
	p0 =	sne.s32 s2, $0x0  }
0x26b: {  	s3 =	rddreg [dreg:$0x2];
	[bflag:$0x3] =	sbarrier.arrive $0xFFFF;
	s2 =	simm.s32 @!p0 $0x1C02  }
0x26c: {  	[timem:s3], [sflag:s2] =	dma.local @!p0 [hbm:s0], s1  }
0x26d: {  	s0 =	simm.s32 @!p0 $0x2  }
0x26e: {  	_ =	swait.ge @!p0 [sflag:s0], s1  }
0x26f: {  	s1 =	ssub.s32 @!p0 $0x0, s1;
	[sflag:s0] =	ssyncset.done @!p0 $0x0  }
0x270: {  	[sflag:s0] =	ssyncadd.s32 @!p0 s1  }
0x271: {  	[bflag:$0x3] =	sbarrier.arrive $0xFFFF  }
0x272: {  	_ =	shalt  }

</sc_bundles>
